<compile_context>
chip_gen: v7x
topology: tpu7x:2x2x1
jax: 0.10.2.dev20260603
libtpu: 0.0.44.dev20260713+nightly
codegen_flags: <defaults>
</compile_context>

<pallas_src>
import functools

import jax
import jax.numpy as jnp
from jax import lax
from jax.experimental import pallas as pl
from jax.experimental.pallas import tpu as pltpu
from jax.experimental.pallas import tpu_sc as plsc

N = 10000
E = 320000
D = 128
LANES = 16
NC = 2
NS = 16
NW = NC * NS

C = 80
EPW = E // NW
NCHUNK = EPW // C
NBUF = 2
NPAD = 10240
ROWS_PT = NPAD // NS
ZROWS = 128


def _sc_propagate(x, meta, rel):
    mesh = plsc.VectorSubcoreMesh(core_axis_name="c", subcore_axis_name="s")

    @functools.partial(
        pl.kernel,
        out_type=jax.ShapeDtypeStruct((NC, NPAD, D), jnp.float32),
        mesh=mesh,
        scratch_types=dict(
            h_sh=pltpu.VMEM_SHARED((NPAD, D), jnp.float32),
            metab=pltpu.VMEM((4, 3, C), jnp.int32),
            xrb=pltpu.VMEM((NBUF * C, D), jnp.float32),
            relb=pltpu.VMEM((NBUF * C, D), jnp.float32),
            sem_lin=pltpu.SemaphoreType.DMA((NBUF,)),
            sem_g=pltpu.SemaphoreType.DMA((NBUF,)),
            sem_sc=pltpu.SemaphoreType.DMA((NBUF,)),
        ),
    )
    def k(x_hbm, meta_hbm, rel_hbm, out_hbm,
          h_sh, metab, xrb, relb,
          sem_lin, sem_g, sem_sc):
        cid = lax.axis_index("c")
        sid = lax.axis_index("s")
        wid = sid * NC + cid

        def zrow(r, _):
            for kk in range(D // LANES):
                xrb[r, pl.ds(kk * LANES, LANES)] = jnp.zeros(
                    (LANES,), jnp.float32)
            return 0
        lax.fori_loop(0, ZROWS, zrow, 0)
        for j in range(ROWS_PT // ZROWS):
            pltpu.sync_copy(xrb.at[pl.ds(0, ZROWS)],
                            h_sh.at[pl.ds(sid * ROWS_PT + j * ZROWS,
                                          ZROWS)])
        plsc.subcore_barrier()

        def start_lin(ci, b):
            base = wid * EPW + ci * C
            m4 = jnp.bitwise_and(ci, 3)
            pltpu.async_copy(meta_hbm.at[wid * NCHUNK + ci], metab.at[m4],
                             sem_lin.at[b])
            pltpu.async_copy(rel_hbm.at[pl.ds(base, C)],
                             relb.at[pl.ds(b * C, C)], sem_lin.at[b])

        def wait_lin(ci, b):
            base = wid * EPW + ci * C
            m4 = jnp.bitwise_and(ci, 3)
            pltpu.make_async_copy(meta_hbm.at[wid * NCHUNK + ci],
                                  metab.at[m4], sem_lin.at[b]).wait()
            pltpu.make_async_copy(rel_hbm.at[pl.ds(base, C)],
                                  relb.at[pl.ds(b * C, C)],
                                  sem_lin.at[b]).wait()

        def start_gather(ci, b):
            m4 = jnp.bitwise_and(ci, 3)
            pltpu.async_copy(x_hbm.at[metab.at[m4, 0]],
                             xrb.at[pl.ds(b * C, C)], sem_g.at[b])

        def wait_gather(ci, b):
            m4 = jnp.bitwise_and(ci, 3)
            pltpu.make_async_copy(x_hbm.at[metab.at[m4, 0]],
                                  xrb.at[pl.ds(b * C, C)],
                                  sem_g.at[b]).wait()

        def start_scatter(ci, b):
            m4 = jnp.bitwise_and(ci, 3)
            pltpu.async_copy(xrb.at[pl.ds(b * C, C)],
                             h_sh.at[metab.at[m4, 1]], sem_sc.at[b], add=True)

        def wait_scatter(ci, b):
            m4 = jnp.bitwise_and(ci, 3)
            pltpu.make_async_copy(xrb.at[pl.ds(b * C, C)],
                                  h_sh.at[metab.at[m4, 1]],
                                  sem_sc.at[b]).wait()

        start_lin(0, 0)
        start_lin(1, 1)
        wait_lin(0, 0)
        start_gather(0, 0)

        def chunk(ci, _):
            b = lax.rem(ci, NBUF)
            wait_gather(ci, b)

            @pl.when(ci + 1 < NCHUNK)
            def _():
                b1 = lax.rem(ci + 1, NBUF)
                wait_lin(ci + 1, b1)

                @pl.when(ci >= 1)
                def _():
                    wait_scatter(ci - 1, b1)
                start_gather(ci + 1, b1)

            bo = b * C
            m4c = jnp.bitwise_and(ci, 3)

            @plsc.parallel_loop(0, C // LANES)
            def group(g):
                nvec = lax.bitcast_convert_type(
                    metab[m4c, 2, pl.ds(g * LANES, LANES)], jnp.float32)
                for j in range(LANES):
                    nv = nvec[j]
                    e = bo + g * LANES + j
                    for kk in range(D // LANES):
                        sl = pl.ds(kk * LANES, LANES)
                        xrb[e, sl] = relb[e, sl] * xrb[e, sl] * nv

            pltpu.touch(xrb)
            start_scatter(ci, b)

            @pl.when(ci + 2 < NCHUNK)
            def _():
                start_lin(ci + 2, b)
            return 0
        lax.fori_loop(0, NCHUNK, chunk, 0)

        wait_scatter(NCHUNK - 2, (NCHUNK - 2) % NBUF)
        wait_scatter(NCHUNK - 1, (NCHUNK - 1) % NBUF)
        plsc.subcore_barrier()

        for j in range(ROWS_PT // ZROWS):
            r0 = sid * ROWS_PT + j * ZROWS
            pltpu.sync_copy(h_sh.at[pl.ds(r0, ZROWS)],
                            out_hbm.at[cid, pl.ds(r0, ZROWS)])

    return k(x, meta, rel)


def _tc_finish_body(parts_ref, tgt_ref, w_ref, b_ref, out_ref):
    h = parts_ref[0] + parts_ref[1] + tgt_ref[...]
    y = lax.dot_general(h, w_ref[...], (((1,), (1,)), ((), ())),
                        preferred_element_type=jnp.float32)
    out_ref[...] = jnp.maximum(y + b_ref[...], 0.0)


def _tc_finish(parts, target, W, b2):
    BR = 1000
    grid = (N // BR,)
    return pl.pallas_call(
        _tc_finish_body,
        grid=grid,
        in_specs=[
            pl.BlockSpec((NC, BR, D), lambda i: (0, i, 0)),
            pl.BlockSpec((BR, D), lambda i: (i, 0)),
            pl.BlockSpec((D, D), lambda i: (0, 0)),
            pl.BlockSpec((1, D), lambda i: (0, 0)),
        ],
        out_specs=pl.BlockSpec((BR, D), lambda i: (i, 0)),
        out_shape=jax.ShapeDtypeStruct((N, D), jnp.float32),
    )(parts, target, W, b2)


def kernel(x, edge_index, norm, edge_rel_emd, target_rel_emd_new, W_line,
           b_line):
    src = edge_index[0].astype(jnp.int32)
    dst = edge_index[1].astype(jnp.int32)
    norm_bits = lax.bitcast_convert_type(norm.reshape(E), jnp.int32)
    meta = (jnp.stack([src, dst, norm_bits], axis=0)
            .reshape(3, E // C, C).transpose(1, 0, 2))
    parts = _sc_propagate(x, meta, edge_rel_emd)
    return _tc_finish(parts, target_rel_emd_new, W_line,
                      b_line.reshape(1, D))

# --- scband reference (transcript-rebuilt; emitter-appended) ---
"""Pipeline reference for scband-rgcnlayer-5446018531336 (READ-ONLY COPY).

The authoritative reference and input builder live on the scoring server;
editing this copy changes nothing except your own understanding.
"""

import jax, jax.numpy as jnp
import numpy as np

N = 10000
E = 320000
D = 128

def setup_inputs(seed: int = 0) -> dict:
    key = jax.random.key(seed)
    ks = jax.random.split(key, 8)
    x = jax.random.normal(ks[0], (N, D), dtype=jnp.float32)
    edge_index = jax.random.randint(ks[1], (2, E), 0, N)
    norm = jax.random.uniform(ks[2], (E, 1), dtype=jnp.float32)
    edge_rel_emd = jax.random.normal(ks[3], (E, D), dtype=jnp.float32)
    target_rel_emd_new = jax.random.normal(ks[4], (N, D), dtype=jnp.float32)
    W_line = jax.random.normal(ks[5], (D, D), dtype=jnp.float32) * (1.0 / np.sqrt(D))
    b_line = jnp.zeros((D,), dtype=jnp.float32)
    return {
        'x': x,
        'edge_index': edge_index,
        'norm': norm,
        'edge_rel_emd': edge_rel_emd,
        'target_rel_emd_new': target_rel_emd_new,
        'W_line': W_line,
        'b_line': b_line,
    }


def reference(x, edge_index, norm, edge_rel_emd, target_rel_emd_new, W_line, b_line):
    # propagate: RGCN-style message passing.
    # message_e = x[src_e] * edge_rel_emd_e (relation-conditioned) scaled by norm_e,
    # aggregated by scatter-add onto dst nodes, plus target relation embedding.
    src = edge_index[0]
    dst = edge_index[1]
    msg = x[src] * edge_rel_emd * norm  # [E, D]
    h = jax.ops.segment_sum(msg, dst, num_segments=N)  # g.ndata['h']
    h = h + target_rel_emd_new
    # bias is None (adding a 1-D Parameter under `if self.bias` would error in torch)
    node_repr_ = h @ W_line.T + b_line  # self.line
    node_repr_ = jax.nn.relu(node_repr_)  # self.activation
    # dropout=0.0 -> identity; g.ndata['feat'] = g.ndata['h'] = node_repr_
    return node_repr_

if __name__ == "__main__":
    import jax
    _d = setup_inputs()
    print(jax.jit(kernel)(*tuple(_d.values())))

</pallas_src>

<mosaic_0001>
#map = affine_map<(d0, d1) -> (0, 0)>
#map1 = affine_map<(d0, d1) -> (0, 0, 0)>
module attributes {stable_mosaic.version = 14 : i64} {
  func.func @k(%arg0: i32, %arg1: i32, %arg2: memref<10000x128xf32, #tpu.memory_space<hbm>>, %arg3: memref<4000x3x80xi32, #tpu.memory_space<hbm>>, %arg4: memref<320000x128xf32, #tpu.memory_space<hbm>>, %arg5: memref<2x10240x128xf32, #tpu.memory_space<hbm>>, %arg6: memref<10240x128xf32, #tpu.memory_space<vmem_shared>>, %arg7: memref<4x3x80xi32, #tpu.memory_space<vmem>>, %arg8: memref<160x128xf32, #tpu.memory_space<vmem>>, %arg9: memref<2x!tpu.dma_semaphore, #tpu.memory_space<semaphore_mem>>, %arg10: memref<2x!tpu.dma_semaphore, #tpu.memory_space<semaphore_mem>>, %arg11: memref<2x!tpu.dma_semaphore, #tpu.memory_space<semaphore_mem>>, %arg12: memref<160x128xf32, #tpu.memory_space<vmem>>) attributes {dimension_semantics = [#tpu.dimension_semantics<core_parallel>, #tpu.dimension_semantics<subcore_parallel>], iteration_bounds = array<i64: 2, 16>, scalar_prefetch = 0 : i64, scratch_operands = 7 : i64, tpu.core_type = #tpu.core_type<sc_vector_subcore>, window_params = [{transform_indices = #map}, {transform_indices = #map1}, {transform_indices = #map}, {transform_indices = #map1}]} {
    %mul3A = arith.constant 2 : i32
    %mul3A_0 = arith.muli %arg1, %mul3A : i32
    %add3A = arith.addi %mul3A_0, %arg0 : i32
    %scan3A = arith.constant 0 : i32
    %scan3A_1 = arith.constant 0 : i32
    %scan3A_2 = arith.constant 128 : i32
    %scan3A_3 = arith.addi %scan3A_1, %scan3A_2 : i32
    %scan3A_4 = arith.constant 1 : i32
    %scan3A_5 = scf.for %scan3A_229 = %scan3A_1 to %scan3A_3 step %scan3A_4 iter_args(%scan3A_230 = %scan3A) -> (i32)  : i32 {
      %broadcast_in_dim3A = arith.constant 0.000000e+00 : f32
      %broadcast_in_dim3A_231 = vector.broadcast %broadcast_in_dim3A : f32 to vector<16xf32>
      %swap3A = arith.index_cast %scan3A_229 : i32 to index
      %swap3A_232 = arith.constant 0 : index
      %swap3A_233 = tpu.vector_load %arg12[%swap3A, %swap3A_232] {strides = array<i32>} : memref<160x128xf32, #tpu.memory_space<vmem>>, vector<1x16xf32>,
      %swap3A_234 = vector.shape_cast %swap3A_233 : vector<1x16xf32> to vector<16xf32>
      %swap3A_235 = vector.shape_cast %broadcast_in_dim3A_231 : vector<16xf32> to vector<1x16xf32>
      tpu.vector_store %arg12[%swap3A, %swap3A_232], %swap3A_235 {strides = array<i32>} : memref<160x128xf32, #tpu.memory_space<vmem>>, vector<1x16xf32>,
      %broadcast_in_dim3A_236 = arith.constant 0.000000e+00 : f32
      %broadcast_in_dim3A_237 = vector.broadcast %broadcast_in_dim3A_236 : f32 to vector<16xf32>
      %swap3A_238 = arith.index_cast %scan3A_229 : i32 to index
      %swap3A_239 = arith.constant 16 : index
      %swap3A_240 = tpu.vector_load %arg12[%swap3A_238, %swap3A_239] {strides = array<i32>} : memref<160x128xf32, #tpu.memory_space<vmem>>, vector<1x16xf32>,
      %swap3A_241 = vector.shape_cast %swap3A_240 : vector<1x16xf32> to vector<16xf32>
      %swap3A_242 = vector.shape_cast %broadcast_in_dim3A_237 : vector<16xf32> to vector<1x16xf32>
      tpu.vector_store %arg12[%swap3A_238, %swap3A_239], %swap3A_242 {strides = array<i32>} : memref<160x128xf32, #tpu.memory_space<vmem>>, vector<1x16xf32>,
      %broadcast_in_dim3A_243 = arith.constant 0.000000e+00 : f32
      %broadcast_in_dim3A_244 = vector.broadcast %broadcast_in_dim3A_243 : f32 to vector<16xf32>
      %swap3A_245 = arith.index_cast %scan3A_229 : i32 to index
      %swap3A_246 = arith.constant 32 : index
      %swap3A_247 = tpu.vector_load %arg12[%swap3A_245, %swap3A_246] {strides = array<i32>} : memref<160x128xf32, #tpu.memory_space<vmem>>, vector<1x16xf32>,
      %swap3A_248 = vector.shape_cast %swap3A_247 : vector<1x16xf32> to vector<16xf32>
      %swap3A_249 = vector.shape_cast %broadcast_in_dim3A_244 : vector<16xf32> to vector<1x16xf32>
      tpu.vector_store %arg12[%swap3A_245, %swap3A_246], %swap3A_249 {strides = array<i32>} : memref<160x128xf32, #tpu.memory_space<vmem>>, vector<1x16xf32>,
      %broadcast_in_dim3A_250 = arith.constant 0.000000e+00 : f32
      %broadcast_in_dim3A_251 = vector.broadcast %broadcast_in_dim3A_250 : f32 to vector<16xf32>
      %swap3A_252 = arith.index_cast %scan3A_229 : i32 to index
      %swap3A_253 = arith.constant 48 : index
      %swap3A_254 = tpu.vector_load %arg12[%swap3A_252, %swap3A_253] {strides = array<i32>} : memref<160x128xf32, #tpu.memory_space<vmem>>, vector<1x16xf32>,
      %swap3A_255 = vector.shape_cast %swap3A_254 : vector<1x16xf32> to vector<16xf32>
      %swap3A_256 = vector.shape_cast %broadcast_in_dim3A_251 : vector<16xf32> to vector<1x16xf32>
      tpu.vector_store %arg12[%swap3A_252, %swap3A_253], %swap3A_256 {strides = array<i32>} : memref<160x128xf32, #tpu.memory_space<vmem>>, vector<1x16xf32>,
      %broadcast_in_dim3A_257 = arith.constant 0.000000e+00 : f32
      %broadcast_in_dim3A_258 = vector.broadcast %broadcast_in_dim3A_257 : f32 to vector<16xf32>
      %swap3A_259 = arith.index_cast %scan3A_229 : i32 to index
      %swap3A_260 = arith.constant 64 : index
      %swap3A_261 = tpu.vector_load %arg12[%swap3A_259, %swap3A_260] {strides = array<i32>} : memref<160x128xf32, #tpu.memory_space<vmem>>, vector<1x16xf32>,
      %swap3A_262 = vector.shape_cast %swap3A_261 : vector<1x16xf32> to vector<16xf32>
      %swap3A_263 = vector.shape_cast %broadcast_in_dim3A_258 : vector<16xf32> to vector<1x16xf32>
      tpu.vector_store %arg12[%swap3A_259, %swap3A_260], %swap3A_263 {strides = array<i32>} : memref<160x128xf32, #tpu.memory_space<vmem>>, vector<1x16xf32>,
      %broadcast_in_dim3A_264 = arith.constant 0.000000e+00 : f32
      %broadcast_in_dim3A_265 = vector.broadcast %broadcast_in_dim3A_264 : f32 to vector<16xf32>
      %swap3A_266 = arith.index_cast %scan3A_229 : i32 to index
      %swap3A_267 = arith.constant 80 : index
      %swap3A_268 = tpu.vector_load %arg12[%swap3A_266, %swap3A_267] {strides = array<i32>} : memref<160x128xf32, #tpu.memory_space<vmem>>, vector<1x16xf32>,
      %swap3A_269 = vector.shape_cast %swap3A_268 : vector<1x16xf32> to vector<16xf32>
      %swap3A_270 = vector.shape_cast %broadcast_in_dim3A_265 : vector<16xf32> to vector<1x16xf32>
      tpu.vector_store %arg12[%swap3A_266, %swap3A_267], %swap3A_270 {strides = array<i32>} : memref<160x128xf32, #tpu.memory_space<vmem>>, vector<1x16xf32>,
      %broadcast_in_dim3A_271 = arith.constant 0.000000e+00 : f32
      %broadcast_in_dim3A_272 = vector.broadcast %broadcast_in_dim3A_271 : f32 to vector<16xf32>
      %swap3A_273 = arith.index_cast %scan3A_229 : i32 to index
      %swap3A_274 = arith.constant 96 : index
      %swap3A_275 = tpu.vector_load %arg12[%swap3A_273, %swap3A_274] {strides = array<i32>} : memref<160x128xf32, #tpu.memory_space<vmem>>, vector<1x16xf32>,
      %swap3A_276 = vector.shape_cast %swap3A_275 : vector<1x16xf32> to vector<16xf32>
      %swap3A_277 = vector.shape_cast %broadcast_in_dim3A_272 : vector<16xf32> to vector<1x16xf32>
      tpu.vector_store %arg12[%swap3A_273, %swap3A_274], %swap3A_277 {strides = array<i32>} : memref<160x128xf32, #tpu.memory_space<vmem>>, vector<1x16xf32>,
      %broadcast_in_dim3A_278 = arith.constant 0.000000e+00 : f32
      %broadcast_in_dim3A_279 = vector.broadcast %broadcast_in_dim3A_278 : f32 to vector<16xf32>
      %swap3A_280 = arith.index_cast %scan3A_229 : i32 to index
      %swap3A_281 = arith.constant 112 : index
      %swap3A_282 = tpu.vector_load %arg12[%swap3A_280, %swap3A_281] {strides = array<i32>} : memref<160x128xf32, #tpu.memory_space<vmem>>, vector<1x16xf32>,
      %swap3A_283 = vector.shape_cast %swap3A_282 : vector<1x16xf32> to vector<16xf32>
      %swap3A_284 = vector.shape_cast %broadcast_in_dim3A_279 : vector<16xf32> to vector<1x16xf32>
      tpu.vector_store %arg12[%swap3A_280, %swap3A_281], %swap3A_284 {strides = array<i32>} : memref<160x128xf32, #tpu.memory_space<vmem>>, vector<1x16xf32>,
      %scan3A_285 = arith.constant 0 : i32
      scf.yield %scan3A_285 : i32
    }
    %scan3A_6 = arith.constant 128 : i32
    %mul3A_7 = arith.constant 640 : i32
    %mul3A_8 = arith.muli %arg1, %mul3A_7 : i32
    %add3A_9 = arith.constant 0 : i32
    %add3A_10 = arith.addi %mul3A_8, %add3A_9 : i32
    "tpu.region"() ({
      %run_scoped3A = tpu.sem_alloc : memref<!tpu.dma_semaphore, #tpu.memory_space<semaphore_mem>>
      %dma_start3A_229 = arith.constant 0 : i32
      %dma_start3A_230 = arith.constant 0 : i32
      %dma_start3A_231 = tpu.memref_slice %arg12[%dma_start3A_229, %dma_start3A_230] : memref<160x128xf32, #tpu.memory_space<vmem>> -> memref<128x128xf32, #tpu.memory_space<vmem>>
      %dma_start3A_232 = arith.constant 0 : i32
      %dma_start3A_233 = tpu.memref_slice %arg6[%add3A_10, %dma_start3A_232] : memref<10240x128xf32, #tpu.memory_space<vmem_shared>> -> memref<128x128xf32, #tpu.memory_space<vmem_shared>>
      %dma_start3A_234 = arith.constant 0 : i32
      %dma_start3A_235 = tpu.memref_slice %arg6[%add3A_10, %dma_start3A_234] : memref<10240x128xf32, #tpu.memory_space<vmem_shared>> -> memref<128x128xf32, #tpu.memory_space<vmem_shared>>
      %dma_start3A_236 = arith.constant 0 : i32
      %dma_start3A_237 = arith.constant 0 : i32
      %dma_start3A_238 = tpu.memref_slice %arg12[%dma_start3A_236, %dma_start3A_237] : memref<160x128xf32, #tpu.memory_space<vmem>> -> memref<128x128xf32, #tpu.memory_space<vmem>>
      tpu.enqueue_dma source(%dma_start3A_238 : memref<128x128xf32, #tpu.memory_space<vmem>>) target(%dma_start3A_235 : memref<128x128xf32, #tpu.memory_space<vmem_shared>>) target_semaphore(%run_scoped3A : memref<!tpu.dma_semaphore, #tpu.memory_space<semaphore_mem>>)
      %dma_wait3A_239 = arith.constant 0 : i32
      %dma_wait3A_240 = arith.constant 0 : i32
      %dma_wait3A_241 = tpu.memref_slice %arg12[%dma_wait3A_239, %dma_wait3A_240] : memref<160x128xf32, #tpu.memory_space<vmem>> -> memref<128x128xf32, #tpu.memory_space<vmem>>
      %dma_wait3A_242 = arith.constant 0 : i32
      %dma_wait3A_243 = tpu.memref_slice %arg6[%add3A_10, %dma_wait3A_242] : memref<10240x128xf32, #tpu.memory_space<vmem_shared>> -> memref<128x128xf32, #tpu.memory_space<vmem_shared>>
      %dma_wait3A_244 = arith.constant 0 : i32
      %dma_wait3A_245 = tpu.memref_slice %arg6[%add3A_10, %dma_wait3A_244] : memref<10240x128xf32, #tpu.memory_space<vmem_shared>> -> memref<128x128xf32, #tpu.memory_space<vmem_shared>>
      %dma_wait3A_246 = arith.constant 0 : i32
      %dma_wait3A_247 = arith.constant 0 : i32
      %dma_wait3A_248 = tpu.memref_slice %arg12[%dma_wait3A_246, %dma_wait3A_247] : memref<160x128xf32, #tpu.memory_space<vmem>> -> memref<128x128xf32, #tpu.memory_space<vmem>>
      tpu.wait_dma2 semaphore(%run_scoped3A : memref<!tpu.dma_semaphore, #tpu.memory_space<semaphore_mem>>) src(%dma_wait3A_248 : memref<128x128xf32, #tpu.memory_space<vmem>>) dst(%dma_wait3A_245 : memref<128x128xf32, #tpu.memory_space<vmem_shared>>)
      tpu.yield
    }) : () -> ()
    %mul3A_11 = arith.constant 640 : i32
    %mul3A_12 = arith.muli %arg1, %mul3A_11 : i32
    %add3A_13 = arith.constant 128 : i32
    %add3A_14 = arith.addi %mul3A_12, %add3A_13 : i32
    "tpu.region"() ({
      %run_scoped3A = tpu.sem_alloc : memref<!tpu.dma_semaphore, #tpu.memory_space<semaphore_mem>>
      %dma_start3A_229 = arith.constant 0 : i32
      %dma_start3A_230 = arith.constant 0 : i32
      %dma_start3A_231 = tpu.memref_slice %arg12[%dma_start3A_229, %dma_start3A_230] : memref<160x128xf32, #tpu.memory_space<vmem>> -> memref<128x128xf32, #tpu.memory_space<vmem>>
      %dma_start3A_232 = arith.constant 0 : i32
      %dma_start3A_233 = tpu.memref_slice %arg6[%add3A_14, %dma_start3A_232] : memref<10240x128xf32, #tpu.memory_space<vmem_shared>> -> memref<128x128xf32, #tpu.memory_space<vmem_shared>>
      %dma_start3A_234 = arith.constant 0 : i32
      %dma_start3A_235 = tpu.memref_slice %arg6[%add3A_14, %dma_start3A_234] : memref<10240x128xf32, #tpu.memory_space<vmem_shared>> -> memref<128x128xf32, #tpu.memory_space<vmem_shared>>
      %dma_start3A_236 = arith.constant 0 : i32
      %dma_start3A_237 = arith.constant 0 : i32
      %dma_start3A_238 = tpu.memref_slice %arg12[%dma_start3A_236, %dma_start3A_237] : memref<160x128xf32, #tpu.memory_space<vmem>> -> memref<128x128xf32, #tpu.memory_space<vmem>>
      tpu.enqueue_dma source(%dma_start3A_238 : memref<128x128xf32, #tpu.memory_space<vmem>>) target(%dma_start3A_235 : memref<128x128xf32, #tpu.memory_space<vmem_shared>>) target_semaphore(%run_scoped3A : memref<!tpu.dma_semaphore, #tpu.memory_space<semaphore_mem>>)
      %dma_wait3A_239 = arith.constant 0 : i32
      %dma_wait3A_240 = arith.constant 0 : i32
      %dma_wait3A_241 = tpu.memref_slice %arg12[%dma_wait3A_239, %dma_wait3A_240] : memref<160x128xf32, #tpu.memory_space<vmem>> -> memref<128x128xf32, #tpu.memory_space<vmem>>
      %dma_wait3A_242 = arith.constant 0 : i32
      %dma_wait3A_243 = tpu.memref_slice %arg6[%add3A_14, %dma_wait3A_242] : memref<10240x128xf32, #tpu.memory_space<vmem_shared>> -> memref<128x128xf32, #tpu.memory_space<vmem_shared>>
      %dma_wait3A_244 = arith.constant 0 : i32
      %dma_wait3A_245 = tpu.memref_slice %arg6[%add3A_14, %dma_wait3A_244] : memref<10240x128xf32, #tpu.memory_space<vmem_shared>> -> memref<128x128xf32, #tpu.memory_space<vmem_shared>>
      %dma_wait3A_246 = arith.constant 0 : i32
      %dma_wait3A_247 = arith.constant 0 : i32
      %dma_wait3A_248 = tpu.memref_slice %arg12[%dma_wait3A_246, %dma_wait3A_247] : memref<160x128xf32, #tpu.memory_space<vmem>> -> memref<128x128xf32, #tpu.memory_space<vmem>>
      tpu.wait_dma2 semaphore(%run_scoped3A : memref<!tpu.dma_semaphore, #tpu.memory_space<semaphore_mem>>) src(%dma_wait3A_248 : memref<128x128xf32, #tpu.memory_space<vmem>>) dst(%dma_wait3A_245 : memref<128x128xf32, #tpu.memory_space<vmem_shared>>)
      tpu.yield
    }) : () -> ()
    %mul3A_15 = arith.constant 640 : i32
    %mul3A_16 = arith.muli %arg1, %mul3A_15 : i32
    %add3A_17 = arith.constant 256 : i32
    %add3A_18 = arith.addi %mul3A_16, %add3A_17 : i32
    "tpu.region"() ({
      %run_scoped3A = tpu.sem_alloc : memref<!tpu.dma_semaphore, #tpu.memory_space<semaphore_mem>>
      %dma_start3A_229 = arith.constant 0 : i32
      %dma_start3A_230 = arith.constant 0 : i32
      %dma_start3A_231 = tpu.memref_slice %arg12[%dma_start3A_229, %dma_start3A_230] : memref<160x128xf32, #tpu.memory_space<vmem>> -> memref<128x128xf32, #tpu.memory_space<vmem>>
      %dma_start3A_232 = arith.constant 0 : i32
      %dma_start3A_233 = tpu.memref_slice %arg6[%add3A_18, %dma_start3A_232] : memref<10240x128xf32, #tpu.memory_space<vmem_shared>> -> memref<128x128xf32, #tpu.memory_space<vmem_shared>>
      %dma_start3A_234 = arith.constant 0 : i32
      %dma_start3A_235 = tpu.memref_slice %arg6[%add3A_18, %dma_start3A_234] : memref<10240x128xf32, #tpu.memory_space<vmem_shared>> -> memref<128x128xf32, #tpu.memory_space<vmem_shared>>
      %dma_start3A_236 = arith.constant 0 : i32
      %dma_start3A_237 = arith.constant 0 : i32
      %dma_start3A_238 = tpu.memref_slice %arg12[%dma_start3A_236, %dma_start3A_237] : memref<160x128xf32, #tpu.memory_space<vmem>> -> memref<128x128xf32, #tpu.memory_space<vmem>>
      tpu.enqueue_dma source(%dma_start3A_238 : memref<128x128xf32, #tpu.memory_space<vmem>>) target(%dma_start3A_235 : memref<128x128xf32, #tpu.memory_space<vmem_shared>>) target_semaphore(%run_scoped3A : memref<!tpu.dma_semaphore, #tpu.memory_space<semaphore_mem>>)
      %dma_wait3A_239 = arith.constant 0 : i32
      %dma_wait3A_240 = arith.constant 0 : i32
      %dma_wait3A_241 = tpu.memref_slice %arg12[%dma_wait3A_239, %dma_wait3A_240] : memref<160x128xf32, #tpu.memory_space<vmem>> -> memref<128x128xf32, #tpu.memory_space<vmem>>
      %dma_wait3A_242 = arith.constant 0 : i32
      %dma_wait3A_243 = tpu.memref_slice %arg6[%add3A_18, %dma_wait3A_242] : memref<10240x128xf32, #tpu.memory_space<vmem_shared>> -> memref<128x128xf32, #tpu.memory_space<vmem_shared>>
      %dma_wait3A_244 = arith.constant 0 : i32
      %dma_wait3A_245 = tpu.memref_slice %arg6[%add3A_18, %dma_wait3A_244] : memref<10240x128xf32, #tpu.memory_space<vmem_shared>> -> memref<128x128xf32, #tpu.memory_space<vmem_shared>>
      %dma_wait3A_246 = arith.constant 0 : i32
      %dma_wait3A_247 = arith.constant 0 : i32
      %dma_wait3A_248 = tpu.memref_slice %arg12[%dma_wait3A_246, %dma_wait3A_247] : memref<160x128xf32, #tpu.memory_space<vmem>> -> memref<128x128xf32, #tpu.memory_space<vmem>>
      tpu.wait_dma2 semaphore(%run_scoped3A : memref<!tpu.dma_semaphore, #tpu.memory_space<semaphore_mem>>) src(%dma_wait3A_248 : memref<128x128xf32, #tpu.memory_space<vmem>>) dst(%dma_wait3A_245 : memref<128x128xf32, #tpu.memory_space<vmem_shared>>)
      tpu.yield
    }) : () -> ()
    %mul3A_19 = arith.constant 640 : i32
    %mul3A_20 = arith.muli %arg1, %mul3A_19 : i32
    %add3A_21 = arith.constant 384 : i32
    %add3A_22 = arith.addi %mul3A_20, %add3A_21 : i32
    "tpu.region"() ({
      %run_scoped3A = tpu.sem_alloc : memref<!tpu.dma_semaphore, #tpu.memory_space<semaphore_mem>>
      %dma_start3A_229 = arith.constant 0 : i32
      %dma_start3A_230 = arith.constant 0 : i32
      %dma_start3A_231 = tpu.memref_slice %arg12[%dma_start3A_229, %dma_start3A_230] : memref<160x128xf32, #tpu.memory_space<vmem>> -> memref<128x128xf32, #tpu.memory_space<vmem>>
      %dma_start3A_232 = arith.constant 0 : i32
      %dma_start3A_233 = tpu.memref_slice %arg6[%add3A_22, %dma_start3A_232] : memref<10240x128xf32, #tpu.memory_space<vmem_shared>> -> memref<128x128xf32, #tpu.memory_space<vmem_shared>>
      %dma_start3A_234 = arith.constant 0 : i32
      %dma_start3A_235 = tpu.memref_slice %arg6[%add3A_22, %dma_start3A_234] : memref<10240x128xf32, #tpu.memory_space<vmem_shared>> -> memref<128x128xf32, #tpu.memory_space<vmem_shared>>
      %dma_start3A_236 = arith.constant 0 : i32
      %dma_start3A_237 = arith.constant 0 : i32
      %dma_start3A_238 = tpu.memref_slice %arg12[%dma_start3A_236, %dma_start3A_237] : memref<160x128xf32, #tpu.memory_space<vmem>> -> memref<128x128xf32, #tpu.memory_space<vmem>>
      tpu.enqueue_dma source(%dma_start3A_238 : memref<128x128xf32, #tpu.memory_space<vmem>>) target(%dma_start3A_235 : memref<128x128xf32, #tpu.memory_space<vmem_shared>>) target_semaphore(%run_scoped3A : memref<!tpu.dma_semaphore, #tpu.memory_space<semaphore_mem>>)
      %dma_wait3A_239 = arith.constant 0 : i32
      %dma_wait3A_240 = arith.constant 0 : i32
      %dma_wait3A_241 = tpu.memref_slice %arg12[%dma_wait3A_239, %dma_wait3A_240] : memref<160x128xf32, #tpu.memory_space<vmem>> -> memref<128x128xf32, #tpu.memory_space<vmem>>
      %dma_wait3A_242 = arith.constant 0 : i32
      %dma_wait3A_243 = tpu.memref_slice %arg6[%add3A_22, %dma_wait3A_242] : memref<10240x128xf32, #tpu.memory_space<vmem_shared>> -> memref<128x128xf32, #tpu.memory_space<vmem_shared>>
      %dma_wait3A_244 = arith.constant 0 : i32
      %dma_wait3A_245 = tpu.memref_slice %arg6[%add3A_22, %dma_wait3A_244] : memref<10240x128xf32, #tpu.memory_space<vmem_shared>> -> memref<128x128xf32, #tpu.memory_space<vmem_shared>>
      %dma_wait3A_246 = arith.constant 0 : i32
      %dma_wait3A_247 = arith.constant 0 : i32
      %dma_wait3A_248 = tpu.memref_slice %arg12[%dma_wait3A_246, %dma_wait3A_247] : memref<160x128xf32, #tpu.memory_space<vmem>> -> memref<128x128xf32, #tpu.memory_space<vmem>>
      tpu.wait_dma2 semaphore(%run_scoped3A : memref<!tpu.dma_semaphore, #tpu.memory_space<semaphore_mem>>) src(%dma_wait3A_248 : memref<128x128xf32, #tpu.memory_space<vmem>>) dst(%dma_wait3A_245 : memref<128x128xf32, #tpu.memory_space<vmem_shared>>)
      tpu.yield
    }) : () -> ()
    %mul3A_23 = arith.constant 640 : i32
    %mul3A_24 = arith.muli %arg1, %mul3A_23 : i32
    %add3A_25 = arith.constant 512 : i32
    %add3A_26 = arith.addi %mul3A_24, %add3A_25 : i32
    "tpu.region"() ({
      %run_scoped3A = tpu.sem_alloc : memref<!tpu.dma_semaphore, #tpu.memory_space<semaphore_mem>>
      %dma_start3A_229 = arith.constant 0 : i32
      %dma_start3A_230 = arith.constant 0 : i32
      %dma_start3A_231 = tpu.memref_slice %arg12[%dma_start3A_229, %dma_start3A_230] : memref<160x128xf32, #tpu.memory_space<vmem>> -> memref<128x128xf32, #tpu.memory_space<vmem>>
      %dma_start3A_232 = arith.constant 0 : i32
      %dma_start3A_233 = tpu.memref_slice %arg6[%add3A_26, %dma_start3A_232] : memref<10240x128xf32, #tpu.memory_space<vmem_shared>> -> memref<128x128xf32, #tpu.memory_space<vmem_shared>>
      %dma_start3A_234 = arith.constant 0 : i32
      %dma_start3A_235 = tpu.memref_slice %arg6[%add3A_26, %dma_start3A_234] : memref<10240x128xf32, #tpu.memory_space<vmem_shared>> -> memref<128x128xf32, #tpu.memory_space<vmem_shared>>
      %dma_start3A_236 = arith.constant 0 : i32
      %dma_start3A_237 = arith.constant 0 : i32
      %dma_start3A_238 = tpu.memref_slice %arg12[%dma_start3A_236, %dma_start3A_237] : memref<160x128xf32, #tpu.memory_space<vmem>> -> memref<128x128xf32, #tpu.memory_space<vmem>>
      tpu.enqueue_dma source(%dma_start3A_238 : memref<128x128xf32, #tpu.memory_space<vmem>>) target(%dma_start3A_235 : memref<128x128xf32, #tpu.memory_space<vmem_shared>>) target_semaphore(%run_scoped3A : memref<!tpu.dma_semaphore, #tpu.memory_space<semaphore_mem>>)
      %dma_wait3A_239 = arith.constant 0 : i32
      %dma_wait3A_240 = arith.constant 0 : i32
      %dma_wait3A_241 = tpu.memref_slice %arg12[%dma_wait3A_239, %dma_wait3A_240] : memref<160x128xf32, #tpu.memory_space<vmem>> -> memref<128x128xf32, #tpu.memory_space<vmem>>
      %dma_wait3A_242 = arith.constant 0 : i32
      %dma_wait3A_243 = tpu.memref_slice %arg6[%add3A_26, %dma_wait3A_242] : memref<10240x128xf32, #tpu.memory_space<vmem_shared>> -> memref<128x128xf32, #tpu.memory_space<vmem_shared>>
      %dma_wait3A_244 = arith.constant 0 : i32
      %dma_wait3A_245 = tpu.memref_slice %arg6[%add3A_26, %dma_wait3A_244] : memref<10240x128xf32, #tpu.memory_space<vmem_shared>> -> memref<128x128xf32, #tpu.memory_space<vmem_shared>>
      %dma_wait3A_246 = arith.constant 0 : i32
      %dma_wait3A_247 = arith.constant 0 : i32
      %dma_wait3A_248 = tpu.memref_slice %arg12[%dma_wait3A_246, %dma_wait3A_247] : memref<160x128xf32, #tpu.memory_space<vmem>> -> memref<128x128xf32, #tpu.memory_space<vmem>>
      tpu.wait_dma2 semaphore(%run_scoped3A : memref<!tpu.dma_semaphore, #tpu.memory_space<semaphore_mem>>) src(%dma_wait3A_248 : memref<128x128xf32, #tpu.memory_space<vmem>>) dst(%dma_wait3A_245 : memref<128x128xf32, #tpu.memory_space<vmem_shared>>)
      tpu.yield
    }) : () -> ()
    %barrier3A = arith.constant 0 : index
    tpu.barrier barrier_id(%barrier3A)
    %mul3A_27 = arith.constant 10000 : i32
    %mul3A_28 = arith.muli %add3A, %mul3A_27 : i32
    %add3A_29 = arith.constant 0 : i32
    %add3A_30 = arith.addi %mul3A_28, %add3A_29 : i32
    %and3A = arith.constant 0 : i32
    %and3A_31 = arith.constant 3 : i32
    %and3A_32 = arith.andi %and3A, %and3A_31 : i32
    %mul3A_33 = arith.constant 125 : i32
    %mul3A_34 = arith.muli %add3A, %mul3A_33 : i32
    %add3A_35 = arith.constant 0 : i32
    %add3A_36 = arith.addi %mul3A_34, %add3A_35 : i32
    %dma_start3A = arith.constant 0 : i32
    %dma_start3A_37 = arith.constant 0 : i32
    %dma_start3A_38 = arith.constant 0 : i32
    %dma_start3A_39 = tpu.memref_slice %arg7[%and3A_32, %dma_start3A_37, %dma_start3A_38] : memref<4x3x80xi32, #tpu.memory_space<vmem>> -> memref<1x3x80xi32, #tpu.memory_space<vmem>>
    %dma_start3A_40 = tpu.memref_squeeze %dma_start3A_39 : memref<1x3x80xi32, #tpu.memory_space<vmem>> -> memref<3x80xi32, #tpu.memory_space<vmem>>
    %dma_start3A_41 = arith.constant 0 : i32
    %dma_start3A_42 = arith.constant 0 : i32
    %dma_start3A_43 = tpu.memref_slice %arg3[%add3A_36, %dma_start3A_41, %dma_start3A_42] : memref<4000x3x80xi32, #tpu.memory_space<hbm>> -> memref<1x3x80xi32, #tpu.memory_space<hbm>>
    %dma_start3A_44 = tpu.memref_squeeze %dma_start3A_43 : memref<1x3x80xi32, #tpu.memory_space<hbm>> -> memref<3x80xi32, #tpu.memory_space<hbm>>
    %dma_start3A_45 = tpu.memref_slice %arg10[%dma_start3A] : memref<2x!tpu.dma_semaphore, #tpu.memory_space<semaphore_mem>> -> memref<1x!tpu.dma_semaphore, #tpu.memory_space<semaphore_mem>>
    %dma_start3A_46 = tpu.memref_squeeze %dma_start3A_45 : memref<1x!tpu.dma_semaphore, #tpu.memory_space<semaphore_mem>> -> memref<!tpu.dma_semaphore, #tpu.memory_space<semaphore_mem>>
    %dma_start3A_47 = arith.constant 0 : i32
    %dma_start3A_48 = arith.constant 0 : i32
    %dma_start3A_49 = tpu.memref_slice %arg7[%and3A_32, %dma_start3A_47, %dma_start3A_48] : memref<4x3x80xi32, #tpu.memory_space<vmem>> -> memref<1x3x80xi32, #tpu.memory_space<vmem>>
    %dma_start3A_50 = tpu.memref_squeeze %dma_start3A_49 : memref<1x3x80xi32, #tpu.memory_space<vmem>> -> memref<3x80xi32, #tpu.memory_space<vmem>>
    %dma_start3A_51 = arith.constant 0 : i32
    %dma_start3A_52 = arith.constant 0 : i32
    %dma_start3A_53 = tpu.memref_slice %arg3[%add3A_36, %dma_start3A_51, %dma_start3A_52] : memref<4000x3x80xi32, #tpu.memory_space<hbm>> -> memref<1x3x80xi32, #tpu.memory_space<hbm>>
    %dma_start3A_54 = tpu.memref_squeeze %dma_start3A_53 : memref<1x3x80xi32, #tpu.memory_space<hbm>> -> memref<3x80xi32, #tpu.memory_space<hbm>>
    tpu.enqueue_dma source(%dma_start3A_54 : memref<3x80xi32, #tpu.memory_space<hbm>>) target(%dma_start3A_50 : memref<3x80xi32, #tpu.memory_space<vmem>>) target_semaphore(%dma_start3A_46 : memref<!tpu.dma_semaphore, #tpu.memory_space<semaphore_mem>>)
    %dma_start3A_55 = arith.constant 0 : i32
    %dma_start3A_56 = arith.constant 0 : i32
    %dma_start3A_57 = arith.constant 0 : i32
    %dma_start3A_58 = tpu.memref_slice %arg8[%dma_start3A_56, %dma_start3A_57] : memref<160x128xf32, #tpu.memory_space<vmem>> -> memref<80x128xf32, #tpu.memory_space<vmem>>
    %dma_start3A_59 = arith.constant 0 : i32
    %dma_start3A_60 = tpu.memref_slice %arg4[%add3A_30, %dma_start3A_59] : memref<320000x128xf32, #tpu.memory_space<hbm>> -> memref<80x128xf32, #tpu.memory_space<hbm>>
    %dma_start3A_61 = tpu.memref_slice %arg10[%dma_start3A_55] : memref<2x!tpu.dma_semaphore, #tpu.memory_space<semaphore_mem>> -> memref<1x!tpu.dma_semaphore, #tpu.memory_space<semaphore_mem>>
    %dma_start3A_62 = tpu.memref_squeeze %dma_start3A_61 : memref<1x!tpu.dma_semaphore, #tpu.memory_space<semaphore_mem>> -> memref<!tpu.dma_semaphore, #tpu.memory_space<semaphore_mem>>
    %dma_start3A_63 = arith.constant 0 : i32
    %dma_start3A_64 = arith.constant 0 : i32
    %dma_start3A_65 = tpu.memref_slice %arg8[%dma_start3A_63, %dma_start3A_64] : memref<160x128xf32, #tpu.memory_space<vmem>> -> memref<80x128xf32, #tpu.memory_space<vmem>>
    %dma_start3A_66 = arith.constant 0 : i32
    %dma_start3A_67 = tpu.memref_slice %arg4[%add3A_30, %dma_start3A_66] : memref<320000x128xf32, #tpu.memory_space<hbm>> -> memref<80x128xf32, #tpu.memory_space<hbm>>
    tpu.enqueue_dma source(%dma_start3A_67 : memref<80x128xf32, #tpu.memory_space<hbm>>) target(%dma_start3A_65 : memref<80x128xf32, #tpu.memory_space<vmem>>) target_semaphore(%dma_start3A_62 : memref<!tpu.dma_semaphore, #tpu.memory_space<semaphore_mem>>)
    %mul3A_68 = arith.constant 10000 : i32
    %mul3A_69 = arith.muli %add3A, %mul3A_68 : i32
    %add3A_70 = arith.constant 80 : i32
    %add3A_71 = arith.addi %mul3A_69, %add3A_70 : i32
    %and3A_72 = arith.constant 1 : i32
    %and3A_73 = arith.constant 3 : i32
    %and3A_74 = arith.andi %and3A_72, %and3A_73 : i32
    %mul3A_75 = arith.constant 125 : i32
    %mul3A_76 = arith.muli %add3A, %mul3A_75 : i32
    %add3A_77 = arith.constant 1 : i32
    %add3A_78 = arith.addi %mul3A_76, %add3A_77 : i32
    %dma_start3A_79 = arith.constant 1 : i32
    %dma_start3A_80 = arith.constant 0 : i32
    %dma_start3A_81 = arith.constant 0 : i32
    %dma_start3A_82 = tpu.memref_slice %arg7[%and3A_74, %dma_start3A_80, %dma_start3A_81] : memref<4x3x80xi32, #tpu.memory_space<vmem>> -> memref<1x3x80xi32, #tpu.memory_space<vmem>>
    %dma_start3A_83 = tpu.memref_squeeze %dma_start3A_82 : memref<1x3x80xi32, #tpu.memory_space<vmem>> -> memref<3x80xi32, #tpu.memory_space<vmem>>
    %dma_start3A_84 = arith.constant 0 : i32
    %dma_start3A_85 = arith.constant 0 : i32
    %dma_start3A_86 = tpu.memref_slice %arg3[%add3A_78, %dma_start3A_84, %dma_start3A_85] : memref<4000x3x80xi32, #tpu.memory_space<hbm>> -> memref<1x3x80xi32, #tpu.memory_space<hbm>>
    %dma_start3A_87 = tpu.memref_squeeze %dma_start3A_86 : memref<1x3x80xi32, #tpu.memory_space<hbm>> -> memref<3x80xi32, #tpu.memory_space<hbm>>
    %dma_start3A_88 = tpu.memref_slice %arg10[%dma_start3A_79] : memref<2x!tpu.dma_semaphore, #tpu.memory_space<semaphore_mem>> -> memref<1x!tpu.dma_semaphore, #tpu.memory_space<semaphore_mem>>
    %dma_start3A_89 = tpu.memref_squeeze %dma_start3A_88 : memref<1x!tpu.dma_semaphore, #tpu.memory_space<semaphore_mem>> -> memref<!tpu.dma_semaphore, #tpu.memory_space<semaphore_mem>>
    %dma_start3A_90 = arith.constant 0 : i32
    %dma_start3A_91 = arith.constant 0 : i32
    %dma_start3A_92 = tpu.memref_slice %arg7[%and3A_74, %dma_start3A_90, %dma_start3A_91] : memref<4x3x80xi32, #tpu.memory_space<vmem>> -> memref<1x3x80xi32, #tpu.memory_space<vmem>>
    %dma_start3A_93 = tpu.memref_squeeze %dma_start3A_92 : memref<1x3x80xi32, #tpu.memory_space<vmem>> -> memref<3x80xi32, #tpu.memory_space<vmem>>
    %dma_start3A_94 = arith.constant 0 : i32
    %dma_start3A_95 = arith.constant 0 : i32
    %dma_start3A_96 = tpu.memref_slice %arg3[%add3A_78, %dma_start3A_94, %dma_start3A_95] : memref<4000x3x80xi32, #tpu.memory_space<hbm>> -> memref<1x3x80xi32, #tpu.memory_space<hbm>>
    %dma_start3A_97 = tpu.memref_squeeze %dma_start3A_96 : memref<1x3x80xi32, #tpu.memory_space<hbm>> -> memref<3x80xi32, #tpu.memory_space<hbm>>
    tpu.enqueue_dma source(%dma_start3A_97 : memref<3x80xi32, #tpu.memory_space<hbm>>) target(%dma_start3A_93 : memref<3x80xi32, #tpu.memory_space<vmem>>) target_semaphore(%dma_start3A_89 : memref<!tpu.dma_semaphore, #tpu.memory_space<semaphore_mem>>)
    %dma_start3A_98 = arith.constant 1 : i32
    %dma_start3A_99 = arith.constant 80 : i32
    %dma_start3A_100 = arith.constant 0 : i32
    %dma_start3A_101 = tpu.memref_slice %arg8[%dma_start3A_99, %dma_start3A_100] : memref<160x128xf32, #tpu.memory_space<vmem>> -> memref<80x128xf32, #tpu.memory_space<vmem>>
    %dma_start3A_102 = arith.constant 0 : i32
    %dma_start3A_103 = tpu.memref_slice %arg4[%add3A_71, %dma_start3A_102] : memref<320000x128xf32, #tpu.memory_space<hbm>> -> memref<80x128xf32, #tpu.memory_space<hbm>>
    %dma_start3A_104 = tpu.memref_slice %arg10[%dma_start3A_98] : memref<2x!tpu.dma_semaphore, #tpu.memory_space<semaphore_mem>> -> memref<1x!tpu.dma_semaphore, #tpu.memory_space<semaphore_mem>>
    %dma_start3A_105 = tpu.memref_squeeze %dma_start3A_104 : memref<1x!tpu.dma_semaphore, #tpu.memory_space<semaphore_mem>> -> memref<!tpu.dma_semaphore, #tpu.memory_space<semaphore_mem>>
    %dma_start3A_106 = arith.constant 80 : i32
    %dma_start3A_107 = arith.constant 0 : i32
    %dma_start3A_108 = tpu.memref_slice %arg8[%dma_start3A_106, %dma_start3A_107] : memref<160x128xf32, #tpu.memory_space<vmem>> -> memref<80x128xf32, #tpu.memory_space<vmem>>
    %dma_start3A_109 = arith.constant 0 : i32
    %dma_start3A_110 = tpu.memref_slice %arg4[%add3A_71, %dma_start3A_109] : memref<320000x128xf32, #tpu.memory_space<hbm>> -> memref<80x128xf32, #tpu.memory_space<hbm>>
    tpu.enqueue_dma source(%dma_start3A_110 : memref<80x128xf32, #tpu.memory_space<hbm>>) target(%dma_start3A_108 : memref<80x128xf32, #tpu.memory_space<vmem>>) target_semaphore(%dma_start3A_105 : memref<!tpu.dma_semaphore, #tpu.memory_space<semaphore_mem>>)
    %mul3A_111 = arith.constant 10000 : i32
    %mul3A_112 = arith.muli %add3A, %mul3A_111 : i32
    %add3A_113 = arith.constant 0 : i32
    %add3A_114 = arith.addi %mul3A_112, %add3A_113 : i32
    %and3A_115 = arith.constant 0 : i32
    %and3A_116 = arith.constant 3 : i32
    %and3A_117 = arith.andi %and3A_115, %and3A_116 : i32
    %mul3A_118 = arith.constant 125 : i32
    %mul3A_119 = arith.muli %add3A, %mul3A_118 : i32
    %add3A_120 = arith.constant 0 : i32
    %add3A_121 = arith.addi %mul3A_119, %add3A_120 : i32
    %dma_wait3A = arith.constant 0 : i32
    %dma_wait3A_122 = arith.constant 0 : i32
    %dma_wait3A_123 = arith.constant 0 : i32
    %dma_wait3A_124 = tpu.memref_slice %arg7[%and3A_117, %dma_wait3A_122, %dma_wait3A_123] : memref<4x3x80xi32, #tpu.memory_space<vmem>> -> memref<1x3x80xi32, #tpu.memory_space<vmem>>
    %dma_wait3A_125 = tpu.memref_squeeze %dma_wait3A_124 : memref<1x3x80xi32, #tpu.memory_space<vmem>> -> memref<3x80xi32, #tpu.memory_space<vmem>>
    %dma_wait3A_126 = arith.constant 0 : i32
    %dma_wait3A_127 = arith.constant 0 : i32
    %dma_wait3A_128 = tpu.memref_slice %arg3[%add3A_121, %dma_wait3A_126, %dma_wait3A_127] : memref<4000x3x80xi32, #tpu.memory_space<hbm>> -> memref<1x3x80xi32, #tpu.memory_space<hbm>>
    %dma_wait3A_129 = tpu.memref_squeeze %dma_wait3A_128 : memref<1x3x80xi32, #tpu.memory_space<hbm>> -> memref<3x80xi32, #tpu.memory_space<hbm>>
    %dma_wait3A_130 = tpu.memref_slice %arg10[%dma_wait3A] : memref<2x!tpu.dma_semaphore, #tpu.memory_space<semaphore_mem>> -> memref<1x!tpu.dma_semaphore, #tpu.memory_space<semaphore_mem>>
    %dma_wait3A_131 = tpu.memref_squeeze %dma_wait3A_130 : memref<1x!tpu.dma_semaphore, #tpu.memory_space<semaphore_mem>> -> memref<!tpu.dma_semaphore, #tpu.memory_space<semaphore_mem>>
    %dma_wait3A_132 = arith.constant 0 : i32
    %dma_wait3A_133 = arith.constant 0 : i32
    %dma_wait3A_134 = tpu.memref_slice %arg7[%and3A_117, %dma_wait3A_132, %dma_wait3A_133] : memref<4x3x80xi32, #tpu.memory_space<vmem>> -> memref<1x3x80xi32, #tpu.memory_space<vmem>>
    %dma_wait3A_135 = tpu.memref_squeeze %dma_wait3A_134 : memref<1x3x80xi32, #tpu.memory_space<vmem>> -> memref<3x80xi32, #tpu.memory_space<vmem>>
    %dma_wait3A_136 = arith.constant 0 : i32
    %dma_wait3A_137 = arith.constant 0 : i32
    %dma_wait3A_138 = tpu.memref_slice %arg3[%add3A_121, %dma_wait3A_136, %dma_wait3A_137] : memref<4000x3x80xi32, #tpu.memory_space<hbm>> -> memref<1x3x80xi32, #tpu.memory_space<hbm>>
    %dma_wait3A_139 = tpu.memref_squeeze %dma_wait3A_138 : memref<1x3x80xi32, #tpu.memory_space<hbm>> -> memref<3x80xi32, #tpu.memory_space<hbm>>
    tpu.wait_dma2 semaphore(%dma_wait3A_131 : memref<!tpu.dma_semaphore, #tpu.memory_space<semaphore_mem>>) src(%dma_wait3A_139 : memref<3x80xi32, #tpu.memory_space<hbm>>) dst(%dma_wait3A_135 : memref<3x80xi32, #tpu.memory_space<vmem>>)
    %dma_wait3A_140 = arith.constant 0 : i32
    %dma_wait3A_141 = arith.constant 0 : i32
    %dma_wait3A_142 = arith.constant 0 : i32
    %dma_wait3A_143 = tpu.memref_slice %arg8[%dma_wait3A_141, %dma_wait3A_142] : memref<160x128xf32, #tpu.memory_space<vmem>> -> memref<80x128xf32, #tpu.memory_space<vmem>>
    %dma_wait3A_144 = arith.constant 0 : i32
    %dma_wait3A_145 = tpu.memref_slice %arg4[%add3A_114, %dma_wait3A_144] : memref<320000x128xf32, #tpu.memory_space<hbm>> -> memref<80x128xf32, #tpu.memory_space<hbm>>
    %dma_wait3A_146 = tpu.memref_slice %arg10[%dma_wait3A_140] : memref<2x!tpu.dma_semaphore, #tpu.memory_space<semaphore_mem>> -> memref<1x!tpu.dma_semaphore, #tpu.memory_space<semaphore_mem>>
    %dma_wait3A_147 = tpu.memref_squeeze %dma_wait3A_146 : memref<1x!tpu.dma_semaphore, #tpu.memory_space<semaphore_mem>> -> memref<!tpu.dma_semaphore, #tpu.memory_space<semaphore_mem>>
    %dma_wait3A_148 = arith.constant 0 : i32
    %dma_wait3A_149 = arith.constant 0 : i32
    %dma_wait3A_150 = tpu.memref_slice %arg8[%dma_wait3A_148, %dma_wait3A_149] : memref<160x128xf32, #tpu.memory_space<vmem>> -> memref<80x128xf32, #tpu.memory_space<vmem>>
    %dma_wait3A_151 = arith.constant 0 : i32
    %dma_wait3A_152 = tpu.memref_slice %arg4[%add3A_114, %dma_wait3A_151] : memref<320000x128xf32, #tpu.memory_space<hbm>> -> memref<80x128xf32, #tpu.memory_space<hbm>>
    tpu.wait_dma2 semaphore(%dma_wait3A_147 : memref<!tpu.dma_semaphore, #tpu.memory_space<semaphore_mem>>) src(%dma_wait3A_152 : memref<80x128xf32, #tpu.memory_space<hbm>>) dst(%dma_wait3A_150 : memref<80x128xf32, #tpu.memory_space<vmem>>)
    %and3A_153 = arith.constant 0 : i32
    %and3A_154 = arith.constant 3 : i32
    %and3A_155 = arith.andi %and3A_153, %and3A_154 : i32
    %dma_start3A_156 = arith.constant 0 : i32
    %dma_start3A_157 = arith.constant 0 : i32
    %dma_start3A_158 = arith.constant 0 : i32
    %dma_start3A_159 = arith.constant 0 : i32
    %dma_start3A_160 = tpu.memref_slice %arg12[%dma_start3A_158, %dma_start3A_159] : memref<160x128xf32, #tpu.memory_space<vmem>> -> memref<80x128xf32, #tpu.memory_space<vmem>>
    %dma_start3A_161 = arith.constant 0 : i32
    %dma_start3A_162 = tpu.memref_slice %arg7[%and3A_155, %dma_start3A_156, %dma_start3A_161] : memref<4x3x80xi32, #tpu.memory_space<vmem>> -> memref<1x1x80xi32, #tpu.memory_space<vmem>>
    %dma_start3A_163 = tpu.memref_squeeze %dma_start3A_162 : memref<1x1x80xi32, #tpu.memory_space<vmem>> -> memref<80xi32, #tpu.memory_space<vmem>>
    %dma_start3A_164 = arith.constant 0 : i32
    %dma_start3A_165 = arith.constant 0 : i32
    %dma_start3A_166 = tpu.memref_slice %arg2[%dma_start3A_164, %dma_start3A_165] : memref<10000x128xf32, #tpu.memory_space<hbm>> -> memref<10000x128xf32, #tpu.memory_space<hbm>>
    %dma_start3A_167 = tpu.memref_slice %arg9[%dma_start3A_157] : memref<2x!tpu.dma_semaphore, #tpu.memory_space<semaphore_mem>> -> memref<1x!tpu.dma_semaphore, #tpu.memory_space<semaphore_mem>>
    %dma_start3A_168 = tpu.memref_squeeze %dma_start3A_167 : memref<1x!tpu.dma_semaphore, #tpu.memory_space<semaphore_mem>> -> memref<!tpu.dma_semaphore, #tpu.memory_space<semaphore_mem>>
    tpu.enqueue_indirect_dma source(%dma_start3A_166 : memref<10000x128xf32, #tpu.memory_space<hbm>>) target(%dma_start3A_160 : memref<80x128xf32, #tpu.memory_space<vmem>>) offsets(%dma_start3A_163 : memref<80xi32, #tpu.memory_space<vmem>>) semaphore(%dma_start3A_168 : memref<!tpu.dma_semaphore, #tpu.memory_space<semaphore_mem>>)
    %scan3A_169 = arith.constant 0 : i32
    %scan3A_170 = arith.constant 0 : i32
    %scan3A_171 = arith.constant 125 : i32
    %scan3A_172 = arith.addi %scan3A_170, %scan3A_171 : i32
    %scan3A_173 = arith.constant 1 : i32
    %scan3A_174 = scf.for %scan3A_229 = %scan3A_170 to %scan3A_172 step %scan3A_173 iter_args(%scan3A_230 = %scan3A_169) -> (i32)  : i32 {
      %rem3A = arith.constant 2 : i32
      %rem3A_231 = arith.remsi %scan3A_229, %rem3A : i32
      %and3A_232 = arith.constant 3 : i32
      %and3A_233 = arith.andi %scan3A_229, %and3A_232 : i32
      %mul3A_234 = arith.constant 80 : i32
      %mul3A_235 = arith.muli %rem3A_231, %mul3A_234 : i32
      %dma_wait3A_236 = arith.constant 0 : i32
      %dma_wait3A_237 = arith.constant 0 : i32
      %dma_wait3A_238 = tpu.memref_slice %arg12[%mul3A_235, %dma_wait3A_237] : memref<160x128xf32, #tpu.memory_space<vmem>> -> memref<80x128xf32, #tpu.memory_space<vmem>>
      %dma_wait3A_239 = arith.constant 0 : i32
      %dma_wait3A_240 = tpu.memref_slice %arg7[%and3A_233, %dma_wait3A_236, %dma_wait3A_239] : memref<4x3x80xi32, #tpu.memory_space<vmem>> -> memref<1x1x80xi32, #tpu.memory_space<vmem>>
      %dma_wait3A_241 = tpu.memref_squeeze %dma_wait3A_240 : memref<1x1x80xi32, #tpu.memory_space<vmem>> -> memref<80xi32, #tpu.memory_space<vmem>>
      %dma_wait3A_242 = arith.constant 0 : i32
      %dma_wait3A_243 = arith.constant 0 : i32
      %dma_wait3A_244 = tpu.memref_slice %arg2[%dma_wait3A_242, %dma_wait3A_243] : memref<10000x128xf32, #tpu.memory_space<hbm>> -> memref<10000x128xf32, #tpu.memory_space<hbm>>
      %dma_wait3A_245 = tpu.memref_slice %arg9[%rem3A_231] : memref<2x!tpu.dma_semaphore, #tpu.memory_space<semaphore_mem>> -> memref<1x!tpu.dma_semaphore, #tpu.memory_space<semaphore_mem>>
      %dma_wait3A_246 = tpu.memref_squeeze %dma_wait3A_245 : memref<1x!tpu.dma_semaphore, #tpu.memory_space<semaphore_mem>> -> memref<!tpu.dma_semaphore, #tpu.memory_space<semaphore_mem>>
      tpu.wait_indirect_dma semaphore(%dma_wait3A_246 : memref<!tpu.dma_semaphore, #tpu.memory_space<semaphore_mem>>) src(%dma_wait3A_244 : memref<10000x128xf32, #tpu.memory_space<hbm>>) dst(%dma_wait3A_238 : memref<80x128xf32, #tpu.memory_space<vmem>>)
      %add3A_247 = arith.constant 1 : i32
      %add3A_248 = arith.addi %scan3A_229, %add3A_247 : i32
      %lt3A = arith.constant 125 : i32
      %lt3A_249 = arith.cmpi slt, %add3A_248, %lt3A : i32
      %convert_element_type3A = arith.extui %lt3A_249 : i1 to i32
      %cond3A = arith.constant 0 : i32
      %cond3A_250 = arith.cmpi ne, %convert_element_type3A, %cond3A : i32
      scf.if %cond3A_250 {
        %add3A_280 = arith.constant 1 : i32
        %add3A_281 = arith.addi %scan3A_229, %add3A_280 : i32
        %rem3A_282 = arith.constant 2 : i32
        %rem3A_283 = arith.remsi %add3A_281, %rem3A_282 : i32
        %add3A_284 = arith.constant 1 : i32
        %add3A_285 = arith.addi %scan3A_229, %add3A_284 : i32
        %mul3A_286 = arith.constant 10000 : i32
        %mul3A_287 = arith.muli %add3A, %mul3A_286 : i32
        %mul3A_288 = arith.constant 80 : i32
        %mul3A_289 = arith.muli %add3A_285, %mul3A_288 : i32
        %add3A_290 = arith.addi %mul3A_287, %mul3A_289 : i32
        %and3A_291 = arith.constant 3 : i32
        %and3A_292 = arith.andi %add3A_285, %and3A_291 : i32
        %mul3A_293 = arith.constant 125 : i32
        %mul3A_294 = arith.muli %add3A, %mul3A_293 : i32
        %add3A_295 = arith.addi %mul3A_294, %add3A_285 : i32
        %dma_wait3A_296 = arith.constant 0 : i32
        %dma_wait3A_297 = arith.constant 0 : i32
        %dma_wait3A_298 = tpu.memref_slice %arg7[%and3A_292, %dma_wait3A_296, %dma_wait3A_297] : memref<4x3x80xi32, #tpu.memory_space<vmem>> -> memref<1x3x80xi32, #tpu.memory_space<vmem>>
        %dma_wait3A_299 = tpu.memref_squeeze %dma_wait3A_298 : memref<1x3x80xi32, #tpu.memory_space<vmem>> -> memref<3x80xi32, #tpu.memory_space<vmem>>
        %dma_wait3A_300 = arith.constant 0 : i32
        %dma_wait3A_301 = arith.constant 0 : i32
        %dma_wait3A_302 = tpu.memref_slice %arg3[%add3A_295, %dma_wait3A_300, %dma_wait3A_301] : memref<4000x3x80xi32, #tpu.memory_space<hbm>> -> memref<1x3x80xi32, #tpu.memory_space<hbm>>
        %dma_wait3A_303 = tpu.memref_squeeze %dma_wait3A_302 : memref<1x3x80xi32, #tpu.memory_space<hbm>> -> memref<3x80xi32, #tpu.memory_space<hbm>>
        %dma_wait3A_304 = tpu.memref_slice %arg10[%rem3A_283] : memref<2x!tpu.dma_semaphore, #tpu.memory_space<semaphore_mem>> -> memref<1x!tpu.dma_semaphore, #tpu.memory_space<semaphore_mem>>
        %dma_wait3A_305 = tpu.memref_squeeze %dma_wait3A_304 : memref<1x!tpu.dma_semaphore, #tpu.memory_space<semaphore_mem>> -> memref<!tpu.dma_semaphore, #tpu.memory_space<semaphore_mem>>
        %dma_wait3A_306 = arith.constant 0 : i32
        %dma_wait3A_307 = arith.constant 0 : i32
        %dma_wait3A_308 = tpu.memref_slice %arg7[%and3A_292, %dma_wait3A_306, %dma_wait3A_307] : memref<4x3x80xi32, #tpu.memory_space<vmem>> -> memref<1x3x80xi32, #tpu.memory_space<vmem>>
        %dma_wait3A_309 = tpu.memref_squeeze %dma_wait3A_308 : memref<1x3x80xi32, #tpu.memory_space<vmem>> -> memref<3x80xi32, #tpu.memory_space<vmem>>
        %dma_wait3A_310 = arith.constant 0 : i32
        %dma_wait3A_311 = arith.constant 0 : i32
        %dma_wait3A_312 = tpu.memref_slice %arg3[%add3A_295, %dma_wait3A_310, %dma_wait3A_311] : memref<4000x3x80xi32, #tpu.memory_space<hbm>> -> memref<1x3x80xi32, #tpu.memory_space<hbm>>
        %dma_wait3A_313 = tpu.memref_squeeze %dma_wait3A_312 : memref<1x3x80xi32, #tpu.memory_space<hbm>> -> memref<3x80xi32, #tpu.memory_space<hbm>>
        tpu.wait_dma2 semaphore(%dma_wait3A_305 : memref<!tpu.dma_semaphore, #tpu.memory_space<semaphore_mem>>) src(%dma_wait3A_313 : memref<3x80xi32, #tpu.memory_space<hbm>>) dst(%dma_wait3A_309 : memref<3x80xi32, #tpu.memory_space<vmem>>)
        %mul3A_314 = arith.constant 80 : i32
        %mul3A_315 = arith.muli %rem3A_283, %mul3A_314 : i32
        %dma_wait3A_316 = arith.constant 0 : i32
        %dma_wait3A_317 = tpu.memref_slice %arg8[%mul3A_315, %dma_wait3A_316] : memref<160x128xf32, #tpu.memory_space<vmem>> -> memref<80x128xf32, #tpu.memory_space<vmem>>
        %dma_wait3A_318 = arith.constant 0 : i32
        %dma_wait3A_319 = tpu.memref_slice %arg4[%add3A_290, %dma_wait3A_318] : memref<320000x128xf32, #tpu.memory_space<hbm>> -> memref<80x128xf32, #tpu.memory_space<hbm>>
        %dma_wait3A_320 = tpu.memref_slice %arg10[%rem3A_283] : memref<2x!tpu.dma_semaphore, #tpu.memory_space<semaphore_mem>> -> memref<1x!tpu.dma_semaphore, #tpu.memory_space<semaphore_mem>>
        %dma_wait3A_321 = tpu.memref_squeeze %dma_wait3A_320 : memref<1x!tpu.dma_semaphore, #tpu.memory_space<semaphore_mem>> -> memref<!tpu.dma_semaphore, #tpu.memory_space<semaphore_mem>>
        %dma_wait3A_322 = arith.constant 0 : i32
        %dma_wait3A_323 = tpu.memref_slice %arg8[%mul3A_315, %dma_wait3A_322] : memref<160x128xf32, #tpu.memory_space<vmem>> -> memref<80x128xf32, #tpu.memory_space<vmem>>
        %dma_wait3A_324 = arith.constant 0 : i32
        %dma_wait3A_325 = tpu.memref_slice %arg4[%add3A_290, %dma_wait3A_324] : memref<320000x128xf32, #tpu.memory_space<hbm>> -> memref<80x128xf32, #tpu.memory_space<hbm>>
        tpu.wait_dma2 semaphore(%dma_wait3A_321 : memref<!tpu.dma_semaphore, #tpu.memory_space<semaphore_mem>>) src(%dma_wait3A_325 : memref<80x128xf32, #tpu.memory_space<hbm>>) dst(%dma_wait3A_323 : memref<80x128xf32, #tpu.memory_space<vmem>>)
        %ge3A = arith.constant 1 : i32
        %ge3A_326 = arith.cmpi sge, %scan3A_229, %ge3A : i32
        %convert_element_type3A_327 = arith.extui %ge3A_326 : i1 to i32
        %cond3A_328 = arith.constant 0 : i32
        %cond3A_329 = arith.cmpi ne, %convert_element_type3A_327, %cond3A_328 : i32
        scf.if %cond3A_329 {
          %sub3A = arith.constant 1 : i32
          %sub3A_347 = arith.subi %scan3A_229, %sub3A : i32
          %and3A_348 = arith.constant 3 : i32
          %and3A_349 = arith.andi %sub3A_347, %and3A_348 : i32
          %mul3A_350 = arith.constant 80 : i32
          %mul3A_351 = arith.muli %rem3A_283, %mul3A_350 : i32
          %dma_wait3A_352 = arith.constant 1 : i32
          %dma_wait3A_353 = arith.constant 0 : i32
          %dma_wait3A_354 = tpu.memref_slice %arg12[%mul3A_351, %dma_wait3A_353] : memref<160x128xf32, #tpu.memory_space<vmem>> -> memref<80x128xf32, #tpu.memory_space<vmem>>
          %dma_wait3A_355 = arith.constant 0 : i32
          %dma_wait3A_356 = tpu.memref_slice %arg7[%and3A_349, %dma_wait3A_352, %dma_wait3A_355] : memref<4x3x80xi32, #tpu.memory_space<vmem>> -> memref<1x1x80xi32, #tpu.memory_space<vmem>>
          %dma_wait3A_357 = tpu.memref_squeeze %dma_wait3A_356 : memref<1x1x80xi32, #tpu.memory_space<vmem>> -> memref<80xi32, #tpu.memory_space<vmem>>
          %dma_wait3A_358 = arith.constant 0 : i32
          %dma_wait3A_359 = arith.constant 0 : i32
          %dma_wait3A_360 = tpu.memref_slice %arg6[%dma_wait3A_358, %dma_wait3A_359] : memref<10240x128xf32, #tpu.memory_space<vmem_shared>> -> memref<10240x128xf32, #tpu.memory_space<vmem_shared>>
          %dma_wait3A_361 = tpu.memref_slice %arg11[%rem3A_283] : memref<2x!tpu.dma_semaphore, #tpu.memory_space<semaphore_mem>> -> memref<1x!tpu.dma_semaphore, #tpu.memory_space<semaphore_mem>>
          %dma_wait3A_362 = tpu.memref_squeeze %dma_wait3A_361 : memref<1x!tpu.dma_semaphore, #tpu.memory_space<semaphore_mem>> -> memref<!tpu.dma_semaphore, #tpu.memory_space<semaphore_mem>>
          tpu.wait_indirect_dma semaphore(%dma_wait3A_362 : memref<!tpu.dma_semaphore, #tpu.memory_space<semaphore_mem>>) src(%dma_wait3A_354 : memref<80x128xf32, #tpu.memory_space<vmem>>) dst(%dma_wait3A_360 : memref<10240x128xf32, #tpu.memory_space<vmem_shared>>)
        } else {
        }
        %add3A_330 = arith.constant 1 : i32
        %add3A_331 = arith.addi %scan3A_229, %add3A_330 : i32
        %and3A_332 = arith.constant 3 : i32
        %and3A_333 = arith.andi %add3A_331, %and3A_332 : i32
        %mul3A_334 = arith.constant 80 : i32
        %mul3A_335 = arith.muli %rem3A_283, %mul3A_334 : i32
        %dma_start3A_336 = arith.constant 0 : i32
        %dma_start3A_337 = arith.constant 0 : i32
        %dma_start3A_338 = tpu.memref_slice %arg12[%mul3A_335, %dma_start3A_337] : memref<160x128xf32, #tpu.memory_space<vmem>> -> memref<80x128xf32, #tpu.memory_space<vmem>>
        %dma_start3A_339 = arith.constant 0 : i32
        %dma_start3A_340 = tpu.memref_slice %arg7[%and3A_333, %dma_start3A_336, %dma_start3A_339] : memref<4x3x80xi32, #tpu.memory_space<vmem>> -> memref<1x1x80xi32, #tpu.memory_space<vmem>>
        %dma_start3A_341 = tpu.memref_squeeze %dma_start3A_340 : memref<1x1x80xi32, #tpu.memory_space<vmem>> -> memref<80xi32, #tpu.memory_space<vmem>>
        %dma_start3A_342 = arith.constant 0 : i32
        %dma_start3A_343 = arith.constant 0 : i32
        %dma_start3A_344 = tpu.memref_slice %arg2[%dma_start3A_342, %dma_start3A_343] : memref<10000x128xf32, #tpu.memory_space<hbm>> -> memref<10000x128xf32, #tpu.memory_space<hbm>>
        %dma_start3A_345 = tpu.memref_slice %arg9[%rem3A_283] : memref<2x!tpu.dma_semaphore, #tpu.memory_space<semaphore_mem>> -> memref<1x!tpu.dma_semaphore, #tpu.memory_space<semaphore_mem>>
        %dma_start3A_346 = tpu.memref_squeeze %dma_start3A_345 : memref<1x!tpu.dma_semaphore, #tpu.memory_space<semaphore_mem>> -> memref<!tpu.dma_semaphore, #tpu.memory_space<semaphore_mem>>
        tpu.enqueue_indirect_dma source(%dma_start3A_344 : memref<10000x128xf32, #tpu.memory_space<hbm>>) target(%dma_start3A_338 : memref<80x128xf32, #tpu.memory_space<vmem>>) offsets(%dma_start3A_341 : memref<80xi32, #tpu.memory_space<vmem>>) semaphore(%dma_start3A_346 : memref<!tpu.dma_semaphore, #tpu.memory_space<semaphore_mem>>)
      } else {
      }
      %mul3A_251 = arith.constant 80 : i32
      %mul3A_252 = arith.muli %rem3A_231, %mul3A_251 : i32
      %and3A_253 = arith.constant 3 : i32
      %and3A_254 = arith.andi %scan3A_229, %and3A_253 : i32
      %parallel_loop3A = arith.constant 0 : i32
      %parallel_loop3A_255 = arith.constant 5 : i32
      %parallel_loop3A_256 = arith.constant 1 : i32
      scf.for %parallel_loop3A_280 = %parallel_loop3A to %parallel_loop3A_255 step %parallel_loop3A_256  : i32 {
        %parallel_loop3A_281 = arith.constant 16 : i32
        %parallel_loop3A_282 = arith.muli %parallel_loop3A_280, %parallel_loop3A_281 : i32
        %parallel_loop3A_283 = arith.constant 2 : i32
        %parallel_loop3A_284 = arith.index_cast %and3A_254 : i32 to index
        %parallel_loop3A_285 = arith.index_cast %parallel_loop3A_283 : i32 to index
        %parallel_loop3A_286 = arith.index_cast %parallel_loop3A_282 : i32 to index
        %parallel_loop3A_287 = tpu.vector_load %arg7[%parallel_loop3A_284, %parallel_loop3A_285, %parallel_loop3A_286] {strides = array<i32>} : memref<4x3x80xi32, #tpu.memory_space<vmem>>, vector<1x1x16xi32>,
        %parallel_loop3A_288 = vector.shape_cast %parallel_loop3A_287 : vector<1x1x16xi32> to vector<16xi32>
        %parallel_loop3A_289 = tpu.bitcast %parallel_loop3A_288 : vector<16xi32> -> vector<16xf32>
        %parallel_loop3A_290 = vector.extract_strided_slice %parallel_loop3A_289 {offsets = [0], sizes = [1], strides = [1]} : vector<16xf32> to vector<1xf32>
        %parallel_loop3A_291 = vector.extract %parallel_loop3A_290[0] : f32 from vector<1xf32>
        %parallel_loop3A_292 = arith.constant 16 : i32
        %parallel_loop3A_293 = arith.muli %parallel_loop3A_280, %parallel_loop3A_292 : i32
        %parallel_loop3A_294 = arith.addi %mul3A_252, %parallel_loop3A_293 : i32
        %parallel_loop3A_295 = arith.constant 0 : i32
        %parallel_loop3A_296 = arith.addi %parallel_loop3A_294, %parallel_loop3A_295 : i32
        %parallel_loop3A_297 = arith.index_cast %parallel_loop3A_296 : i32 to index
        %parallel_loop3A_298 = arith.constant 0 : index
        %parallel_loop3A_299 = tpu.vector_load %arg8[%parallel_loop3A_297, %parallel_loop3A_298] {strides = array<i32>} : memref<160x128xf32, #tpu.memory_space<vmem>>, vector<1x16xf32>,
        %parallel_loop3A_300 = vector.shape_cast %parallel_loop3A_299 : vector<1x16xf32> to vector<16xf32>
        %parallel_loop3A_301 = arith.index_cast %parallel_loop3A_296 : i32 to index
        %parallel_loop3A_302 = arith.constant 0 : index
        %parallel_loop3A_303 = tpu.vector_load %arg12[%parallel_loop3A_301, %parallel_loop3A_302] {strides = array<i32>} : memref<160x128xf32, #tpu.memory_space<vmem>>, vector<1x16xf32>,
        %parallel_loop3A_304 = vector.shape_cast %parallel_loop3A_303 : vector<1x16xf32> to vector<16xf32>
        %parallel_loop3A_305 = arith.mulf %parallel_loop3A_300, %parallel_loop3A_304 : vector<16xf32>
        %parallel_loop3A_306 = vector.broadcast %parallel_loop3A_291 : f32 to vector<16xf32>
        %parallel_loop3A_307 = arith.mulf %parallel_loop3A_305, %parallel_loop3A_306 : vector<16xf32>
        %parallel_loop3A_308 = arith.index_cast %parallel_loop3A_296 : i32 to index
        %parallel_loop3A_309 = arith.constant 0 : index
        %parallel_loop3A_310 = tpu.vector_load %arg12[%parallel_loop3A_308, %parallel_loop3A_309] {strides = array<i32>} : memref<160x128xf32, #tpu.memory_space<vmem>>, vector<1x16xf32>,
        %parallel_loop3A_311 = vector.shape_cast %parallel_loop3A_310 : vector<1x16xf32> to vector<16xf32>
        %parallel_loop3A_312 = vector.shape_cast %parallel_loop3A_307 : vector<16xf32> to vector<1x16xf32>
        tpu.vector_store %arg12[%parallel_loop3A_308, %parallel_loop3A_309], %parallel_loop3A_312 {strides = array<i32>} : memref<160x128xf32, #tpu.memory_space<vmem>>, vector<1x16xf32>,
        %parallel_loop3A_313 = arith.index_cast %parallel_loop3A_296 : i32 to index
        %parallel_loop3A_314 = arith.constant 16 : index
        %parallel_loop3A_315 = tpu.vector_load %arg8[%parallel_loop3A_313, %parallel_loop3A_314] {strides = array<i32>} : memref<160x128xf32, #tpu.memory_space<vmem>>, vector<1x16xf32>,
        %parallel_loop3A_316 = vector.shape_cast %parallel_loop3A_315 : vector<1x16xf32> to vector<16xf32>
        %parallel_loop3A_317 = arith.index_cast %parallel_loop3A_296 : i32 to index
        %parallel_loop3A_318 = arith.constant 16 : index
        %parallel_loop3A_319 = tpu.vector_load %arg12[%parallel_loop3A_317, %parallel_loop3A_318] {strides = array<i32>} : memref<160x128xf32, #tpu.memory_space<vmem>>, vector<1x16xf32>,
        %parallel_loop3A_320 = vector.shape_cast %parallel_loop3A_319 : vector<1x16xf32> to vector<16xf32>
        %parallel_loop3A_321 = arith.mulf %parallel_loop3A_316, %parallel_loop3A_320 : vector<16xf32>
        %parallel_loop3A_322 = vector.broadcast %parallel_loop3A_291 : f32 to vector<16xf32>
        %parallel_loop3A_323 = arith.mulf %parallel_loop3A_321, %parallel_loop3A_322 : vector<16xf32>
        %parallel_loop3A_324 = arith.index_cast %parallel_loop3A_296 : i32 to index
        %parallel_loop3A_325 = arith.constant 16 : index
        %parallel_loop3A_326 = tpu.vector_load %arg12[%parallel_loop3A_324, %parallel_loop3A_325] {strides = array<i32>} : memref<160x128xf32, #tpu.memory_space<vmem>>, vector<1x16xf32>,
        %parallel_loop3A_327 = vector.shape_cast %parallel_loop3A_326 : vector<1x16xf32> to vector<16xf32>
        %parallel_loop3A_328 = vector.shape_cast %parallel_loop3A_323 : vector<16xf32> to vector<1x16xf32>
        tpu.vector_store %arg12[%parallel_loop3A_324, %parallel_loop3A_325], %parallel_loop3A_328 {strides = array<i32>} : memref<160x128xf32, #tpu.memory_space<vmem>>, vector<1x16xf32>,
        %parallel_loop3A_329 = arith.index_cast %parallel_loop3A_296 : i32 to index
        %parallel_loop3A_330 = arith.constant 32 : index
        %parallel_loop3A_331 = tpu.vector_load %arg8[%parallel_loop3A_329, %parallel_loop3A_330] {strides = array<i32>} : memref<160x128xf32, #tpu.memory_space<vmem>>, vector<1x16xf32>,
        %parallel_loop3A_332 = vector.shape_cast %parallel_loop3A_331 : vector<1x16xf32> to vector<16xf32>
        %parallel_loop3A_333 = arith.index_cast %parallel_loop3A_296 : i32 to index
        %parallel_loop3A_334 = arith.constant 32 : index
        %parallel_loop3A_335 = tpu.vector_load %arg12[%parallel_loop3A_333, %parallel_loop3A_334] {strides = array<i32>} : memref<160x128xf32, #tpu.memory_space<vmem>>, vector<1x16xf32>,
        %parallel_loop3A_336 = vector.shape_cast %parallel_loop3A_335 : vector<1x16xf32> to vector<16xf32>
        %parallel_loop3A_337 = arith.mulf %parallel_loop3A_332, %parallel_loop3A_336 : vector<16xf32>
        %parallel_loop3A_338 = vector.broadcast %parallel_loop3A_291 : f32 to vector<16xf32>
        %parallel_loop3A_339 = arith.mulf %parallel_loop3A_337, %parallel_loop3A_338 : vector<16xf32>
        %parallel_loop3A_340 = arith.index_cast %parallel_loop3A_296 : i32 to index
        %parallel_loop3A_341 = arith.constant 32 : index
        %parallel_loop3A_342 = tpu.vector_load %arg12[%parallel_loop3A_340, %parallel_loop3A_341] {strides = array<i32>} : memref<160x128xf32, #tpu.memory_space<vmem>>, vector<1x16xf32>,
        %parallel_loop3A_343 = vector.shape_cast %parallel_loop3A_342 : vector<1x16xf32> to vector<16xf32>
        %parallel_loop3A_344 = vector.shape_cast %parallel_loop3A_339 : vector<16xf32> to vector<1x16xf32>
        tpu.vector_store %arg12[%parallel_loop3A_340, %parallel_loop3A_341], %parallel_loop3A_344 {strides = array<i32>} : memref<160x128xf32, #tpu.memory_space<vmem>>, vector<1x16xf32>,
        %parallel_loop3A_345 = arith.index_cast %parallel_loop3A_296 : i32 to index
        %parallel_loop3A_346 = arith.constant 48 : index
        %parallel_loop3A_347 = tpu.vector_load %arg8[%parallel_loop3A_345, %parallel_loop3A_346] {strides = array<i32>} : memref<160x128xf32, #tpu.memory_space<vmem>>, vector<1x16xf32>,
        %parallel_loop3A_348 = vector.shape_cast %parallel_loop3A_347 : vector<1x16xf32> to vector<16xf32>
        %parallel_loop3A_349 = arith.index_cast %parallel_loop3A_296 : i32 to index
        %parallel_loop3A_350 = arith.constant 48 : index
        %parallel_loop3A_351 = tpu.vector_load %arg12[%parallel_loop3A_349, %parallel_loop3A_350] {strides = array<i32>} : memref<160x128xf32, #tpu.memory_space<vmem>>, vector<1x16xf32>,
        %parallel_loop3A_352 = vector.shape_cast %parallel_loop3A_351 : vector<1x16xf32> to vector<16xf32>
        %parallel_loop3A_353 = arith.mulf %parallel_loop3A_348, %parallel_loop3A_352 : vector<16xf32>
        %parallel_loop3A_354 = vector.broadcast %parallel_loop3A_291 : f32 to vector<16xf32>
        %parallel_loop3A_355 = arith.mulf %parallel_loop3A_353, %parallel_loop3A_354 : vector<16xf32>
        %parallel_loop3A_356 = arith.index_cast %parallel_loop3A_296 : i32 to index
        %parallel_loop3A_357 = arith.constant 48 : index
        %parallel_loop3A_358 = tpu.vector_load %arg12[%parallel_loop3A_356, %parallel_loop3A_357] {strides = array<i32>} : memref<160x128xf32, #tpu.memory_space<vmem>>, vector<1x16xf32>,
        %parallel_loop3A_359 = vector.shape_cast %parallel_loop3A_358 : vector<1x16xf32> to vector<16xf32>
        %parallel_loop3A_360 = vector.shape_cast %parallel_loop3A_355 : vector<16xf32> to vector<1x16xf32>
        tpu.vector_store %arg12[%parallel_loop3A_356, %parallel_loop3A_357], %parallel_loop3A_360 {strides = array<i32>} : memref<160x128xf32, #tpu.memory_space<vmem>>, vector<1x16xf32>,
        %parallel_loop3A_361 = arith.index_cast %parallel_loop3A_296 : i32 to index
        %parallel_loop3A_362 = arith.constant 64 : index
        %parallel_loop3A_363 = tpu.vector_load %arg8[%parallel_loop3A_361, %parallel_loop3A_362] {strides = array<i32>} : memref<160x128xf32, #tpu.memory_space<vmem>>, vector<1x16xf32>,
        %parallel_loop3A_364 = vector.shape_cast %parallel_loop3A_363 : vector<1x16xf32> to vector<16xf32>
        %parallel_loop3A_365 = arith.index_cast %parallel_loop3A_296 : i32 to index
        %parallel_loop3A_366 = arith.constant 64 : index
        %parallel_loop3A_367 = tpu.vector_load %arg12[%parallel_loop3A_365, %parallel_loop3A_366] {strides = array<i32>} : memref<160x128xf32, #tpu.memory_space<vmem>>, vector<1x16xf32>,
        %parallel_loop3A_368 = vector.shape_cast %parallel_loop3A_367 : vector<1x16xf32> to vector<16xf32>
        %parallel_loop3A_369 = arith.mulf %parallel_loop3A_364, %parallel_loop3A_368 : vector<16xf32>
        %parallel_loop3A_370 = vector.broadcast %parallel_loop3A_291 : f32 to vector<16xf32>
        %parallel_loop3A_371 = arith.mulf %parallel_loop3A_369, %parallel_loop3A_370 : vector<16xf32>
        %parallel_loop3A_372 = arith.index_cast %parallel_loop3A_296 : i32 to index
        %parallel_loop3A_373 = arith.constant 64 : index
        %parallel_loop3A_374 = tpu.vector_load %arg12[%parallel_loop3A_372, %parallel_loop3A_373] {strides = array<i32>} : memref<160x128xf32, #tpu.memory_space<vmem>>, vector<1x16xf32>,
        %parallel_loop3A_375 = vector.shape_cast %parallel_loop3A_374 : vector<1x16xf32> to vector<16xf32>
        %parallel_loop3A_376 = vector.shape_cast %parallel_loop3A_371 : vector<16xf32> to vector<1x16xf32>
        tpu.vector_store %arg12[%parallel_loop3A_372, %parallel_loop3A_373], %parallel_loop3A_376 {strides = array<i32>} : memref<160x128xf32, #tpu.memory_space<vmem>>, vector<1x16xf32>,
        %parallel_loop3A_377 = arith.index_cast %parallel_loop3A_296 : i32 to index
        %parallel_loop3A_378 = arith.constant 80 : index
        %parallel_loop3A_379 = tpu.vector_load %arg8[%parallel_loop3A_377, %parallel_loop3A_378] {strides = array<i32>} : memref<160x128xf32, #tpu.memory_space<vmem>>, vector<1x16xf32>,
        %parallel_loop3A_380 = vector.shape_cast %parallel_loop3A_379 : vector<1x16xf32> to vector<16xf32>
        %parallel_loop3A_381 = arith.index_cast %parallel_loop3A_296 : i32 to index
        %parallel_loop3A_382 = arith.constant 80 : index
        %parallel_loop3A_383 = tpu.vector_load %arg12[%parallel_loop3A_381, %parallel_loop3A_382] {strides = array<i32>} : memref<160x128xf32, #tpu.memory_space<vmem>>, vector<1x16xf32>,
        %parallel_loop3A_384 = vector.shape_cast %parallel_loop3A_383 : vector<1x16xf32> to vector<16xf32>
        %parallel_loop3A_385 = arith.mulf %parallel_loop3A_380, %parallel_loop3A_384 : vector<16xf32>
        %parallel_loop3A_386 = vector.broadcast %parallel_loop3A_291 : f32 to vector<16xf32>
        %parallel_loop3A_387 = arith.mulf %parallel_loop3A_385, %parallel_loop3A_386 : vector<16xf32>
        %parallel_loop3A_388 = arith.index_cast %parallel_loop3A_296 : i32 to index
        %parallel_loop3A_389 = arith.constant 80 : index
        %parallel_loop3A_390 = tpu.vector_load %arg12[%parallel_loop3A_388, %parallel_loop3A_389] {strides = array<i32>} : memref<160x128xf32, #tpu.memory_space<vmem>>, vector<1x16xf32>,
        %parallel_loop3A_391 = vector.shape_cast %parallel_loop3A_390 : vector<1x16xf32> to vector<16xf32>
        %parallel_loop3A_392 = vector.shape_cast %parallel_loop3A_387 : vector<16xf32> to vector<1x16xf32>
        tpu.vector_store %arg12[%parallel_loop3A_388, %parallel_loop3A_389], %parallel_loop3A_392 {strides = array<i32>} : memref<160x128xf32, #tpu.memory_space<vmem>>, vector<1x16xf32>,
        %parallel_loop3A_393 = arith.index_cast %parallel_loop3A_296 : i32 to index
        %parallel_loop3A_394 = arith.constant 96 : index
        %parallel_loop3A_395 = tpu.vector_load %arg8[%parallel_loop3A_393, %parallel_loop3A_394] {strides = array<i32>} : memref<160x128xf32, #tpu.memory_space<vmem>>, vector<1x16xf32>,
        %parallel_loop3A_396 = vector.shape_cast %parallel_loop3A_395 : vector<1x16xf32> to vector<16xf32>
        %parallel_loop3A_397 = arith.index_cast %parallel_loop3A_296 : i32 to index
        %parallel_loop3A_398 = arith.constant 96 : index
        %parallel_loop3A_399 = tpu.vector_load %arg12[%parallel_loop3A_397, %parallel_loop3A_398] {strides = array<i32>} : memref<160x128xf32, #tpu.memory_space<vmem>>, vector<1x16xf32>,
        %parallel_loop3A_400 = vector.shape_cast %parallel_loop3A_399 : vector<1x16xf32> to vector<16xf32>
        %parallel_loop3A_401 = arith.mulf %parallel_loop3A_396, %parallel_loop3A_400 : vector<16xf32>
        %parallel_loop3A_402 = vector.broadcast %parallel_loop3A_291 : f32 to vector<16xf32>
        %parallel_loop3A_403 = arith.mulf %parallel_loop3A_401, %parallel_loop3A_402 : vector<16xf32>
        %parallel_loop3A_404 = arith.index_cast %parallel_loop3A_296 : i32 to index
        %parallel_loop3A_405 = arith.constant 96 : index
        %parallel_loop3A_406 = tpu.vector_load %arg12[%parallel_loop3A_404, %parallel_loop3A_405] {strides = array<i32>} : memref<160x128xf32, #tpu.memory_space<vmem>>, vector<1x16xf32>,
        %parallel_loop3A_407 = vector.shape_cast %parallel_loop3A_406 : vector<1x16xf32> to vector<16xf32>
        %parallel_loop3A_408 = vector.shape_cast %parallel_loop3A_403 : vector<16xf32> to vector<1x16xf32>
        tpu.vector_store %arg12[%parallel_loop3A_404, %parallel_loop3A_405], %parallel_loop3A_408 {strides = array<i32>} : memref<160x128xf32, #tpu.memory_space<vmem>>, vector<1x16xf32>,
        %parallel_loop3A_409 = arith.index_cast %parallel_loop3A_296 : i32 to index
        %parallel_loop3A_410 = arith.constant 112 : index
        %parallel_loop3A_411 = tpu.vector_load %arg8[%parallel_loop3A_409, %parallel_loop3A_410] {strides = array<i32>} : memref<160x128xf32, #tpu.memory_space<vmem>>, vector<1x16xf32>,
        %parallel_loop3A_412 = vector.shape_cast %parallel_loop3A_411 : vector<1x16xf32> to vector<16xf32>
        %parallel_loop3A_413 = arith.index_cast %parallel_loop3A_296 : i32 to index
        %parallel_loop3A_414 = arith.constant 112 : index
        %parallel_loop3A_415 = tpu.vector_load %arg12[%parallel_loop3A_413, %parallel_loop3A_414] {strides = array<i32>} : memref<160x128xf32, #tpu.memory_space<vmem>>, vector<1x16xf32>,
        %parallel_loop3A_416 = vector.shape_cast %parallel_loop3A_415 : vector<1x16xf32> to vector<16xf32>
        %parallel_loop3A_417 = arith.mulf %parallel_loop3A_412, %parallel_loop3A_416 : vector<16xf32>
        %parallel_loop3A_418 = vector.broadcast %parallel_loop3A_291 : f32 to vector<16xf32>
        %parallel_loop3A_419 = arith.mulf %parallel_loop3A_417, %parallel_loop3A_418 : vector<16xf32>
        %parallel_loop3A_420 = arith.index_cast %parallel_loop3A_296 : i32 to index
        %parallel_loop3A_421 = arith.constant 112 : index
        %parallel_loop3A_422 = tpu.vector_load %arg12[%parallel_loop3A_420, %parallel_loop3A_421] {strides = array<i32>} : memref<160x128xf32, #tpu.memory_space<vmem>>, vector<1x16xf32>,
        %parallel_loop3A_423 = vector.shape_cast %parallel_loop3A_422 : vector<1x16xf32> to vector<16xf32>
        %parallel_loop3A_424 = vector.shape_cast %parallel_loop3A_419 : vector<16xf32> to vector<1x16xf32>
        tpu.vector_store %arg12[%parallel_loop3A_420, %parallel_loop3A_421], %parallel_loop3A_424 {strides = array<i32>} : memref<160x128xf32, #tpu.memory_space<vmem>>, vector<1x16xf32>,
        %parallel_loop3A_425 = vector.extract_strided_slice %parallel_loop3A_289 {offsets = [1], sizes = [1], strides = [1]} : vector<16xf32> to vector<1xf32>
        %parallel_loop3A_426 = vector.extract %parallel_loop3A_425[0] : f32 from vector<1xf32>
        %parallel_loop3A_427 = arith.constant 16 : i32
        %parallel_loop3A_428 = arith.muli %parallel_loop3A_280, %parallel_loop3A_427 : i32
        %parallel_loop3A_429 = arith.addi %mul3A_252, %parallel_loop3A_428 : i32
        %parallel_loop3A_430 = arith.constant 1 : i32
        %parallel_loop3A_431 = arith.addi %parallel_loop3A_429, %parallel_loop3A_430 : i32
        %parallel_loop3A_432 = arith.index_cast %parallel_loop3A_431 : i32 to index
        %parallel_loop3A_433 = arith.constant 0 : index
        %parallel_loop3A_434 = tpu.vector_load %arg8[%parallel_loop3A_432, %parallel_loop3A_433] {strides = array<i32>} : memref<160x128xf32, #tpu.memory_space<vmem>>, vector<1x16xf32>,
        %parallel_loop3A_435 = vector.shape_cast %parallel_loop3A_434 : vector<1x16xf32> to vector<16xf32>
        %parallel_loop3A_436 = arith.index_cast %parallel_loop3A_431 : i32 to index
        %parallel_loop3A_437 = arith.constant 0 : index
        %parallel_loop3A_438 = tpu.vector_load %arg12[%parallel_loop3A_436, %parallel_loop3A_437] {strides = array<i32>} : memref<160x128xf32, #tpu.memory_space<vmem>>, vector<1x16xf32>,
        %parallel_loop3A_439 = vector.shape_cast %parallel_loop3A_438 : vector<1x16xf32> to vector<16xf32>
        %parallel_loop3A_440 = arith.mulf %parallel_loop3A_435, %parallel_loop3A_439 : vector<16xf32>
        %parallel_loop3A_441 = vector.broadcast %parallel_loop3A_426 : f32 to vector<16xf32>
        %parallel_loop3A_442 = arith.mulf %parallel_loop3A_440, %parallel_loop3A_441 : vector<16xf32>
        %parallel_loop3A_443 = arith.index_cast %parallel_loop3A_431 : i32 to index
        %parallel_loop3A_444 = arith.constant 0 : index
        %parallel_loop3A_445 = tpu.vector_load %arg12[%parallel_loop3A_443, %parallel_loop3A_444] {strides = array<i32>} : memref<160x128xf32, #tpu.memory_space<vmem>>, vector<1x16xf32>,
        %parallel_loop3A_446 = vector.shape_cast %parallel_loop3A_445 : vector<1x16xf32> to vector<16xf32>
        %parallel_loop3A_447 = vector.shape_cast %parallel_loop3A_442 : vector<16xf32> to vector<1x16xf32>
        tpu.vector_store %arg12[%parallel_loop3A_443, %parallel_loop3A_444], %parallel_loop3A_447 {strides = array<i32>} : memref<160x128xf32, #tpu.memory_space<vmem>>, vector<1x16xf32>,
        %parallel_loop3A_448 = arith.index_cast %parallel_loop3A_431 : i32 to index
        %parallel_loop3A_449 = arith.constant 16 : index
        %parallel_loop3A_450 = tpu.vector_load %arg8[%parallel_loop3A_448, %parallel_loop3A_449] {strides = array<i32>} : memref<160x128xf32, #tpu.memory_space<vmem>>, vector<1x16xf32>,
        %parallel_loop3A_451 = vector.shape_cast %parallel_loop3A_450 : vector<1x16xf32> to vector<16xf32>
        %parallel_loop3A_452 = arith.index_cast %parallel_loop3A_431 : i32 to index
        %parallel_loop3A_453 = arith.constant 16 : index
        %parallel_loop3A_454 = tpu.vector_load %arg12[%parallel_loop3A_452, %parallel_loop3A_453] {strides = array<i32>} : memref<160x128xf32, #tpu.memory_space<vmem>>, vector<1x16xf32>,
        %parallel_loop3A_455 = vector.shape_cast %parallel_loop3A_454 : vector<1x16xf32> to vector<16xf32>
        %parallel_loop3A_456 = arith.mulf %parallel_loop3A_451, %parallel_loop3A_455 : vector<16xf32>
        %parallel_loop3A_457 = vector.broadcast %parallel_loop3A_426 : f32 to vector<16xf32>
        %parallel_loop3A_458 = arith.mulf %parallel_loop3A_456, %parallel_loop3A_457 : vector<16xf32>
        %parallel_loop3A_459 = arith.index_cast %parallel_loop3A_431 : i32 to index
        %parallel_loop3A_460 = arith.constant 16 : index
        %parallel_loop3A_461 = tpu.vector_load %arg12[%parallel_loop3A_459, %parallel_loop3A_460] {strides = array<i32>} : memref<160x128xf32, #tpu.memory_space<vmem>>, vector<1x16xf32>,
        %parallel_loop3A_462 = vector.shape_cast %parallel_loop3A_461 : vector<1x16xf32> to vector<16xf32>
        %parallel_loop3A_463 = vector.shape_cast %parallel_loop3A_458 : vector<16xf32> to vector<1x16xf32>
        tpu.vector_store %arg12[%parallel_loop3A_459, %parallel_loop3A_460], %parallel_loop3A_463 {strides = array<i32>} : memref<160x128xf32, #tpu.memory_space<vmem>>, vector<1x16xf32>,
        %parallel_loop3A_464 = arith.index_cast %parallel_loop3A_431 : i32 to index
        %parallel_loop3A_465 = arith.constant 32 : index
        %parallel_loop3A_466 = tpu.vector_load %arg8[%parallel_loop3A_464, %parallel_loop3A_465] {strides = array<i32>} : memref<160x128xf32, #tpu.memory_space<vmem>>, vector<1x16xf32>,
        %parallel_loop3A_467 = vector.shape_cast %parallel_loop3A_466 : vector<1x16xf32> to vector<16xf32>
        %parallel_loop3A_468 = arith.index_cast %parallel_loop3A_431 : i32 to index
        %parallel_loop3A_469 = arith.constant 32 : index
        %parallel_loop3A_470 = tpu.vector_load %arg12[%parallel_loop3A_468, %parallel_loop3A_469] {strides = array<i32>} : memref<160x128xf32, #tpu.memory_space<vmem>>, vector<1x16xf32>,
        %parallel_loop3A_471 = vector.shape_cast %parallel_loop3A_470 : vector<1x16xf32> to vector<16xf32>
        %parallel_loop3A_472 = arith.mulf %parallel_loop3A_467, %parallel_loop3A_471 : vector<16xf32>
        %parallel_loop3A_473 = vector.broadcast %parallel_loop3A_426 : f32 to vector<16xf32>
        %parallel_loop3A_474 = arith.mulf %parallel_loop3A_472, %parallel_loop3A_473 : vector<16xf32>
        %parallel_loop3A_475 = arith.index_cast %parallel_loop3A_431 : i32 to index
        %parallel_loop3A_476 = arith.constant 32 : index
        %parallel_loop3A_477 = tpu.vector_load %arg12[%parallel_loop3A_475, %parallel_loop3A_476] {strides = array<i32>} : memref<160x128xf32, #tpu.memory_space<vmem>>, vector<1x16xf32>,
        %parallel_loop3A_478 = vector.shape_cast %parallel_loop3A_477 : vector<1x16xf32> to vector<16xf32>
        %parallel_loop3A_479 = vector.shape_cast %parallel_loop3A_474 : vector<16xf32> to vector<1x16xf32>
        tpu.vector_store %arg12[%parallel_loop3A_475, %parallel_loop3A_476], %parallel_loop3A_479 {strides = array<i32>} : memref<160x128xf32, #tpu.memory_space<vmem>>, vector<1x16xf32>,
        %parallel_loop3A_480 = arith.index_cast %parallel_loop3A_431 : i32 to index
        %parallel_loop3A_481 = arith.constant 48 : index
        %parallel_loop3A_482 = tpu.vector_load %arg8[%parallel_loop3A_480, %parallel_loop3A_481] {strides = array<i32>} : memref<160x128xf32, #tpu.memory_space<vmem>>, vector<1x16xf32>,
        %parallel_loop3A_483 = vector.shape_cast %parallel_loop3A_482 : vector<1x16xf32> to vector<16xf32>
        %parallel_loop3A_484 = arith.index_cast %parallel_loop3A_431 : i32 to index
        %parallel_loop3A_485 = arith.constant 48 : index
        %parallel_loop3A_486 = tpu.vector_load %arg12[%parallel_loop3A_484, %parallel_loop3A_485] {strides = array<i32>} : memref<160x128xf32, #tpu.memory_space<vmem>>, vector<1x16xf32>,
        %parallel_loop3A_487 = vector.shape_cast %parallel_loop3A_486 : vector<1x16xf32> to vector<16xf32>
        %parallel_loop3A_488 = arith.mulf %parallel_loop3A_483, %parallel_loop3A_487 : vector<16xf32>
        %parallel_loop3A_489 = vector.broadcast %parallel_loop3A_426 : f32 to vector<16xf32>
        %parallel_loop3A_490 = arith.mulf %parallel_loop3A_488, %parallel_loop3A_489 : vector<16xf32>
        %parallel_loop3A_491 = arith.index_cast %parallel_loop3A_431 : i32 to index
        %parallel_loop3A_492 = arith.constant 48 : index
        %parallel_loop3A_493 = tpu.vector_load %arg12[%parallel_loop3A_491, %parallel_loop3A_492] {strides = array<i32>} : memref<160x128xf32, #tpu.memory_space<vmem>>, vector<1x16xf32>,
        %parallel_loop3A_494 = vector.shape_cast %parallel_loop3A_493 : vector<1x16xf32> to vector<16xf32>
        %parallel_loop3A_495 = vector.shape_cast %parallel_loop3A_490 : vector<16xf32> to vector<1x16xf32>
        tpu.vector_store %arg12[%parallel_loop3A_491, %parallel_loop3A_492], %parallel_loop3A_495 {strides = array<i32>} : memref<160x128xf32, #tpu.memory_space<vmem>>, vector<1x16xf32>,
        %parallel_loop3A_496 = arith.index_cast %parallel_loop3A_431 : i32 to index
        %parallel_loop3A_497 = arith.constant 64 : index
        %parallel_loop3A_498 = tpu.vector_load %arg8[%parallel_loop3A_496, %parallel_loop3A_497] {strides = array<i32>} : memref<160x128xf32, #tpu.memory_space<vmem>>, vector<1x16xf32>,
        %parallel_loop3A_499 = vector.shape_cast %parallel_loop3A_498 : vector<1x16xf32> to vector<16xf32>
        %parallel_loop3A_500 = arith.index_cast %parallel_loop3A_431 : i32 to index
        %parallel_loop3A_501 = arith.constant 64 : index
        %parallel_loop3A_502 = tpu.vector_load %arg12[%parallel_loop3A_500, %parallel_loop3A_501] {strides = array<i32>} : memref<160x128xf32, #tpu.memory_space<vmem>>, vector<1x16xf32>,
        %parallel_loop3A_503 = vector.shape_cast %parallel_loop3A_502 : vector<1x16xf32> to vector<16xf32>
        %parallel_loop3A_504 = arith.mulf %parallel_loop3A_499, %parallel_loop3A_503 : vector<16xf32>
        %parallel_loop3A_505 = vector.broadcast %parallel_loop3A_426 : f32 to vector<16xf32>
        %parallel_loop3A_506 = arith.mulf %parallel_loop3A_504, %parallel_loop3A_505 : vector<16xf32>
        %parallel_loop3A_507 = arith.index_cast %parallel_loop3A_431 : i32 to index
        %parallel_loop3A_508 = arith.constant 64 : index
        %parallel_loop3A_509 = tpu.vector_load %arg12[%parallel_loop3A_507, %parallel_loop3A_508] {strides = array<i32>} : memref<160x128xf32, #tpu.memory_space<vmem>>, vector<1x16xf32>,
        %parallel_loop3A_510 = vector.shape_cast %parallel_loop3A_509 : vector<1x16xf32> to vector<16xf32>
        %parallel_loop3A_511 = vector.shape_cast %parallel_loop3A_506 : vector<16xf32> to vector<1x16xf32>
        tpu.vector_store %arg12[%parallel_loop3A_507, %parallel_loop3A_508], %parallel_loop3A_511 {strides = array<i32>} : memref<160x128xf32, #tpu.memory_space<vmem>>, vector<1x16xf32>,
        %parallel_loop3A_512 = arith.index_cast %parallel_loop3A_431 : i32 to index
        %parallel_loop3A_513 = arith.constant 80 : index
        %parallel_loop3A_514 = tpu.vector_load %arg8[%parallel_loop3A_512, %parallel_loop3A_513] {strides = array<i32>} : memref<160x128xf32, #tpu.memory_space<vmem>>, vector<1x16xf32>,
        %parallel_loop3A_515 = vector.shape_cast %parallel_loop3A_514 : vector<1x16xf32> to vector<16xf32>
        %parallel_loop3A_516 = arith.index_cast %parallel_loop3A_431 : i32 to index
        %parallel_loop3A_517 = arith.constant 80 : index
        %parallel_loop3A_518 = tpu.vector_load %arg12[%parallel_loop3A_516, %parallel_loop3A_517] {strides = array<i32>} : memref<160x128xf32, #tpu.memory_space<vmem>>, vector<1x16xf32>,
        %parallel_loop3A_519 = vector.shape_cast %parallel_loop3A_518 : vector<1x16xf32> to vector<16xf32>
        %parallel_loop3A_520 = arith.mulf %parallel_loop3A_515, %parallel_loop3A_519 : vector<16xf32>
        %parallel_loop3A_521 = vector.broadcast %parallel_loop3A_426 : f32 to vector<16xf32>
        %parallel_loop3A_522 = arith.mulf %parallel_loop3A_520, %parallel_loop3A_521 : vector<16xf32>
        %parallel_loop3A_523 = arith.index_cast %parallel_loop3A_431 : i32 to index
        %parallel_loop3A_524 = arith.constant 80 : index
        %parallel_loop3A_525 = tpu.vector_load %arg12[%parallel_loop3A_523, %parallel_loop3A_524] {strides = array<i32>} : memref<160x128xf32, #tpu.memory_space<vmem>>, vector<1x16xf32>,
        %parallel_loop3A_526 = vector.shape_cast %parallel_loop3A_525 : vector<1x16xf32> to vector<16xf32>
        %parallel_loop3A_527 = vector.shape_cast %parallel_loop3A_522 : vector<16xf32> to vector<1x16xf32>
        tpu.vector_store %arg12[%parallel_loop3A_523, %parallel_loop3A_524], %parallel_loop3A_527 {strides = array<i32>} : memref<160x128xf32, #tpu.memory_space<vmem>>, vector<1x16xf32>,
        %parallel_loop3A_528 = arith.index_cast %parallel_loop3A_431 : i32 to index
        %parallel_loop3A_529 = arith.constant 96 : index
        %parallel_loop3A_530 = tpu.vector_load %arg8[%parallel_loop3A_528, %parallel_loop3A_529] {strides = array<i32>} : memref<160x128xf32, #tpu.memory_space<vmem>>, vector<1x16xf32>,
        %parallel_loop3A_531 = vector.shape_cast %parallel_loop3A_530 : vector<1x16xf32> to vector<16xf32>
        %parallel_loop3A_532 = arith.index_cast %parallel_loop3A_431 : i32 to index
        %parallel_loop3A_533 = arith.constant 96 : index
        %parallel_loop3A_534 = tpu.vector_load %arg12[%parallel_loop3A_532, %parallel_loop3A_533] {strides = array<i32>} : memref<160x128xf32, #tpu.memory_space<vmem>>, vector<1x16xf32>,
        %parallel_loop3A_535 = vector.shape_cast %parallel_loop3A_534 : vector<1x16xf32> to vector<16xf32>
        %parallel_loop3A_536 = arith.mulf %parallel_loop3A_531, %parallel_loop3A_535 : vector<16xf32>
        %parallel_loop3A_537 = vector.broadcast %parallel_loop3A_426 : f32 to vector<16xf32>
        %parallel_loop3A_538 = arith.mulf %parallel_loop3A_536, %parallel_loop3A_537 : vector<16xf32>
        %parallel_loop3A_539 = arith.index_cast %parallel_loop3A_431 : i32 to index
        %parallel_loop3A_540 = arith.constant 96 : index
        %parallel_loop3A_541 = tpu.vector_load %arg12[%parallel_loop3A_539, %parallel_loop3A_540] {strides = array<i32>} : memref<160x128xf32, #tpu.memory_space<vmem>>, vector<1x16xf32>,
        %parallel_loop3A_542 = vector.shape_cast %parallel_loop3A_541 : vector<1x16xf32> to vector<16xf32>
        %parallel_loop3A_543 = vector.shape_cast %parallel_loop3A_538 : vector<16xf32> to vector<1x16xf32>
        tpu.vector_store %arg12[%parallel_loop3A_539, %parallel_loop3A_540], %parallel_loop3A_543 {strides = array<i32>} : memref<160x128xf32, #tpu.memory_space<vmem>>, vector<1x16xf32>,
        %parallel_loop3A_544 = arith.index_cast %parallel_loop3A_431 : i32 to index
        %parallel_loop3A_545 = arith.constant 112 : index
        %parallel_loop3A_546 = tpu.vector_load %arg8[%parallel_loop3A_544, %parallel_loop3A_545] {strides = array<i32>} : memref<160x128xf32, #tpu.memory_space<vmem>>, vector<1x16xf32>,
        %parallel_loop3A_547 = vector.shape_cast %parallel_loop3A_546 : vector<1x16xf32> to vector<16xf32>
        %parallel_loop3A_548 = arith.index_cast %parallel_loop3A_431 : i32 to index
        %parallel_loop3A_549 = arith.constant 112 : index
        %parallel_loop3A_550 = tpu.vector_load %arg12[%parallel_loop3A_548, %parallel_loop3A_549] {strides = array<i32>} : memref<160x128xf32, #tpu.memory_space<vmem>>, vector<1x16xf32>,
        %parallel_loop3A_551 = vector.shape_cast %parallel_loop3A_550 : vector<1x16xf32> to vector<16xf32>
        %parallel_loop3A_552 = arith.mulf %parallel_loop3A_547, %parallel_loop3A_551 : vector<16xf32>
        %parallel_loop3A_553 = vector.broadcast %parallel_loop3A_426 : f32 to vector<16xf32>
        %parallel_loop3A_554 = arith.mulf %parallel_loop3A_552, %parallel_loop3A_553 : vector<16xf32>
        %parallel_loop3A_555 = arith.index_cast %parallel_loop3A_431 : i32 to index
        %parallel_loop3A_556 = arith.constant 112 : index
        %parallel_loop3A_557 = tpu.vector_load %arg12[%parallel_loop3A_555, %parallel_loop3A_556] {strides = array<i32>} : memref<160x128xf32, #tpu.memory_space<vmem>>, vector<1x16xf32>,
        %parallel_loop3A_558 = vector.shape_cast %parallel_loop3A_557 : vector<1x16xf32> to vector<16xf32>
        %parallel_loop3A_559 = vector.shape_cast %parallel_loop3A_554 : vector<16xf32> to vector<1x16xf32>
        tpu.vector_store %arg12[%parallel_loop3A_555, %parallel_loop3A_556], %parallel_loop3A_559 {strides = array<i32>} : memref<160x128xf32, #tpu.memory_space<vmem>>, vector<1x16xf32>,
        %parallel_loop3A_560 = vector.extract_strided_slice %parallel_loop3A_289 {offsets = [2], sizes = [1], strides = [1]} : vector<16xf32> to vector<1xf32>
        %parallel_loop3A_561 = vector.extract %parallel_loop3A_560[0] : f32 from vector<1xf32>
        %parallel_loop3A_562 = arith.constant 16 : i32
        %parallel_loop3A_563 = arith.muli %parallel_loop3A_280, %parallel_loop3A_562 : i32
        %parallel_loop3A_564 = arith.addi %mul3A_252, %parallel_loop3A_563 : i32
        %parallel_loop3A_565 = arith.constant 2 : i32
        %parallel_loop3A_566 = arith.addi %parallel_loop3A_564, %parallel_loop3A_565 : i32
        %parallel_loop3A_567 = arith.index_cast %parallel_loop3A_566 : i32 to index
        %parallel_loop3A_568 = arith.constant 0 : index
        %parallel_loop3A_569 = tpu.vector_load %arg8[%parallel_loop3A_567, %parallel_loop3A_568] {strides = array<i32>} : memref<160x128xf32, #tpu.memory_space<vmem>>, vector<1x16xf32>,
        %parallel_loop3A_570 = vector.shape_cast %parallel_loop3A_569 : vector<1x16xf32> to vector<16xf32>
        %parallel_loop3A_571 = arith.index_cast %parallel_loop3A_566 : i32 to index
        %parallel_loop3A_572 = arith.constant 0 : index
        %parallel_loop3A_573 = tpu.vector_load %arg12[%parallel_loop3A_571, %parallel_loop3A_572] {strides = array<i32>} : memref<160x128xf32, #tpu.memory_space<vmem>>, vector<1x16xf32>,
        %parallel_loop3A_574 = vector.shape_cast %parallel_loop3A_573 : vector<1x16xf32> to vector<16xf32>
        %parallel_loop3A_575 = arith.mulf %parallel_loop3A_570, %parallel_loop3A_574 : vector<16xf32>
        %parallel_loop3A_576 = vector.broadcast %parallel_loop3A_561 : f32 to vector<16xf32>
        %parallel_loop3A_577 = arith.mulf %parallel_loop3A_575, %parallel_loop3A_576 : vector<16xf32>
        %parallel_loop3A_578 = arith.index_cast %parallel_loop3A_566 : i32 to index
        %parallel_loop3A_579 = arith.constant 0 : index
        %parallel_loop3A_580 = tpu.vector_load %arg12[%parallel_loop3A_578, %parallel_loop3A_579] {strides = array<i32>} : memref<160x128xf32, #tpu.memory_space<vmem>>, vector<1x16xf32>,
        %parallel_loop3A_581 = vector.shape_cast %parallel_loop3A_580 : vector<1x16xf32> to vector<16xf32>
        %parallel_loop3A_582 = vector.shape_cast %parallel_loop3A_577 : vector<16xf32> to vector<1x16xf32>
        tpu.vector_store %arg12[%parallel_loop3A_578, %parallel_loop3A_579], %parallel_loop3A_582 {strides = array<i32>} : memref<160x128xf32, #tpu.memory_space<vmem>>, vector<1x16xf32>,
        %parallel_loop3A_583 = arith.index_cast %parallel_loop3A_566 : i32 to index
        %parallel_loop3A_584 = arith.constant 16 : index
        %parallel_loop3A_585 = tpu.vector_load %arg8[%parallel_loop3A_583, %parallel_loop3A_584] {strides = array<i32>} : memref<160x128xf32, #tpu.memory_space<vmem>>, vector<1x16xf32>,
        %parallel_loop3A_586 = vector.shape_cast %parallel_loop3A_585 : vector<1x16xf32> to vector<16xf32>
        %parallel_loop3A_587 = arith.index_cast %parallel_loop3A_566 : i32 to index
        %parallel_loop3A_588 = arith.constant 16 : index
        %parallel_loop3A_589 = tpu.vector_load %arg12[%parallel_loop3A_587, %parallel_loop3A_588] {strides = array<i32>} : memref<160x128xf32, #tpu.memory_space<vmem>>, vector<1x16xf32>,
        %parallel_loop3A_590 = vector.shape_cast %parallel_loop3A_589 : vector<1x16xf32> to vector<16xf32>
        %parallel_loop3A_591 = arith.mulf %parallel_loop3A_586, %parallel_loop3A_590 : vector<16xf32>
        %parallel_loop3A_592 = vector.broadcast %parallel_loop3A_561 : f32 to vector<16xf32>
        %parallel_loop3A_593 = arith.mulf %parallel_loop3A_591, %parallel_loop3A_592 : vector<16xf32>
        %parallel_loop3A_594 = arith.index_cast %parallel_loop3A_566 : i32 to index
        %parallel_loop3A_595 = arith.constant 16 : index
        %parallel_loop3A_596 = tpu.vector_load %arg12[%parallel_loop3A_594, %parallel_loop3A_595] {strides = array<i32>} : memref<160x128xf32, #tpu.memory_space<vmem>>, vector<1x16xf32>,
        %parallel_loop3A_597 = vector.shape_cast %parallel_loop3A_596 : vector<1x16xf32> to vector<16xf32>
        %parallel_loop3A_598 = vector.shape_cast %parallel_loop3A_593 : vector<16xf32> to vector<1x16xf32>
        tpu.vector_store %arg12[%parallel_loop3A_594, %parallel_loop3A_595], %parallel_loop3A_598 {strides = array<i32>} : memref<160x128xf32, #tpu.memory_space<vmem>>, vector<1x16xf32>,
        %parallel_loop3A_599 = arith.index_cast %parallel_loop3A_566 : i32 to index
        %parallel_loop3A_600 = arith.constant 32 : index
        %parallel_loop3A_601 = tpu.vector_load %arg8[%parallel_loop3A_599, %parallel_loop3A_600] {strides = array<i32>} : memref<160x128xf32, #tpu.memory_space<vmem>>, vector<1x16xf32>,
        %parallel_loop3A_602 = vector.shape_cast %parallel_loop3A_601 : vector<1x16xf32> to vector<16xf32>
        %parallel_loop3A_603 = arith.index_cast %parallel_loop3A_566 : i32 to index
        %parallel_loop3A_604 = arith.constant 32 : index
        %parallel_loop3A_605 = tpu.vector_load %arg12[%parallel_loop3A_603, %parallel_loop3A_604] {strides = array<i32>} : memref<160x128xf32, #tpu.memory_space<vmem>>, vector<1x16xf32>,
        %parallel_loop3A_606 = vector.shape_cast %parallel_loop3A_605 : vector<1x16xf32> to vector<16xf32>
        %parallel_loop3A_607 = arith.mulf %parallel_loop3A_602, %parallel_loop3A_606 : vector<16xf32>
        %parallel_loop3A_608 = vector.broadcast %parallel_loop3A_561 : f32 to vector<16xf32>
        %parallel_loop3A_609 = arith.mulf %parallel_loop3A_607, %parallel_loop3A_608 : vector<16xf32>
        %parallel_loop3A_610 = arith.index_cast %parallel_loop3A_566 : i32 to index
        %parallel_loop3A_611 = arith.constant 32 : index
        %parallel_loop3A_612 = tpu.vector_load %arg12[%parallel_loop3A_610, %parallel_loop3A_611] {strides = array<i32>} : memref<160x128xf32, #tpu.memory_space<vmem>>, vector<1x16xf32>,
        %parallel_loop3A_613 = vector.shape_cast %parallel_loop3A_612 : vector<1x16xf32> to vector<16xf32>
        %parallel_loop3A_614 = vector.shape_cast %parallel_loop3A_609 : vector<16xf32> to vector<1x16xf32>
        tpu.vector_store %arg12[%parallel_loop3A_610, %parallel_loop3A_611], %parallel_loop3A_614 {strides = array<i32>} : memref<160x128xf32, #tpu.memory_space<vmem>>, vector<1x16xf32>,
        %parallel_loop3A_615 = arith.index_cast %parallel_loop3A_566 : i32 to index
        %parallel_loop3A_616 = arith.constant 48 : index
        %parallel_loop3A_617 = tpu.vector_load %arg8[%parallel_loop3A_615, %parallel_loop3A_616] {strides = array<i32>} : memref<160x128xf32, #tpu.memory_space<vmem>>, vector<1x16xf32>,
        %parallel_loop3A_618 = vector.shape_cast %parallel_loop3A_617 : vector<1x16xf32> to vector<16xf32>
        %parallel_loop3A_619 = arith.index_cast %parallel_loop3A_566 : i32 to index
        %parallel_loop3A_620 = arith.constant 48 : index
        %parallel_loop3A_621 = tpu.vector_load %arg12[%parallel_loop3A_619, %parallel_loop3A_620] {strides = array<i32>} : memref<160x128xf32, #tpu.memory_space<vmem>>, vector<1x16xf32>,
        %parallel_loop3A_622 = vector.shape_cast %parallel_loop3A_621 : vector<1x16xf32> to vector<16xf32>
        %parallel_loop3A_623 = arith.mulf %parallel_loop3A_618, %parallel_loop3A_622 : vector<16xf32>
        %parallel_loop3A_624 = vector.broadcast %parallel_loop3A_561 : f32 to vector<16xf32>
        %parallel_loop3A_625 = arith.mulf %parallel_loop3A_623, %parallel_loop3A_624 : vector<16xf32>
        %parallel_loop3A_626 = arith.index_cast %parallel_loop3A_566 : i32 to index
        %parallel_loop3A_627 = arith.constant 48 : index
        %parallel_loop3A_628 = tpu.vector_load %arg12[%parallel_loop3A_626, %parallel_loop3A_627] {strides = array<i32>} : memref<160x128xf32, #tpu.memory_space<vmem>>, vector<1x16xf32>,
        %parallel_loop3A_629 = vector.shape_cast %parallel_loop3A_628 : vector<1x16xf32> to vector<16xf32>
        %parallel_loop3A_630 = vector.shape_cast %parallel_loop3A_625 : vector<16xf32> to vector<1x16xf32>
        tpu.vector_store %arg12[%parallel_loop3A_626, %parallel_loop3A_627], %parallel_loop3A_630 {strides = array<i32>} : memref<160x128xf32, #tpu.memory_space<vmem>>, vector<1x16xf32>,
        %parallel_loop3A_631 = arith.index_cast %parallel_loop3A_566 : i32 to index
        %parallel_loop3A_632 = arith.constant 64 : index
        %parallel_loop3A_633 = tpu.vector_load %arg8[%parallel_loop3A_631, %parallel_loop3A_632] {strides = array<i32>} : memref<160x128xf32, #tpu.memory_space<vmem>>, vector<1x16xf32>,
        %parallel_loop3A_634 = vector.shape_cast %parallel_loop3A_633 : vector<1x16xf32> to vector<16xf32>
        %parallel_loop3A_635 = arith.index_cast %parallel_loop3A_566 : i32 to index
        %parallel_loop3A_636 = arith.constant 64 : index
        %parallel_loop3A_637 = tpu.vector_load %arg12[%parallel_loop3A_635, %parallel_loop3A_636] {strides = array<i32>} : memref<160x128xf32, #tpu.memory_space<vmem>>, vector<1x16xf32>,
        %parallel_loop3A_638 = vector.shape_cast %parallel_loop3A_637 : vector<1x16xf32> to vector<16xf32>
        %parallel_loop3A_639 = arith.mulf %parallel_loop3A_634, %parallel_loop3A_638 : vector<16xf32>
        %parallel_loop3A_640 = vector.broadcast %parallel_loop3A_561 : f32 to vector<16xf32>
        %parallel_loop3A_641 = arith.mulf %parallel_loop3A_639, %parallel_loop3A_640 : vector<16xf32>
        %parallel_loop3A_642 = arith.index_cast %parallel_loop3A_566 : i32 to index
        %parallel_loop3A_643 = arith.constant 64 : index
        %parallel_loop3A_644 = tpu.vector_load %arg12[%parallel_loop3A_642, %parallel_loop3A_643] {strides = array<i32>} : memref<160x128xf32, #tpu.memory_space<vmem>>, vector<1x16xf32>,
        %parallel_loop3A_645 = vector.shape_cast %parallel_loop3A_644 : vector<1x16xf32> to vector<16xf32>
        %parallel_loop3A_646 = vector.shape_cast %parallel_loop3A_641 : vector<16xf32> to vector<1x16xf32>
        tpu.vector_store %arg12[%parallel_loop3A_642, %parallel_loop3A_643], %parallel_loop3A_646 {strides = array<i32>} : memref<160x128xf32, #tpu.memory_space<vmem>>, vector<1x16xf32>,
        %parallel_loop3A_647 = arith.index_cast %parallel_loop3A_566 : i32 to index
        %parallel_loop3A_648 = arith.constant 80 : index
        %parallel_loop3A_649 = tpu.vector_load %arg8[%parallel_loop3A_647, %parallel_loop3A_648] {strides = array<i32>} : memref<160x128xf32, #tpu.memory_space<vmem>>, vector<1x16xf32>,
        %parallel_loop3A_650 = vector.shape_cast %parallel_loop3A_649 : vector<1x16xf32> to vector<16xf32>
        %parallel_loop3A_651 = arith.index_cast %parallel_loop3A_566 : i32 to index
        %parallel_loop3A_652 = arith.constant 80 : index
        %parallel_loop3A_653 = tpu.vector_load %arg12[%parallel_loop3A_651, %parallel_loop3A_652] {strides = array<i32>} : memref<160x128xf32, #tpu.memory_space<vmem>>, vector<1x16xf32>,
        %parallel_loop3A_654 = vector.shape_cast %parallel_loop3A_653 : vector<1x16xf32> to vector<16xf32>
        %parallel_loop3A_655 = arith.mulf %parallel_loop3A_650, %parallel_loop3A_654 : vector<16xf32>
        %parallel_loop3A_656 = vector.broadcast %parallel_loop3A_561 : f32 to vector<16xf32>
        %parallel_loop3A_657 = arith.mulf %parallel_loop3A_655, %parallel_loop3A_656 : vector<16xf32>
        %parallel_loop3A_658 = arith.index_cast %parallel_loop3A_566 : i32 to index
        %parallel_loop3A_659 = arith.constant 80 : index
        %parallel_loop3A_660 = tpu.vector_load %arg12[%parallel_loop3A_658, %parallel_loop3A_659] {strides = array<i32>} : memref<160x128xf32, #tpu.memory_space<vmem>>, vector<1x16xf32>,
        %parallel_loop3A_661 = vector.shape_cast %parallel_loop3A_660 : vector<1x16xf32> to vector<16xf32>
        %parallel_loop3A_662 = vector.shape_cast %parallel_loop3A_657 : vector<16xf32> to vector<1x16xf32>
        tpu.vector_store %arg12[%parallel_loop3A_658, %parallel_loop3A_659], %parallel_loop3A_662 {strides = array<i32>} : memref<160x128xf32, #tpu.memory_space<vmem>>, vector<1x16xf32>,
        %parallel_loop3A_663 = arith.index_cast %parallel_loop3A_566 : i32 to index
        %parallel_loop3A_664 = arith.constant 96 : index
        %parallel_loop3A_665 = tpu.vector_load %arg8[%parallel_loop3A_663, %parallel_loop3A_664] {strides = array<i32>} : memref<160x128xf32, #tpu.memory_space<vmem>>, vector<1x16xf32>,
        %parallel_loop3A_666 = vector.shape_cast %parallel_loop3A_665 : vector<1x16xf32> to vector<16xf32>
        %parallel_loop3A_667 = arith.index_cast %parallel_loop3A_566 : i32 to index
        %parallel_loop3A_668 = arith.constant 96 : index
        %parallel_loop3A_669 = tpu.vector_load %arg12[%parallel_loop3A_667, %parallel_loop3A_668] {strides = array<i32>} : memref<160x128xf32, #tpu.memory_space<vmem>>, vector<1x16xf32>,
        %parallel_loop3A_670 = vector.shape_cast %parallel_loop3A_669 : vector<1x16xf32> to vector<16xf32>
        %parallel_loop3A_671 = arith.mulf %parallel_loop3A_666, %parallel_loop3A_670 : vector<16xf32>
        %parallel_loop3A_672 = vector.broadcast %parallel_loop3A_561 : f32 to vector<16xf32>
        %parallel_loop3A_673 = arith.mulf %parallel_loop3A_671, %parallel_loop3A_672 : vector<16xf32>
        %parallel_loop3A_674 = arith.index_cast %parallel_loop3A_566 : i32 to index
        %parallel_loop3A_675 = arith.constant 96 : index
        %parallel_loop3A_676 = tpu.vector_load %arg12[%parallel_loop3A_674, %parallel_loop3A_675] {strides = array<i32>} : memref<160x128xf32, #tpu.memory_space<vmem>>, vector<1x16xf32>,
        %parallel_loop3A_677 = vector.shape_cast %parallel_loop3A_676 : vector<1x16xf32> to vector<16xf32>
        %parallel_loop3A_678 = vector.shape_cast %parallel_loop3A_673 : vector<16xf32> to vector<1x16xf32>
        tpu.vector_store %arg12[%parallel_loop3A_674, %parallel_loop3A_675], %parallel_loop3A_678 {strides = array<i32>} : memref<160x128xf32, #tpu.memory_space<vmem>>, vector<1x16xf32>,
        %parallel_loop3A_679 = arith.index_cast %parallel_loop3A_566 : i32 to index
        %parallel_loop3A_680 = arith.constant 112 : index
        %parallel_loop3A_681 = tpu.vector_load %arg8[%parallel_loop3A_679, %parallel_loop3A_680] {strides = array<i32>} : memref<160x128xf32, #tpu.memory_space<vmem>>, vector<1x16xf32>,
        %parallel_loop3A_682 = vector.shape_cast %parallel_loop3A_681 : vector<1x16xf32> to vector<16xf32>
        %parallel_loop3A_683 = arith.index_cast %parallel_loop3A_566 : i32 to index
        %parallel_loop3A_684 = arith.constant 112 : index
        %parallel_loop3A_685 = tpu.vector_load %arg12[%parallel_loop3A_683, %parallel_loop3A_684] {strides = array<i32>} : memref<160x128xf32, #tpu.memory_space<vmem>>, vector<1x16xf32>,
        %parallel_loop3A_686 = vector.shape_cast %parallel_loop3A_685 : vector<1x16xf32> to vector<16xf32>
        %parallel_loop3A_687 = arith.mulf %parallel_loop3A_682, %parallel_loop3A_686 : vector<16xf32>
        %parallel_loop3A_688 = vector.broadcast %parallel_loop3A_561 : f32 to vector<16xf32>
        %parallel_loop3A_689 = arith.mulf %parallel_loop3A_687, %parallel_loop3A_688 : vector<16xf32>
        %parallel_loop3A_690 = arith.index_cast %parallel_loop3A_566 : i32 to index
        %parallel_loop3A_691 = arith.constant 112 : index
        %parallel_loop3A_692 = tpu.vector_load %arg12[%parallel_loop3A_690, %parallel_loop3A_691] {strides = array<i32>} : memref<160x128xf32, #tpu.memory_space<vmem>>, vector<1x16xf32>,
        %parallel_loop3A_693 = vector.shape_cast %parallel_loop3A_692 : vector<1x16xf32> to vector<16xf32>
        %parallel_loop3A_694 = vector.shape_cast %parallel_loop3A_689 : vector<16xf32> to vector<1x16xf32>
        tpu.vector_store %arg12[%parallel_loop3A_690, %parallel_loop3A_691], %parallel_loop3A_694 {strides = array<i32>} : memref<160x128xf32, #tpu.memory_space<vmem>>, vector<1x16xf32>,
        %parallel_loop3A_695 = vector.extract_strided_slice %parallel_loop3A_289 {offsets = [3], sizes = [1], strides = [1]} : vector<16xf32> to vector<1xf32>
        %parallel_loop3A_696 = vector.extract %parallel_loop3A_695[0] : f32 from vector<1xf32>
        %parallel_loop3A_697 = arith.constant 16 : i32
        %parallel_loop3A_698 = arith.muli %parallel_loop3A_280, %parallel_loop3A_697 : i32
        %parallel_loop3A_699 = arith.addi %mul3A_252, %parallel_loop3A_698 : i32
        %parallel_loop3A_700 = arith.constant 3 : i32
        %parallel_loop3A_701 = arith.addi %parallel_loop3A_699, %parallel_loop3A_700 : i32
        %parallel_loop3A_702 = arith.index_cast %parallel_loop3A_701 : i32 to index
        %parallel_loop3A_703 = arith.constant 0 : index
        %parallel_loop3A_704 = tpu.vector_load %arg8[%parallel_loop3A_702, %parallel_loop3A_703] {strides = array<i32>} : memref<160x128xf32, #tpu.memory_space<vmem>>, vector<1x16xf32>,
        %parallel_loop3A_705 = vector.shape_cast %parallel_loop3A_704 : vector<1x16xf32> to vector<16xf32>
        %parallel_loop3A_706 = arith.index_cast %parallel_loop3A_701 : i32 to index
        %parallel_loop3A_707 = arith.constant 0 : index
        %parallel_loop3A_708 = tpu.vector_load %arg12[%parallel_loop3A_706, %parallel_loop3A_707] {strides = array<i32>} : memref<160x128xf32, #tpu.memory_space<vmem>>, vector<1x16xf32>,
        %parallel_loop3A_709 = vector.shape_cast %parallel_loop3A_708 : vector<1x16xf32> to vector<16xf32>
        %parallel_loop3A_710 = arith.mulf %parallel_loop3A_705, %parallel_loop3A_709 : vector<16xf32>
        %parallel_loop3A_711 = vector.broadcast %parallel_loop3A_696 : f32 to vector<16xf32>
        %parallel_loop3A_712 = arith.mulf %parallel_loop3A_710, %parallel_loop3A_711 : vector<16xf32>
        %parallel_loop3A_713 = arith.index_cast %parallel_loop3A_701 : i32 to index
        %parallel_loop3A_714 = arith.constant 0 : index
        %parallel_loop3A_715 = tpu.vector_load %arg12[%parallel_loop3A_713, %parallel_loop3A_714] {strides = array<i32>} : memref<160x128xf32, #tpu.memory_space<vmem>>, vector<1x16xf32>,
        %parallel_loop3A_716 = vector.shape_cast %parallel_loop3A_715 : vector<1x16xf32> to vector<16xf32>
        %parallel_loop3A_717 = vector.shape_cast %parallel_loop3A_712 : vector<16xf32> to vector<1x16xf32>
        tpu.vector_store %arg12[%parallel_loop3A_713, %parallel_loop3A_714], %parallel_loop3A_717 {strides = array<i32>} : memref<160x128xf32, #tpu.memory_space<vmem>>, vector<1x16xf32>,
        %parallel_loop3A_718 = arith.index_cast %parallel_loop3A_701 : i32 to index
        %parallel_loop3A_719 = arith.constant 16 : index
        %parallel_loop3A_720 = tpu.vector_load %arg8[%parallel_loop3A_718, %parallel_loop3A_719] {strides = array<i32>} : memref<160x128xf32, #tpu.memory_space<vmem>>, vector<1x16xf32>,
        %parallel_loop3A_721 = vector.shape_cast %parallel_loop3A_720 : vector<1x16xf32> to vector<16xf32>
        %parallel_loop3A_722 = arith.index_cast %parallel_loop3A_701 : i32 to index
        %parallel_loop3A_723 = arith.constant 16 : index
        %parallel_loop3A_724 = tpu.vector_load %arg12[%parallel_loop3A_722, %parallel_loop3A_723] {strides = array<i32>} : memref<160x128xf32, #tpu.memory_space<vmem>>, vector<1x16xf32>,
        %parallel_loop3A_725 = vector.shape_cast %parallel_loop3A_724 : vector<1x16xf32> to vector<16xf32>
        %parallel_loop3A_726 = arith.mulf %parallel_loop3A_721, %parallel_loop3A_725 : vector<16xf32>
        %parallel_loop3A_727 = vector.broadcast %parallel_loop3A_696 : f32 to vector<16xf32>
        %parallel_loop3A_728 = arith.mulf %parallel_loop3A_726, %parallel_loop3A_727 : vector<16xf32>
        %parallel_loop3A_729 = arith.index_cast %parallel_loop3A_701 : i32 to index
        %parallel_loop3A_730 = arith.constant 16 : index
        %parallel_loop3A_731 = tpu.vector_load %arg12[%parallel_loop3A_729, %parallel_loop3A_730] {strides = array<i32>} : memref<160x128xf32, #tpu.memory_space<vmem>>, vector<1x16xf32>,
        %parallel_loop3A_732 = vector.shape_cast %parallel_loop3A_731 : vector<1x16xf32> to vector<16xf32>
        %parallel_loop3A_733 = vector.shape_cast %parallel_loop3A_728 : vector<16xf32> to vector<1x16xf32>
        tpu.vector_store %arg12[%parallel_loop3A_729, %parallel_loop3A_730], %parallel_loop3A_733 {strides = array<i32>} : memref<160x128xf32, #tpu.memory_space<vmem>>, vector<1x16xf32>,
        %parallel_loop3A_734 = arith.index_cast %parallel_loop3A_701 : i32 to index
        %parallel_loop3A_735 = arith.constant 32 : index
        %parallel_loop3A_736 = tpu.vector_load %arg8[%parallel_loop3A_734, %parallel_loop3A_735] {strides = array<i32>} : memref<160x128xf32, #tpu.memory_space<vmem>>, vector<1x16xf32>,
        %parallel_loop3A_737 = vector.shape_cast %parallel_loop3A_736 : vector<1x16xf32> to vector<16xf32>
        %parallel_loop3A_738 = arith.index_cast %parallel_loop3A_701 : i32 to index
        %parallel_loop3A_739 = arith.constant 32 : index
        %parallel_loop3A_740 = tpu.vector_load %arg12[%parallel_loop3A_738, %parallel_loop3A_739] {strides = array<i32>} : memref<160x128xf32, #tpu.memory_space<vmem>>, vector<1x16xf32>,
        %parallel_loop3A_741 = vector.shape_cast %parallel_loop3A_740 : vector<1x16xf32> to vector<16xf32>
        %parallel_loop3A_742 = arith.mulf %parallel_loop3A_737, %parallel_loop3A_741 : vector<16xf32>
        %parallel_loop3A_743 = vector.broadcast %parallel_loop3A_696 : f32 to vector<16xf32>
        %parallel_loop3A_744 = arith.mulf %parallel_loop3A_742, %parallel_loop3A_743 : vector<16xf32>
        %parallel_loop3A_745 = arith.index_cast %parallel_loop3A_701 : i32 to index
        %parallel_loop3A_746 = arith.constant 32 : index
        %parallel_loop3A_747 = tpu.vector_load %arg12[%parallel_loop3A_745, %parallel_loop3A_746] {strides = array<i32>} : memref<160x128xf32, #tpu.memory_space<vmem>>, vector<1x16xf32>,
        %parallel_loop3A_748 = vector.shape_cast %parallel_loop3A_747 : vector<1x16xf32> to vector<16xf32>
        %parallel_loop3A_749 = vector.shape_cast %parallel_loop3A_744 : vector<16xf32> to vector<1x16xf32>
        tpu.vector_store %arg12[%parallel_loop3A_745, %parallel_loop3A_746], %parallel_loop3A_749 {strides = array<i32>} : memref<160x128xf32, #tpu.memory_space<vmem>>, vector<1x16xf32>,
        %parallel_loop3A_750 = arith.index_cast %parallel_loop3A_701 : i32 to index
        %parallel_loop3A_751 = arith.constant 48 : index
        %parallel_loop3A_752 = tpu.vector_load %arg8[%parallel_loop3A_750, %parallel_loop3A_751] {strides = array<i32>} : memref<160x128xf32, #tpu.memory_space<vmem>>, vector<1x16xf32>,
        %parallel_loop3A_753 = vector.shape_cast %parallel_loop3A_752 : vector<1x16xf32> to vector<16xf32>
        %parallel_loop3A_754 = arith.index_cast %parallel_loop3A_701 : i32 to index
        %parallel_loop3A_755 = arith.constant 48 : index
        %parallel_loop3A_756 = tpu.vector_load %arg12[%parallel_loop3A_754, %parallel_loop3A_755] {strides = array<i32>} : memref<160x128xf32, #tpu.memory_space<vmem>>, vector<1x16xf32>,
        %parallel_loop3A_757 = vector.shape_cast %parallel_loop3A_756 : vector<1x16xf32> to vector<16xf32>
        %parallel_loop3A_758 = arith.mulf %parallel_loop3A_753, %parallel_loop3A_757 : vector<16xf32>
        %parallel_loop3A_759 = vector.broadcast %parallel_loop3A_696 : f32 to vector<16xf32>
        %parallel_loop3A_760 = arith.mulf %parallel_loop3A_758, %parallel_loop3A_759 : vector<16xf32>
        %parallel_loop3A_761 = arith.index_cast %parallel_loop3A_701 : i32 to index
        %parallel_loop3A_762 = arith.constant 48 : index
        %parallel_loop3A_763 = tpu.vector_load %arg12[%parallel_loop3A_761, %parallel_loop3A_762] {strides = array<i32>} : memref<160x128xf32, #tpu.memory_space<vmem>>, vector<1x16xf32>,
        %parallel_loop3A_764 = vector.shape_cast %parallel_loop3A_763 : vector<1x16xf32> to vector<16xf32>
        %parallel_loop3A_765 = vector.shape_cast %parallel_loop3A_760 : vector<16xf32> to vector<1x16xf32>
        tpu.vector_store %arg12[%parallel_loop3A_761, %parallel_loop3A_762], %parallel_loop3A_765 {strides = array<i32>} : memref<160x128xf32, #tpu.memory_space<vmem>>, vector<1x16xf32>,
        %parallel_loop3A_766 = arith.index_cast %parallel_loop3A_701 : i32 to index
        %parallel_loop3A_767 = arith.constant 64 : index
        %parallel_loop3A_768 = tpu.vector_load %arg8[%parallel_loop3A_766, %parallel_loop3A_767] {strides = array<i32>} : memref<160x128xf32, #tpu.memory_space<vmem>>, vector<1x16xf32>,
        %parallel_loop3A_769 = vector.shape_cast %parallel_loop3A_768 : vector<1x16xf32> to vector<16xf32>
        %parallel_loop3A_770 = arith.index_cast %parallel_loop3A_701 : i32 to index
        %parallel_loop3A_771 = arith.constant 64 : index
        %parallel_loop3A_772 = tpu.vector_load %arg12[%parallel_loop3A_770, %parallel_loop3A_771] {strides = array<i32>} : memref<160x128xf32, #tpu.memory_space<vmem>>, vector<1x16xf32>,
        %parallel_loop3A_773 = vector.shape_cast %parallel_loop3A_772 : vector<1x16xf32> to vector<16xf32>
        %parallel_loop3A_774 = arith.mulf %parallel_loop3A_769, %parallel_loop3A_773 : vector<16xf32>
        %parallel_loop3A_775 = vector.broadcast %parallel_loop3A_696 : f32 to vector<16xf32>
        %parallel_loop3A_776 = arith.mulf %parallel_loop3A_774, %parallel_loop3A_775 : vector<16xf32>
        %parallel_loop3A_777 = arith.index_cast %parallel_loop3A_701 : i32 to index
        %parallel_loop3A_778 = arith.constant 64 : index
        %parallel_loop3A_779 = tpu.vector_load %arg12[%parallel_loop3A_777, %parallel_loop3A_778] {strides = array<i32>} : memref<160x128xf32, #tpu.memory_space<vmem>>, vector<1x16xf32>,
        %parallel_loop3A_780 = vector.shape_cast %parallel_loop3A_779 : vector<1x16xf32> to vector<16xf32>
        %parallel_loop3A_781 = vector.shape_cast %parallel_loop3A_776 : vector<16xf32> to vector<1x16xf32>
        tpu.vector_store %arg12[%parallel_loop3A_777, %parallel_loop3A_778], %parallel_loop3A_781 {strides = array<i32>} : memref<160x128xf32, #tpu.memory_space<vmem>>, vector<1x16xf32>,
        %parallel_loop3A_782 = arith.index_cast %parallel_loop3A_701 : i32 to index
        %parallel_loop3A_783 = arith.constant 80 : index
        %parallel_loop3A_784 = tpu.vector_load %arg8[%parallel_loop3A_782, %parallel_loop3A_783] {strides = array<i32>} : memref<160x128xf32, #tpu.memory_space<vmem>>, vector<1x16xf32>,
        %parallel_loop3A_785 = vector.shape_cast %parallel_loop3A_784 : vector<1x16xf32> to vector<16xf32>
        %parallel_loop3A_786 = arith.index_cast %parallel_loop3A_701 : i32 to index
        %parallel_loop3A_787 = arith.constant 80 : index
        %parallel_loop3A_788 = tpu.vector_load %arg12[%parallel_loop3A_786, %parallel_loop3A_787] {strides = array<i32>} : memref<160x128xf32, #tpu.memory_space<vmem>>, vector<1x16xf32>,
        %parallel_loop3A_789 = vector.shape_cast %parallel_loop3A_788 : vector<1x16xf32> to vector<16xf32>
        %parallel_loop3A_790 = arith.mulf %parallel_loop3A_785, %parallel_loop3A_789 : vector<16xf32>
        %parallel_loop3A_791 = vector.broadcast %parallel_loop3A_696 : f32 to vector<16xf32>
        %parallel_loop3A_792 = arith.mulf %parallel_loop3A_790, %parallel_loop3A_791 : vector<16xf32>
        %parallel_loop3A_793 = arith.index_cast %parallel_loop3A_701 : i32 to index
        %parallel_loop3A_794 = arith.constant 80 : index
        %parallel_loop3A_795 = tpu.vector_load %arg12[%parallel_loop3A_793, %parallel_loop3A_794] {strides = array<i32>} : memref<160x128xf32, #tpu.memory_space<vmem>>, vector<1x16xf32>,
        %parallel_loop3A_796 = vector.shape_cast %parallel_loop3A_795 : vector<1x16xf32> to vector<16xf32>
        %parallel_loop3A_797 = vector.shape_cast %parallel_loop3A_792 : vector<16xf32> to vector<1x16xf32>
        tpu.vector_store %arg12[%parallel_loop3A_793, %parallel_loop3A_794], %parallel_loop3A_797 {strides = array<i32>} : memref<160x128xf32, #tpu.memory_space<vmem>>, vector<1x16xf32>,
        %parallel_loop3A_798 = arith.index_cast %parallel_loop3A_701 : i32 to index
        %parallel_loop3A_799 = arith.constant 96 : index
        %parallel_loop3A_800 = tpu.vector_load %arg8[%parallel_loop3A_798, %parallel_loop3A_799] {strides = array<i32>} : memref<160x128xf32, #tpu.memory_space<vmem>>, vector<1x16xf32>,
        %parallel_loop3A_801 = vector.shape_cast %parallel_loop3A_800 : vector<1x16xf32> to vector<16xf32>
        %parallel_loop3A_802 = arith.index_cast %parallel_loop3A_701 : i32 to index
        %parallel_loop3A_803 = arith.constant 96 : index
        %parallel_loop3A_804 = tpu.vector_load %arg12[%parallel_loop3A_802, %parallel_loop3A_803] {strides = array<i32>} : memref<160x128xf32, #tpu.memory_space<vmem>>, vector<1x16xf32>,
        %parallel_loop3A_805 = vector.shape_cast %parallel_loop3A_804 : vector<1x16xf32> to vector<16xf32>
        %parallel_loop3A_806 = arith.mulf %parallel_loop3A_801, %parallel_loop3A_805 : vector<16xf32>
        %parallel_loop3A_807 = vector.broadcast %parallel_loop3A_696 : f32 to vector<16xf32>
        %parallel_loop3A_808 = arith.mulf %parallel_loop3A_806, %parallel_loop3A_807 : vector<16xf32>
        %parallel_loop3A_809 = arith.index_cast %parallel_loop3A_701 : i32 to index
        %parallel_loop3A_810 = arith.constant 96 : index
        %parallel_loop3A_811 = tpu.vector_load %arg12[%parallel_loop3A_809, %parallel_loop3A_810] {strides = array<i32>} : memref<160x128xf32, #tpu.memory_space<vmem>>, vector<1x16xf32>,
        %parallel_loop3A_812 = vector.shape_cast %parallel_loop3A_811 : vector<1x16xf32> to vector<16xf32>
        %parallel_loop3A_813 = vector.shape_cast %parallel_loop3A_808 : vector<16xf32> to vector<1x16xf32>
        tpu.vector_store %arg12[%parallel_loop3A_809, %parallel_loop3A_810], %parallel_loop3A_813 {strides = array<i32>} : memref<160x128xf32, #tpu.memory_space<vmem>>, vector<1x16xf32>,
        %parallel_loop3A_814 = arith.index_cast %parallel_loop3A_701 : i32 to index
        %parallel_loop3A_815 = arith.constant 112 : index
        %parallel_loop3A_816 = tpu.vector_load %arg8[%parallel_loop3A_814, %parallel_loop3A_815] {strides = array<i32>} : memref<160x128xf32, #tpu.memory_space<vmem>>, vector<1x16xf32>,
        %parallel_loop3A_817 = vector.shape_cast %parallel_loop3A_816 : vector<1x16xf32> to vector<16xf32>
        %parallel_loop3A_818 = arith.index_cast %parallel_loop3A_701 : i32 to index
        %parallel_loop3A_819 = arith.constant 112 : index
        %parallel_loop3A_820 = tpu.vector_load %arg12[%parallel_loop3A_818, %parallel_loop3A_819] {strides = array<i32>} : memref<160x128xf32, #tpu.memory_space<vmem>>, vector<1x16xf32>,
        %parallel_loop3A_821 = vector.shape_cast %parallel_loop3A_820 : vector<1x16xf32> to vector<16xf32>
        %parallel_loop3A_822 = arith.mulf %parallel_loop3A_817, %parallel_loop3A_821 : vector<16xf32>
        %parallel_loop3A_823 = vector.broadcast %parallel_loop3A_696 : f32 to vector<16xf32>
        %parallel_loop3A_824 = arith.mulf %parallel_loop3A_822, %parallel_loop3A_823 : vector<16xf32>
        %parallel_loop3A_825 = arith.index_cast %parallel_loop3A_701 : i32 to index
        %parallel_loop3A_826 = arith.constant 112 : index
        %parallel_loop3A_827 = tpu.vector_load %arg12[%parallel_loop3A_825, %parallel_loop3A_826] {strides = array<i32>} : memref<160x128xf32, #tpu.memory_space<vmem>>, vector<1x16xf32>,
        %parallel_loop3A_828 = vector.shape_cast %parallel_loop3A_827 : vector<1x16xf32> to vector<16xf32>
        %parallel_loop3A_829 = vector.shape_cast %parallel_loop3A_824 : vector<16xf32> to vector<1x16xf32>
        tpu.vector_store %arg12[%parallel_loop3A_825, %parallel_loop3A_826], %parallel_loop3A_829 {strides = array<i32>} : memref<160x128xf32, #tpu.memory_space<vmem>>, vector<1x16xf32>,
        %parallel_loop3A_830 = vector.extract_strided_slice %parallel_loop3A_289 {offsets = [4], sizes = [1], strides = [1]} : vector<16xf32> to vector<1xf32>
        %parallel_loop3A_831 = vector.extract %parallel_loop3A_830[0] : f32 from vector<1xf32>
        %parallel_loop3A_832 = arith.constant 16 : i32
        %parallel_loop3A_833 = arith.muli %parallel_loop3A_280, %parallel_loop3A_832 : i32
        %parallel_loop3A_834 = arith.addi %mul3A_252, %parallel_loop3A_833 : i32
        %parallel_loop3A_835 = arith.constant 4 : i32
        %parallel_loop3A_836 = arith.addi %parallel_loop3A_834, %parallel_loop3A_835 : i32
        %parallel_loop3A_837 = arith.index_cast %parallel_loop3A_836 : i32 to index
        %parallel_loop3A_838 = arith.constant 0 : index
        %parallel_loop3A_839 = tpu.vector_load %arg8[%parallel_loop3A_837, %parallel_loop3A_838] {strides = array<i32>} : memref<160x128xf32, #tpu.memory_space<vmem>>, vector<1x16xf32>,
        %parallel_loop3A_840 = vector.shape_cast %parallel_loop3A_839 : vector<1x16xf32> to vector<16xf32>
        %parallel_loop3A_841 = arith.index_cast %parallel_loop3A_836 : i32 to index
        %parallel_loop3A_842 = arith.constant 0 : index
        %parallel_loop3A_843 = tpu.vector_load %arg12[%parallel_loop3A_841, %parallel_loop3A_842] {strides = array<i32>} : memref<160x128xf32, #tpu.memory_space<vmem>>, vector<1x16xf32>,
        %parallel_loop3A_844 = vector.shape_cast %parallel_loop3A_843 : vector<1x16xf32> to vector<16xf32>
        %parallel_loop3A_845 = arith.mulf %parallel_loop3A_840, %parallel_loop3A_844 : vector<16xf32>
        %parallel_loop3A_846 = vector.broadcast %parallel_loop3A_831 : f32 to vector<16xf32>
        %parallel_loop3A_847 = arith.mulf %parallel_loop3A_845, %parallel_loop3A_846 : vector<16xf32>
        %parallel_loop3A_848 = arith.index_cast %parallel_loop3A_836 : i32 to index
        %parallel_loop3A_849 = arith.constant 0 : index
        %parallel_loop3A_850 = tpu.vector_load %arg12[%parallel_loop3A_848, %parallel_loop3A_849] {strides = array<i32>} : memref<160x128xf32, #tpu.memory_space<vmem>>, vector<1x16xf32>,
        %parallel_loop3A_851 = vector.shape_cast %parallel_loop3A_850 : vector<1x16xf32> to vector<16xf32>
        %parallel_loop3A_852 = vector.shape_cast %parallel_loop3A_847 : vector<16xf32> to vector<1x16xf32>
        tpu.vector_store %arg12[%parallel_loop3A_848, %parallel_loop3A_849], %parallel_loop3A_852 {strides = array<i32>} : memref<160x128xf32, #tpu.memory_space<vmem>>, vector<1x16xf32>,
        %parallel_loop3A_853 = arith.index_cast %parallel_loop3A_836 : i32 to index
        %parallel_loop3A_854 = arith.constant 16 : index
        %parallel_loop3A_855 = tpu.vector_load %arg8[%parallel_loop3A_853, %parallel_loop3A_854] {strides = array<i32>} : memref<160x128xf32, #tpu.memory_space<vmem>>, vector<1x16xf32>,
        %parallel_loop3A_856 = vector.shape_cast %parallel_loop3A_855 : vector<1x16xf32> to vector<16xf32>
        %parallel_loop3A_857 = arith.index_cast %parallel_loop3A_836 : i32 to index
        %parallel_loop3A_858 = arith.constant 16 : index
        %parallel_loop3A_859 = tpu.vector_load %arg12[%parallel_loop3A_857, %parallel_loop3A_858] {strides = array<i32>} : memref<160x128xf32, #tpu.memory_space<vmem>>, vector<1x16xf32>,
        %parallel_loop3A_860 = vector.shape_cast %parallel_loop3A_859 : vector<1x16xf32> to vector<16xf32>
        %parallel_loop3A_861 = arith.mulf %parallel_loop3A_856, %parallel_loop3A_860 : vector<16xf32>
        %parallel_loop3A_862 = vector.broadcast %parallel_loop3A_831 : f32 to vector<16xf32>
        %parallel_loop3A_863 = arith.mulf %parallel_loop3A_861, %parallel_loop3A_862 : vector<16xf32>
        %parallel_loop3A_864 = arith.index_cast %parallel_loop3A_836 : i32 to index
        %parallel_loop3A_865 = arith.constant 16 : index
        %parallel_loop3A_866 = tpu.vector_load %arg12[%parallel_loop3A_864, %parallel_loop3A_865] {strides = array<i32>} : memref<160x128xf32, #tpu.memory_space<vmem>>, vector<1x16xf32>,
        %parallel_loop3A_867 = vector.shape_cast %parallel_loop3A_866 : vector<1x16xf32> to vector<16xf32>
        %parallel_loop3A_868 = vector.shape_cast %parallel_loop3A_863 : vector<16xf32> to vector<1x16xf32>
        tpu.vector_store %arg12[%parallel_loop3A_864, %parallel_loop3A_865], %parallel_loop3A_868 {strides = array<i32>} : memref<160x128xf32, #tpu.memory_space<vmem>>, vector<1x16xf32>,
        %parallel_loop3A_869 = arith.index_cast %parallel_loop3A_836 : i32 to index
        %parallel_loop3A_870 = arith.constant 32 : index
        %parallel_loop3A_871 = tpu.vector_load %arg8[%parallel_loop3A_869, %parallel_loop3A_870] {strides = array<i32>} : memref<160x128xf32, #tpu.memory_space<vmem>>, vector<1x16xf32>,
        %parallel_loop3A_872 = vector.shape_cast %parallel_loop3A_871 : vector<1x16xf32> to vector<16xf32>
        %parallel_loop3A_873 = arith.index_cast %parallel_loop3A_836 : i32 to index
        %parallel_loop3A_874 = arith.constant 32 : index
        %parallel_loop3A_875 = tpu.vector_load %arg12[%parallel_loop3A_873, %parallel_loop3A_874] {strides = array<i32>} : memref<160x128xf32, #tpu.memory_space<vmem>>, vector<1x16xf32>,
        %parallel_loop3A_876 = vector.shape_cast %parallel_loop3A_875 : vector<1x16xf32> to vector<16xf32>
        %parallel_loop3A_877 = arith.mulf %parallel_loop3A_872, %parallel_loop3A_876 : vector<16xf32>
        %parallel_loop3A_878 = vector.broadcast %parallel_loop3A_831 : f32 to vector<16xf32>
        %parallel_loop3A_879 = arith.mulf %parallel_loop3A_877, %parallel_loop3A_878 : vector<16xf32>
        %parallel_loop3A_880 = arith.index_cast %parallel_loop3A_836 : i32 to index
        %parallel_loop3A_881 = arith.constant 32 : index
        %parallel_loop3A_882 = tpu.vector_load %arg12[%parallel_loop3A_880, %parallel_loop3A_881] {strides = array<i32>} : memref<160x128xf32, #tpu.memory_space<vmem>>, vector<1x16xf32>,
        %parallel_loop3A_883 = vector.shape_cast %parallel_loop3A_882 : vector<1x16xf32> to vector<16xf32>
        %parallel_loop3A_884 = vector.shape_cast %parallel_loop3A_879 : vector<16xf32> to vector<1x16xf32>
        tpu.vector_store %arg12[%parallel_loop3A_880, %parallel_loop3A_881], %parallel_loop3A_884 {strides = array<i32>} : memref<160x128xf32, #tpu.memory_space<vmem>>, vector<1x16xf32>,
        %parallel_loop3A_885 = arith.index_cast %parallel_loop3A_836 : i32 to index
        %parallel_loop3A_886 = arith.constant 48 : index
        %parallel_loop3A_887 = tpu.vector_load %arg8[%parallel_loop3A_885, %parallel_loop3A_886] {strides = array<i32>} : memref<160x128xf32, #tpu.memory_space<vmem>>, vector<1x16xf32>,
        %parallel_loop3A_888 = vector.shape_cast %parallel_loop3A_887 : vector<1x16xf32> to vector<16xf32>
        %parallel_loop3A_889 = arith.index_cast %parallel_loop3A_836 : i32 to index
        %parallel_loop3A_890 = arith.constant 48 : index
        %parallel_loop3A_891 = tpu.vector_load %arg12[%parallel_loop3A_889, %parallel_loop3A_890] {strides = array<i32>} : memref<160x128xf32, #tpu.memory_space<vmem>>, vector<1x16xf32>,
        %parallel_loop3A_892 = vector.shape_cast %parallel_loop3A_891 : vector<1x16xf32> to vector<16xf32>
        %parallel_loop3A_893 = arith.mulf %parallel_loop3A_888, %parallel_loop3A_892 : vector<16xf32>
        %parallel_loop3A_894 = vector.broadcast %parallel_loop3A_831 : f32 to vector<16xf32>
        %parallel_loop3A_895 = arith.mulf %parallel_loop3A_893, %parallel_loop3A_894 : vector<16xf32>
        %parallel_loop3A_896 = arith.index_cast %parallel_loop3A_836 : i32 to index
        %parallel_loop3A_897 = arith.constant 48 : index
        %parallel_loop3A_898 = tpu.vector_load %arg12[%parallel_loop3A_896, %parallel_loop3A_897] {strides = array<i32>} : memref<160x128xf32, #tpu.memory_space<vmem>>, vector<1x16xf32>,
        %parallel_loop3A_899 = vector.shape_cast %parallel_loop3A_898 : vector<1x16xf32> to vector<16xf32>
        %parallel_loop3A_900 = vector.shape_cast %parallel_loop3A_895 : vector<16xf32> to vector<1x16xf32>
        tpu.vector_store %arg12[%parallel_loop3A_896, %parallel_loop3A_897], %parallel_loop3A_900 {strides = array<i32>} : memref<160x128xf32, #tpu.memory_space<vmem>>, vector<1x16xf32>,
        %parallel_loop3A_901 = arith.index_cast %parallel_loop3A_836 : i32 to index
        %parallel_loop3A_902 = arith.constant 64 : index
        %parallel_loop3A_903 = tpu.vector_load %arg8[%parallel_loop3A_901, %parallel_loop3A_902] {strides = array<i32>} : memref<160x128xf32, #tpu.memory_space<vmem>>, vector<1x16xf32>,
        %parallel_loop3A_904 = vector.shape_cast %parallel_loop3A_903 : vector<1x16xf32> to vector<16xf32>
        %parallel_loop3A_905 = arith.index_cast %parallel_loop3A_836 : i32 to index
        %parallel_loop3A_906 = arith.constant 64 : index
        %parallel_loop3A_907 = tpu.vector_load %arg12[%parallel_loop3A_905, %parallel_loop3A_906] {strides = array<i32>} : memref<160x128xf32, #tpu.memory_space<vmem>>, vector<1x16xf32>,
        %parallel_loop3A_908 = vector.shape_cast %parallel_loop3A_907 : vector<1x16xf32> to vector<16xf32>
        %parallel_loop3A_909 = arith.mulf %parallel_loop3A_904, %parallel_loop3A_908 : vector<16xf32>
        %parallel_loop3A_910 = vector.broadcast %parallel_loop3A_831 : f32 to vector<16xf32>
        %parallel_loop3A_911 = arith.mulf %parallel_loop3A_909, %parallel_loop3A_910 : vector<16xf32>
        %parallel_loop3A_912 = arith.index_cast %parallel_loop3A_836 : i32 to index
        %parallel_loop3A_913 = arith.constant 64 : index
        %parallel_loop3A_914 = tpu.vector_load %arg12[%parallel_loop3A_912, %parallel_loop3A_913] {strides = array<i32>} : memref<160x128xf32, #tpu.memory_space<vmem>>, vector<1x16xf32>,
        %parallel_loop3A_915 = vector.shape_cast %parallel_loop3A_914 : vector<1x16xf32> to vector<16xf32>
        %parallel_loop3A_916 = vector.shape_cast %parallel_loop3A_911 : vector<16xf32> to vector<1x16xf32>
        tpu.vector_store %arg12[%parallel_loop3A_912, %parallel_loop3A_913], %parallel_loop3A_916 {strides = array<i32>} : memref<160x128xf32, #tpu.memory_space<vmem>>, vector<1x16xf32>,
        %parallel_loop3A_917 = arith.index_cast %parallel_loop3A_836 : i32 to index
        %parallel_loop3A_918 = arith.constant 80 : index
        %parallel_loop3A_919 = tpu.vector_load %arg8[%parallel_loop3A_917, %parallel_loop3A_918] {strides = array<i32>} : memref<160x128xf32, #tpu.memory_space<vmem>>, vector<1x16xf32>,
        %parallel_loop3A_920 = vector.shape_cast %parallel_loop3A_919 : vector<1x16xf32> to vector<16xf32>
        %parallel_loop3A_921 = arith.index_cast %parallel_loop3A_836 : i32 to index
        %parallel_loop3A_922 = arith.constant 80 : index
        %parallel_loop3A_923 = tpu.vector_load %arg12[%parallel_loop3A_921, %parallel_loop3A_922] {strides = array<i32>} : memref<160x128xf32, #tpu.memory_space<vmem>>, vector<1x16xf32>,
        %parallel_loop3A_924 = vector.shape_cast %parallel_loop3A_923 : vector<1x16xf32> to vector<16xf32>
        %parallel_loop3A_925 = arith.mulf %parallel_loop3A_920, %parallel_loop3A_924 : vector<16xf32>
        %parallel_loop3A_926 = vector.broadcast %parallel_loop3A_831 : f32 to vector<16xf32>
        %parallel_loop3A_927 = arith.mulf %parallel_loop3A_925, %parallel_loop3A_926 : vector<16xf32>
        %parallel_loop3A_928 = arith.index_cast %parallel_loop3A_836 : i32 to index
        %parallel_loop3A_929 = arith.constant 80 : index
        %parallel_loop3A_930 = tpu.vector_load %arg12[%parallel_loop3A_928, %parallel_loop3A_929] {strides = array<i32>} : memref<160x128xf32, #tpu.memory_space<vmem>>, vector<1x16xf32>,
        %parallel_loop3A_931 = vector.shape_cast %parallel_loop3A_930 : vector<1x16xf32> to vector<16xf32>
        %parallel_loop3A_932 = vector.shape_cast %parallel_loop3A_927 : vector<16xf32> to vector<1x16xf32>
        tpu.vector_store %arg12[%parallel_loop3A_928, %parallel_loop3A_929], %parallel_loop3A_932 {strides = array<i32>} : memref<160x128xf32, #tpu.memory_space<vmem>>, vector<1x16xf32>,
        %parallel_loop3A_933 = arith.index_cast %parallel_loop3A_836 : i32 to index
        %parallel_loop3A_934 = arith.constant 96 : index
        %parallel_loop3A_935 = tpu.vector_load %arg8[%parallel_loop3A_933, %parallel_loop3A_934] {strides = array<i32>} : memref<160x128xf32, #tpu.memory_space<vmem>>, vector<1x16xf32>,
        %parallel_loop3A_936 = vector.shape_cast %parallel_loop3A_935 : vector<1x16xf32> to vector<16xf32>
        %parallel_loop3A_937 = arith.index_cast %parallel_loop3A_836 : i32 to index
        %parallel_loop3A_938 = arith.constant 96 : index
        %parallel_loop3A_939 = tpu.vector_load %arg12[%parallel_loop3A_937, %parallel_loop3A_938] {strides = array<i32>} : memref<160x128xf32, #tpu.memory_space<vmem>>, vector<1x16xf32>,
        %parallel_loop3A_940 = vector.shape_cast %parallel_loop3A_939 : vector<1x16xf32> to vector<16xf32>
        %parallel_loop3A_941 = arith.mulf %parallel_loop3A_936, %parallel_loop3A_940 : vector<16xf32>
        %parallel_loop3A_942 = vector.broadcast %parallel_loop3A_831 : f32 to vector<16xf32>
        %parallel_loop3A_943 = arith.mulf %parallel_loop3A_941, %parallel_loop3A_942 : vector<16xf32>
        %parallel_loop3A_944 = arith.index_cast %parallel_loop3A_836 : i32 to index
        %parallel_loop3A_945 = arith.constant 96 : index
        %parallel_loop3A_946 = tpu.vector_load %arg12[%parallel_loop3A_944, %parallel_loop3A_945] {strides = array<i32>} : memref<160x128xf32, #tpu.memory_space<vmem>>, vector<1x16xf32>,
        %parallel_loop3A_947 = vector.shape_cast %parallel_loop3A_946 : vector<1x16xf32> to vector<16xf32>
        %parallel_loop3A_948 = vector.shape_cast %parallel_loop3A_943 : vector<16xf32> to vector<1x16xf32>
        tpu.vector_store %arg12[%parallel_loop3A_944, %parallel_loop3A_945], %parallel_loop3A_948 {strides = array<i32>} : memref<160x128xf32, #tpu.memory_space<vmem>>, vector<1x16xf32>,
        %parallel_loop3A_949 = arith.index_cast %parallel_loop3A_836 : i32 to index
        %parallel_loop3A_950 = arith.constant 112 : index
        %parallel_loop3A_951 = tpu.vector_load %arg8[%parallel_loop3A_949, %parallel_loop3A_950] {strides = array<i32>} : memref<160x128xf32, #tpu.memory_space<vmem>>, vector<1x16xf32>,
        %parallel_loop3A_952 = vector.shape_cast %parallel_loop3A_951 : vector<1x16xf32> to vector<16xf32>
        %parallel_loop3A_953 = arith.index_cast %parallel_loop3A_836 : i32 to index
        %parallel_loop3A_954 = arith.constant 112 : index
        %parallel_loop3A_955 = tpu.vector_load %arg12[%parallel_loop3A_953, %parallel_loop3A_954] {strides = array<i32>} : memref<160x128xf32, #tpu.memory_space<vmem>>, vector<1x16xf32>,
        %parallel_loop3A_956 = vector.shape_cast %parallel_loop3A_955 : vector<1x16xf32> to vector<16xf32>
        %parallel_loop3A_957 = arith.mulf %parallel_loop3A_952, %parallel_loop3A_956 : vector<16xf32>
        %parallel_loop3A_958 = vector.broadcast %parallel_loop3A_831 : f32 to vector<16xf32>
        %parallel_loop3A_959 = arith.mulf %parallel_loop3A_957, %parallel_loop3A_958 : vector<16xf32>
        %parallel_loop3A_960 = arith.index_cast %parallel_loop3A_836 : i32 to index
        %parallel_loop3A_961 = arith.constant 112 : index
        %parallel_loop3A_962 = tpu.vector_load %arg12[%parallel_loop3A_960, %parallel_loop3A_961] {strides = array<i32>} : memref<160x128xf32, #tpu.memory_space<vmem>>, vector<1x16xf32>,
        %parallel_loop3A_963 = vector.shape_cast %parallel_loop3A_962 : vector<1x16xf32> to vector<16xf32>
        %parallel_loop3A_964 = vector.shape_cast %parallel_loop3A_959 : vector<16xf32> to vector<1x16xf32>
        tpu.vector_store %arg12[%parallel_loop3A_960, %parallel_loop3A_961], %parallel_loop3A_964 {strides = array<i32>} : memref<160x128xf32, #tpu.memory_space<vmem>>, vector<1x16xf32>,
        %parallel_loop3A_965 = vector.extract_strided_slice %parallel_loop3A_289 {offsets = [5], sizes = [1], strides = [1]} : vector<16xf32> to vector<1xf32>
        %parallel_loop3A_966 = vector.extract %parallel_loop3A_965[0] : f32 from vector<1xf32>
        %parallel_loop3A_967 = arith.constant 16 : i32
        %parallel_loop3A_968 = arith.muli %parallel_loop3A_280, %parallel_loop3A_967 : i32
        %parallel_loop3A_969 = arith.addi %mul3A_252, %parallel_loop3A_968 : i32
        %parallel_loop3A_970 = arith.constant 5 : i32
        %parallel_loop3A_971 = arith.addi %parallel_loop3A_969, %parallel_loop3A_970 : i32
        %parallel_loop3A_972 = arith.index_cast %parallel_loop3A_971 : i32 to index
        %parallel_loop3A_973 = arith.constant 0 : index
        %parallel_loop3A_974 = tpu.vector_load %arg8[%parallel_loop3A_972, %parallel_loop3A_973] {strides = array<i32>} : memref<160x128xf32, #tpu.memory_space<vmem>>, vector<1x16xf32>,
        %parallel_loop3A_975 = vector.shape_cast %parallel_loop3A_974 : vector<1x16xf32> to vector<16xf32>
        %parallel_loop3A_976 = arith.index_cast %parallel_loop3A_971 : i32 to index
        %parallel_loop3A_977 = arith.constant 0 : index
        %parallel_loop3A_978 = tpu.vector_load %arg12[%parallel_loop3A_976, %parallel_loop3A_977] {strides = array<i32>} : memref<160x128xf32, #tpu.memory_space<vmem>>, vector<1x16xf32>,
        %parallel_loop3A_979 = vector.shape_cast %parallel_loop3A_978 : vector<1x16xf32> to vector<16xf32>
        %parallel_loop3A_980 = arith.mulf %parallel_loop3A_975, %parallel_loop3A_979 : vector<16xf32>
        %parallel_loop3A_981 = vector.broadcast %parallel_loop3A_966 : f32 to vector<16xf32>
        %parallel_loop3A_982 = arith.mulf %parallel_loop3A_980, %parallel_loop3A_981 : vector<16xf32>
        %parallel_loop3A_983 = arith.index_cast %parallel_loop3A_971 : i32 to index
        %parallel_loop3A_984 = arith.constant 0 : index
        %parallel_loop3A_985 = tpu.vector_load %arg12[%parallel_loop3A_983, %parallel_loop3A_984] {strides = array<i32>} : memref<160x128xf32, #tpu.memory_space<vmem>>, vector<1x16xf32>,
        %parallel_loop3A_986 = vector.shape_cast %parallel_loop3A_985 : vector<1x16xf32> to vector<16xf32>
        %parallel_loop3A_987 = vector.shape_cast %parallel_loop3A_982 : vector<16xf32> to vector<1x16xf32>
        tpu.vector_store %arg12[%parallel_loop3A_983, %parallel_loop3A_984], %parallel_loop3A_987 {strides = array<i32>} : memref<160x128xf32, #tpu.memory_space<vmem>>, vector<1x16xf32>,
        %parallel_loop3A_988 = arith.index_cast %parallel_loop3A_971 : i32 to index
        %parallel_loop3A_989 = arith.constant 16 : index
        %parallel_loop3A_990 = tpu.vector_load %arg8[%parallel_loop3A_988, %parallel_loop3A_989] {strides = array<i32>} : memref<160x128xf32, #tpu.memory_space<vmem>>, vector<1x16xf32>,
        %parallel_loop3A_991 = vector.shape_cast %parallel_loop3A_990 : vector<1x16xf32> to vector<16xf32>
        %parallel_loop3A_992 = arith.index_cast %parallel_loop3A_971 : i32 to index
        %parallel_loop3A_993 = arith.constant 16 : index
        %parallel_loop3A_994 = tpu.vector_load %arg12[%parallel_loop3A_992, %parallel_loop3A_993] {strides = array<i32>} : memref<160x128xf32, #tpu.memory_space<vmem>>, vector<1x16xf32>,
        %parallel_loop3A_995 = vector.shape_cast %parallel_loop3A_994 : vector<1x16xf32> to vector<16xf32>
        %parallel_loop3A_996 = arith.mulf %parallel_loop3A_991, %parallel_loop3A_995 : vector<16xf32>
        %parallel_loop3A_997 = vector.broadcast %parallel_loop3A_966 : f32 to vector<16xf32>
        %parallel_loop3A_998 = arith.mulf %parallel_loop3A_996, %parallel_loop3A_997 : vector<16xf32>
        %parallel_loop3A_999 = arith.index_cast %parallel_loop3A_971 : i32 to index
        %parallel_loop3A_1000 = arith.constant 16 : index
        %parallel_loop3A_1001 = tpu.vector_load %arg12[%parallel_loop3A_999, %parallel_loop3A_1000] {strides = array<i32>} : memref<160x128xf32, #tpu.memory_space<vmem>>, vector<1x16xf32>,
        %parallel_loop3A_1002 = vector.shape_cast %parallel_loop3A_1001 : vector<1x16xf32> to vector<16xf32>
        %parallel_loop3A_1003 = vector.shape_cast %parallel_loop3A_998 : vector<16xf32> to vector<1x16xf32>
        tpu.vector_store %arg12[%parallel_loop3A_999, %parallel_loop3A_1000], %parallel_loop3A_1003 {strides = array<i32>} : memref<160x128xf32, #tpu.memory_space<vmem>>, vector<1x16xf32>,
        %parallel_loop3A_1004 = arith.index_cast %parallel_loop3A_971 : i32 to index
        %parallel_loop3A_1005 = arith.constant 32 : index
        %parallel_loop3A_1006 = tpu.vector_load %arg8[%parallel_loop3A_1004, %parallel_loop3A_1005] {strides = array<i32>} : memref<160x128xf32, #tpu.memory_space<vmem>>, vector<1x16xf32>,
        %parallel_loop3A_1007 = vector.shape_cast %parallel_loop3A_1006 : vector<1x16xf32> to vector<16xf32>
        %parallel_loop3A_1008 = arith.index_cast %parallel_loop3A_971 : i32 to index
        %parallel_loop3A_1009 = arith.constant 32 : index
        %parallel_loop3A_1010 = tpu.vector_load %arg12[%parallel_loop3A_1008, %parallel_loop3A_1009] {strides = array<i32>} : memref<160x128xf32, #tpu.memory_space<vmem>>, vector<1x16xf32>,
        %parallel_loop3A_1011 = vector.shape_cast %parallel_loop3A_1010 : vector<1x16xf32> to vector<16xf32>
        %parallel_loop3A_1012 = arith.mulf %parallel_loop3A_1007, %parallel_loop3A_1011 : vector<16xf32>
        %parallel_loop3A_1013 = vector.broadcast %parallel_loop3A_966 : f32 to vector<16xf32>
        %parallel_loop3A_1014 = arith.mulf %parallel_loop3A_1012, %parallel_loop3A_1013 : vector<16xf32>
        %parallel_loop3A_1015 = arith.index_cast %parallel_loop3A_971 : i32 to index
        %parallel_loop3A_1016 = arith.constant 32 : index
        %parallel_loop3A_1017 = tpu.vector_load %arg12[%parallel_loop3A_1015, %parallel_loop3A_1016] {strides = array<i32>} : memref<160x128xf32, #tpu.memory_space<vmem>>, vector<1x16xf32>,
        %parallel_loop3A_1018 = vector.shape_cast %parallel_loop3A_1017 : vector<1x16xf32> to vector<16xf32>
        %parallel_loop3A_1019 = vector.shape_cast %parallel_loop3A_1014 : vector<16xf32> to vector<1x16xf32>
        tpu.vector_store %arg12[%parallel_loop3A_1015, %parallel_loop3A_1016], %parallel_loop3A_1019 {strides = array<i32>} : memref<160x128xf32, #tpu.memory_space<vmem>>, vector<1x16xf32>,
        %parallel_loop3A_1020 = arith.index_cast %parallel_loop3A_971 : i32 to index
        %parallel_loop3A_1021 = arith.constant 48 : index
        %parallel_loop3A_1022 = tpu.vector_load %arg8[%parallel_loop3A_1020, %parallel_loop3A_1021] {strides = array<i32>} : memref<160x128xf32, #tpu.memory_space<vmem>>, vector<1x16xf32>,
        %parallel_loop3A_1023 = vector.shape_cast %parallel_loop3A_1022 : vector<1x16xf32> to vector<16xf32>
        %parallel_loop3A_1024 = arith.index_cast %parallel_loop3A_971 : i32 to index
        %parallel_loop3A_1025 = arith.constant 48 : index
        %parallel_loop3A_1026 = tpu.vector_load %arg12[%parallel_loop3A_1024, %parallel_loop3A_1025] {strides = array<i32>} : memref<160x128xf32, #tpu.memory_space<vmem>>, vector<1x16xf32>,
        %parallel_loop3A_1027 = vector.shape_cast %parallel_loop3A_1026 : vector<1x16xf32> to vector<16xf32>
        %parallel_loop3A_1028 = arith.mulf %parallel_loop3A_1023, %parallel_loop3A_1027 : vector<16xf32>
        %parallel_loop3A_1029 = vector.broadcast %parallel_loop3A_966 : f32 to vector<16xf32>
        %parallel_loop3A_1030 = arith.mulf %parallel_loop3A_1028, %parallel_loop3A_1029 : vector<16xf32>
        %parallel_loop3A_1031 = arith.index_cast %parallel_loop3A_971 : i32 to index
        %parallel_loop3A_1032 = arith.constant 48 : index
        %parallel_loop3A_1033 = tpu.vector_load %arg12[%parallel_loop3A_1031, %parallel_loop3A_1032] {strides = array<i32>} : memref<160x128xf32, #tpu.memory_space<vmem>>, vector<1x16xf32>,
        %parallel_loop3A_1034 = vector.shape_cast %parallel_loop3A_1033 : vector<1x16xf32> to vector<16xf32>
        %parallel_loop3A_1035 = vector.shape_cast %parallel_loop3A_1030 : vector<16xf32> to vector<1x16xf32>
        tpu.vector_store %arg12[%parallel_loop3A_1031, %parallel_loop3A_1032], %parallel_loop3A_1035 {strides = array<i32>} : memref<160x128xf32, #tpu.memory_space<vmem>>, vector<1x16xf32>,
        %parallel_loop3A_1036 = arith.index_cast %parallel_loop3A_971 : i32 to index
        %parallel_loop3A_1037 = arith.constant 64 : index
        %parallel_loop3A_1038 = tpu.vector_load %arg8[%parallel_loop3A_1036, %parallel_loop3A_1037] {strides = array<i32>} : memref<160x128xf32, #tpu.memory_space<vmem>>, vector<1x16xf32>,
        %parallel_loop3A_1039 = vector.shape_cast %parallel_loop3A_1038 : vector<1x16xf32> to vector<16xf32>
        %parallel_loop3A_1040 = arith.index_cast %parallel_loop3A_971 : i32 to index
        %parallel_loop3A_1041 = arith.constant 64 : index
        %parallel_loop3A_1042 = tpu.vector_load %arg12[%parallel_loop3A_1040, %parallel_loop3A_1041] {strides = array<i32>} : memref<160x128xf32, #tpu.memory_space<vmem>>, vector<1x16xf32>,
        %parallel_loop3A_1043 = vector.shape_cast %parallel_loop3A_1042 : vector<1x16xf32> to vector<16xf32>
        %parallel_loop3A_1044 = arith.mulf %parallel_loop3A_1039, %parallel_loop3A_1043 : vector<16xf32>
        %parallel_loop3A_1045 = vector.broadcast %parallel_loop3A_966 : f32 to vector<16xf32>
        %parallel_loop3A_1046 = arith.mulf %parallel_loop3A_1044, %parallel_loop3A_1045 : vector<16xf32>
        %parallel_loop3A_1047 = arith.index_cast %parallel_loop3A_971 : i32 to index
        %parallel_loop3A_1048 = arith.constant 64 : index
        %parallel_loop3A_1049 = tpu.vector_load %arg12[%parallel_loop3A_1047, %parallel_loop3A_1048] {strides = array<i32>} : memref<160x128xf32, #tpu.memory_space<vmem>>, vector<1x16xf32>,
        %parallel_loop3A_1050 = vector.shape_cast %parallel_loop3A_1049 : vector<1x16xf32> to vector<16xf32>
        %parallel_loop3A_1051 = vector.shape_cast %parallel_loop3A_1046 : vector<16xf32> to vector<1x16xf32>
        tpu.vector_store %arg12[%parallel_loop3A_1047, %parallel_loop3A_1048], %parallel_loop3A_1051 {strides = array<i32>} : memref<160x128xf32, #tpu.memory_space<vmem>>, vector<1x16xf32>,
        %parallel_loop3A_1052 = arith.index_cast %parallel_loop3A_971 : i32 to index
        %parallel_loop3A_1053 = arith.constant 80 : index
        %parallel_loop3A_1054 = tpu.vector_load %arg8[%parallel_loop3A_1052, %parallel_loop3A_1053] {strides = array<i32>} : memref<160x128xf32, #tpu.memory_space<vmem>>, vector<1x16xf32>,
        %parallel_loop3A_1055 = vector.shape_cast %parallel_loop3A_1054 : vector<1x16xf32> to vector<16xf32>
        %parallel_loop3A_1056 = arith.index_cast %parallel_loop3A_971 : i32 to index
        %parallel_loop3A_1057 = arith.constant 80 : index
        %parallel_loop3A_1058 = tpu.vector_load %arg12[%parallel_loop3A_1056, %parallel_loop3A_1057] {strides = array<i32>} : memref<160x128xf32, #tpu.memory_space<vmem>>, vector<1x16xf32>,
        %parallel_loop3A_1059 = vector.shape_cast %parallel_loop3A_1058 : vector<1x16xf32> to vector<16xf32>
        %parallel_loop3A_1060 = arith.mulf %parallel_loop3A_1055, %parallel_loop3A_1059 : vector<16xf32>
        %parallel_loop3A_1061 = vector.broadcast %parallel_loop3A_966 : f32 to vector<16xf32>
        %parallel_loop3A_1062 = arith.mulf %parallel_loop3A_1060, %parallel_loop3A_1061 : vector<16xf32>
        %parallel_loop3A_1063 = arith.index_cast %parallel_loop3A_971 : i32 to index
        %parallel_loop3A_1064 = arith.constant 80 : index
        %parallel_loop3A_1065 = tpu.vector_load %arg12[%parallel_loop3A_1063, %parallel_loop3A_1064] {strides = array<i32>} : memref<160x128xf32, #tpu.memory_space<vmem>>, vector<1x16xf32>,
        %parallel_loop3A_1066 = vector.shape_cast %parallel_loop3A_1065 : vector<1x16xf32> to vector<16xf32>
        %parallel_loop3A_1067 = vector.shape_cast %parallel_loop3A_1062 : vector<16xf32> to vector<1x16xf32>
        tpu.vector_store %arg12[%parallel_loop3A_1063, %parallel_loop3A_1064], %parallel_loop3A_1067 {strides = array<i32>} : memref<160x128xf32, #tpu.memory_space<vmem>>, vector<1x16xf32>,
        %parallel_loop3A_1068 = arith.index_cast %parallel_loop3A_971 : i32 to index
        %parallel_loop3A_1069 = arith.constant 96 : index
        %parallel_loop3A_1070 = tpu.vector_load %arg8[%parallel_loop3A_1068, %parallel_loop3A_1069] {strides = array<i32>} : memref<160x128xf32, #tpu.memory_space<vmem>>, vector<1x16xf32>,
        %parallel_loop3A_1071 = vector.shape_cast %parallel_loop3A_1070 : vector<1x16xf32> to vector<16xf32>
        %parallel_loop3A_1072 = arith.index_cast %parallel_loop3A_971 : i32 to index
        %parallel_loop3A_1073 = arith.constant 96 : index
        %parallel_loop3A_1074 = tpu.vector_load %arg12[%parallel_loop3A_1072, %parallel_loop3A_1073] {strides = array<i32>} : memref<160x128xf32, #tpu.memory_space<vmem>>, vector<1x16xf32>,
        %parallel_loop3A_1075 = vector.shape_cast %parallel_loop3A_1074 : vector<1x16xf32> to vector<16xf32>
        %parallel_loop3A_1076 = arith.mulf %parallel_loop3A_1071, %parallel_loop3A_1075 : vector<16xf32>
        %parallel_loop3A_1077 = vector.broadcast %parallel_loop3A_966 : f32 to vector<16xf32>
        %parallel_loop3A_1078 = arith.mulf %parallel_loop3A_1076, %parallel_loop3A_1077 : vector<16xf32>
        %parallel_loop3A_1079 = arith.index_cast %parallel_loop3A_971 : i32 to index
        %parallel_loop3A_1080 = arith.constant 96 : index
        %parallel_loop3A_1081 = tpu.vector_load %arg12[%parallel_loop3A_1079, %parallel_loop3A_1080] {strides = array<i32>} : memref<160x128xf32, #tpu.memory_space<vmem>>, vector<1x16xf32>,
        %parallel_loop3A_1082 = vector.shape_cast %parallel_loop3A_1081 : vector<1x16xf32> to vector<16xf32>
        %parallel_loop3A_1083 = vector.shape_cast %parallel_loop3A_1078 : vector<16xf32> to vector<1x16xf32>
        tpu.vector_store %arg12[%parallel_loop3A_1079, %parallel_loop3A_1080], %parallel_loop3A_1083 {strides = array<i32>} : memref<160x128xf32, #tpu.memory_space<vmem>>, vector<1x16xf32>,
        %parallel_loop3A_1084 = arith.index_cast %parallel_loop3A_971 : i32 to index
        %parallel_loop3A_1085 = arith.constant 112 : index
        %parallel_loop3A_1086 = tpu.vector_load %arg8[%parallel_loop3A_1084, %parallel_loop3A_1085] {strides = array<i32>} : memref<160x128xf32, #tpu.memory_space<vmem>>, vector<1x16xf32>,
        %parallel_loop3A_1087 = vector.shape_cast %parallel_loop3A_1086 : vector<1x16xf32> to vector<16xf32>
        %parallel_loop3A_1088 = arith.index_cast %parallel_loop3A_971 : i32 to index
        %parallel_loop3A_1089 = arith.constant 112 : index
        %parallel_loop3A_1090 = tpu.vector_load %arg12[%parallel_loop3A_1088, %parallel_loop3A_1089] {strides = array<i32>} : memref<160x128xf32, #tpu.memory_space<vmem>>, vector<1x16xf32>,
        %parallel_loop3A_1091 = vector.shape_cast %parallel_loop3A_1090 : vector<1x16xf32> to vector<16xf32>
        %parallel_loop3A_1092 = arith.mulf %parallel_loop3A_1087, %parallel_loop3A_1091 : vector<16xf32>
        %parallel_loop3A_1093 = vector.broadcast %parallel_loop3A_966 : f32 to vector<16xf32>
        %parallel_loop3A_1094 = arith.mulf %parallel_loop3A_1092, %parallel_loop3A_1093 : vector<16xf32>
        %parallel_loop3A_1095 = arith.index_cast %parallel_loop3A_971 : i32 to index
        %parallel_loop3A_1096 = arith.constant 112 : index
        %parallel_loop3A_1097 = tpu.vector_load %arg12[%parallel_loop3A_1095, %parallel_loop3A_1096] {strides = array<i32>} : memref<160x128xf32, #tpu.memory_space<vmem>>, vector<1x16xf32>,
        %parallel_loop3A_1098 = vector.shape_cast %parallel_loop3A_1097 : vector<1x16xf32> to vector<16xf32>
        %parallel_loop3A_1099 = vector.shape_cast %parallel_loop3A_1094 : vector<16xf32> to vector<1x16xf32>
        tpu.vector_store %arg12[%parallel_loop3A_1095, %parallel_loop3A_1096], %parallel_loop3A_1099 {strides = array<i32>} : memref<160x128xf32, #tpu.memory_space<vmem>>, vector<1x16xf32>,
        %parallel_loop3A_1100 = vector.extract_strided_slice %parallel_loop3A_289 {offsets = [6], sizes = [1], strides = [1]} : vector<16xf32> to vector<1xf32>
        %parallel_loop3A_1101 = vector.extract %parallel_loop3A_1100[0] : f32 from vector<1xf32>
        %parallel_loop3A_1102 = arith.constant 16 : i32
        %parallel_loop3A_1103 = arith.muli %parallel_loop3A_280, %parallel_loop3A_1102 : i32
        %parallel_loop3A_1104 = arith.addi %mul3A_252, %parallel_loop3A_1103 : i32
        %parallel_loop3A_1105 = arith.constant 6 : i32
        %parallel_loop3A_1106 = arith.addi %parallel_loop3A_1104, %parallel_loop3A_1105 : i32
        %parallel_loop3A_1107 = arith.index_cast %parallel_loop3A_1106 : i32 to index
        %parallel_loop3A_1108 = arith.constant 0 : index
        %parallel_loop3A_1109 = tpu.vector_load %arg8[%parallel_loop3A_1107, %parallel_loop3A_1108] {strides = array<i32>} : memref<160x128xf32, #tpu.memory_space<vmem>>, vector<1x16xf32>,
        %parallel_loop3A_1110 = vector.shape_cast %parallel_loop3A_1109 : vector<1x16xf32> to vector<16xf32>
        %parallel_loop3A_1111 = arith.index_cast %parallel_loop3A_1106 : i32 to index
        %parallel_loop3A_1112 = arith.constant 0 : index
        %parallel_loop3A_1113 = tpu.vector_load %arg12[%parallel_loop3A_1111, %parallel_loop3A_1112] {strides = array<i32>} : memref<160x128xf32, #tpu.memory_space<vmem>>, vector<1x16xf32>,
        %parallel_loop3A_1114 = vector.shape_cast %parallel_loop3A_1113 : vector<1x16xf32> to vector<16xf32>
        %parallel_loop3A_1115 = arith.mulf %parallel_loop3A_1110, %parallel_loop3A_1114 : vector<16xf32>
        %parallel_loop3A_1116 = vector.broadcast %parallel_loop3A_1101 : f32 to vector<16xf32>
        %parallel_loop3A_1117 = arith.mulf %parallel_loop3A_1115, %parallel_loop3A_1116 : vector<16xf32>
        %parallel_loop3A_1118 = arith.index_cast %parallel_loop3A_1106 : i32 to index
        %parallel_loop3A_1119 = arith.constant 0 : index
        %parallel_loop3A_1120 = tpu.vector_load %arg12[%parallel_loop3A_1118, %parallel_loop3A_1119] {strides = array<i32>} : memref<160x128xf32, #tpu.memory_space<vmem>>, vector<1x16xf32>,
        %parallel_loop3A_1121 = vector.shape_cast %parallel_loop3A_1120 : vector<1x16xf32> to vector<16xf32>
        %parallel_loop3A_1122 = vector.shape_cast %parallel_loop3A_1117 : vector<16xf32> to vector<1x16xf32>
        tpu.vector_store %arg12[%parallel_loop3A_1118, %parallel_loop3A_1119], %parallel_loop3A_1122 {strides = array<i32>} : memref<160x128xf32, #tpu.memory_space<vmem>>, vector<1x16xf32>,
        %parallel_loop3A_1123 = arith.index_cast %parallel_loop3A_1106 : i32 to index
        %parallel_loop3A_1124 = arith.constant 16 : index
        %parallel_loop3A_1125 = tpu.vector_load %arg8[%parallel_loop3A_1123, %parallel_loop3A_1124] {strides = array<i32>} : memref<160x128xf32, #tpu.memory_space<vmem>>, vector<1x16xf32>,
        %parallel_loop3A_1126 = vector.shape_cast %parallel_loop3A_1125 : vector<1x16xf32> to vector<16xf32>
        %parallel_loop3A_1127 = arith.index_cast %parallel_loop3A_1106 : i32 to index
        %parallel_loop3A_1128 = arith.constant 16 : index
        %parallel_loop3A_1129 = tpu.vector_load %arg12[%parallel_loop3A_1127, %parallel_loop3A_1128] {strides = array<i32>} : memref<160x128xf32, #tpu.memory_space<vmem>>, vector<1x16xf32>,
        %parallel_loop3A_1130 = vector.shape_cast %parallel_loop3A_1129 : vector<1x16xf32> to vector<16xf32>
        %parallel_loop3A_1131 = arith.mulf %parallel_loop3A_1126, %parallel_loop3A_1130 : vector<16xf32>
        %parallel_loop3A_1132 = vector.broadcast %parallel_loop3A_1101 : f32 to vector<16xf32>
        %parallel_loop3A_1133 = arith.mulf %parallel_loop3A_1131, %parallel_loop3A_1132 : vector<16xf32>
        %parallel_loop3A_1134 = arith.index_cast %parallel_loop3A_1106 : i32 to index
        %parallel_loop3A_1135 = arith.constant 16 : index
        %parallel_loop3A_1136 = tpu.vector_load %arg12[%parallel_loop3A_1134, %parallel_loop3A_1135] {strides = array<i32>} : memref<160x128xf32, #tpu.memory_space<vmem>>, vector<1x16xf32>,
        %parallel_loop3A_1137 = vector.shape_cast %parallel_loop3A_1136 : vector<1x16xf32> to vector<16xf32>
        %parallel_loop3A_1138 = vector.shape_cast %parallel_loop3A_1133 : vector<16xf32> to vector<1x16xf32>
        tpu.vector_store %arg12[%parallel_loop3A_1134, %parallel_loop3A_1135], %parallel_loop3A_1138 {strides = array<i32>} : memref<160x128xf32, #tpu.memory_space<vmem>>, vector<1x16xf32>,
        %parallel_loop3A_1139 = arith.index_cast %parallel_loop3A_1106 : i32 to index
        %parallel_loop3A_1140 = arith.constant 32 : index
        %parallel_loop3A_1141 = tpu.vector_load %arg8[%parallel_loop3A_1139, %parallel_loop3A_1140] {strides = array<i32>} : memref<160x128xf32, #tpu.memory_space<vmem>>, vector<1x16xf32>,
        %parallel_loop3A_1142 = vector.shape_cast %parallel_loop3A_1141 : vector<1x16xf32> to vector<16xf32>
        %parallel_loop3A_1143 = arith.index_cast %parallel_loop3A_1106 : i32 to index
        %parallel_loop3A_1144 = arith.constant 32 : index
        %parallel_loop3A_1145 = tpu.vector_load %arg12[%parallel_loop3A_1143, %parallel_loop3A_1144] {strides = array<i32>} : memref<160x128xf32, #tpu.memory_space<vmem>>, vector<1x16xf32>,
        %parallel_loop3A_1146 = vector.shape_cast %parallel_loop3A_1145 : vector<1x16xf32> to vector<16xf32>
        %parallel_loop3A_1147 = arith.mulf %parallel_loop3A_1142, %parallel_loop3A_1146 : vector<16xf32>
        %parallel_loop3A_1148 = vector.broadcast %parallel_loop3A_1101 : f32 to vector<16xf32>
        %parallel_loop3A_1149 = arith.mulf %parallel_loop3A_1147, %parallel_loop3A_1148 : vector<16xf32>
        %parallel_loop3A_1150 = arith.index_cast %parallel_loop3A_1106 : i32 to index
        %parallel_loop3A_1151 = arith.constant 32 : index
        %parallel_loop3A_1152 = tpu.vector_load %arg12[%parallel_loop3A_1150, %parallel_loop3A_1151] {strides = array<i32>} : memref<160x128xf32, #tpu.memory_space<vmem>>, vector<1x16xf32>,
        %parallel_loop3A_1153 = vector.shape_cast %parallel_loop3A_1152 : vector<1x16xf32> to vector<16xf32>
        %parallel_loop3A_1154 = vector.shape_cast %parallel_loop3A_1149 : vector<16xf32> to vector<1x16xf32>
        tpu.vector_store %arg12[%parallel_loop3A_1150, %parallel_loop3A_1151], %parallel_loop3A_1154 {strides = array<i32>} : memref<160x128xf32, #tpu.memory_space<vmem>>, vector<1x16xf32>,
        %parallel_loop3A_1155 = arith.index_cast %parallel_loop3A_1106 : i32 to index
        %parallel_loop3A_1156 = arith.constant 48 : index
        %parallel_loop3A_1157 = tpu.vector_load %arg8[%parallel_loop3A_1155, %parallel_loop3A_1156] {strides = array<i32>} : memref<160x128xf32, #tpu.memory_space<vmem>>, vector<1x16xf32>,
        %parallel_loop3A_1158 = vector.shape_cast %parallel_loop3A_1157 : vector<1x16xf32> to vector<16xf32>
        %parallel_loop3A_1159 = arith.index_cast %parallel_loop3A_1106 : i32 to index
        %parallel_loop3A_1160 = arith.constant 48 : index
        %parallel_loop3A_1161 = tpu.vector_load %arg12[%parallel_loop3A_1159, %parallel_loop3A_1160] {strides = array<i32>} : memref<160x128xf32, #tpu.memory_space<vmem>>, vector<1x16xf32>,
        %parallel_loop3A_1162 = vector.shape_cast %parallel_loop3A_1161 : vector<1x16xf32> to vector<16xf32>
        %parallel_loop3A_1163 = arith.mulf %parallel_loop3A_1158, %parallel_loop3A_1162 : vector<16xf32>
        %parallel_loop3A_1164 = vector.broadcast %parallel_loop3A_1101 : f32 to vector<16xf32>
        %parallel_loop3A_1165 = arith.mulf %parallel_loop3A_1163, %parallel_loop3A_1164 : vector<16xf32>
        %parallel_loop3A_1166 = arith.index_cast %parallel_loop3A_1106 : i32 to index
        %parallel_loop3A_1167 = arith.constant 48 : index
        %parallel_loop3A_1168 = tpu.vector_load %arg12[%parallel_loop3A_1166, %parallel_loop3A_1167] {strides = array<i32>} : memref<160x128xf32, #tpu.memory_space<vmem>>, vector<1x16xf32>,
        %parallel_loop3A_1169 = vector.shape_cast %parallel_loop3A_1168 : vector<1x16xf32> to vector<16xf32>
        %parallel_loop3A_1170 = vector.shape_cast %parallel_loop3A_1165 : vector<16xf32> to vector<1x16xf32>
        tpu.vector_store %arg12[%parallel_loop3A_1166, %parallel_loop3A_1167], %parallel_loop3A_1170 {strides = array<i32>} : memref<160x128xf32, #tpu.memory_space<vmem>>, vector<1x16xf32>,
        %parallel_loop3A_1171 = arith.index_cast %parallel_loop3A_1106 : i32 to index
        %parallel_loop3A_1172 = arith.constant 64 : index
        %parallel_loop3A_1173 = tpu.vector_load %arg8[%parallel_loop3A_1171, %parallel_loop3A_1172] {strides = array<i32>} : memref<160x128xf32, #tpu.memory_space<vmem>>, vector<1x16xf32>,
        %parallel_loop3A_1174 = vector.shape_cast %parallel_loop3A_1173 : vector<1x16xf32> to vector<16xf32>
        %parallel_loop3A_1175 = arith.index_cast %parallel_loop3A_1106 : i32 to index
        %parallel_loop3A_1176 = arith.constant 64 : index
        %parallel_loop3A_1177 = tpu.vector_load %arg12[%parallel_loop3A_1175, %parallel_loop3A_1176] {strides = array<i32>} : memref<160x128xf32, #tpu.memory_space<vmem>>, vector<1x16xf32>,
        %parallel_loop3A_1178 = vector.shape_cast %parallel_loop3A_1177 : vector<1x16xf32> to vector<16xf32>
        %parallel_loop3A_1179 = arith.mulf %parallel_loop3A_1174, %parallel_loop3A_1178 : vector<16xf32>
        %parallel_loop3A_1180 = vector.broadcast %parallel_loop3A_1101 : f32 to vector<16xf32>
        %parallel_loop3A_1181 = arith.mulf %parallel_loop3A_1179, %parallel_loop3A_1180 : vector<16xf32>
        %parallel_loop3A_1182 = arith.index_cast %parallel_loop3A_1106 : i32 to index
        %parallel_loop3A_1183 = arith.constant 64 : index
        %parallel_loop3A_1184 = tpu.vector_load %arg12[%parallel_loop3A_1182, %parallel_loop3A_1183] {strides = array<i32>} : memref<160x128xf32, #tpu.memory_space<vmem>>, vector<1x16xf32>,
        %parallel_loop3A_1185 = vector.shape_cast %parallel_loop3A_1184 : vector<1x16xf32> to vector<16xf32>
        %parallel_loop3A_1186 = vector.shape_cast %parallel_loop3A_1181 : vector<16xf32> to vector<1x16xf32>
        tpu.vector_store %arg12[%parallel_loop3A_1182, %parallel_loop3A_1183], %parallel_loop3A_1186 {strides = array<i32>} : memref<160x128xf32, #tpu.memory_space<vmem>>, vector<1x16xf32>,
        %parallel_loop3A_1187 = arith.index_cast %parallel_loop3A_1106 : i32 to index
        %parallel_loop3A_1188 = arith.constant 80 : index
        %parallel_loop3A_1189 = tpu.vector_load %arg8[%parallel_loop3A_1187, %parallel_loop3A_1188] {strides = array<i32>} : memref<160x128xf32, #tpu.memory_space<vmem>>, vector<1x16xf32>,
        %parallel_loop3A_1190 = vector.shape_cast %parallel_loop3A_1189 : vector<1x16xf32> to vector<16xf32>
        %parallel_loop3A_1191 = arith.index_cast %parallel_loop3A_1106 : i32 to index
        %parallel_loop3A_1192 = arith.constant 80 : index
        %parallel_loop3A_1193 = tpu.vector_load %arg12[%parallel_loop3A_1191, %parallel_loop3A_1192] {strides = array<i32>} : memref<160x128xf32, #tpu.memory_space<vmem>>, vector<1x16xf32>,
        %parallel_loop3A_1194 = vector.shape_cast %parallel_loop3A_1193 : vector<1x16xf32> to vector<16xf32>
        %parallel_loop3A_1195 = arith.mulf %parallel_loop3A_1190, %parallel_loop3A_1194 : vector<16xf32>
        %parallel_loop3A_1196 = vector.broadcast %parallel_loop3A_1101 : f32 to vector<16xf32>
        %parallel_loop3A_1197 = arith.mulf %parallel_loop3A_1195, %parallel_loop3A_1196 : vector<16xf32>
        %parallel_loop3A_1198 = arith.index_cast %parallel_loop3A_1106 : i32 to index
        %parallel_loop3A_1199 = arith.constant 80 : index
        %parallel_loop3A_1200 = tpu.vector_load %arg12[%parallel_loop3A_1198, %parallel_loop3A_1199] {strides = array<i32>} : memref<160x128xf32, #tpu.memory_space<vmem>>, vector<1x16xf32>,
        %parallel_loop3A_1201 = vector.shape_cast %parallel_loop3A_1200 : vector<1x16xf32> to vector<16xf32>
        %parallel_loop3A_1202 = vector.shape_cast %parallel_loop3A_1197 : vector<16xf32> to vector<1x16xf32>
        tpu.vector_store %arg12[%parallel_loop3A_1198, %parallel_loop3A_1199], %parallel_loop3A_1202 {strides = array<i32>} : memref<160x128xf32, #tpu.memory_space<vmem>>, vector<1x16xf32>,
        %parallel_loop3A_1203 = arith.index_cast %parallel_loop3A_1106 : i32 to index
        %parallel_loop3A_1204 = arith.constant 96 : index
        %parallel_loop3A_1205 = tpu.vector_load %arg8[%parallel_loop3A_1203, %parallel_loop3A_1204] {strides = array<i32>} : memref<160x128xf32, #tpu.memory_space<vmem>>, vector<1x16xf32>,
        %parallel_loop3A_1206 = vector.shape_cast %parallel_loop3A_1205 : vector<1x16xf32> to vector<16xf32>
        %parallel_loop3A_1207 = arith.index_cast %parallel_loop3A_1106 : i32 to index
        %parallel_loop3A_1208 = arith.constant 96 : index
        %parallel_loop3A_1209 = tpu.vector_load %arg12[%parallel_loop3A_1207, %parallel_loop3A_1208] {strides = array<i32>} : memref<160x128xf32, #tpu.memory_space<vmem>>, vector<1x16xf32>,
        %parallel_loop3A_1210 = vector.shape_cast %parallel_loop3A_1209 : vector<1x16xf32> to vector<16xf32>
        %parallel_loop3A_1211 = arith.mulf %parallel_loop3A_1206, %parallel_loop3A_1210 : vector<16xf32>
        %parallel_loop3A_1212 = vector.broadcast %parallel_loop3A_1101 : f32 to vector<16xf32>
        %parallel_loop3A_1213 = arith.mulf %parallel_loop3A_1211, %parallel_loop3A_1212 : vector<16xf32>
        %parallel_loop3A_1214 = arith.index_cast %parallel_loop3A_1106 : i32 to index
        %parallel_loop3A_1215 = arith.constant 96 : index
        %parallel_loop3A_1216 = tpu.vector_load %arg12[%parallel_loop3A_1214, %parallel_loop3A_1215] {strides = array<i32>} : memref<160x128xf32, #tpu.memory_space<vmem>>, vector<1x16xf32>,
        %parallel_loop3A_1217 = vector.shape_cast %parallel_loop3A_1216 : vector<1x16xf32> to vector<16xf32>
        %parallel_loop3A_1218 = vector.shape_cast %parallel_loop3A_1213 : vector<16xf32> to vector<1x16xf32>
        tpu.vector_store %arg12[%parallel_loop3A_1214, %parallel_loop3A_1215], %parallel_loop3A_1218 {strides = array<i32>} : memref<160x128xf32, #tpu.memory_space<vmem>>, vector<1x16xf32>,
        %parallel_loop3A_1219 = arith.index_cast %parallel_loop3A_1106 : i32 to index
        %parallel_loop3A_1220 = arith.constant 112 : index
        %parallel_loop3A_1221 = tpu.vector_load %arg8[%parallel_loop3A_1219, %parallel_loop3A_1220] {strides = array<i32>} : memref<160x128xf32, #tpu.memory_space<vmem>>, vector<1x16xf32>,
        %parallel_loop3A_1222 = vector.shape_cast %parallel_loop3A_1221 : vector<1x16xf32> to vector<16xf32>
        %parallel_loop3A_1223 = arith.index_cast %parallel_loop3A_1106 : i32 to index
        %parallel_loop3A_1224 = arith.constant 112 : index
        %parallel_loop3A_1225 = tpu.vector_load %arg12[%parallel_loop3A_1223, %parallel_loop3A_1224] {strides = array<i32>} : memref<160x128xf32, #tpu.memory_space<vmem>>, vector<1x16xf32>,
        %parallel_loop3A_1226 = vector.shape_cast %parallel_loop3A_1225 : vector<1x16xf32> to vector<16xf32>
        %parallel_loop3A_1227 = arith.mulf %parallel_loop3A_1222, %parallel_loop3A_1226 : vector<16xf32>
        %parallel_loop3A_1228 = vector.broadcast %parallel_loop3A_1101 : f32 to vector<16xf32>
        %parallel_loop3A_1229 = arith.mulf %parallel_loop3A_1227, %parallel_loop3A_1228 : vector<16xf32>
        %parallel_loop3A_1230 = arith.index_cast %parallel_loop3A_1106 : i32 to index
        %parallel_loop3A_1231 = arith.constant 112 : index
        %parallel_loop3A_1232 = tpu.vector_load %arg12[%parallel_loop3A_1230, %parallel_loop3A_1231] {strides = array<i32>} : memref<160x128xf32, #tpu.memory_space<vmem>>, vector<1x16xf32>,
        %parallel_loop3A_1233 = vector.shape_cast %parallel_loop3A_1232 : vector<1x16xf32> to vector<16xf32>
        %parallel_loop3A_1234 = vector.shape_cast %parallel_loop3A_1229 : vector<16xf32> to vector<1x16xf32>
        tpu.vector_store %arg12[%parallel_loop3A_1230, %parallel_loop3A_1231], %parallel_loop3A_1234 {strides = array<i32>} : memref<160x128xf32, #tpu.memory_space<vmem>>, vector<1x16xf32>,
        %parallel_loop3A_1235 = vector.extract_strided_slice %parallel_loop3A_289 {offsets = [7], sizes = [1], strides = [1]} : vector<16xf32> to vector<1xf32>
        %parallel_loop3A_1236 = vector.extract %parallel_loop3A_1235[0] : f32 from vector<1xf32>
        %parallel_loop3A_1237 = arith.constant 16 : i32
        %parallel_loop3A_1238 = arith.muli %parallel_loop3A_280, %parallel_loop3A_1237 : i32
        %parallel_loop3A_1239 = arith.addi %mul3A_252, %parallel_loop3A_1238 : i32
        %parallel_loop3A_1240 = arith.constant 7 : i32
        %parallel_loop3A_1241 = arith.addi %parallel_loop3A_1239, %parallel_loop3A_1240 : i32
        %parallel_loop3A_1242 = arith.index_cast %parallel_loop3A_1241 : i32 to index
        %parallel_loop3A_1243 = arith.constant 0 : index
        %parallel_loop3A_1244 = tpu.vector_load %arg8[%parallel_loop3A_1242, %parallel_loop3A_1243] {strides = array<i32>} : memref<160x128xf32, #tpu.memory_space<vmem>>, vector<1x16xf32>,
        %parallel_loop3A_1245 = vector.shape_cast %parallel_loop3A_1244 : vector<1x16xf32> to vector<16xf32>
        %parallel_loop3A_1246 = arith.index_cast %parallel_loop3A_1241 : i32 to index
        %parallel_loop3A_1247 = arith.constant 0 : index
        %parallel_loop3A_1248 = tpu.vector_load %arg12[%parallel_loop3A_1246, %parallel_loop3A_1247] {strides = array<i32>} : memref<160x128xf32, #tpu.memory_space<vmem>>, vector<1x16xf32>,
        %parallel_loop3A_1249 = vector.shape_cast %parallel_loop3A_1248 : vector<1x16xf32> to vector<16xf32>
        %parallel_loop3A_1250 = arith.mulf %parallel_loop3A_1245, %parallel_loop3A_1249 : vector<16xf32>
        %parallel_loop3A_1251 = vector.broadcast %parallel_loop3A_1236 : f32 to vector<16xf32>
        %parallel_loop3A_1252 = arith.mulf %parallel_loop3A_1250, %parallel_loop3A_1251 : vector<16xf32>
        %parallel_loop3A_1253 = arith.index_cast %parallel_loop3A_1241 : i32 to index
        %parallel_loop3A_1254 = arith.constant 0 : index
        %parallel_loop3A_1255 = tpu.vector_load %arg12[%parallel_loop3A_1253, %parallel_loop3A_1254] {strides = array<i32>} : memref<160x128xf32, #tpu.memory_space<vmem>>, vector<1x16xf32>,
        %parallel_loop3A_1256 = vector.shape_cast %parallel_loop3A_1255 : vector<1x16xf32> to vector<16xf32>
        %parallel_loop3A_1257 = vector.shape_cast %parallel_loop3A_1252 : vector<16xf32> to vector<1x16xf32>
        tpu.vector_store %arg12[%parallel_loop3A_1253, %parallel_loop3A_1254], %parallel_loop3A_1257 {strides = array<i32>} : memref<160x128xf32, #tpu.memory_space<vmem>>, vector<1x16xf32>,
        %parallel_loop3A_1258 = arith.index_cast %parallel_loop3A_1241 : i32 to index
        %parallel_loop3A_1259 = arith.constant 16 : index
        %parallel_loop3A_1260 = tpu.vector_load %arg8[%parallel_loop3A_1258, %parallel_loop3A_1259] {strides = array<i32>} : memref<160x128xf32, #tpu.memory_space<vmem>>, vector<1x16xf32>,
        %parallel_loop3A_1261 = vector.shape_cast %parallel_loop3A_1260 : vector<1x16xf32> to vector<16xf32>
        %parallel_loop3A_1262 = arith.index_cast %parallel_loop3A_1241 : i32 to index
        %parallel_loop3A_1263 = arith.constant 16 : index
        %parallel_loop3A_1264 = tpu.vector_load %arg12[%parallel_loop3A_1262, %parallel_loop3A_1263] {strides = array<i32>} : memref<160x128xf32, #tpu.memory_space<vmem>>, vector<1x16xf32>,
        %parallel_loop3A_1265 = vector.shape_cast %parallel_loop3A_1264 : vector<1x16xf32> to vector<16xf32>
        %parallel_loop3A_1266 = arith.mulf %parallel_loop3A_1261, %parallel_loop3A_1265 : vector<16xf32>
        %parallel_loop3A_1267 = vector.broadcast %parallel_loop3A_1236 : f32 to vector<16xf32>
        %parallel_loop3A_1268 = arith.mulf %parallel_loop3A_1266, %parallel_loop3A_1267 : vector<16xf32>
        %parallel_loop3A_1269 = arith.index_cast %parallel_loop3A_1241 : i32 to index
        %parallel_loop3A_1270 = arith.constant 16 : index
        %parallel_loop3A_1271 = tpu.vector_load %arg12[%parallel_loop3A_1269, %parallel_loop3A_1270] {strides = array<i32>} : memref<160x128xf32, #tpu.memory_space<vmem>>, vector<1x16xf32>,
        %parallel_loop3A_1272 = vector.shape_cast %parallel_loop3A_1271 : vector<1x16xf32> to vector<16xf32>
        %parallel_loop3A_1273 = vector.shape_cast %parallel_loop3A_1268 : vector<16xf32> to vector<1x16xf32>
        tpu.vector_store %arg12[%parallel_loop3A_1269, %parallel_loop3A_1270], %parallel_loop3A_1273 {strides = array<i32>} : memref<160x128xf32, #tpu.memory_space<vmem>>, vector<1x16xf32>,
        %parallel_loop3A_1274 = arith.index_cast %parallel_loop3A_1241 : i32 to index
        %parallel_loop3A_1275 = arith.constant 32 : index
        %parallel_loop3A_1276 = tpu.vector_load %arg8[%parallel_loop3A_1274, %parallel_loop3A_1275] {strides = array<i32>} : memref<160x128xf32, #tpu.memory_space<vmem>>, vector<1x16xf32>,
        %parallel_loop3A_1277 = vector.shape_cast %parallel_loop3A_1276 : vector<1x16xf32> to vector<16xf32>
        %parallel_loop3A_1278 = arith.index_cast %parallel_loop3A_1241 : i32 to index
        %parallel_loop3A_1279 = arith.constant 32 : index
        %parallel_loop3A_1280 = tpu.vector_load %arg12[%parallel_loop3A_1278, %parallel_loop3A_1279] {strides = array<i32>} : memref<160x128xf32, #tpu.memory_space<vmem>>, vector<1x16xf32>,
        %parallel_loop3A_1281 = vector.shape_cast %parallel_loop3A_1280 : vector<1x16xf32> to vector<16xf32>
        %parallel_loop3A_1282 = arith.mulf %parallel_loop3A_1277, %parallel_loop3A_1281 : vector<16xf32>
        %parallel_loop3A_1283 = vector.broadcast %parallel_loop3A_1236 : f32 to vector<16xf32>
        %parallel_loop3A_1284 = arith.mulf %parallel_loop3A_1282, %parallel_loop3A_1283 : vector<16xf32>
        %parallel_loop3A_1285 = arith.index_cast %parallel_loop3A_1241 : i32 to index
        %parallel_loop3A_1286 = arith.constant 32 : index
        %parallel_loop3A_1287 = tpu.vector_load %arg12[%parallel_loop3A_1285, %parallel_loop3A_1286] {strides = array<i32>} : memref<160x128xf32, #tpu.memory_space<vmem>>, vector<1x16xf32>,
        %parallel_loop3A_1288 = vector.shape_cast %parallel_loop3A_1287 : vector<1x16xf32> to vector<16xf32>
        %parallel_loop3A_1289 = vector.shape_cast %parallel_loop3A_1284 : vector<16xf32> to vector<1x16xf32>
        tpu.vector_store %arg12[%parallel_loop3A_1285, %parallel_loop3A_1286], %parallel_loop3A_1289 {strides = array<i32>} : memref<160x128xf32, #tpu.memory_space<vmem>>, vector<1x16xf32>,
        %parallel_loop3A_1290 = arith.index_cast %parallel_loop3A_1241 : i32 to index
        %parallel_loop3A_1291 = arith.constant 48 : index
        %parallel_loop3A_1292 = tpu.vector_load %arg8[%parallel_loop3A_1290, %parallel_loop3A_1291] {strides = array<i32>} : memref<160x128xf32, #tpu.memory_space<vmem>>, vector<1x16xf32>,
        %parallel_loop3A_1293 = vector.shape_cast %parallel_loop3A_1292 : vector<1x16xf32> to vector<16xf32>
        %parallel_loop3A_1294 = arith.index_cast %parallel_loop3A_1241 : i32 to index
        %parallel_loop3A_1295 = arith.constant 48 : index
        %parallel_loop3A_1296 = tpu.vector_load %arg12[%parallel_loop3A_1294, %parallel_loop3A_1295] {strides = array<i32>} : memref<160x128xf32, #tpu.memory_space<vmem>>, vector<1x16xf32>,
        %parallel_loop3A_1297 = vector.shape_cast %parallel_loop3A_1296 : vector<1x16xf32> to vector<16xf32>
        %parallel_loop3A_1298 = arith.mulf %parallel_loop3A_1293, %parallel_loop3A_1297 : vector<16xf32>
        %parallel_loop3A_1299 = vector.broadcast %parallel_loop3A_1236 : f32 to vector<16xf32>
        %parallel_loop3A_1300 = arith.mulf %parallel_loop3A_1298, %parallel_loop3A_1299 : vector<16xf32>
        %parallel_loop3A_1301 = arith.index_cast %parallel_loop3A_1241 : i32 to index
        %parallel_loop3A_1302 = arith.constant 48 : index
        %parallel_loop3A_1303 = tpu.vector_load %arg12[%parallel_loop3A_1301, %parallel_loop3A_1302] {strides = array<i32>} : memref<160x128xf32, #tpu.memory_space<vmem>>, vector<1x16xf32>,
        %parallel_loop3A_1304 = vector.shape_cast %parallel_loop3A_1303 : vector<1x16xf32> to vector<16xf32>
        %parallel_loop3A_1305 = vector.shape_cast %parallel_loop3A_1300 : vector<16xf32> to vector<1x16xf32>
        tpu.vector_store %arg12[%parallel_loop3A_1301, %parallel_loop3A_1302], %parallel_loop3A_1305 {strides = array<i32>} : memref<160x128xf32, #tpu.memory_space<vmem>>, vector<1x16xf32>,
        %parallel_loop3A_1306 = arith.index_cast %parallel_loop3A_1241 : i32 to index
        %parallel_loop3A_1307 = arith.constant 64 : index
        %parallel_loop3A_1308 = tpu.vector_load %arg8[%parallel_loop3A_1306, %parallel_loop3A_1307] {strides = array<i32>} : memref<160x128xf32, #tpu.memory_space<vmem>>, vector<1x16xf32>,
        %parallel_loop3A_1309 = vector.shape_cast %parallel_loop3A_1308 : vector<1x16xf32> to vector<16xf32>
        %parallel_loop3A_1310 = arith.index_cast %parallel_loop3A_1241 : i32 to index
        %parallel_loop3A_1311 = arith.constant 64 : index
        %parallel_loop3A_1312 = tpu.vector_load %arg12[%parallel_loop3A_1310, %parallel_loop3A_1311] {strides = array<i32>} : memref<160x128xf32, #tpu.memory_space<vmem>>, vector<1x16xf32>,
        %parallel_loop3A_1313 = vector.shape_cast %parallel_loop3A_1312 : vector<1x16xf32> to vector<16xf32>
        %parallel_loop3A_1314 = arith.mulf %parallel_loop3A_1309, %parallel_loop3A_1313 : vector<16xf32>
        %parallel_loop3A_1315 = vector.broadcast %parallel_loop3A_1236 : f32 to vector<16xf32>
        %parallel_loop3A_1316 = arith.mulf %parallel_loop3A_1314, %parallel_loop3A_1315 : vector<16xf32>
        %parallel_loop3A_1317 = arith.index_cast %parallel_loop3A_1241 : i32 to index
        %parallel_loop3A_1318 = arith.constant 64 : index
        %parallel_loop3A_1319 = tpu.vector_load %arg12[%parallel_loop3A_1317, %parallel_loop3A_1318] {strides = array<i32>} : memref<160x128xf32, #tpu.memory_space<vmem>>, vector<1x16xf32>,
        %parallel_loop3A_1320 = vector.shape_cast %parallel_loop3A_1319 : vector<1x16xf32> to vector<16xf32>
        %parallel_loop3A_1321 = vector.shape_cast %parallel_loop3A_1316 : vector<16xf32> to vector<1x16xf32>
        tpu.vector_store %arg12[%parallel_loop3A_1317, %parallel_loop3A_1318], %parallel_loop3A_1321 {strides = array<i32>} : memref<160x128xf32, #tpu.memory_space<vmem>>, vector<1x16xf32>,
        %parallel_loop3A_1322 = arith.index_cast %parallel_loop3A_1241 : i32 to index
        %parallel_loop3A_1323 = arith.constant 80 : index
        %parallel_loop3A_1324 = tpu.vector_load %arg8[%parallel_loop3A_1322, %parallel_loop3A_1323] {strides = array<i32>} : memref<160x128xf32, #tpu.memory_space<vmem>>, vector<1x16xf32>,
        %parallel_loop3A_1325 = vector.shape_cast %parallel_loop3A_1324 : vector<1x16xf32> to vector<16xf32>
        %parallel_loop3A_1326 = arith.index_cast %parallel_loop3A_1241 : i32 to index
        %parallel_loop3A_1327 = arith.constant 80 : index
        %parallel_loop3A_1328 = tpu.vector_load %arg12[%parallel_loop3A_1326, %parallel_loop3A_1327] {strides = array<i32>} : memref<160x128xf32, #tpu.memory_space<vmem>>, vector<1x16xf32>,
        %parallel_loop3A_1329 = vector.shape_cast %parallel_loop3A_1328 : vector<1x16xf32> to vector<16xf32>
        %parallel_loop3A_1330 = arith.mulf %parallel_loop3A_1325, %parallel_loop3A_1329 : vector<16xf32>
        %parallel_loop3A_1331 = vector.broadcast %parallel_loop3A_1236 : f32 to vector<16xf32>
        %parallel_loop3A_1332 = arith.mulf %parallel_loop3A_1330, %parallel_loop3A_1331 : vector<16xf32>
        %parallel_loop3A_1333 = arith.index_cast %parallel_loop3A_1241 : i32 to index
        %parallel_loop3A_1334 = arith.constant 80 : index
        %parallel_loop3A_1335 = tpu.vector_load %arg12[%parallel_loop3A_1333, %parallel_loop3A_1334] {strides = array<i32>} : memref<160x128xf32, #tpu.memory_space<vmem>>, vector<1x16xf32>,
        %parallel_loop3A_1336 = vector.shape_cast %parallel_loop3A_1335 : vector<1x16xf32> to vector<16xf32>
        %parallel_loop3A_1337 = vector.shape_cast %parallel_loop3A_1332 : vector<16xf32> to vector<1x16xf32>
        tpu.vector_store %arg12[%parallel_loop3A_1333, %parallel_loop3A_1334], %parallel_loop3A_1337 {strides = array<i32>} : memref<160x128xf32, #tpu.memory_space<vmem>>, vector<1x16xf32>,
        %parallel_loop3A_1338 = arith.index_cast %parallel_loop3A_1241 : i32 to index
        %parallel_loop3A_1339 = arith.constant 96 : index
        %parallel_loop3A_1340 = tpu.vector_load %arg8[%parallel_loop3A_1338, %parallel_loop3A_1339] {strides = array<i32>} : memref<160x128xf32, #tpu.memory_space<vmem>>, vector<1x16xf32>,
        %parallel_loop3A_1341 = vector.shape_cast %parallel_loop3A_1340 : vector<1x16xf32> to vector<16xf32>
        %parallel_loop3A_1342 = arith.index_cast %parallel_loop3A_1241 : i32 to index
        %parallel_loop3A_1343 = arith.constant 96 : index
        %parallel_loop3A_1344 = tpu.vector_load %arg12[%parallel_loop3A_1342, %parallel_loop3A_1343] {strides = array<i32>} : memref<160x128xf32, #tpu.memory_space<vmem>>, vector<1x16xf32>,
        %parallel_loop3A_1345 = vector.shape_cast %parallel_loop3A_1344 : vector<1x16xf32> to vector<16xf32>
        %parallel_loop3A_1346 = arith.mulf %parallel_loop3A_1341, %parallel_loop3A_1345 : vector<16xf32>
        %parallel_loop3A_1347 = vector.broadcast %parallel_loop3A_1236 : f32 to vector<16xf32>
        %parallel_loop3A_1348 = arith.mulf %parallel_loop3A_1346, %parallel_loop3A_1347 : vector<16xf32>
        %parallel_loop3A_1349 = arith.index_cast %parallel_loop3A_1241 : i32 to index
        %parallel_loop3A_1350 = arith.constant 96 : index
        %parallel_loop3A_1351 = tpu.vector_load %arg12[%parallel_loop3A_1349, %parallel_loop3A_1350] {strides = array<i32>} : memref<160x128xf32, #tpu.memory_space<vmem>>, vector<1x16xf32>,
        %parallel_loop3A_1352 = vector.shape_cast %parallel_loop3A_1351 : vector<1x16xf32> to vector<16xf32>
        %parallel_loop3A_1353 = vector.shape_cast %parallel_loop3A_1348 : vector<16xf32> to vector<1x16xf32>
        tpu.vector_store %arg12[%parallel_loop3A_1349, %parallel_loop3A_1350], %parallel_loop3A_1353 {strides = array<i32>} : memref<160x128xf32, #tpu.memory_space<vmem>>, vector<1x16xf32>,
        %parallel_loop3A_1354 = arith.index_cast %parallel_loop3A_1241 : i32 to index
        %parallel_loop3A_1355 = arith.constant 112 : index
        %parallel_loop3A_1356 = tpu.vector_load %arg8[%parallel_loop3A_1354, %parallel_loop3A_1355] {strides = array<i32>} : memref<160x128xf32, #tpu.memory_space<vmem>>, vector<1x16xf32>,
        %parallel_loop3A_1357 = vector.shape_cast %parallel_loop3A_1356 : vector<1x16xf32> to vector<16xf32>
        %parallel_loop3A_1358 = arith.index_cast %parallel_loop3A_1241 : i32 to index
        %parallel_loop3A_1359 = arith.constant 112 : index
        %parallel_loop3A_1360 = tpu.vector_load %arg12[%parallel_loop3A_1358, %parallel_loop3A_1359] {strides = array<i32>} : memref<160x128xf32, #tpu.memory_space<vmem>>, vector<1x16xf32>,
        %parallel_loop3A_1361 = vector.shape_cast %parallel_loop3A_1360 : vector<1x16xf32> to vector<16xf32>
        %parallel_loop3A_1362 = arith.mulf %parallel_loop3A_1357, %parallel_loop3A_1361 : vector<16xf32>
        %parallel_loop3A_1363 = vector.broadcast %parallel_loop3A_1236 : f32 to vector<16xf32>
        %parallel_loop3A_1364 = arith.mulf %parallel_loop3A_1362, %parallel_loop3A_1363 : vector<16xf32>
        %parallel_loop3A_1365 = arith.index_cast %parallel_loop3A_1241 : i32 to index
        %parallel_loop3A_1366 = arith.constant 112 : index
        %parallel_loop3A_1367 = tpu.vector_load %arg12[%parallel_loop3A_1365, %parallel_loop3A_1366] {strides = array<i32>} : memref<160x128xf32, #tpu.memory_space<vmem>>, vector<1x16xf32>,
        %parallel_loop3A_1368 = vector.shape_cast %parallel_loop3A_1367 : vector<1x16xf32> to vector<16xf32>
        %parallel_loop3A_1369 = vector.shape_cast %parallel_loop3A_1364 : vector<16xf32> to vector<1x16xf32>
        tpu.vector_store %arg12[%parallel_loop3A_1365, %parallel_loop3A_1366], %parallel_loop3A_1369 {strides = array<i32>} : memref<160x128xf32, #tpu.memory_space<vmem>>, vector<1x16xf32>,
        %parallel_loop3A_1370 = vector.extract_strided_slice %parallel_loop3A_289 {offsets = [8], sizes = [1], strides = [1]} : vector<16xf32> to vector<1xf32>
        %parallel_loop3A_1371 = vector.extract %parallel_loop3A_1370[0] : f32 from vector<1xf32>
        %parallel_loop3A_1372 = arith.constant 16 : i32
        %parallel_loop3A_1373 = arith.muli %parallel_loop3A_280, %parallel_loop3A_1372 : i32
        %parallel_loop3A_1374 = arith.addi %mul3A_252, %parallel_loop3A_1373 : i32
        %parallel_loop3A_1375 = arith.constant 8 : i32
        %parallel_loop3A_1376 = arith.addi %parallel_loop3A_1374, %parallel_loop3A_1375 : i32
        %parallel_loop3A_1377 = arith.index_cast %parallel_loop3A_1376 : i32 to index
        %parallel_loop3A_1378 = arith.constant 0 : index
        %parallel_loop3A_1379 = tpu.vector_load %arg8[%parallel_loop3A_1377, %parallel_loop3A_1378] {strides = array<i32>} : memref<160x128xf32, #tpu.memory_space<vmem>>, vector<1x16xf32>,
        %parallel_loop3A_1380 = vector.shape_cast %parallel_loop3A_1379 : vector<1x16xf32> to vector<16xf32>
        %parallel_loop3A_1381 = arith.index_cast %parallel_loop3A_1376 : i32 to index
        %parallel_loop3A_1382 = arith.constant 0 : index
        %parallel_loop3A_1383 = tpu.vector_load %arg12[%parallel_loop3A_1381, %parallel_loop3A_1382] {strides = array<i32>} : memref<160x128xf32, #tpu.memory_space<vmem>>, vector<1x16xf32>,
        %parallel_loop3A_1384 = vector.shape_cast %parallel_loop3A_1383 : vector<1x16xf32> to vector<16xf32>
        %parallel_loop3A_1385 = arith.mulf %parallel_loop3A_1380, %parallel_loop3A_1384 : vector<16xf32>
        %parallel_loop3A_1386 = vector.broadcast %parallel_loop3A_1371 : f32 to vector<16xf32>
        %parallel_loop3A_1387 = arith.mulf %parallel_loop3A_1385, %parallel_loop3A_1386 : vector<16xf32>
        %parallel_loop3A_1388 = arith.index_cast %parallel_loop3A_1376 : i32 to index
        %parallel_loop3A_1389 = arith.constant 0 : index
        %parallel_loop3A_1390 = tpu.vector_load %arg12[%parallel_loop3A_1388, %parallel_loop3A_1389] {strides = array<i32>} : memref<160x128xf32, #tpu.memory_space<vmem>>, vector<1x16xf32>,
        %parallel_loop3A_1391 = vector.shape_cast %parallel_loop3A_1390 : vector<1x16xf32> to vector<16xf32>
        %parallel_loop3A_1392 = vector.shape_cast %parallel_loop3A_1387 : vector<16xf32> to vector<1x16xf32>
        tpu.vector_store %arg12[%parallel_loop3A_1388, %parallel_loop3A_1389], %parallel_loop3A_1392 {strides = array<i32>} : memref<160x128xf32, #tpu.memory_space<vmem>>, vector<1x16xf32>,
        %parallel_loop3A_1393 = arith.index_cast %parallel_loop3A_1376 : i32 to index
        %parallel_loop3A_1394 = arith.constant 16 : index
        %parallel_loop3A_1395 = tpu.vector_load %arg8[%parallel_loop3A_1393, %parallel_loop3A_1394] {strides = array<i32>} : memref<160x128xf32, #tpu.memory_space<vmem>>, vector<1x16xf32>,
        %parallel_loop3A_1396 = vector.shape_cast %parallel_loop3A_1395 : vector<1x16xf32> to vector<16xf32>
        %parallel_loop3A_1397 = arith.index_cast %parallel_loop3A_1376 : i32 to index
        %parallel_loop3A_1398 = arith.constant 16 : index
        %parallel_loop3A_1399 = tpu.vector_load %arg12[%parallel_loop3A_1397, %parallel_loop3A_1398] {strides = array<i32>} : memref<160x128xf32, #tpu.memory_space<vmem>>, vector<1x16xf32>,
        %parallel_loop3A_1400 = vector.shape_cast %parallel_loop3A_1399 : vector<1x16xf32> to vector<16xf32>
        %parallel_loop3A_1401 = arith.mulf %parallel_loop3A_1396, %parallel_loop3A_1400 : vector<16xf32>
        %parallel_loop3A_1402 = vector.broadcast %parallel_loop3A_1371 : f32 to vector<16xf32>
        %parallel_loop3A_1403 = arith.mulf %parallel_loop3A_1401, %parallel_loop3A_1402 : vector<16xf32>
        %parallel_loop3A_1404 = arith.index_cast %parallel_loop3A_1376 : i32 to index
        %parallel_loop3A_1405 = arith.constant 16 : index
        %parallel_loop3A_1406 = tpu.vector_load %arg12[%parallel_loop3A_1404, %parallel_loop3A_1405] {strides = array<i32>} : memref<160x128xf32, #tpu.memory_space<vmem>>, vector<1x16xf32>,
        %parallel_loop3A_1407 = vector.shape_cast %parallel_loop3A_1406 : vector<1x16xf32> to vector<16xf32>
        %parallel_loop3A_1408 = vector.shape_cast %parallel_loop3A_1403 : vector<16xf32> to vector<1x16xf32>
        tpu.vector_store %arg12[%parallel_loop3A_1404, %parallel_loop3A_1405], %parallel_loop3A_1408 {strides = array<i32>} : memref<160x128xf32, #tpu.memory_space<vmem>>, vector<1x16xf32>,
        %parallel_loop3A_1409 = arith.index_cast %parallel_loop3A_1376 : i32 to index
        %parallel_loop3A_1410 = arith.constant 32 : index
        %parallel_loop3A_1411 = tpu.vector_load %arg8[%parallel_loop3A_1409, %parallel_loop3A_1410] {strides = array<i32>} : memref<160x128xf32, #tpu.memory_space<vmem>>, vector<1x16xf32>,
        %parallel_loop3A_1412 = vector.shape_cast %parallel_loop3A_1411 : vector<1x16xf32> to vector<16xf32>
        %parallel_loop3A_1413 = arith.index_cast %parallel_loop3A_1376 : i32 to index
        %parallel_loop3A_1414 = arith.constant 32 : index
        %parallel_loop3A_1415 = tpu.vector_load %arg12[%parallel_loop3A_1413, %parallel_loop3A_1414] {strides = array<i32>} : memref<160x128xf32, #tpu.memory_space<vmem>>, vector<1x16xf32>,
        %parallel_loop3A_1416 = vector.shape_cast %parallel_loop3A_1415 : vector<1x16xf32> to vector<16xf32>
        %parallel_loop3A_1417 = arith.mulf %parallel_loop3A_1412, %parallel_loop3A_1416 : vector<16xf32>
        %parallel_loop3A_1418 = vector.broadcast %parallel_loop3A_1371 : f32 to vector<16xf32>
        %parallel_loop3A_1419 = arith.mulf %parallel_loop3A_1417, %parallel_loop3A_1418 : vector<16xf32>
        %parallel_loop3A_1420 = arith.index_cast %parallel_loop3A_1376 : i32 to index
        %parallel_loop3A_1421 = arith.constant 32 : index
        %parallel_loop3A_1422 = tpu.vector_load %arg12[%parallel_loop3A_1420, %parallel_loop3A_1421] {strides = array<i32>} : memref<160x128xf32, #tpu.memory_space<vmem>>, vector<1x16xf32>,
        %parallel_loop3A_1423 = vector.shape_cast %parallel_loop3A_1422 : vector<1x16xf32> to vector<16xf32>
        %parallel_loop3A_1424 = vector.shape_cast %parallel_loop3A_1419 : vector<16xf32> to vector<1x16xf32>
        tpu.vector_store %arg12[%parallel_loop3A_1420, %parallel_loop3A_1421], %parallel_loop3A_1424 {strides = array<i32>} : memref<160x128xf32, #tpu.memory_space<vmem>>, vector<1x16xf32>,
        %parallel_loop3A_1425 = arith.index_cast %parallel_loop3A_1376 : i32 to index
        %parallel_loop3A_1426 = arith.constant 48 : index
        %parallel_loop3A_1427 = tpu.vector_load %arg8[%parallel_loop3A_1425, %parallel_loop3A_1426] {strides = array<i32>} : memref<160x128xf32, #tpu.memory_space<vmem>>, vector<1x16xf32>,
        %parallel_loop3A_1428 = vector.shape_cast %parallel_loop3A_1427 : vector<1x16xf32> to vector<16xf32>
        %parallel_loop3A_1429 = arith.index_cast %parallel_loop3A_1376 : i32 to index
        %parallel_loop3A_1430 = arith.constant 48 : index
        %parallel_loop3A_1431 = tpu.vector_load %arg12[%parallel_loop3A_1429, %parallel_loop3A_1430] {strides = array<i32>} : memref<160x128xf32, #tpu.memory_space<vmem>>, vector<1x16xf32>,
        %parallel_loop3A_1432 = vector.shape_cast %parallel_loop3A_1431 : vector<1x16xf32> to vector<16xf32>
        %parallel_loop3A_1433 = arith.mulf %parallel_loop3A_1428, %parallel_loop3A_1432 : vector<16xf32>
        %parallel_loop3A_1434 = vector.broadcast %parallel_loop3A_1371 : f32 to vector<16xf32>
        %parallel_loop3A_1435 = arith.mulf %parallel_loop3A_1433, %parallel_loop3A_1434 : vector<16xf32>
        %parallel_loop3A_1436 = arith.index_cast %parallel_loop3A_1376 : i32 to index
        %parallel_loop3A_1437 = arith.constant 48 : index
        %parallel_loop3A_1438 = tpu.vector_load %arg12[%parallel_loop3A_1436, %parallel_loop3A_1437] {strides = array<i32>} : memref<160x128xf32, #tpu.memory_space<vmem>>, vector<1x16xf32>,
        %parallel_loop3A_1439 = vector.shape_cast %parallel_loop3A_1438 : vector<1x16xf32> to vector<16xf32>
        %parallel_loop3A_1440 = vector.shape_cast %parallel_loop3A_1435 : vector<16xf32> to vector<1x16xf32>
        tpu.vector_store %arg12[%parallel_loop3A_1436, %parallel_loop3A_1437], %parallel_loop3A_1440 {strides = array<i32>} : memref<160x128xf32, #tpu.memory_space<vmem>>, vector<1x16xf32>,
        %parallel_loop3A_1441 = arith.index_cast %parallel_loop3A_1376 : i32 to index
        %parallel_loop3A_1442 = arith.constant 64 : index
        %parallel_loop3A_1443 = tpu.vector_load %arg8[%parallel_loop3A_1441, %parallel_loop3A_1442] {strides = array<i32>} : memref<160x128xf32, #tpu.memory_space<vmem>>, vector<1x16xf32>,
        %parallel_loop3A_1444 = vector.shape_cast %parallel_loop3A_1443 : vector<1x16xf32> to vector<16xf32>
        %parallel_loop3A_1445 = arith.index_cast %parallel_loop3A_1376 : i32 to index
        %parallel_loop3A_1446 = arith.constant 64 : index
        %parallel_loop3A_1447 = tpu.vector_load %arg12[%parallel_loop3A_1445, %parallel_loop3A_1446] {strides = array<i32>} : memref<160x128xf32, #tpu.memory_space<vmem>>, vector<1x16xf32>,
        %parallel_loop3A_1448 = vector.shape_cast %parallel_loop3A_1447 : vector<1x16xf32> to vector<16xf32>
        %parallel_loop3A_1449 = arith.mulf %parallel_loop3A_1444, %parallel_loop3A_1448 : vector<16xf32>
        %parallel_loop3A_1450 = vector.broadcast %parallel_loop3A_1371 : f32 to vector<16xf32>
        %parallel_loop3A_1451 = arith.mulf %parallel_loop3A_1449, %parallel_loop3A_1450 : vector<16xf32>
        %parallel_loop3A_1452 = arith.index_cast %parallel_loop3A_1376 : i32 to index
        %parallel_loop3A_1453 = arith.constant 64 : index
        %parallel_loop3A_1454 = tpu.vector_load %arg12[%parallel_loop3A_1452, %parallel_loop3A_1453] {strides = array<i32>} : memref<160x128xf32, #tpu.memory_space<vmem>>, vector<1x16xf32>,
        %parallel_loop3A_1455 = vector.shape_cast %parallel_loop3A_1454 : vector<1x16xf32> to vector<16xf32>
        %parallel_loop3A_1456 = vector.shape_cast %parallel_loop3A_1451 : vector<16xf32> to vector<1x16xf32>
        tpu.vector_store %arg12[%parallel_loop3A_1452, %parallel_loop3A_1453], %parallel_loop3A_1456 {strides = array<i32>} : memref<160x128xf32, #tpu.memory_space<vmem>>, vector<1x16xf32>,
        %parallel_loop3A_1457 = arith.index_cast %parallel_loop3A_1376 : i32 to index
        %parallel_loop3A_1458 = arith.constant 80 : index
        %parallel_loop3A_1459 = tpu.vector_load %arg8[%parallel_loop3A_1457, %parallel_loop3A_1458] {strides = array<i32>} : memref<160x128xf32, #tpu.memory_space<vmem>>, vector<1x16xf32>,
        %parallel_loop3A_1460 = vector.shape_cast %parallel_loop3A_1459 : vector<1x16xf32> to vector<16xf32>
        %parallel_loop3A_1461 = arith.index_cast %parallel_loop3A_1376 : i32 to index
        %parallel_loop3A_1462 = arith.constant 80 : index
        %parallel_loop3A_1463 = tpu.vector_load %arg12[%parallel_loop3A_1461, %parallel_loop3A_1462] {strides = array<i32>} : memref<160x128xf32, #tpu.memory_space<vmem>>, vector<1x16xf32>,
        %parallel_loop3A_1464 = vector.shape_cast %parallel_loop3A_1463 : vector<1x16xf32> to vector<16xf32>
        %parallel_loop3A_1465 = arith.mulf %parallel_loop3A_1460, %parallel_loop3A_1464 : vector<16xf32>
        %parallel_loop3A_1466 = vector.broadcast %parallel_loop3A_1371 : f32 to vector<16xf32>
        %parallel_loop3A_1467 = arith.mulf %parallel_loop3A_1465, %parallel_loop3A_1466 : vector<16xf32>
        %parallel_loop3A_1468 = arith.index_cast %parallel_loop3A_1376 : i32 to index
        %parallel_loop3A_1469 = arith.constant 80 : index
        %parallel_loop3A_1470 = tpu.vector_load %arg12[%parallel_loop3A_1468, %parallel_loop3A_1469] {strides = array<i32>} : memref<160x128xf32, #tpu.memory_space<vmem>>, vector<1x16xf32>,
        %parallel_loop3A_1471 = vector.shape_cast %parallel_loop3A_1470 : vector<1x16xf32> to vector<16xf32>
        %parallel_loop3A_1472 = vector.shape_cast %parallel_loop3A_1467 : vector<16xf32> to vector<1x16xf32>
        tpu.vector_store %arg12[%parallel_loop3A_1468, %parallel_loop3A_1469], %parallel_loop3A_1472 {strides = array<i32>} : memref<160x128xf32, #tpu.memory_space<vmem>>, vector<1x16xf32>,
        %parallel_loop3A_1473 = arith.index_cast %parallel_loop3A_1376 : i32 to index
        %parallel_loop3A_1474 = arith.constant 96 : index
        %parallel_loop3A_1475 = tpu.vector_load %arg8[%parallel_loop3A_1473, %parallel_loop3A_1474] {strides = array<i32>} : memref<160x128xf32, #tpu.memory_space<vmem>>, vector<1x16xf32>,
        %parallel_loop3A_1476 = vector.shape_cast %parallel_loop3A_1475 : vector<1x16xf32> to vector<16xf32>
        %parallel_loop3A_1477 = arith.index_cast %parallel_loop3A_1376 : i32 to index
        %parallel_loop3A_1478 = arith.constant 96 : index
        %parallel_loop3A_1479 = tpu.vector_load %arg12[%parallel_loop3A_1477, %parallel_loop3A_1478] {strides = array<i32>} : memref<160x128xf32, #tpu.memory_space<vmem>>, vector<1x16xf32>,
        %parallel_loop3A_1480 = vector.shape_cast %parallel_loop3A_1479 : vector<1x16xf32> to vector<16xf32>
        %parallel_loop3A_1481 = arith.mulf %parallel_loop3A_1476, %parallel_loop3A_1480 : vector<16xf32>
        %parallel_loop3A_1482 = vector.broadcast %parallel_loop3A_1371 : f32 to vector<16xf32>
        %parallel_loop3A_1483 = arith.mulf %parallel_loop3A_1481, %parallel_loop3A_1482 : vector<16xf32>
        %parallel_loop3A_1484 = arith.index_cast %parallel_loop3A_1376 : i32 to index
        %parallel_loop3A_1485 = arith.constant 96 : index
        %parallel_loop3A_1486 = tpu.vector_load %arg12[%parallel_loop3A_1484, %parallel_loop3A_1485] {strides = array<i32>} : memref<160x128xf32, #tpu.memory_space<vmem>>, vector<1x16xf32>,
        %parallel_loop3A_1487 = vector.shape_cast %parallel_loop3A_1486 : vector<1x16xf32> to vector<16xf32>
        %parallel_loop3A_1488 = vector.shape_cast %parallel_loop3A_1483 : vector<16xf32> to vector<1x16xf32>
        tpu.vector_store %arg12[%parallel_loop3A_1484, %parallel_loop3A_1485], %parallel_loop3A_1488 {strides = array<i32>} : memref<160x128xf32, #tpu.memory_space<vmem>>, vector<1x16xf32>,
        %parallel_loop3A_1489 = arith.index_cast %parallel_loop3A_1376 : i32 to index
        %parallel_loop3A_1490 = arith.constant 112 : index
        %parallel_loop3A_1491 = tpu.vector_load %arg8[%parallel_loop3A_1489, %parallel_loop3A_1490] {strides = array<i32>} : memref<160x128xf32, #tpu.memory_space<vmem>>, vector<1x16xf32>,
        %parallel_loop3A_1492 = vector.shape_cast %parallel_loop3A_1491 : vector<1x16xf32> to vector<16xf32>
        %parallel_loop3A_1493 = arith.index_cast %parallel_loop3A_1376 : i32 to index
        %parallel_loop3A_1494 = arith.constant 112 : index
        %parallel_loop3A_1495 = tpu.vector_load %arg12[%parallel_loop3A_1493, %parallel_loop3A_1494] {strides = array<i32>} : memref<160x128xf32, #tpu.memory_space<vmem>>, vector<1x16xf32>,
        %parallel_loop3A_1496 = vector.shape_cast %parallel_loop3A_1495 : vector<1x16xf32> to vector<16xf32>
        %parallel_loop3A_1497 = arith.mulf %parallel_loop3A_1492, %parallel_loop3A_1496 : vector<16xf32>
        %parallel_loop3A_1498 = vector.broadcast %parallel_loop3A_1371 : f32 to vector<16xf32>
        %parallel_loop3A_1499 = arith.mulf %parallel_loop3A_1497, %parallel_loop3A_1498 : vector<16xf32>
        %parallel_loop3A_1500 = arith.index_cast %parallel_loop3A_1376 : i32 to index
        %parallel_loop3A_1501 = arith.constant 112 : index
        %parallel_loop3A_1502 = tpu.vector_load %arg12[%parallel_loop3A_1500, %parallel_loop3A_1501] {strides = array<i32>} : memref<160x128xf32, #tpu.memory_space<vmem>>, vector<1x16xf32>,
        %parallel_loop3A_1503 = vector.shape_cast %parallel_loop3A_1502 : vector<1x16xf32> to vector<16xf32>
        %parallel_loop3A_1504 = vector.shape_cast %parallel_loop3A_1499 : vector<16xf32> to vector<1x16xf32>
        tpu.vector_store %arg12[%parallel_loop3A_1500, %parallel_loop3A_1501], %parallel_loop3A_1504 {strides = array<i32>} : memref<160x128xf32, #tpu.memory_space<vmem>>, vector<1x16xf32>,
        %parallel_loop3A_1505 = vector.extract_strided_slice %parallel_loop3A_289 {offsets = [9], sizes = [1], strides = [1]} : vector<16xf32> to vector<1xf32>
        %parallel_loop3A_1506 = vector.extract %parallel_loop3A_1505[0] : f32 from vector<1xf32>
        %parallel_loop3A_1507 = arith.constant 16 : i32
        %parallel_loop3A_1508 = arith.muli %parallel_loop3A_280, %parallel_loop3A_1507 : i32
        %parallel_loop3A_1509 = arith.addi %mul3A_252, %parallel_loop3A_1508 : i32
        %parallel_loop3A_1510 = arith.constant 9 : i32
        %parallel_loop3A_1511 = arith.addi %parallel_loop3A_1509, %parallel_loop3A_1510 : i32
        %parallel_loop3A_1512 = arith.index_cast %parallel_loop3A_1511 : i32 to index
        %parallel_loop3A_1513 = arith.constant 0 : index
        %parallel_loop3A_1514 = tpu.vector_load %arg8[%parallel_loop3A_1512, %parallel_loop3A_1513] {strides = array<i32>} : memref<160x128xf32, #tpu.memory_space<vmem>>, vector<1x16xf32>,
        %parallel_loop3A_1515 = vector.shape_cast %parallel_loop3A_1514 : vector<1x16xf32> to vector<16xf32>
        %parallel_loop3A_1516 = arith.index_cast %parallel_loop3A_1511 : i32 to index
        %parallel_loop3A_1517 = arith.constant 0 : index
        %parallel_loop3A_1518 = tpu.vector_load %arg12[%parallel_loop3A_1516, %parallel_loop3A_1517] {strides = array<i32>} : memref<160x128xf32, #tpu.memory_space<vmem>>, vector<1x16xf32>,
        %parallel_loop3A_1519 = vector.shape_cast %parallel_loop3A_1518 : vector<1x16xf32> to vector<16xf32>
        %parallel_loop3A_1520 = arith.mulf %parallel_loop3A_1515, %parallel_loop3A_1519 : vector<16xf32>
        %parallel_loop3A_1521 = vector.broadcast %parallel_loop3A_1506 : f32 to vector<16xf32>
        %parallel_loop3A_1522 = arith.mulf %parallel_loop3A_1520, %parallel_loop3A_1521 : vector<16xf32>
        %parallel_loop3A_1523 = arith.index_cast %parallel_loop3A_1511 : i32 to index
        %parallel_loop3A_1524 = arith.constant 0 : index
        %parallel_loop3A_1525 = tpu.vector_load %arg12[%parallel_loop3A_1523, %parallel_loop3A_1524] {strides = array<i32>} : memref<160x128xf32, #tpu.memory_space<vmem>>, vector<1x16xf32>,
        %parallel_loop3A_1526 = vector.shape_cast %parallel_loop3A_1525 : vector<1x16xf32> to vector<16xf32>
        %parallel_loop3A_1527 = vector.shape_cast %parallel_loop3A_1522 : vector<16xf32> to vector<1x16xf32>
        tpu.vector_store %arg12[%parallel_loop3A_1523, %parallel_loop3A_1524], %parallel_loop3A_1527 {strides = array<i32>} : memref<160x128xf32, #tpu.memory_space<vmem>>, vector<1x16xf32>,
        %parallel_loop3A_1528 = arith.index_cast %parallel_loop3A_1511 : i32 to index
        %parallel_loop3A_1529 = arith.constant 16 : index
        %parallel_loop3A_1530 = tpu.vector_load %arg8[%parallel_loop3A_1528, %parallel_loop3A_1529] {strides = array<i32>} : memref<160x128xf32, #tpu.memory_space<vmem>>, vector<1x16xf32>,
        %parallel_loop3A_1531 = vector.shape_cast %parallel_loop3A_1530 : vector<1x16xf32> to vector<16xf32>
        %parallel_loop3A_1532 = arith.index_cast %parallel_loop3A_1511 : i32 to index
        %parallel_loop3A_1533 = arith.constant 16 : index
        %parallel_loop3A_1534 = tpu.vector_load %arg12[%parallel_loop3A_1532, %parallel_loop3A_1533] {strides = array<i32>} : memref<160x128xf32, #tpu.memory_space<vmem>>, vector<1x16xf32>,
        %parallel_loop3A_1535 = vector.shape_cast %parallel_loop3A_1534 : vector<1x16xf32> to vector<16xf32>
        %parallel_loop3A_1536 = arith.mulf %parallel_loop3A_1531, %parallel_loop3A_1535 : vector<16xf32>
        %parallel_loop3A_1537 = vector.broadcast %parallel_loop3A_1506 : f32 to vector<16xf32>
        %parallel_loop3A_1538 = arith.mulf %parallel_loop3A_1536, %parallel_loop3A_1537 : vector<16xf32>
        %parallel_loop3A_1539 = arith.index_cast %parallel_loop3A_1511 : i32 to index
        %parallel_loop3A_1540 = arith.constant 16 : index
        %parallel_loop3A_1541 = tpu.vector_load %arg12[%parallel_loop3A_1539, %parallel_loop3A_1540] {strides = array<i32>} : memref<160x128xf32, #tpu.memory_space<vmem>>, vector<1x16xf32>,
        %parallel_loop3A_1542 = vector.shape_cast %parallel_loop3A_1541 : vector<1x16xf32> to vector<16xf32>
        %parallel_loop3A_1543 = vector.shape_cast %parallel_loop3A_1538 : vector<16xf32> to vector<1x16xf32>
        tpu.vector_store %arg12[%parallel_loop3A_1539, %parallel_loop3A_1540], %parallel_loop3A_1543 {strides = array<i32>} : memref<160x128xf32, #tpu.memory_space<vmem>>, vector<1x16xf32>,
        %parallel_loop3A_1544 = arith.index_cast %parallel_loop3A_1511 : i32 to index
        %parallel_loop3A_1545 = arith.constant 32 : index
        %parallel_loop3A_1546 = tpu.vector_load %arg8[%parallel_loop3A_1544, %parallel_loop3A_1545] {strides = array<i32>} : memref<160x128xf32, #tpu.memory_space<vmem>>, vector<1x16xf32>,
        %parallel_loop3A_1547 = vector.shape_cast %parallel_loop3A_1546 : vector<1x16xf32> to vector<16xf32>
        %parallel_loop3A_1548 = arith.index_cast %parallel_loop3A_1511 : i32 to index
        %parallel_loop3A_1549 = arith.constant 32 : index
        %parallel_loop3A_1550 = tpu.vector_load %arg12[%parallel_loop3A_1548, %parallel_loop3A_1549] {strides = array<i32>} : memref<160x128xf32, #tpu.memory_space<vmem>>, vector<1x16xf32>,
        %parallel_loop3A_1551 = vector.shape_cast %parallel_loop3A_1550 : vector<1x16xf32> to vector<16xf32>
        %parallel_loop3A_1552 = arith.mulf %parallel_loop3A_1547, %parallel_loop3A_1551 : vector<16xf32>
        %parallel_loop3A_1553 = vector.broadcast %parallel_loop3A_1506 : f32 to vector<16xf32>
        %parallel_loop3A_1554 = arith.mulf %parallel_loop3A_1552, %parallel_loop3A_1553 : vector<16xf32>
        %parallel_loop3A_1555 = arith.index_cast %parallel_loop3A_1511 : i32 to index
        %parallel_loop3A_1556 = arith.constant 32 : index
        %parallel_loop3A_1557 = tpu.vector_load %arg12[%parallel_loop3A_1555, %parallel_loop3A_1556] {strides = array<i32>} : memref<160x128xf32, #tpu.memory_space<vmem>>, vector<1x16xf32>,
        %parallel_loop3A_1558 = vector.shape_cast %parallel_loop3A_1557 : vector<1x16xf32> to vector<16xf32>
        %parallel_loop3A_1559 = vector.shape_cast %parallel_loop3A_1554 : vector<16xf32> to vector<1x16xf32>
        tpu.vector_store %arg12[%parallel_loop3A_1555, %parallel_loop3A_1556], %parallel_loop3A_1559 {strides = array<i32>} : memref<160x128xf32, #tpu.memory_space<vmem>>, vector<1x16xf32>,
        %parallel_loop3A_1560 = arith.index_cast %parallel_loop3A_1511 : i32 to index
        %parallel_loop3A_1561 = arith.constant 48 : index
        %parallel_loop3A_1562 = tpu.vector_load %arg8[%parallel_loop3A_1560, %parallel_loop3A_1561] {strides = array<i32>} : memref<160x128xf32, #tpu.memory_space<vmem>>, vector<1x16xf32>,
        %parallel_loop3A_1563 = vector.shape_cast %parallel_loop3A_1562 : vector<1x16xf32> to vector<16xf32>
        %parallel_loop3A_1564 = arith.index_cast %parallel_loop3A_1511 : i32 to index
        %parallel_loop3A_1565 = arith.constant 48 : index
        %parallel_loop3A_1566 = tpu.vector_load %arg12[%parallel_loop3A_1564, %parallel_loop3A_1565] {strides = array<i32>} : memref<160x128xf32, #tpu.memory_space<vmem>>, vector<1x16xf32>,
        %parallel_loop3A_1567 = vector.shape_cast %parallel_loop3A_1566 : vector<1x16xf32> to vector<16xf32>
        %parallel_loop3A_1568 = arith.mulf %parallel_loop3A_1563, %parallel_loop3A_1567 : vector<16xf32>
        %parallel_loop3A_1569 = vector.broadcast %parallel_loop3A_1506 : f32 to vector<16xf32>
        %parallel_loop3A_1570 = arith.mulf %parallel_loop3A_1568, %parallel_loop3A_1569 : vector<16xf32>
        %parallel_loop3A_1571 = arith.index_cast %parallel_loop3A_1511 : i32 to index
        %parallel_loop3A_1572 = arith.constant 48 : index
        %parallel_loop3A_1573 = tpu.vector_load %arg12[%parallel_loop3A_1571, %parallel_loop3A_1572] {strides = array<i32>} : memref<160x128xf32, #tpu.memory_space<vmem>>, vector<1x16xf32>,
        %parallel_loop3A_1574 = vector.shape_cast %parallel_loop3A_1573 : vector<1x16xf32> to vector<16xf32>
        %parallel_loop3A_1575 = vector.shape_cast %parallel_loop3A_1570 : vector<16xf32> to vector<1x16xf32>
        tpu.vector_store %arg12[%parallel_loop3A_1571, %parallel_loop3A_1572], %parallel_loop3A_1575 {strides = array<i32>} : memref<160x128xf32, #tpu.memory_space<vmem>>, vector<1x16xf32>,
        %parallel_loop3A_1576 = arith.index_cast %parallel_loop3A_1511 : i32 to index
        %parallel_loop3A_1577 = arith.constant 64 : index
        %parallel_loop3A_1578 = tpu.vector_load %arg8[%parallel_loop3A_1576, %parallel_loop3A_1577] {strides = array<i32>} : memref<160x128xf32, #tpu.memory_space<vmem>>, vector<1x16xf32>,
        %parallel_loop3A_1579 = vector.shape_cast %parallel_loop3A_1578 : vector<1x16xf32> to vector<16xf32>
        %parallel_loop3A_1580 = arith.index_cast %parallel_loop3A_1511 : i32 to index
        %parallel_loop3A_1581 = arith.constant 64 : index
        %parallel_loop3A_1582 = tpu.vector_load %arg12[%parallel_loop3A_1580, %parallel_loop3A_1581] {strides = array<i32>} : memref<160x128xf32, #tpu.memory_space<vmem>>, vector<1x16xf32>,
        %parallel_loop3A_1583 = vector.shape_cast %parallel_loop3A_1582 : vector<1x16xf32> to vector<16xf32>
        %parallel_loop3A_1584 = arith.mulf %parallel_loop3A_1579, %parallel_loop3A_1583 : vector<16xf32>
        %parallel_loop3A_1585 = vector.broadcast %parallel_loop3A_1506 : f32 to vector<16xf32>
        %parallel_loop3A_1586 = arith.mulf %parallel_loop3A_1584, %parallel_loop3A_1585 : vector<16xf32>
        %parallel_loop3A_1587 = arith.index_cast %parallel_loop3A_1511 : i32 to index
        %parallel_loop3A_1588 = arith.constant 64 : index
        %parallel_loop3A_1589 = tpu.vector_load %arg12[%parallel_loop3A_1587, %parallel_loop3A_1588] {strides = array<i32>} : memref<160x128xf32, #tpu.memory_space<vmem>>, vector<1x16xf32>,
        %parallel_loop3A_1590 = vector.shape_cast %parallel_loop3A_1589 : vector<1x16xf32> to vector<16xf32>
        %parallel_loop3A_1591 = vector.shape_cast %parallel_loop3A_1586 : vector<16xf32> to vector<1x16xf32>
        tpu.vector_store %arg12[%parallel_loop3A_1587, %parallel_loop3A_1588], %parallel_loop3A_1591 {strides = array<i32>} : memref<160x128xf32, #tpu.memory_space<vmem>>, vector<1x16xf32>,
        %parallel_loop3A_1592 = arith.index_cast %parallel_loop3A_1511 : i32 to index
        %parallel_loop3A_1593 = arith.constant 80 : index
        %parallel_loop3A_1594 = tpu.vector_load %arg8[%parallel_loop3A_1592, %parallel_loop3A_1593] {strides = array<i32>} : memref<160x128xf32, #tpu.memory_space<vmem>>, vector<1x16xf32>,
        %parallel_loop3A_1595 = vector.shape_cast %parallel_loop3A_1594 : vector<1x16xf32> to vector<16xf32>
        %parallel_loop3A_1596 = arith.index_cast %parallel_loop3A_1511 : i32 to index
        %parallel_loop3A_1597 = arith.constant 80 : index
        %parallel_loop3A_1598 = tpu.vector_load %arg12[%parallel_loop3A_1596, %parallel_loop3A_1597] {strides = array<i32>} : memref<160x128xf32, #tpu.memory_space<vmem>>, vector<1x16xf32>,
        %parallel_loop3A_1599 = vector.shape_cast %parallel_loop3A_1598 : vector<1x16xf32> to vector<16xf32>
        %parallel_loop3A_1600 = arith.mulf %parallel_loop3A_1595, %parallel_loop3A_1599 : vector<16xf32>
        %parallel_loop3A_1601 = vector.broadcast %parallel_loop3A_1506 : f32 to vector<16xf32>
        %parallel_loop3A_1602 = arith.mulf %parallel_loop3A_1600, %parallel_loop3A_1601 : vector<16xf32>
        %parallel_loop3A_1603 = arith.index_cast %parallel_loop3A_1511 : i32 to index
        %parallel_loop3A_1604 = arith.constant 80 : index
        %parallel_loop3A_1605 = tpu.vector_load %arg12[%parallel_loop3A_1603, %parallel_loop3A_1604] {strides = array<i32>} : memref<160x128xf32, #tpu.memory_space<vmem>>, vector<1x16xf32>,
        %parallel_loop3A_1606 = vector.shape_cast %parallel_loop3A_1605 : vector<1x16xf32> to vector<16xf32>
        %parallel_loop3A_1607 = vector.shape_cast %parallel_loop3A_1602 : vector<16xf32> to vector<1x16xf32>
        tpu.vector_store %arg12[%parallel_loop3A_1603, %parallel_loop3A_1604], %parallel_loop3A_1607 {strides = array<i32>} : memref<160x128xf32, #tpu.memory_space<vmem>>, vector<1x16xf32>,
        %parallel_loop3A_1608 = arith.index_cast %parallel_loop3A_1511 : i32 to index
        %parallel_loop3A_1609 = arith.constant 96 : index
        %parallel_loop3A_1610 = tpu.vector_load %arg8[%parallel_loop3A_1608, %parallel_loop3A_1609] {strides = array<i32>} : memref<160x128xf32, #tpu.memory_space<vmem>>, vector<1x16xf32>,
        %parallel_loop3A_1611 = vector.shape_cast %parallel_loop3A_1610 : vector<1x16xf32> to vector<16xf32>
        %parallel_loop3A_1612 = arith.index_cast %parallel_loop3A_1511 : i32 to index
        %parallel_loop3A_1613 = arith.constant 96 : index
        %parallel_loop3A_1614 = tpu.vector_load %arg12[%parallel_loop3A_1612, %parallel_loop3A_1613] {strides = array<i32>} : memref<160x128xf32, #tpu.memory_space<vmem>>, vector<1x16xf32>,
        %parallel_loop3A_1615 = vector.shape_cast %parallel_loop3A_1614 : vector<1x16xf32> to vector<16xf32>
        %parallel_loop3A_1616 = arith.mulf %parallel_loop3A_1611, %parallel_loop3A_1615 : vector<16xf32>
        %parallel_loop3A_1617 = vector.broadcast %parallel_loop3A_1506 : f32 to vector<16xf32>
        %parallel_loop3A_1618 = arith.mulf %parallel_loop3A_1616, %parallel_loop3A_1617 : vector<16xf32>
        %parallel_loop3A_1619 = arith.index_cast %parallel_loop3A_1511 : i32 to index
        %parallel_loop3A_1620 = arith.constant 96 : index
        %parallel_loop3A_1621 = tpu.vector_load %arg12[%parallel_loop3A_1619, %parallel_loop3A_1620] {strides = array<i32>} : memref<160x128xf32, #tpu.memory_space<vmem>>, vector<1x16xf32>,
        %parallel_loop3A_1622 = vector.shape_cast %parallel_loop3A_1621 : vector<1x16xf32> to vector<16xf32>
        %parallel_loop3A_1623 = vector.shape_cast %parallel_loop3A_1618 : vector<16xf32> to vector<1x16xf32>
        tpu.vector_store %arg12[%parallel_loop3A_1619, %parallel_loop3A_1620], %parallel_loop3A_1623 {strides = array<i32>} : memref<160x128xf32, #tpu.memory_space<vmem>>, vector<1x16xf32>,
        %parallel_loop3A_1624 = arith.index_cast %parallel_loop3A_1511 : i32 to index
        %parallel_loop3A_1625 = arith.constant 112 : index
        %parallel_loop3A_1626 = tpu.vector_load %arg8[%parallel_loop3A_1624, %parallel_loop3A_1625] {strides = array<i32>} : memref<160x128xf32, #tpu.memory_space<vmem>>, vector<1x16xf32>,
        %parallel_loop3A_1627 = vector.shape_cast %parallel_loop3A_1626 : vector<1x16xf32> to vector<16xf32>
        %parallel_loop3A_1628 = arith.index_cast %parallel_loop3A_1511 : i32 to index
        %parallel_loop3A_1629 = arith.constant 112 : index
        %parallel_loop3A_1630 = tpu.vector_load %arg12[%parallel_loop3A_1628, %parallel_loop3A_1629] {strides = array<i32>} : memref<160x128xf32, #tpu.memory_space<vmem>>, vector<1x16xf32>,
        %parallel_loop3A_1631 = vector.shape_cast %parallel_loop3A_1630 : vector<1x16xf32> to vector<16xf32>
        %parallel_loop3A_1632 = arith.mulf %parallel_loop3A_1627, %parallel_loop3A_1631 : vector<16xf32>
        %parallel_loop3A_1633 = vector.broadcast %parallel_loop3A_1506 : f32 to vector<16xf32>
        %parallel_loop3A_1634 = arith.mulf %parallel_loop3A_1632, %parallel_loop3A_1633 : vector<16xf32>
        %parallel_loop3A_1635 = arith.index_cast %parallel_loop3A_1511 : i32 to index
        %parallel_loop3A_1636 = arith.constant 112 : index
        %parallel_loop3A_1637 = tpu.vector_load %arg12[%parallel_loop3A_1635, %parallel_loop3A_1636] {strides = array<i32>} : memref<160x128xf32, #tpu.memory_space<vmem>>, vector<1x16xf32>,
        %parallel_loop3A_1638 = vector.shape_cast %parallel_loop3A_1637 : vector<1x16xf32> to vector<16xf32>
        %parallel_loop3A_1639 = vector.shape_cast %parallel_loop3A_1634 : vector<16xf32> to vector<1x16xf32>
        tpu.vector_store %arg12[%parallel_loop3A_1635, %parallel_loop3A_1636], %parallel_loop3A_1639 {strides = array<i32>} : memref<160x128xf32, #tpu.memory_space<vmem>>, vector<1x16xf32>,
        %parallel_loop3A_1640 = vector.extract_strided_slice %parallel_loop3A_289 {offsets = [10], sizes = [1], strides = [1]} : vector<16xf32> to vector<1xf32>
        %parallel_loop3A_1641 = vector.extract %parallel_loop3A_1640[0] : f32 from vector<1xf32>
        %parallel_loop3A_1642 = arith.constant 16 : i32
        %parallel_loop3A_1643 = arith.muli %parallel_loop3A_280, %parallel_loop3A_1642 : i32
        %parallel_loop3A_1644 = arith.addi %mul3A_252, %parallel_loop3A_1643 : i32
        %parallel_loop3A_1645 = arith.constant 10 : i32
        %parallel_loop3A_1646 = arith.addi %parallel_loop3A_1644, %parallel_loop3A_1645 : i32
        %parallel_loop3A_1647 = arith.index_cast %parallel_loop3A_1646 : i32 to index
        %parallel_loop3A_1648 = arith.constant 0 : index
        %parallel_loop3A_1649 = tpu.vector_load %arg8[%parallel_loop3A_1647, %parallel_loop3A_1648] {strides = array<i32>} : memref<160x128xf32, #tpu.memory_space<vmem>>, vector<1x16xf32>,
        %parallel_loop3A_1650 = vector.shape_cast %parallel_loop3A_1649 : vector<1x16xf32> to vector<16xf32>
        %parallel_loop3A_1651 = arith.index_cast %parallel_loop3A_1646 : i32 to index
        %parallel_loop3A_1652 = arith.constant 0 : index
        %parallel_loop3A_1653 = tpu.vector_load %arg12[%parallel_loop3A_1651, %parallel_loop3A_1652] {strides = array<i32>} : memref<160x128xf32, #tpu.memory_space<vmem>>, vector<1x16xf32>,
        %parallel_loop3A_1654 = vector.shape_cast %parallel_loop3A_1653 : vector<1x16xf32> to vector<16xf32>
        %parallel_loop3A_1655 = arith.mulf %parallel_loop3A_1650, %parallel_loop3A_1654 : vector<16xf32>
        %parallel_loop3A_1656 = vector.broadcast %parallel_loop3A_1641 : f32 to vector<16xf32>
        %parallel_loop3A_1657 = arith.mulf %parallel_loop3A_1655, %parallel_loop3A_1656 : vector<16xf32>
        %parallel_loop3A_1658 = arith.index_cast %parallel_loop3A_1646 : i32 to index
        %parallel_loop3A_1659 = arith.constant 0 : index
        %parallel_loop3A_1660 = tpu.vector_load %arg12[%parallel_loop3A_1658, %parallel_loop3A_1659] {strides = array<i32>} : memref<160x128xf32, #tpu.memory_space<vmem>>, vector<1x16xf32>,
        %parallel_loop3A_1661 = vector.shape_cast %parallel_loop3A_1660 : vector<1x16xf32> to vector<16xf32>
        %parallel_loop3A_1662 = vector.shape_cast %parallel_loop3A_1657 : vector<16xf32> to vector<1x16xf32>
        tpu.vector_store %arg12[%parallel_loop3A_1658, %parallel_loop3A_1659], %parallel_loop3A_1662 {strides = array<i32>} : memref<160x128xf32, #tpu.memory_space<vmem>>, vector<1x16xf32>,
        %parallel_loop3A_1663 = arith.index_cast %parallel_loop3A_1646 : i32 to index
        %parallel_loop3A_1664 = arith.constant 16 : index
        %parallel_loop3A_1665 = tpu.vector_load %arg8[%parallel_loop3A_1663, %parallel_loop3A_1664] {strides = array<i32>} : memref<160x128xf32, #tpu.memory_space<vmem>>, vector<1x16xf32>,
        %parallel_loop3A_1666 = vector.shape_cast %parallel_loop3A_1665 : vector<1x16xf32> to vector<16xf32>
        %parallel_loop3A_1667 = arith.index_cast %parallel_loop3A_1646 : i32 to index
        %parallel_loop3A_1668 = arith.constant 16 : index
        %parallel_loop3A_1669 = tpu.vector_load %arg12[%parallel_loop3A_1667, %parallel_loop3A_1668] {strides = array<i32>} : memref<160x128xf32, #tpu.memory_space<vmem>>, vector<1x16xf32>,
        %parallel_loop3A_1670 = vector.shape_cast %parallel_loop3A_1669 : vector<1x16xf32> to vector<16xf32>
        %parallel_loop3A_1671 = arith.mulf %parallel_loop3A_1666, %parallel_loop3A_1670 : vector<16xf32>
        %parallel_loop3A_1672 = vector.broadcast %parallel_loop3A_1641 : f32 to vector<16xf32>
        %parallel_loop3A_1673 = arith.mulf %parallel_loop3A_1671, %parallel_loop3A_1672 : vector<16xf32>
        %parallel_loop3A_1674 = arith.index_cast %parallel_loop3A_1646 : i32 to index
        %parallel_loop3A_1675 = arith.constant 16 : index
        %parallel_loop3A_1676 = tpu.vector_load %arg12[%parallel_loop3A_1674, %parallel_loop3A_1675] {strides = array<i32>} : memref<160x128xf32, #tpu.memory_space<vmem>>, vector<1x16xf32>,
        %parallel_loop3A_1677 = vector.shape_cast %parallel_loop3A_1676 : vector<1x16xf32> to vector<16xf32>
        %parallel_loop3A_1678 = vector.shape_cast %parallel_loop3A_1673 : vector<16xf32> to vector<1x16xf32>
        tpu.vector_store %arg12[%parallel_loop3A_1674, %parallel_loop3A_1675], %parallel_loop3A_1678 {strides = array<i32>} : memref<160x128xf32, #tpu.memory_space<vmem>>, vector<1x16xf32>,
        %parallel_loop3A_1679 = arith.index_cast %parallel_loop3A_1646 : i32 to index
        %parallel_loop3A_1680 = arith.constant 32 : index
        %parallel_loop3A_1681 = tpu.vector_load %arg8[%parallel_loop3A_1679, %parallel_loop3A_1680] {strides = array<i32>} : memref<160x128xf32, #tpu.memory_space<vmem>>, vector<1x16xf32>,
        %parallel_loop3A_1682 = vector.shape_cast %parallel_loop3A_1681 : vector<1x16xf32> to vector<16xf32>
        %parallel_loop3A_1683 = arith.index_cast %parallel_loop3A_1646 : i32 to index
        %parallel_loop3A_1684 = arith.constant 32 : index
        %parallel_loop3A_1685 = tpu.vector_load %arg12[%parallel_loop3A_1683, %parallel_loop3A_1684] {strides = array<i32>} : memref<160x128xf32, #tpu.memory_space<vmem>>, vector<1x16xf32>,
        %parallel_loop3A_1686 = vector.shape_cast %parallel_loop3A_1685 : vector<1x16xf32> to vector<16xf32>
        %parallel_loop3A_1687 = arith.mulf %parallel_loop3A_1682, %parallel_loop3A_1686 : vector<16xf32>
        %parallel_loop3A_1688 = vector.broadcast %parallel_loop3A_1641 : f32 to vector<16xf32>
        %parallel_loop3A_1689 = arith.mulf %parallel_loop3A_1687, %parallel_loop3A_1688 : vector<16xf32>
        %parallel_loop3A_1690 = arith.index_cast %parallel_loop3A_1646 : i32 to index
        %parallel_loop3A_1691 = arith.constant 32 : index
        %parallel_loop3A_1692 = tpu.vector_load %arg12[%parallel_loop3A_1690, %parallel_loop3A_1691] {strides = array<i32>} : memref<160x128xf32, #tpu.memory_space<vmem>>, vector<1x16xf32>,
        %parallel_loop3A_1693 = vector.shape_cast %parallel_loop3A_1692 : vector<1x16xf32> to vector<16xf32>
        %parallel_loop3A_1694 = vector.shape_cast %parallel_loop3A_1689 : vector<16xf32> to vector<1x16xf32>
        tpu.vector_store %arg12[%parallel_loop3A_1690, %parallel_loop3A_1691], %parallel_loop3A_1694 {strides = array<i32>} : memref<160x128xf32, #tpu.memory_space<vmem>>, vector<1x16xf32>,
        %parallel_loop3A_1695 = arith.index_cast %parallel_loop3A_1646 : i32 to index
        %parallel_loop3A_1696 = arith.constant 48 : index
        %parallel_loop3A_1697 = tpu.vector_load %arg8[%parallel_loop3A_1695, %parallel_loop3A_1696] {strides = array<i32>} : memref<160x128xf32, #tpu.memory_space<vmem>>, vector<1x16xf32>,
        %parallel_loop3A_1698 = vector.shape_cast %parallel_loop3A_1697 : vector<1x16xf32> to vector<16xf32>
        %parallel_loop3A_1699 = arith.index_cast %parallel_loop3A_1646 : i32 to index
        %parallel_loop3A_1700 = arith.constant 48 : index
        %parallel_loop3A_1701 = tpu.vector_load %arg12[%parallel_loop3A_1699, %parallel_loop3A_1700] {strides = array<i32>} : memref<160x128xf32, #tpu.memory_space<vmem>>, vector<1x16xf32>,
        %parallel_loop3A_1702 = vector.shape_cast %parallel_loop3A_1701 : vector<1x16xf32> to vector<16xf32>
        %parallel_loop3A_1703 = arith.mulf %parallel_loop3A_1698, %parallel_loop3A_1702 : vector<16xf32>
        %parallel_loop3A_1704 = vector.broadcast %parallel_loop3A_1641 : f32 to vector<16xf32>
        %parallel_loop3A_1705 = arith.mulf %parallel_loop3A_1703, %parallel_loop3A_1704 : vector<16xf32>
        %parallel_loop3A_1706 = arith.index_cast %parallel_loop3A_1646 : i32 to index
        %parallel_loop3A_1707 = arith.constant 48 : index
        %parallel_loop3A_1708 = tpu.vector_load %arg12[%parallel_loop3A_1706, %parallel_loop3A_1707] {strides = array<i32>} : memref<160x128xf32, #tpu.memory_space<vmem>>, vector<1x16xf32>,
        %parallel_loop3A_1709 = vector.shape_cast %parallel_loop3A_1708 : vector<1x16xf32> to vector<16xf32>
        %parallel_loop3A_1710 = vector.shape_cast %parallel_loop3A_1705 : vector<16xf32> to vector<1x16xf32>
        tpu.vector_store %arg12[%parallel_loop3A_1706, %parallel_loop3A_1707], %parallel_loop3A_1710 {strides = array<i32>} : memref<160x128xf32, #tpu.memory_space<vmem>>, vector<1x16xf32>,
        %parallel_loop3A_1711 = arith.index_cast %parallel_loop3A_1646 : i32 to index
        %parallel_loop3A_1712 = arith.constant 64 : index
        %parallel_loop3A_1713 = tpu.vector_load %arg8[%parallel_loop3A_1711, %parallel_loop3A_1712] {strides = array<i32>} : memref<160x128xf32, #tpu.memory_space<vmem>>, vector<1x16xf32>,
        %parallel_loop3A_1714 = vector.shape_cast %parallel_loop3A_1713 : vector<1x16xf32> to vector<16xf32>
        %parallel_loop3A_1715 = arith.index_cast %parallel_loop3A_1646 : i32 to index
        %parallel_loop3A_1716 = arith.constant 64 : index
        %parallel_loop3A_1717 = tpu.vector_load %arg12[%parallel_loop3A_1715, %parallel_loop3A_1716] {strides = array<i32>} : memref<160x128xf32, #tpu.memory_space<vmem>>, vector<1x16xf32>,
        %parallel_loop3A_1718 = vector.shape_cast %parallel_loop3A_1717 : vector<1x16xf32> to vector<16xf32>
        %parallel_loop3A_1719 = arith.mulf %parallel_loop3A_1714, %parallel_loop3A_1718 : vector<16xf32>
        %parallel_loop3A_1720 = vector.broadcast %parallel_loop3A_1641 : f32 to vector<16xf32>
        %parallel_loop3A_1721 = arith.mulf %parallel_loop3A_1719, %parallel_loop3A_1720 : vector<16xf32>
        %parallel_loop3A_1722 = arith.index_cast %parallel_loop3A_1646 : i32 to index
        %parallel_loop3A_1723 = arith.constant 64 : index
        %parallel_loop3A_1724 = tpu.vector_load %arg12[%parallel_loop3A_1722, %parallel_loop3A_1723] {strides = array<i32>} : memref<160x128xf32, #tpu.memory_space<vmem>>, vector<1x16xf32>,
        %parallel_loop3A_1725 = vector.shape_cast %parallel_loop3A_1724 : vector<1x16xf32> to vector<16xf32>
        %parallel_loop3A_1726 = vector.shape_cast %parallel_loop3A_1721 : vector<16xf32> to vector<1x16xf32>
        tpu.vector_store %arg12[%parallel_loop3A_1722, %parallel_loop3A_1723], %parallel_loop3A_1726 {strides = array<i32>} : memref<160x128xf32, #tpu.memory_space<vmem>>, vector<1x16xf32>,
        %parallel_loop3A_1727 = arith.index_cast %parallel_loop3A_1646 : i32 to index
        %parallel_loop3A_1728 = arith.constant 80 : index
        %parallel_loop3A_1729 = tpu.vector_load %arg8[%parallel_loop3A_1727, %parallel_loop3A_1728] {strides = array<i32>} : memref<160x128xf32, #tpu.memory_space<vmem>>, vector<1x16xf32>,
        %parallel_loop3A_1730 = vector.shape_cast %parallel_loop3A_1729 : vector<1x16xf32> to vector<16xf32>
        %parallel_loop3A_1731 = arith.index_cast %parallel_loop3A_1646 : i32 to index
        %parallel_loop3A_1732 = arith.constant 80 : index
        %parallel_loop3A_1733 = tpu.vector_load %arg12[%parallel_loop3A_1731, %parallel_loop3A_1732] {strides = array<i32>} : memref<160x128xf32, #tpu.memory_space<vmem>>, vector<1x16xf32>,
        %parallel_loop3A_1734 = vector.shape_cast %parallel_loop3A_1733 : vector<1x16xf32> to vector<16xf32>
        %parallel_loop3A_1735 = arith.mulf %parallel_loop3A_1730, %parallel_loop3A_1734 : vector<16xf32>
        %parallel_loop3A_1736 = vector.broadcast %parallel_loop3A_1641 : f32 to vector<16xf32>
        %parallel_loop3A_1737 = arith.mulf %parallel_loop3A_1735, %parallel_loop3A_1736 : vector<16xf32>
        %parallel_loop3A_1738 = arith.index_cast %parallel_loop3A_1646 : i32 to index
        %parallel_loop3A_1739 = arith.constant 80 : index
        %parallel_loop3A_1740 = tpu.vector_load %arg12[%parallel_loop3A_1738, %parallel_loop3A_1739] {strides = array<i32>} : memref<160x128xf32, #tpu.memory_space<vmem>>, vector<1x16xf32>,
        %parallel_loop3A_1741 = vector.shape_cast %parallel_loop3A_1740 : vector<1x16xf32> to vector<16xf32>
        %parallel_loop3A_1742 = vector.shape_cast %parallel_loop3A_1737 : vector<16xf32> to vector<1x16xf32>
        tpu.vector_store %arg12[%parallel_loop3A_1738, %parallel_loop3A_1739], %parallel_loop3A_1742 {strides = array<i32>} : memref<160x128xf32, #tpu.memory_space<vmem>>, vector<1x16xf32>,
        %parallel_loop3A_1743 = arith.index_cast %parallel_loop3A_1646 : i32 to index
        %parallel_loop3A_1744 = arith.constant 96 : index
        %parallel_loop3A_1745 = tpu.vector_load %arg8[%parallel_loop3A_1743, %parallel_loop3A_1744] {strides = array<i32>} : memref<160x128xf32, #tpu.memory_space<vmem>>, vector<1x16xf32>,
        %parallel_loop3A_1746 = vector.shape_cast %parallel_loop3A_1745 : vector<1x16xf32> to vector<16xf32>
        %parallel_loop3A_1747 = arith.index_cast %parallel_loop3A_1646 : i32 to index
        %parallel_loop3A_1748 = arith.constant 96 : index
        %parallel_loop3A_1749 = tpu.vector_load %arg12[%parallel_loop3A_1747, %parallel_loop3A_1748] {strides = array<i32>} : memref<160x128xf32, #tpu.memory_space<vmem>>, vector<1x16xf32>,
        %parallel_loop3A_1750 = vector.shape_cast %parallel_loop3A_1749 : vector<1x16xf32> to vector<16xf32>
        %parallel_loop3A_1751 = arith.mulf %parallel_loop3A_1746, %parallel_loop3A_1750 : vector<16xf32>
        %parallel_loop3A_1752 = vector.broadcast %parallel_loop3A_1641 : f32 to vector<16xf32>
        %parallel_loop3A_1753 = arith.mulf %parallel_loop3A_1751, %parallel_loop3A_1752 : vector<16xf32>
        %parallel_loop3A_1754 = arith.index_cast %parallel_loop3A_1646 : i32 to index
        %parallel_loop3A_1755 = arith.constant 96 : index
        %parallel_loop3A_1756 = tpu.vector_load %arg12[%parallel_loop3A_1754, %parallel_loop3A_1755] {strides = array<i32>} : memref<160x128xf32, #tpu.memory_space<vmem>>, vector<1x16xf32>,
        %parallel_loop3A_1757 = vector.shape_cast %parallel_loop3A_1756 : vector<1x16xf32> to vector<16xf32>
        %parallel_loop3A_1758 = vector.shape_cast %parallel_loop3A_1753 : vector<16xf32> to vector<1x16xf32>
        tpu.vector_store %arg12[%parallel_loop3A_1754, %parallel_loop3A_1755], %parallel_loop3A_1758 {strides = array<i32>} : memref<160x128xf32, #tpu.memory_space<vmem>>, vector<1x16xf32>,
        %parallel_loop3A_1759 = arith.index_cast %parallel_loop3A_1646 : i32 to index
        %parallel_loop3A_1760 = arith.constant 112 : index
        %parallel_loop3A_1761 = tpu.vector_load %arg8[%parallel_loop3A_1759, %parallel_loop3A_1760] {strides = array<i32>} : memref<160x128xf32, #tpu.memory_space<vmem>>, vector<1x16xf32>,
        %parallel_loop3A_1762 = vector.shape_cast %parallel_loop3A_1761 : vector<1x16xf32> to vector<16xf32>
        %parallel_loop3A_1763 = arith.index_cast %parallel_loop3A_1646 : i32 to index
        %parallel_loop3A_1764 = arith.constant 112 : index
        %parallel_loop3A_1765 = tpu.vector_load %arg12[%parallel_loop3A_1763, %parallel_loop3A_1764] {strides = array<i32>} : memref<160x128xf32, #tpu.memory_space<vmem>>, vector<1x16xf32>,
        %parallel_loop3A_1766 = vector.shape_cast %parallel_loop3A_1765 : vector<1x16xf32> to vector<16xf32>
        %parallel_loop3A_1767 = arith.mulf %parallel_loop3A_1762, %parallel_loop3A_1766 : vector<16xf32>
        %parallel_loop3A_1768 = vector.broadcast %parallel_loop3A_1641 : f32 to vector<16xf32>
        %parallel_loop3A_1769 = arith.mulf %parallel_loop3A_1767, %parallel_loop3A_1768 : vector<16xf32>
        %parallel_loop3A_1770 = arith.index_cast %parallel_loop3A_1646 : i32 to index
        %parallel_loop3A_1771 = arith.constant 112 : index
        %parallel_loop3A_1772 = tpu.vector_load %arg12[%parallel_loop3A_1770, %parallel_loop3A_1771] {strides = array<i32>} : memref<160x128xf32, #tpu.memory_space<vmem>>, vector<1x16xf32>,
        %parallel_loop3A_1773 = vector.shape_cast %parallel_loop3A_1772 : vector<1x16xf32> to vector<16xf32>
        %parallel_loop3A_1774 = vector.shape_cast %parallel_loop3A_1769 : vector<16xf32> to vector<1x16xf32>
        tpu.vector_store %arg12[%parallel_loop3A_1770, %parallel_loop3A_1771], %parallel_loop3A_1774 {strides = array<i32>} : memref<160x128xf32, #tpu.memory_space<vmem>>, vector<1x16xf32>,
        %parallel_loop3A_1775 = vector.extract_strided_slice %parallel_loop3A_289 {offsets = [11], sizes = [1], strides = [1]} : vector<16xf32> to vector<1xf32>
        %parallel_loop3A_1776 = vector.extract %parallel_loop3A_1775[0] : f32 from vector<1xf32>
        %parallel_loop3A_1777 = arith.constant 16 : i32
        %parallel_loop3A_1778 = arith.muli %parallel_loop3A_280, %parallel_loop3A_1777 : i32
        %parallel_loop3A_1779 = arith.addi %mul3A_252, %parallel_loop3A_1778 : i32
        %parallel_loop3A_1780 = arith.constant 11 : i32
        %parallel_loop3A_1781 = arith.addi %parallel_loop3A_1779, %parallel_loop3A_1780 : i32
        %parallel_loop3A_1782 = arith.index_cast %parallel_loop3A_1781 : i32 to index
        %parallel_loop3A_1783 = arith.constant 0 : index
        %parallel_loop3A_1784 = tpu.vector_load %arg8[%parallel_loop3A_1782, %parallel_loop3A_1783] {strides = array<i32>} : memref<160x128xf32, #tpu.memory_space<vmem>>, vector<1x16xf32>,
        %parallel_loop3A_1785 = vector.shape_cast %parallel_loop3A_1784 : vector<1x16xf32> to vector<16xf32>
        %parallel_loop3A_1786 = arith.index_cast %parallel_loop3A_1781 : i32 to index
        %parallel_loop3A_1787 = arith.constant 0 : index
        %parallel_loop3A_1788 = tpu.vector_load %arg12[%parallel_loop3A_1786, %parallel_loop3A_1787] {strides = array<i32>} : memref<160x128xf32, #tpu.memory_space<vmem>>, vector<1x16xf32>,
        %parallel_loop3A_1789 = vector.shape_cast %parallel_loop3A_1788 : vector<1x16xf32> to vector<16xf32>
        %parallel_loop3A_1790 = arith.mulf %parallel_loop3A_1785, %parallel_loop3A_1789 : vector<16xf32>
        %parallel_loop3A_1791 = vector.broadcast %parallel_loop3A_1776 : f32 to vector<16xf32>
        %parallel_loop3A_1792 = arith.mulf %parallel_loop3A_1790, %parallel_loop3A_1791 : vector<16xf32>
        %parallel_loop3A_1793 = arith.index_cast %parallel_loop3A_1781 : i32 to index
        %parallel_loop3A_1794 = arith.constant 0 : index
        %parallel_loop3A_1795 = tpu.vector_load %arg12[%parallel_loop3A_1793, %parallel_loop3A_1794] {strides = array<i32>} : memref<160x128xf32, #tpu.memory_space<vmem>>, vector<1x16xf32>,
        %parallel_loop3A_1796 = vector.shape_cast %parallel_loop3A_1795 : vector<1x16xf32> to vector<16xf32>
        %parallel_loop3A_1797 = vector.shape_cast %parallel_loop3A_1792 : vector<16xf32> to vector<1x16xf32>
        tpu.vector_store %arg12[%parallel_loop3A_1793, %parallel_loop3A_1794], %parallel_loop3A_1797 {strides = array<i32>} : memref<160x128xf32, #tpu.memory_space<vmem>>, vector<1x16xf32>,
        %parallel_loop3A_1798 = arith.index_cast %parallel_loop3A_1781 : i32 to index
        %parallel_loop3A_1799 = arith.constant 16 : index
        %parallel_loop3A_1800 = tpu.vector_load %arg8[%parallel_loop3A_1798, %parallel_loop3A_1799] {strides = array<i32>} : memref<160x128xf32, #tpu.memory_space<vmem>>, vector<1x16xf32>,
        %parallel_loop3A_1801 = vector.shape_cast %parallel_loop3A_1800 : vector<1x16xf32> to vector<16xf32>
        %parallel_loop3A_1802 = arith.index_cast %parallel_loop3A_1781 : i32 to index
        %parallel_loop3A_1803 = arith.constant 16 : index
        %parallel_loop3A_1804 = tpu.vector_load %arg12[%parallel_loop3A_1802, %parallel_loop3A_1803] {strides = array<i32>} : memref<160x128xf32, #tpu.memory_space<vmem>>, vector<1x16xf32>,
        %parallel_loop3A_1805 = vector.shape_cast %parallel_loop3A_1804 : vector<1x16xf32> to vector<16xf32>
        %parallel_loop3A_1806 = arith.mulf %parallel_loop3A_1801, %parallel_loop3A_1805 : vector<16xf32>
        %parallel_loop3A_1807 = vector.broadcast %parallel_loop3A_1776 : f32 to vector<16xf32>
        %parallel_loop3A_1808 = arith.mulf %parallel_loop3A_1806, %parallel_loop3A_1807 : vector<16xf32>
        %parallel_loop3A_1809 = arith.index_cast %parallel_loop3A_1781 : i32 to index
        %parallel_loop3A_1810 = arith.constant 16 : index
        %parallel_loop3A_1811 = tpu.vector_load %arg12[%parallel_loop3A_1809, %parallel_loop3A_1810] {strides = array<i32>} : memref<160x128xf32, #tpu.memory_space<vmem>>, vector<1x16xf32>,
        %parallel_loop3A_1812 = vector.shape_cast %parallel_loop3A_1811 : vector<1x16xf32> to vector<16xf32>
        %parallel_loop3A_1813 = vector.shape_cast %parallel_loop3A_1808 : vector<16xf32> to vector<1x16xf32>
        tpu.vector_store %arg12[%parallel_loop3A_1809, %parallel_loop3A_1810], %parallel_loop3A_1813 {strides = array<i32>} : memref<160x128xf32, #tpu.memory_space<vmem>>, vector<1x16xf32>,
        %parallel_loop3A_1814 = arith.index_cast %parallel_loop3A_1781 : i32 to index
        %parallel_loop3A_1815 = arith.constant 32 : index
        %parallel_loop3A_1816 = tpu.vector_load %arg8[%parallel_loop3A_1814, %parallel_loop3A_1815] {strides = array<i32>} : memref<160x128xf32, #tpu.memory_space<vmem>>, vector<1x16xf32>,
        %parallel_loop3A_1817 = vector.shape_cast %parallel_loop3A_1816 : vector<1x16xf32> to vector<16xf32>
        %parallel_loop3A_1818 = arith.index_cast %parallel_loop3A_1781 : i32 to index
        %parallel_loop3A_1819 = arith.constant 32 : index
        %parallel_loop3A_1820 = tpu.vector_load %arg12[%parallel_loop3A_1818, %parallel_loop3A_1819] {strides = array<i32>} : memref<160x128xf32, #tpu.memory_space<vmem>>, vector<1x16xf32>,
        %parallel_loop3A_1821 = vector.shape_cast %parallel_loop3A_1820 : vector<1x16xf32> to vector<16xf32>
        %parallel_loop3A_1822 = arith.mulf %parallel_loop3A_1817, %parallel_loop3A_1821 : vector<16xf32>
        %parallel_loop3A_1823 = vector.broadcast %parallel_loop3A_1776 : f32 to vector<16xf32>
        %parallel_loop3A_1824 = arith.mulf %parallel_loop3A_1822, %parallel_loop3A_1823 : vector<16xf32>
        %parallel_loop3A_1825 = arith.index_cast %parallel_loop3A_1781 : i32 to index
        %parallel_loop3A_1826 = arith.constant 32 : index
        %parallel_loop3A_1827 = tpu.vector_load %arg12[%parallel_loop3A_1825, %parallel_loop3A_1826] {strides = array<i32>} : memref<160x128xf32, #tpu.memory_space<vmem>>, vector<1x16xf32>,
        %parallel_loop3A_1828 = vector.shape_cast %parallel_loop3A_1827 : vector<1x16xf32> to vector<16xf32>
        %parallel_loop3A_1829 = vector.shape_cast %parallel_loop3A_1824 : vector<16xf32> to vector<1x16xf32>
        tpu.vector_store %arg12[%parallel_loop3A_1825, %parallel_loop3A_1826], %parallel_loop3A_1829 {strides = array<i32>} : memref<160x128xf32, #tpu.memory_space<vmem>>, vector<1x16xf32>,
        %parallel_loop3A_1830 = arith.index_cast %parallel_loop3A_1781 : i32 to index
        %parallel_loop3A_1831 = arith.constant 48 : index
        %parallel_loop3A_1832 = tpu.vector_load %arg8[%parallel_loop3A_1830, %parallel_loop3A_1831] {strides = array<i32>} : memref<160x128xf32, #tpu.memory_space<vmem>>, vector<1x16xf32>,
        %parallel_loop3A_1833 = vector.shape_cast %parallel_loop3A_1832 : vector<1x16xf32> to vector<16xf32>
        %parallel_loop3A_1834 = arith.index_cast %parallel_loop3A_1781 : i32 to index
        %parallel_loop3A_1835 = arith.constant 48 : index
        %parallel_loop3A_1836 = tpu.vector_load %arg12[%parallel_loop3A_1834, %parallel_loop3A_1835] {strides = array<i32>} : memref<160x128xf32, #tpu.memory_space<vmem>>, vector<1x16xf32>,
        %parallel_loop3A_1837 = vector.shape_cast %parallel_loop3A_1836 : vector<1x16xf32> to vector<16xf32>
        %parallel_loop3A_1838 = arith.mulf %parallel_loop3A_1833, %parallel_loop3A_1837 : vector<16xf32>
        %parallel_loop3A_1839 = vector.broadcast %parallel_loop3A_1776 : f32 to vector<16xf32>
        %parallel_loop3A_1840 = arith.mulf %parallel_loop3A_1838, %parallel_loop3A_1839 : vector<16xf32>
        %parallel_loop3A_1841 = arith.index_cast %parallel_loop3A_1781 : i32 to index
        %parallel_loop3A_1842 = arith.constant 48 : index
        %parallel_loop3A_1843 = tpu.vector_load %arg12[%parallel_loop3A_1841, %parallel_loop3A_1842] {strides = array<i32>} : memref<160x128xf32, #tpu.memory_space<vmem>>, vector<1x16xf32>,
        %parallel_loop3A_1844 = vector.shape_cast %parallel_loop3A_1843 : vector<1x16xf32> to vector<16xf32>
        %parallel_loop3A_1845 = vector.shape_cast %parallel_loop3A_1840 : vector<16xf32> to vector<1x16xf32>
        tpu.vector_store %arg12[%parallel_loop3A_1841, %parallel_loop3A_1842], %parallel_loop3A_1845 {strides = array<i32>} : memref<160x128xf32, #tpu.memory_space<vmem>>, vector<1x16xf32>,
        %parallel_loop3A_1846 = arith.index_cast %parallel_loop3A_1781 : i32 to index
        %parallel_loop3A_1847 = arith.constant 64 : index
        %parallel_loop3A_1848 = tpu.vector_load %arg8[%parallel_loop3A_1846, %parallel_loop3A_1847] {strides = array<i32>} : memref<160x128xf32, #tpu.memory_space<vmem>>, vector<1x16xf32>,
        %parallel_loop3A_1849 = vector.shape_cast %parallel_loop3A_1848 : vector<1x16xf32> to vector<16xf32>
        %parallel_loop3A_1850 = arith.index_cast %parallel_loop3A_1781 : i32 to index
        %parallel_loop3A_1851 = arith.constant 64 : index
        %parallel_loop3A_1852 = tpu.vector_load %arg12[%parallel_loop3A_1850, %parallel_loop3A_1851] {strides = array<i32>} : memref<160x128xf32, #tpu.memory_space<vmem>>, vector<1x16xf32>,
        %parallel_loop3A_1853 = vector.shape_cast %parallel_loop3A_1852 : vector<1x16xf32> to vector<16xf32>
        %parallel_loop3A_1854 = arith.mulf %parallel_loop3A_1849, %parallel_loop3A_1853 : vector<16xf32>
        %parallel_loop3A_1855 = vector.broadcast %parallel_loop3A_1776 : f32 to vector<16xf32>
        %parallel_loop3A_1856 = arith.mulf %parallel_loop3A_1854, %parallel_loop3A_1855 : vector<16xf32>
        %parallel_loop3A_1857 = arith.index_cast %parallel_loop3A_1781 : i32 to index
        %parallel_loop3A_1858 = arith.constant 64 : index
        %parallel_loop3A_1859 = tpu.vector_load %arg12[%parallel_loop3A_1857, %parallel_loop3A_1858] {strides = array<i32>} : memref<160x128xf32, #tpu.memory_space<vmem>>, vector<1x16xf32>,
        %parallel_loop3A_1860 = vector.shape_cast %parallel_loop3A_1859 : vector<1x16xf32> to vector<16xf32>
        %parallel_loop3A_1861 = vector.shape_cast %parallel_loop3A_1856 : vector<16xf32> to vector<1x16xf32>
        tpu.vector_store %arg12[%parallel_loop3A_1857, %parallel_loop3A_1858], %parallel_loop3A_1861 {strides = array<i32>} : memref<160x128xf32, #tpu.memory_space<vmem>>, vector<1x16xf32>,
        %parallel_loop3A_1862 = arith.index_cast %parallel_loop3A_1781 : i32 to index
        %parallel_loop3A_1863 = arith.constant 80 : index
        %parallel_loop3A_1864 = tpu.vector_load %arg8[%parallel_loop3A_1862, %parallel_loop3A_1863] {strides = array<i32>} : memref<160x128xf32, #tpu.memory_space<vmem>>, vector<1x16xf32>,
        %parallel_loop3A_1865 = vector.shape_cast %parallel_loop3A_1864 : vector<1x16xf32> to vector<16xf32>
        %parallel_loop3A_1866 = arith.index_cast %parallel_loop3A_1781 : i32 to index
        %parallel_loop3A_1867 = arith.constant 80 : index
        %parallel_loop3A_1868 = tpu.vector_load %arg12[%parallel_loop3A_1866, %parallel_loop3A_1867] {strides = array<i32>} : memref<160x128xf32, #tpu.memory_space<vmem>>, vector<1x16xf32>,
        %parallel_loop3A_1869 = vector.shape_cast %parallel_loop3A_1868 : vector<1x16xf32> to vector<16xf32>
        %parallel_loop3A_1870 = arith.mulf %parallel_loop3A_1865, %parallel_loop3A_1869 : vector<16xf32>
        %parallel_loop3A_1871 = vector.broadcast %parallel_loop3A_1776 : f32 to vector<16xf32>
        %parallel_loop3A_1872 = arith.mulf %parallel_loop3A_1870, %parallel_loop3A_1871 : vector<16xf32>
        %parallel_loop3A_1873 = arith.index_cast %parallel_loop3A_1781 : i32 to index
        %parallel_loop3A_1874 = arith.constant 80 : index
        %parallel_loop3A_1875 = tpu.vector_load %arg12[%parallel_loop3A_1873, %parallel_loop3A_1874] {strides = array<i32>} : memref<160x128xf32, #tpu.memory_space<vmem>>, vector<1x16xf32>,
        %parallel_loop3A_1876 = vector.shape_cast %parallel_loop3A_1875 : vector<1x16xf32> to vector<16xf32>
        %parallel_loop3A_1877 = vector.shape_cast %parallel_loop3A_1872 : vector<16xf32> to vector<1x16xf32>
        tpu.vector_store %arg12[%parallel_loop3A_1873, %parallel_loop3A_1874], %parallel_loop3A_1877 {strides = array<i32>} : memref<160x128xf32, #tpu.memory_space<vmem>>, vector<1x16xf32>,
        %parallel_loop3A_1878 = arith.index_cast %parallel_loop3A_1781 : i32 to index
        %parallel_loop3A_1879 = arith.constant 96 : index
        %parallel_loop3A_1880 = tpu.vector_load %arg8[%parallel_loop3A_1878, %parallel_loop3A_1879] {strides = array<i32>} : memref<160x128xf32, #tpu.memory_space<vmem>>, vector<1x16xf32>,
        %parallel_loop3A_1881 = vector.shape_cast %parallel_loop3A_1880 : vector<1x16xf32> to vector<16xf32>
        %parallel_loop3A_1882 = arith.index_cast %parallel_loop3A_1781 : i32 to index
        %parallel_loop3A_1883 = arith.constant 96 : index
        %parallel_loop3A_1884 = tpu.vector_load %arg12[%parallel_loop3A_1882, %parallel_loop3A_1883] {strides = array<i32>} : memref<160x128xf32, #tpu.memory_space<vmem>>, vector<1x16xf32>,
        %parallel_loop3A_1885 = vector.shape_cast %parallel_loop3A_1884 : vector<1x16xf32> to vector<16xf32>
        %parallel_loop3A_1886 = arith.mulf %parallel_loop3A_1881, %parallel_loop3A_1885 : vector<16xf32>
        %parallel_loop3A_1887 = vector.broadcast %parallel_loop3A_1776 : f32 to vector<16xf32>
        %parallel_loop3A_1888 = arith.mulf %parallel_loop3A_1886, %parallel_loop3A_1887 : vector<16xf32>
        %parallel_loop3A_1889 = arith.index_cast %parallel_loop3A_1781 : i32 to index
        %parallel_loop3A_1890 = arith.constant 96 : index
        %parallel_loop3A_1891 = tpu.vector_load %arg12[%parallel_loop3A_1889, %parallel_loop3A_1890] {strides = array<i32>} : memref<160x128xf32, #tpu.memory_space<vmem>>, vector<1x16xf32>,
        %parallel_loop3A_1892 = vector.shape_cast %parallel_loop3A_1891 : vector<1x16xf32> to vector<16xf32>
        %parallel_loop3A_1893 = vector.shape_cast %parallel_loop3A_1888 : vector<16xf32> to vector<1x16xf32>
        tpu.vector_store %arg12[%parallel_loop3A_1889, %parallel_loop3A_1890], %parallel_loop3A_1893 {strides = array<i32>} : memref<160x128xf32, #tpu.memory_space<vmem>>, vector<1x16xf32>,
        %parallel_loop3A_1894 = arith.index_cast %parallel_loop3A_1781 : i32 to index
        %parallel_loop3A_1895 = arith.constant 112 : index
        %parallel_loop3A_1896 = tpu.vector_load %arg8[%parallel_loop3A_1894, %parallel_loop3A_1895] {strides = array<i32>} : memref<160x128xf32, #tpu.memory_space<vmem>>, vector<1x16xf32>,
        %parallel_loop3A_1897 = vector.shape_cast %parallel_loop3A_1896 : vector<1x16xf32> to vector<16xf32>
        %parallel_loop3A_1898 = arith.index_cast %parallel_loop3A_1781 : i32 to index
        %parallel_loop3A_1899 = arith.constant 112 : index
        %parallel_loop3A_1900 = tpu.vector_load %arg12[%parallel_loop3A_1898, %parallel_loop3A_1899] {strides = array<i32>} : memref<160x128xf32, #tpu.memory_space<vmem>>, vector<1x16xf32>,
        %parallel_loop3A_1901 = vector.shape_cast %parallel_loop3A_1900 : vector<1x16xf32> to vector<16xf32>
        %parallel_loop3A_1902 = arith.mulf %parallel_loop3A_1897, %parallel_loop3A_1901 : vector<16xf32>
        %parallel_loop3A_1903 = vector.broadcast %parallel_loop3A_1776 : f32 to vector<16xf32>
        %parallel_loop3A_1904 = arith.mulf %parallel_loop3A_1902, %parallel_loop3A_1903 : vector<16xf32>
        %parallel_loop3A_1905 = arith.index_cast %parallel_loop3A_1781 : i32 to index
        %parallel_loop3A_1906 = arith.constant 112 : index
        %parallel_loop3A_1907 = tpu.vector_load %arg12[%parallel_loop3A_1905, %parallel_loop3A_1906] {strides = array<i32>} : memref<160x128xf32, #tpu.memory_space<vmem>>, vector<1x16xf32>,
        %parallel_loop3A_1908 = vector.shape_cast %parallel_loop3A_1907 : vector<1x16xf32> to vector<16xf32>
        %parallel_loop3A_1909 = vector.shape_cast %parallel_loop3A_1904 : vector<16xf32> to vector<1x16xf32>
        tpu.vector_store %arg12[%parallel_loop3A_1905, %parallel_loop3A_1906], %parallel_loop3A_1909 {strides = array<i32>} : memref<160x128xf32, #tpu.memory_space<vmem>>, vector<1x16xf32>,
        %parallel_loop3A_1910 = vector.extract_strided_slice %parallel_loop3A_289 {offsets = [12], sizes = [1], strides = [1]} : vector<16xf32> to vector<1xf32>
        %parallel_loop3A_1911 = vector.extract %parallel_loop3A_1910[0] : f32 from vector<1xf32>
        %parallel_loop3A_1912 = arith.constant 16 : i32
        %parallel_loop3A_1913 = arith.muli %parallel_loop3A_280, %parallel_loop3A_1912 : i32
        %parallel_loop3A_1914 = arith.addi %mul3A_252, %parallel_loop3A_1913 : i32
        %parallel_loop3A_1915 = arith.constant 12 : i32
        %parallel_loop3A_1916 = arith.addi %parallel_loop3A_1914, %parallel_loop3A_1915 : i32
        %parallel_loop3A_1917 = arith.index_cast %parallel_loop3A_1916 : i32 to index
        %parallel_loop3A_1918 = arith.constant 0 : index
        %parallel_loop3A_1919 = tpu.vector_load %arg8[%parallel_loop3A_1917, %parallel_loop3A_1918] {strides = array<i32>} : memref<160x128xf32, #tpu.memory_space<vmem>>, vector<1x16xf32>,
        %parallel_loop3A_1920 = vector.shape_cast %parallel_loop3A_1919 : vector<1x16xf32> to vector<16xf32>
        %parallel_loop3A_1921 = arith.index_cast %parallel_loop3A_1916 : i32 to index
        %parallel_loop3A_1922 = arith.constant 0 : index
        %parallel_loop3A_1923 = tpu.vector_load %arg12[%parallel_loop3A_1921, %parallel_loop3A_1922] {strides = array<i32>} : memref<160x128xf32, #tpu.memory_space<vmem>>, vector<1x16xf32>,
        %parallel_loop3A_1924 = vector.shape_cast %parallel_loop3A_1923 : vector<1x16xf32> to vector<16xf32>
        %parallel_loop3A_1925 = arith.mulf %parallel_loop3A_1920, %parallel_loop3A_1924 : vector<16xf32>
        %parallel_loop3A_1926 = vector.broadcast %parallel_loop3A_1911 : f32 to vector<16xf32>
        %parallel_loop3A_1927 = arith.mulf %parallel_loop3A_1925, %parallel_loop3A_1926 : vector<16xf32>
        %parallel_loop3A_1928 = arith.index_cast %parallel_loop3A_1916 : i32 to index
        %parallel_loop3A_1929 = arith.constant 0 : index
        %parallel_loop3A_1930 = tpu.vector_load %arg12[%parallel_loop3A_1928, %parallel_loop3A_1929] {strides = array<i32>} : memref<160x128xf32, #tpu.memory_space<vmem>>, vector<1x16xf32>,
        %parallel_loop3A_1931 = vector.shape_cast %parallel_loop3A_1930 : vector<1x16xf32> to vector<16xf32>
        %parallel_loop3A_1932 = vector.shape_cast %parallel_loop3A_1927 : vector<16xf32> to vector<1x16xf32>
        tpu.vector_store %arg12[%parallel_loop3A_1928, %parallel_loop3A_1929], %parallel_loop3A_1932 {strides = array<i32>} : memref<160x128xf32, #tpu.memory_space<vmem>>, vector<1x16xf32>,
        %parallel_loop3A_1933 = arith.index_cast %parallel_loop3A_1916 : i32 to index
        %parallel_loop3A_1934 = arith.constant 16 : index
        %parallel_loop3A_1935 = tpu.vector_load %arg8[%parallel_loop3A_1933, %parallel_loop3A_1934] {strides = array<i32>} : memref<160x128xf32, #tpu.memory_space<vmem>>, vector<1x16xf32>,
        %parallel_loop3A_1936 = vector.shape_cast %parallel_loop3A_1935 : vector<1x16xf32> to vector<16xf32>
        %parallel_loop3A_1937 = arith.index_cast %parallel_loop3A_1916 : i32 to index
        %parallel_loop3A_1938 = arith.constant 16 : index
        %parallel_loop3A_1939 = tpu.vector_load %arg12[%parallel_loop3A_1937, %parallel_loop3A_1938] {strides = array<i32>} : memref<160x128xf32, #tpu.memory_space<vmem>>, vector<1x16xf32>,
        %parallel_loop3A_1940 = vector.shape_cast %parallel_loop3A_1939 : vector<1x16xf32> to vector<16xf32>
        %parallel_loop3A_1941 = arith.mulf %parallel_loop3A_1936, %parallel_loop3A_1940 : vector<16xf32>
        %parallel_loop3A_1942 = vector.broadcast %parallel_loop3A_1911 : f32 to vector<16xf32>
        %parallel_loop3A_1943 = arith.mulf %parallel_loop3A_1941, %parallel_loop3A_1942 : vector<16xf32>
        %parallel_loop3A_1944 = arith.index_cast %parallel_loop3A_1916 : i32 to index
        %parallel_loop3A_1945 = arith.constant 16 : index
        %parallel_loop3A_1946 = tpu.vector_load %arg12[%parallel_loop3A_1944, %parallel_loop3A_1945] {strides = array<i32>} : memref<160x128xf32, #tpu.memory_space<vmem>>, vector<1x16xf32>,
        %parallel_loop3A_1947 = vector.shape_cast %parallel_loop3A_1946 : vector<1x16xf32> to vector<16xf32>
        %parallel_loop3A_1948 = vector.shape_cast %parallel_loop3A_1943 : vector<16xf32> to vector<1x16xf32>
        tpu.vector_store %arg12[%parallel_loop3A_1944, %parallel_loop3A_1945], %parallel_loop3A_1948 {strides = array<i32>} : memref<160x128xf32, #tpu.memory_space<vmem>>, vector<1x16xf32>,
        %parallel_loop3A_1949 = arith.index_cast %parallel_loop3A_1916 : i32 to index
        %parallel_loop3A_1950 = arith.constant 32 : index
        %parallel_loop3A_1951 = tpu.vector_load %arg8[%parallel_loop3A_1949, %parallel_loop3A_1950] {strides = array<i32>} : memref<160x128xf32, #tpu.memory_space<vmem>>, vector<1x16xf32>,
        %parallel_loop3A_1952 = vector.shape_cast %parallel_loop3A_1951 : vector<1x16xf32> to vector<16xf32>
        %parallel_loop3A_1953 = arith.index_cast %parallel_loop3A_1916 : i32 to index
        %parallel_loop3A_1954 = arith.constant 32 : index
        %parallel_loop3A_1955 = tpu.vector_load %arg12[%parallel_loop3A_1953, %parallel_loop3A_1954] {strides = array<i32>} : memref<160x128xf32, #tpu.memory_space<vmem>>, vector<1x16xf32>,
        %parallel_loop3A_1956 = vector.shape_cast %parallel_loop3A_1955 : vector<1x16xf32> to vector<16xf32>
        %parallel_loop3A_1957 = arith.mulf %parallel_loop3A_1952, %parallel_loop3A_1956 : vector<16xf32>
        %parallel_loop3A_1958 = vector.broadcast %parallel_loop3A_1911 : f32 to vector<16xf32>
        %parallel_loop3A_1959 = arith.mulf %parallel_loop3A_1957, %parallel_loop3A_1958 : vector<16xf32>
        %parallel_loop3A_1960 = arith.index_cast %parallel_loop3A_1916 : i32 to index
        %parallel_loop3A_1961 = arith.constant 32 : index
        %parallel_loop3A_1962 = tpu.vector_load %arg12[%parallel_loop3A_1960, %parallel_loop3A_1961] {strides = array<i32>} : memref<160x128xf32, #tpu.memory_space<vmem>>, vector<1x16xf32>,
        %parallel_loop3A_1963 = vector.shape_cast %parallel_loop3A_1962 : vector<1x16xf32> to vector<16xf32>
        %parallel_loop3A_1964 = vector.shape_cast %parallel_loop3A_1959 : vector<16xf32> to vector<1x16xf32>
        tpu.vector_store %arg12[%parallel_loop3A_1960, %parallel_loop3A_1961], %parallel_loop3A_1964 {strides = array<i32>} : memref<160x128xf32, #tpu.memory_space<vmem>>, vector<1x16xf32>,
        %parallel_loop3A_1965 = arith.index_cast %parallel_loop3A_1916 : i32 to index
        %parallel_loop3A_1966 = arith.constant 48 : index
        %parallel_loop3A_1967 = tpu.vector_load %arg8[%parallel_loop3A_1965, %parallel_loop3A_1966] {strides = array<i32>} : memref<160x128xf32, #tpu.memory_space<vmem>>, vector<1x16xf32>,
        %parallel_loop3A_1968 = vector.shape_cast %parallel_loop3A_1967 : vector<1x16xf32> to vector<16xf32>
        %parallel_loop3A_1969 = arith.index_cast %parallel_loop3A_1916 : i32 to index
        %parallel_loop3A_1970 = arith.constant 48 : index
        %parallel_loop3A_1971 = tpu.vector_load %arg12[%parallel_loop3A_1969, %parallel_loop3A_1970] {strides = array<i32>} : memref<160x128xf32, #tpu.memory_space<vmem>>, vector<1x16xf32>,
        %parallel_loop3A_1972 = vector.shape_cast %parallel_loop3A_1971 : vector<1x16xf32> to vector<16xf32>
        %parallel_loop3A_1973 = arith.mulf %parallel_loop3A_1968, %parallel_loop3A_1972 : vector<16xf32>
        %parallel_loop3A_1974 = vector.broadcast %parallel_loop3A_1911 : f32 to vector<16xf32>
        %parallel_loop3A_1975 = arith.mulf %parallel_loop3A_1973, %parallel_loop3A_1974 : vector<16xf32>
        %parallel_loop3A_1976 = arith.index_cast %parallel_loop3A_1916 : i32 to index
        %parallel_loop3A_1977 = arith.constant 48 : index
        %parallel_loop3A_1978 = tpu.vector_load %arg12[%parallel_loop3A_1976, %parallel_loop3A_1977] {strides = array<i32>} : memref<160x128xf32, #tpu.memory_space<vmem>>, vector<1x16xf32>,
        %parallel_loop3A_1979 = vector.shape_cast %parallel_loop3A_1978 : vector<1x16xf32> to vector<16xf32>
        %parallel_loop3A_1980 = vector.shape_cast %parallel_loop3A_1975 : vector<16xf32> to vector<1x16xf32>
        tpu.vector_store %arg12[%parallel_loop3A_1976, %parallel_loop3A_1977], %parallel_loop3A_1980 {strides = array<i32>} : memref<160x128xf32, #tpu.memory_space<vmem>>, vector<1x16xf32>,
        %parallel_loop3A_1981 = arith.index_cast %parallel_loop3A_1916 : i32 to index
        %parallel_loop3A_1982 = arith.constant 64 : index
        %parallel_loop3A_1983 = tpu.vector_load %arg8[%parallel_loop3A_1981, %parallel_loop3A_1982] {strides = array<i32>} : memref<160x128xf32, #tpu.memory_space<vmem>>, vector<1x16xf32>,
        %parallel_loop3A_1984 = vector.shape_cast %parallel_loop3A_1983 : vector<1x16xf32> to vector<16xf32>
        %parallel_loop3A_1985 = arith.index_cast %parallel_loop3A_1916 : i32 to index
        %parallel_loop3A_1986 = arith.constant 64 : index
        %parallel_loop3A_1987 = tpu.vector_load %arg12[%parallel_loop3A_1985, %parallel_loop3A_1986] {strides = array<i32>} : memref<160x128xf32, #tpu.memory_space<vmem>>, vector<1x16xf32>,
        %parallel_loop3A_1988 = vector.shape_cast %parallel_loop3A_1987 : vector<1x16xf32> to vector<16xf32>
        %parallel_loop3A_1989 = arith.mulf %parallel_loop3A_1984, %parallel_loop3A_1988 : vector<16xf32>
        %parallel_loop3A_1990 = vector.broadcast %parallel_loop3A_1911 : f32 to vector<16xf32>
        %parallel_loop3A_1991 = arith.mulf %parallel_loop3A_1989, %parallel_loop3A_1990 : vector<16xf32>
        %parallel_loop3A_1992 = arith.index_cast %parallel_loop3A_1916 : i32 to index
        %parallel_loop3A_1993 = arith.constant 64 : index
        %parallel_loop3A_1994 = tpu.vector_load %arg12[%parallel_loop3A_1992, %parallel_loop3A_1993] {strides = array<i32>} : memref<160x128xf32, #tpu.memory_space<vmem>>, vector<1x16xf32>,
        %parallel_loop3A_1995 = vector.shape_cast %parallel_loop3A_1994 : vector<1x16xf32> to vector<16xf32>
        %parallel_loop3A_1996 = vector.shape_cast %parallel_loop3A_1991 : vector<16xf32> to vector<1x16xf32>
        tpu.vector_store %arg12[%parallel_loop3A_1992, %parallel_loop3A_1993], %parallel_loop3A_1996 {strides = array<i32>} : memref<160x128xf32, #tpu.memory_space<vmem>>, vector<1x16xf32>,
        %parallel_loop3A_1997 = arith.index_cast %parallel_loop3A_1916 : i32 to index
        %parallel_loop3A_1998 = arith.constant 80 : index
        %parallel_loop3A_1999 = tpu.vector_load %arg8[%parallel_loop3A_1997, %parallel_loop3A_1998] {strides = array<i32>} : memref<160x128xf32, #tpu.memory_space<vmem>>, vector<1x16xf32>,
        %parallel_loop3A_2000 = vector.shape_cast %parallel_loop3A_1999 : vector<1x16xf32> to vector<16xf32>
        %parallel_loop3A_2001 = arith.index_cast %parallel_loop3A_1916 : i32 to index
        %parallel_loop3A_2002 = arith.constant 80 : index
        %parallel_loop3A_2003 = tpu.vector_load %arg12[%parallel_loop3A_2001, %parallel_loop3A_2002] {strides = array<i32>} : memref<160x128xf32, #tpu.memory_space<vmem>>, vector<1x16xf32>,
        %parallel_loop3A_2004 = vector.shape_cast %parallel_loop3A_2003 : vector<1x16xf32> to vector<16xf32>
        %parallel_loop3A_2005 = arith.mulf %parallel_loop3A_2000, %parallel_loop3A_2004 : vector<16xf32>
        %parallel_loop3A_2006 = vector.broadcast %parallel_loop3A_1911 : f32 to vector<16xf32>
        %parallel_loop3A_2007 = arith.mulf %parallel_loop3A_2005, %parallel_loop3A_2006 : vector<16xf32>
        %parallel_loop3A_2008 = arith.index_cast %parallel_loop3A_1916 : i32 to index
        %parallel_loop3A_2009 = arith.constant 80 : index
        %parallel_loop3A_2010 = tpu.vector_load %arg12[%parallel_loop3A_2008, %parallel_loop3A_2009] {strides = array<i32>} : memref<160x128xf32, #tpu.memory_space<vmem>>, vector<1x16xf32>,
        %parallel_loop3A_2011 = vector.shape_cast %parallel_loop3A_2010 : vector<1x16xf32> to vector<16xf32>
        %parallel_loop3A_2012 = vector.shape_cast %parallel_loop3A_2007 : vector<16xf32> to vector<1x16xf32>
        tpu.vector_store %arg12[%parallel_loop3A_2008, %parallel_loop3A_2009], %parallel_loop3A_2012 {strides = array<i32>} : memref<160x128xf32, #tpu.memory_space<vmem>>, vector<1x16xf32>,
        %parallel_loop3A_2013 = arith.index_cast %parallel_loop3A_1916 : i32 to index
        %parallel_loop3A_2014 = arith.constant 96 : index
        %parallel_loop3A_2015 = tpu.vector_load %arg8[%parallel_loop3A_2013, %parallel_loop3A_2014] {strides = array<i32>} : memref<160x128xf32, #tpu.memory_space<vmem>>, vector<1x16xf32>,
        %parallel_loop3A_2016 = vector.shape_cast %parallel_loop3A_2015 : vector<1x16xf32> to vector<16xf32>
        %parallel_loop3A_2017 = arith.index_cast %parallel_loop3A_1916 : i32 to index
        %parallel_loop3A_2018 = arith.constant 96 : index
        %parallel_loop3A_2019 = tpu.vector_load %arg12[%parallel_loop3A_2017, %parallel_loop3A_2018] {strides = array<i32>} : memref<160x128xf32, #tpu.memory_space<vmem>>, vector<1x16xf32>,
        %parallel_loop3A_2020 = vector.shape_cast %parallel_loop3A_2019 : vector<1x16xf32> to vector<16xf32>
        %parallel_loop3A_2021 = arith.mulf %parallel_loop3A_2016, %parallel_loop3A_2020 : vector<16xf32>
        %parallel_loop3A_2022 = vector.broadcast %parallel_loop3A_1911 : f32 to vector<16xf32>
        %parallel_loop3A_2023 = arith.mulf %parallel_loop3A_2021, %parallel_loop3A_2022 : vector<16xf32>
        %parallel_loop3A_2024 = arith.index_cast %parallel_loop3A_1916 : i32 to index
        %parallel_loop3A_2025 = arith.constant 96 : index
        %parallel_loop3A_2026 = tpu.vector_load %arg12[%parallel_loop3A_2024, %parallel_loop3A_2025] {strides = array<i32>} : memref<160x128xf32, #tpu.memory_space<vmem>>, vector<1x16xf32>,
        %parallel_loop3A_2027 = vector.shape_cast %parallel_loop3A_2026 : vector<1x16xf32> to vector<16xf32>
        %parallel_loop3A_2028 = vector.shape_cast %parallel_loop3A_2023 : vector<16xf32> to vector<1x16xf32>
        tpu.vector_store %arg12[%parallel_loop3A_2024, %parallel_loop3A_2025], %parallel_loop3A_2028 {strides = array<i32>} : memref<160x128xf32, #tpu.memory_space<vmem>>, vector<1x16xf32>,
        %parallel_loop3A_2029 = arith.index_cast %parallel_loop3A_1916 : i32 to index
        %parallel_loop3A_2030 = arith.constant 112 : index
        %parallel_loop3A_2031 = tpu.vector_load %arg8[%parallel_loop3A_2029, %parallel_loop3A_2030] {strides = array<i32>} : memref<160x128xf32, #tpu.memory_space<vmem>>, vector<1x16xf32>,
        %parallel_loop3A_2032 = vector.shape_cast %parallel_loop3A_2031 : vector<1x16xf32> to vector<16xf32>
        %parallel_loop3A_2033 = arith.index_cast %parallel_loop3A_1916 : i32 to index
        %parallel_loop3A_2034 = arith.constant 112 : index
        %parallel_loop3A_2035 = tpu.vector_load %arg12[%parallel_loop3A_2033, %parallel_loop3A_2034] {strides = array<i32>} : memref<160x128xf32, #tpu.memory_space<vmem>>, vector<1x16xf32>,
        %parallel_loop3A_2036 = vector.shape_cast %parallel_loop3A_2035 : vector<1x16xf32> to vector<16xf32>
        %parallel_loop3A_2037 = arith.mulf %parallel_loop3A_2032, %parallel_loop3A_2036 : vector<16xf32>
        %parallel_loop3A_2038 = vector.broadcast %parallel_loop3A_1911 : f32 to vector<16xf32>
        %parallel_loop3A_2039 = arith.mulf %parallel_loop3A_2037, %parallel_loop3A_2038 : vector<16xf32>
        %parallel_loop3A_2040 = arith.index_cast %parallel_loop3A_1916 : i32 to index
        %parallel_loop3A_2041 = arith.constant 112 : index
        %parallel_loop3A_2042 = tpu.vector_load %arg12[%parallel_loop3A_2040, %parallel_loop3A_2041] {strides = array<i32>} : memref<160x128xf32, #tpu.memory_space<vmem>>, vector<1x16xf32>,
        %parallel_loop3A_2043 = vector.shape_cast %parallel_loop3A_2042 : vector<1x16xf32> to vector<16xf32>
        %parallel_loop3A_2044 = vector.shape_cast %parallel_loop3A_2039 : vector<16xf32> to vector<1x16xf32>
        tpu.vector_store %arg12[%parallel_loop3A_2040, %parallel_loop3A_2041], %parallel_loop3A_2044 {strides = array<i32>} : memref<160x128xf32, #tpu.memory_space<vmem>>, vector<1x16xf32>,
        %parallel_loop3A_2045 = vector.extract_strided_slice %parallel_loop3A_289 {offsets = [13], sizes = [1], strides = [1]} : vector<16xf32> to vector<1xf32>
        %parallel_loop3A_2046 = vector.extract %parallel_loop3A_2045[0] : f32 from vector<1xf32>
        %parallel_loop3A_2047 = arith.constant 16 : i32
        %parallel_loop3A_2048 = arith.muli %parallel_loop3A_280, %parallel_loop3A_2047 : i32
        %parallel_loop3A_2049 = arith.addi %mul3A_252, %parallel_loop3A_2048 : i32
        %parallel_loop3A_2050 = arith.constant 13 : i32
        %parallel_loop3A_2051 = arith.addi %parallel_loop3A_2049, %parallel_loop3A_2050 : i32
        %parallel_loop3A_2052 = arith.index_cast %parallel_loop3A_2051 : i32 to index
        %parallel_loop3A_2053 = arith.constant 0 : index
        %parallel_loop3A_2054 = tpu.vector_load %arg8[%parallel_loop3A_2052, %parallel_loop3A_2053] {strides = array<i32>} : memref<160x128xf32, #tpu.memory_space<vmem>>, vector<1x16xf32>,
        %parallel_loop3A_2055 = vector.shape_cast %parallel_loop3A_2054 : vector<1x16xf32> to vector<16xf32>
        %parallel_loop3A_2056 = arith.index_cast %parallel_loop3A_2051 : i32 to index
        %parallel_loop3A_2057 = arith.constant 0 : index
        %parallel_loop3A_2058 = tpu.vector_load %arg12[%parallel_loop3A_2056, %parallel_loop3A_2057] {strides = array<i32>} : memref<160x128xf32, #tpu.memory_space<vmem>>, vector<1x16xf32>,
        %parallel_loop3A_2059 = vector.shape_cast %parallel_loop3A_2058 : vector<1x16xf32> to vector<16xf32>
        %parallel_loop3A_2060 = arith.mulf %parallel_loop3A_2055, %parallel_loop3A_2059 : vector<16xf32>
        %parallel_loop3A_2061 = vector.broadcast %parallel_loop3A_2046 : f32 to vector<16xf32>
        %parallel_loop3A_2062 = arith.mulf %parallel_loop3A_2060, %parallel_loop3A_2061 : vector<16xf32>
        %parallel_loop3A_2063 = arith.index_cast %parallel_loop3A_2051 : i32 to index
        %parallel_loop3A_2064 = arith.constant 0 : index
        %parallel_loop3A_2065 = tpu.vector_load %arg12[%parallel_loop3A_2063, %parallel_loop3A_2064] {strides = array<i32>} : memref<160x128xf32, #tpu.memory_space<vmem>>, vector<1x16xf32>,
        %parallel_loop3A_2066 = vector.shape_cast %parallel_loop3A_2065 : vector<1x16xf32> to vector<16xf32>
        %parallel_loop3A_2067 = vector.shape_cast %parallel_loop3A_2062 : vector<16xf32> to vector<1x16xf32>
        tpu.vector_store %arg12[%parallel_loop3A_2063, %parallel_loop3A_2064], %parallel_loop3A_2067 {strides = array<i32>} : memref<160x128xf32, #tpu.memory_space<vmem>>, vector<1x16xf32>,
        %parallel_loop3A_2068 = arith.index_cast %parallel_loop3A_2051 : i32 to index
        %parallel_loop3A_2069 = arith.constant 16 : index
        %parallel_loop3A_2070 = tpu.vector_load %arg8[%parallel_loop3A_2068, %parallel_loop3A_2069] {strides = array<i32>} : memref<160x128xf32, #tpu.memory_space<vmem>>, vector<1x16xf32>,
        %parallel_loop3A_2071 = vector.shape_cast %parallel_loop3A_2070 : vector<1x16xf32> to vector<16xf32>
        %parallel_loop3A_2072 = arith.index_cast %parallel_loop3A_2051 : i32 to index
        %parallel_loop3A_2073 = arith.constant 16 : index
        %parallel_loop3A_2074 = tpu.vector_load %arg12[%parallel_loop3A_2072, %parallel_loop3A_2073] {strides = array<i32>} : memref<160x128xf32, #tpu.memory_space<vmem>>, vector<1x16xf32>,
        %parallel_loop3A_2075 = vector.shape_cast %parallel_loop3A_2074 : vector<1x16xf32> to vector<16xf32>
        %parallel_loop3A_2076 = arith.mulf %parallel_loop3A_2071, %parallel_loop3A_2075 : vector<16xf32>
        %parallel_loop3A_2077 = vector.broadcast %parallel_loop3A_2046 : f32 to vector<16xf32>
        %parallel_loop3A_2078 = arith.mulf %parallel_loop3A_2076, %parallel_loop3A_2077 : vector<16xf32>
        %parallel_loop3A_2079 = arith.index_cast %parallel_loop3A_2051 : i32 to index
        %parallel_loop3A_2080 = arith.constant 16 : index
        %parallel_loop3A_2081 = tpu.vector_load %arg12[%parallel_loop3A_2079, %parallel_loop3A_2080] {strides = array<i32>} : memref<160x128xf32, #tpu.memory_space<vmem>>, vector<1x16xf32>,
        %parallel_loop3A_2082 = vector.shape_cast %parallel_loop3A_2081 : vector<1x16xf32> to vector<16xf32>
        %parallel_loop3A_2083 = vector.shape_cast %parallel_loop3A_2078 : vector<16xf32> to vector<1x16xf32>
        tpu.vector_store %arg12[%parallel_loop3A_2079, %parallel_loop3A_2080], %parallel_loop3A_2083 {strides = array<i32>} : memref<160x128xf32, #tpu.memory_space<vmem>>, vector<1x16xf32>,
        %parallel_loop3A_2084 = arith.index_cast %parallel_loop3A_2051 : i32 to index
        %parallel_loop3A_2085 = arith.constant 32 : index
        %parallel_loop3A_2086 = tpu.vector_load %arg8[%parallel_loop3A_2084, %parallel_loop3A_2085] {strides = array<i32>} : memref<160x128xf32, #tpu.memory_space<vmem>>, vector<1x16xf32>,
        %parallel_loop3A_2087 = vector.shape_cast %parallel_loop3A_2086 : vector<1x16xf32> to vector<16xf32>
        %parallel_loop3A_2088 = arith.index_cast %parallel_loop3A_2051 : i32 to index
        %parallel_loop3A_2089 = arith.constant 32 : index
        %parallel_loop3A_2090 = tpu.vector_load %arg12[%parallel_loop3A_2088, %parallel_loop3A_2089] {strides = array<i32>} : memref<160x128xf32, #tpu.memory_space<vmem>>, vector<1x16xf32>,
        %parallel_loop3A_2091 = vector.shape_cast %parallel_loop3A_2090 : vector<1x16xf32> to vector<16xf32>
        %parallel_loop3A_2092 = arith.mulf %parallel_loop3A_2087, %parallel_loop3A_2091 : vector<16xf32>
        %parallel_loop3A_2093 = vector.broadcast %parallel_loop3A_2046 : f32 to vector<16xf32>
        %parallel_loop3A_2094 = arith.mulf %parallel_loop3A_2092, %parallel_loop3A_2093 : vector<16xf32>
        %parallel_loop3A_2095 = arith.index_cast %parallel_loop3A_2051 : i32 to index
        %parallel_loop3A_2096 = arith.constant 32 : index
        %parallel_loop3A_2097 = tpu.vector_load %arg12[%parallel_loop3A_2095, %parallel_loop3A_2096] {strides = array<i32>} : memref<160x128xf32, #tpu.memory_space<vmem>>, vector<1x16xf32>,
        %parallel_loop3A_2098 = vector.shape_cast %parallel_loop3A_2097 : vector<1x16xf32> to vector<16xf32>
        %parallel_loop3A_2099 = vector.shape_cast %parallel_loop3A_2094 : vector<16xf32> to vector<1x16xf32>
        tpu.vector_store %arg12[%parallel_loop3A_2095, %parallel_loop3A_2096], %parallel_loop3A_2099 {strides = array<i32>} : memref<160x128xf32, #tpu.memory_space<vmem>>, vector<1x16xf32>,
        %parallel_loop3A_2100 = arith.index_cast %parallel_loop3A_2051 : i32 to index
        %parallel_loop3A_2101 = arith.constant 48 : index
        %parallel_loop3A_2102 = tpu.vector_load %arg8[%parallel_loop3A_2100, %parallel_loop3A_2101] {strides = array<i32>} : memref<160x128xf32, #tpu.memory_space<vmem>>, vector<1x16xf32>,
        %parallel_loop3A_2103 = vector.shape_cast %parallel_loop3A_2102 : vector<1x16xf32> to vector<16xf32>
        %parallel_loop3A_2104 = arith.index_cast %parallel_loop3A_2051 : i32 to index
        %parallel_loop3A_2105 = arith.constant 48 : index
        %parallel_loop3A_2106 = tpu.vector_load %arg12[%parallel_loop3A_2104, %parallel_loop3A_2105] {strides = array<i32>} : memref<160x128xf32, #tpu.memory_space<vmem>>, vector<1x16xf32>,
        %parallel_loop3A_2107 = vector.shape_cast %parallel_loop3A_2106 : vector<1x16xf32> to vector<16xf32>
        %parallel_loop3A_2108 = arith.mulf %parallel_loop3A_2103, %parallel_loop3A_2107 : vector<16xf32>
        %parallel_loop3A_2109 = vector.broadcast %parallel_loop3A_2046 : f32 to vector<16xf32>
        %parallel_loop3A_2110 = arith.mulf %parallel_loop3A_2108, %parallel_loop3A_2109 : vector<16xf32>
        %parallel_loop3A_2111 = arith.index_cast %parallel_loop3A_2051 : i32 to index
        %parallel_loop3A_2112 = arith.constant 48 : index
        %parallel_loop3A_2113 = tpu.vector_load %arg12[%parallel_loop3A_2111, %parallel_loop3A_2112] {strides = array<i32>} : memref<160x128xf32, #tpu.memory_space<vmem>>, vector<1x16xf32>,
        %parallel_loop3A_2114 = vector.shape_cast %parallel_loop3A_2113 : vector<1x16xf32> to vector<16xf32>
        %parallel_loop3A_2115 = vector.shape_cast %parallel_loop3A_2110 : vector<16xf32> to vector<1x16xf32>
        tpu.vector_store %arg12[%parallel_loop3A_2111, %parallel_loop3A_2112], %parallel_loop3A_2115 {strides = array<i32>} : memref<160x128xf32, #tpu.memory_space<vmem>>, vector<1x16xf32>,
        %parallel_loop3A_2116 = arith.index_cast %parallel_loop3A_2051 : i32 to index
        %parallel_loop3A_2117 = arith.constant 64 : index
        %parallel_loop3A_2118 = tpu.vector_load %arg8[%parallel_loop3A_2116, %parallel_loop3A_2117] {strides = array<i32>} : memref<160x128xf32, #tpu.memory_space<vmem>>, vector<1x16xf32>,
        %parallel_loop3A_2119 = vector.shape_cast %parallel_loop3A_2118 : vector<1x16xf32> to vector<16xf32>
        %parallel_loop3A_2120 = arith.index_cast %parallel_loop3A_2051 : i32 to index
        %parallel_loop3A_2121 = arith.constant 64 : index
        %parallel_loop3A_2122 = tpu.vector_load %arg12[%parallel_loop3A_2120, %parallel_loop3A_2121] {strides = array<i32>} : memref<160x128xf32, #tpu.memory_space<vmem>>, vector<1x16xf32>,
        %parallel_loop3A_2123 = vector.shape_cast %parallel_loop3A_2122 : vector<1x16xf32> to vector<16xf32>
        %parallel_loop3A_2124 = arith.mulf %parallel_loop3A_2119, %parallel_loop3A_2123 : vector<16xf32>
        %parallel_loop3A_2125 = vector.broadcast %parallel_loop3A_2046 : f32 to vector<16xf32>
        %parallel_loop3A_2126 = arith.mulf %parallel_loop3A_2124, %parallel_loop3A_2125 : vector<16xf32>
        %parallel_loop3A_2127 = arith.index_cast %parallel_loop3A_2051 : i32 to index
        %parallel_loop3A_2128 = arith.constant 64 : index
        %parallel_loop3A_2129 = tpu.vector_load %arg12[%parallel_loop3A_2127, %parallel_loop3A_2128] {strides = array<i32>} : memref<160x128xf32, #tpu.memory_space<vmem>>, vector<1x16xf32>,
        %parallel_loop3A_2130 = vector.shape_cast %parallel_loop3A_2129 : vector<1x16xf32> to vector<16xf32>
        %parallel_loop3A_2131 = vector.shape_cast %parallel_loop3A_2126 : vector<16xf32> to vector<1x16xf32>
        tpu.vector_store %arg12[%parallel_loop3A_2127, %parallel_loop3A_2128], %parallel_loop3A_2131 {strides = array<i32>} : memref<160x128xf32, #tpu.memory_space<vmem>>, vector<1x16xf32>,
        %parallel_loop3A_2132 = arith.index_cast %parallel_loop3A_2051 : i32 to index
        %parallel_loop3A_2133 = arith.constant 80 : index
        %parallel_loop3A_2134 = tpu.vector_load %arg8[%parallel_loop3A_2132, %parallel_loop3A_2133] {strides = array<i32>} : memref<160x128xf32, #tpu.memory_space<vmem>>, vector<1x16xf32>,
        %parallel_loop3A_2135 = vector.shape_cast %parallel_loop3A_2134 : vector<1x16xf32> to vector<16xf32>
        %parallel_loop3A_2136 = arith.index_cast %parallel_loop3A_2051 : i32 to index
        %parallel_loop3A_2137 = arith.constant 80 : index
        %parallel_loop3A_2138 = tpu.vector_load %arg12[%parallel_loop3A_2136, %parallel_loop3A_2137] {strides = array<i32>} : memref<160x128xf32, #tpu.memory_space<vmem>>, vector<1x16xf32>,
        %parallel_loop3A_2139 = vector.shape_cast %parallel_loop3A_2138 : vector<1x16xf32> to vector<16xf32>
        %parallel_loop3A_2140 = arith.mulf %parallel_loop3A_2135, %parallel_loop3A_2139 : vector<16xf32>
        %parallel_loop3A_2141 = vector.broadcast %parallel_loop3A_2046 : f32 to vector<16xf32>
        %parallel_loop3A_2142 = arith.mulf %parallel_loop3A_2140, %parallel_loop3A_2141 : vector<16xf32>
        %parallel_loop3A_2143 = arith.index_cast %parallel_loop3A_2051 : i32 to index
        %parallel_loop3A_2144 = arith.constant 80 : index
        %parallel_loop3A_2145 = tpu.vector_load %arg12[%parallel_loop3A_2143, %parallel_loop3A_2144] {strides = array<i32>} : memref<160x128xf32, #tpu.memory_space<vmem>>, vector<1x16xf32>,
        %parallel_loop3A_2146 = vector.shape_cast %parallel_loop3A_2145 : vector<1x16xf32> to vector<16xf32>
        %parallel_loop3A_2147 = vector.shape_cast %parallel_loop3A_2142 : vector<16xf32> to vector<1x16xf32>
        tpu.vector_store %arg12[%parallel_loop3A_2143, %parallel_loop3A_2144], %parallel_loop3A_2147 {strides = array<i32>} : memref<160x128xf32, #tpu.memory_space<vmem>>, vector<1x16xf32>,
        %parallel_loop3A_2148 = arith.index_cast %parallel_loop3A_2051 : i32 to index
        %parallel_loop3A_2149 = arith.constant 96 : index
        %parallel_loop3A_2150 = tpu.vector_load %arg8[%parallel_loop3A_2148, %parallel_loop3A_2149] {strides = array<i32>} : memref<160x128xf32, #tpu.memory_space<vmem>>, vector<1x16xf32>,
        %parallel_loop3A_2151 = vector.shape_cast %parallel_loop3A_2150 : vector<1x16xf32> to vector<16xf32>
        %parallel_loop3A_2152 = arith.index_cast %parallel_loop3A_2051 : i32 to index
        %parallel_loop3A_2153 = arith.constant 96 : index
        %parallel_loop3A_2154 = tpu.vector_load %arg12[%parallel_loop3A_2152, %parallel_loop3A_2153] {strides = array<i32>} : memref<160x128xf32, #tpu.memory_space<vmem>>, vector<1x16xf32>,
        %parallel_loop3A_2155 = vector.shape_cast %parallel_loop3A_2154 : vector<1x16xf32> to vector<16xf32>
        %parallel_loop3A_2156 = arith.mulf %parallel_loop3A_2151, %parallel_loop3A_2155 : vector<16xf32>
        %parallel_loop3A_2157 = vector.broadcast %parallel_loop3A_2046 : f32 to vector<16xf32>
        %parallel_loop3A_2158 = arith.mulf %parallel_loop3A_2156, %parallel_loop3A_2157 : vector<16xf32>
        %parallel_loop3A_2159 = arith.index_cast %parallel_loop3A_2051 : i32 to index
        %parallel_loop3A_2160 = arith.constant 96 : index
        %parallel_loop3A_2161 = tpu.vector_load %arg12[%parallel_loop3A_2159, %parallel_loop3A_2160] {strides = array<i32>} : memref<160x128xf32, #tpu.memory_space<vmem>>, vector<1x16xf32>,
        %parallel_loop3A_2162 = vector.shape_cast %parallel_loop3A_2161 : vector<1x16xf32> to vector<16xf32>
        %parallel_loop3A_2163 = vector.shape_cast %parallel_loop3A_2158 : vector<16xf32> to vector<1x16xf32>
        tpu.vector_store %arg12[%parallel_loop3A_2159, %parallel_loop3A_2160], %parallel_loop3A_2163 {strides = array<i32>} : memref<160x128xf32, #tpu.memory_space<vmem>>, vector<1x16xf32>,
        %parallel_loop3A_2164 = arith.index_cast %parallel_loop3A_2051 : i32 to index
        %parallel_loop3A_2165 = arith.constant 112 : index
        %parallel_loop3A_2166 = tpu.vector_load %arg8[%parallel_loop3A_2164, %parallel_loop3A_2165] {strides = array<i32>} : memref<160x128xf32, #tpu.memory_space<vmem>>, vector<1x16xf32>,
        %parallel_loop3A_2167 = vector.shape_cast %parallel_loop3A_2166 : vector<1x16xf32> to vector<16xf32>
        %parallel_loop3A_2168 = arith.index_cast %parallel_loop3A_2051 : i32 to index
        %parallel_loop3A_2169 = arith.constant 112 : index
        %parallel_loop3A_2170 = tpu.vector_load %arg12[%parallel_loop3A_2168, %parallel_loop3A_2169] {strides = array<i32>} : memref<160x128xf32, #tpu.memory_space<vmem>>, vector<1x16xf32>,
        %parallel_loop3A_2171 = vector.shape_cast %parallel_loop3A_2170 : vector<1x16xf32> to vector<16xf32>
        %parallel_loop3A_2172 = arith.mulf %parallel_loop3A_2167, %parallel_loop3A_2171 : vector<16xf32>
        %parallel_loop3A_2173 = vector.broadcast %parallel_loop3A_2046 : f32 to vector<16xf32>
        %parallel_loop3A_2174 = arith.mulf %parallel_loop3A_2172, %parallel_loop3A_2173 : vector<16xf32>
        %parallel_loop3A_2175 = arith.index_cast %parallel_loop3A_2051 : i32 to index
        %parallel_loop3A_2176 = arith.constant 112 : index
        %parallel_loop3A_2177 = tpu.vector_load %arg12[%parallel_loop3A_2175, %parallel_loop3A_2176] {strides = array<i32>} : memref<160x128xf32, #tpu.memory_space<vmem>>, vector<1x16xf32>,
        %parallel_loop3A_2178 = vector.shape_cast %parallel_loop3A_2177 : vector<1x16xf32> to vector<16xf32>
        %parallel_loop3A_2179 = vector.shape_cast %parallel_loop3A_2174 : vector<16xf32> to vector<1x16xf32>
        tpu.vector_store %arg12[%parallel_loop3A_2175, %parallel_loop3A_2176], %parallel_loop3A_2179 {strides = array<i32>} : memref<160x128xf32, #tpu.memory_space<vmem>>, vector<1x16xf32>,
        %parallel_loop3A_2180 = vector.extract_strided_slice %parallel_loop3A_289 {offsets = [14], sizes = [1], strides = [1]} : vector<16xf32> to vector<1xf32>
        %parallel_loop3A_2181 = vector.extract %parallel_loop3A_2180[0] : f32 from vector<1xf32>
        %parallel_loop3A_2182 = arith.constant 16 : i32
        %parallel_loop3A_2183 = arith.muli %parallel_loop3A_280, %parallel_loop3A_2182 : i32
        %parallel_loop3A_2184 = arith.addi %mul3A_252, %parallel_loop3A_2183 : i32
        %parallel_loop3A_2185 = arith.constant 14 : i32
        %parallel_loop3A_2186 = arith.addi %parallel_loop3A_2184, %parallel_loop3A_2185 : i32
        %parallel_loop3A_2187 = arith.index_cast %parallel_loop3A_2186 : i32 to index
        %parallel_loop3A_2188 = arith.constant 0 : index
        %parallel_loop3A_2189 = tpu.vector_load %arg8[%parallel_loop3A_2187, %parallel_loop3A_2188] {strides = array<i32>} : memref<160x128xf32, #tpu.memory_space<vmem>>, vector<1x16xf32>,
        %parallel_loop3A_2190 = vector.shape_cast %parallel_loop3A_2189 : vector<1x16xf32> to vector<16xf32>
        %parallel_loop3A_2191 = arith.index_cast %parallel_loop3A_2186 : i32 to index
        %parallel_loop3A_2192 = arith.constant 0 : index
        %parallel_loop3A_2193 = tpu.vector_load %arg12[%parallel_loop3A_2191, %parallel_loop3A_2192] {strides = array<i32>} : memref<160x128xf32, #tpu.memory_space<vmem>>, vector<1x16xf32>,
        %parallel_loop3A_2194 = vector.shape_cast %parallel_loop3A_2193 : vector<1x16xf32> to vector<16xf32>
        %parallel_loop3A_2195 = arith.mulf %parallel_loop3A_2190, %parallel_loop3A_2194 : vector<16xf32>
        %parallel_loop3A_2196 = vector.broadcast %parallel_loop3A_2181 : f32 to vector<16xf32>
        %parallel_loop3A_2197 = arith.mulf %parallel_loop3A_2195, %parallel_loop3A_2196 : vector<16xf32>
        %parallel_loop3A_2198 = arith.index_cast %parallel_loop3A_2186 : i32 to index
        %parallel_loop3A_2199 = arith.constant 0 : index
        %parallel_loop3A_2200 = tpu.vector_load %arg12[%parallel_loop3A_2198, %parallel_loop3A_2199] {strides = array<i32>} : memref<160x128xf32, #tpu.memory_space<vmem>>, vector<1x16xf32>,
        %parallel_loop3A_2201 = vector.shape_cast %parallel_loop3A_2200 : vector<1x16xf32> to vector<16xf32>
        %parallel_loop3A_2202 = vector.shape_cast %parallel_loop3A_2197 : vector<16xf32> to vector<1x16xf32>
        tpu.vector_store %arg12[%parallel_loop3A_2198, %parallel_loop3A_2199], %parallel_loop3A_2202 {strides = array<i32>} : memref<160x128xf32, #tpu.memory_space<vmem>>, vector<1x16xf32>,
        %parallel_loop3A_2203 = arith.index_cast %parallel_loop3A_2186 : i32 to index
        %parallel_loop3A_2204 = arith.constant 16 : index
        %parallel_loop3A_2205 = tpu.vector_load %arg8[%parallel_loop3A_2203, %parallel_loop3A_2204] {strides = array<i32>} : memref<160x128xf32, #tpu.memory_space<vmem>>, vector<1x16xf32>,
        %parallel_loop3A_2206 = vector.shape_cast %parallel_loop3A_2205 : vector<1x16xf32> to vector<16xf32>
        %parallel_loop3A_2207 = arith.index_cast %parallel_loop3A_2186 : i32 to index
        %parallel_loop3A_2208 = arith.constant 16 : index
        %parallel_loop3A_2209 = tpu.vector_load %arg12[%parallel_loop3A_2207, %parallel_loop3A_2208] {strides = array<i32>} : memref<160x128xf32, #tpu.memory_space<vmem>>, vector<1x16xf32>,
        %parallel_loop3A_2210 = vector.shape_cast %parallel_loop3A_2209 : vector<1x16xf32> to vector<16xf32>
        %parallel_loop3A_2211 = arith.mulf %parallel_loop3A_2206, %parallel_loop3A_2210 : vector<16xf32>
        %parallel_loop3A_2212 = vector.broadcast %parallel_loop3A_2181 : f32 to vector<16xf32>
        %parallel_loop3A_2213 = arith.mulf %parallel_loop3A_2211, %parallel_loop3A_2212 : vector<16xf32>
        %parallel_loop3A_2214 = arith.index_cast %parallel_loop3A_2186 : i32 to index
        %parallel_loop3A_2215 = arith.constant 16 : index
        %parallel_loop3A_2216 = tpu.vector_load %arg12[%parallel_loop3A_2214, %parallel_loop3A_2215] {strides = array<i32>} : memref<160x128xf32, #tpu.memory_space<vmem>>, vector<1x16xf32>,
        %parallel_loop3A_2217 = vector.shape_cast %parallel_loop3A_2216 : vector<1x16xf32> to vector<16xf32>
        %parallel_loop3A_2218 = vector.shape_cast %parallel_loop3A_2213 : vector<16xf32> to vector<1x16xf32>
        tpu.vector_store %arg12[%parallel_loop3A_2214, %parallel_loop3A_2215], %parallel_loop3A_2218 {strides = array<i32>} : memref<160x128xf32, #tpu.memory_space<vmem>>, vector<1x16xf32>,
        %parallel_loop3A_2219 = arith.index_cast %parallel_loop3A_2186 : i32 to index
        %parallel_loop3A_2220 = arith.constant 32 : index
        %parallel_loop3A_2221 = tpu.vector_load %arg8[%parallel_loop3A_2219, %parallel_loop3A_2220] {strides = array<i32>} : memref<160x128xf32, #tpu.memory_space<vmem>>, vector<1x16xf32>,
        %parallel_loop3A_2222 = vector.shape_cast %parallel_loop3A_2221 : vector<1x16xf32> to vector<16xf32>
        %parallel_loop3A_2223 = arith.index_cast %parallel_loop3A_2186 : i32 to index
        %parallel_loop3A_2224 = arith.constant 32 : index
        %parallel_loop3A_2225 = tpu.vector_load %arg12[%parallel_loop3A_2223, %parallel_loop3A_2224] {strides = array<i32>} : memref<160x128xf32, #tpu.memory_space<vmem>>, vector<1x16xf32>,
        %parallel_loop3A_2226 = vector.shape_cast %parallel_loop3A_2225 : vector<1x16xf32> to vector<16xf32>
        %parallel_loop3A_2227 = arith.mulf %parallel_loop3A_2222, %parallel_loop3A_2226 : vector<16xf32>
        %parallel_loop3A_2228 = vector.broadcast %parallel_loop3A_2181 : f32 to vector<16xf32>
        %parallel_loop3A_2229 = arith.mulf %parallel_loop3A_2227, %parallel_loop3A_2228 : vector<16xf32>
        %parallel_loop3A_2230 = arith.index_cast %parallel_loop3A_2186 : i32 to index
        %parallel_loop3A_2231 = arith.constant 32 : index
        %parallel_loop3A_2232 = tpu.vector_load %arg12[%parallel_loop3A_2230, %parallel_loop3A_2231] {strides = array<i32>} : memref<160x128xf32, #tpu.memory_space<vmem>>, vector<1x16xf32>,
        %parallel_loop3A_2233 = vector.shape_cast %parallel_loop3A_2232 : vector<1x16xf32> to vector<16xf32>
        %parallel_loop3A_2234 = vector.shape_cast %parallel_loop3A_2229 : vector<16xf32> to vector<1x16xf32>
        tpu.vector_store %arg12[%parallel_loop3A_2230, %parallel_loop3A_2231], %parallel_loop3A_2234 {strides = array<i32>} : memref<160x128xf32, #tpu.memory_space<vmem>>, vector<1x16xf32>,
        %parallel_loop3A_2235 = arith.index_cast %parallel_loop3A_2186 : i32 to index
        %parallel_loop3A_2236 = arith.constant 48 : index
        %parallel_loop3A_2237 = tpu.vector_load %arg8[%parallel_loop3A_2235, %parallel_loop3A_2236] {strides = array<i32>} : memref<160x128xf32, #tpu.memory_space<vmem>>, vector<1x16xf32>,
        %parallel_loop3A_2238 = vector.shape_cast %parallel_loop3A_2237 : vector<1x16xf32> to vector<16xf32>
        %parallel_loop3A_2239 = arith.index_cast %parallel_loop3A_2186 : i32 to index
        %parallel_loop3A_2240 = arith.constant 48 : index
        %parallel_loop3A_2241 = tpu.vector_load %arg12[%parallel_loop3A_2239, %parallel_loop3A_2240] {strides = array<i32>} : memref<160x128xf32, #tpu.memory_space<vmem>>, vector<1x16xf32>,
        %parallel_loop3A_2242 = vector.shape_cast %parallel_loop3A_2241 : vector<1x16xf32> to vector<16xf32>
        %parallel_loop3A_2243 = arith.mulf %parallel_loop3A_2238, %parallel_loop3A_2242 : vector<16xf32>
        %parallel_loop3A_2244 = vector.broadcast %parallel_loop3A_2181 : f32 to vector<16xf32>
        %parallel_loop3A_2245 = arith.mulf %parallel_loop3A_2243, %parallel_loop3A_2244 : vector<16xf32>
        %parallel_loop3A_2246 = arith.index_cast %parallel_loop3A_2186 : i32 to index
        %parallel_loop3A_2247 = arith.constant 48 : index
        %parallel_loop3A_2248 = tpu.vector_load %arg12[%parallel_loop3A_2246, %parallel_loop3A_2247] {strides = array<i32>} : memref<160x128xf32, #tpu.memory_space<vmem>>, vector<1x16xf32>,
        %parallel_loop3A_2249 = vector.shape_cast %parallel_loop3A_2248 : vector<1x16xf32> to vector<16xf32>
        %parallel_loop3A_2250 = vector.shape_cast %parallel_loop3A_2245 : vector<16xf32> to vector<1x16xf32>
        tpu.vector_store %arg12[%parallel_loop3A_2246, %parallel_loop3A_2247], %parallel_loop3A_2250 {strides = array<i32>} : memref<160x128xf32, #tpu.memory_space<vmem>>, vector<1x16xf32>,
        %parallel_loop3A_2251 = arith.index_cast %parallel_loop3A_2186 : i32 to index
        %parallel_loop3A_2252 = arith.constant 64 : index
        %parallel_loop3A_2253 = tpu.vector_load %arg8[%parallel_loop3A_2251, %parallel_loop3A_2252] {strides = array<i32>} : memref<160x128xf32, #tpu.memory_space<vmem>>, vector<1x16xf32>,
        %parallel_loop3A_2254 = vector.shape_cast %parallel_loop3A_2253 : vector<1x16xf32> to vector<16xf32>
        %parallel_loop3A_2255 = arith.index_cast %parallel_loop3A_2186 : i32 to index
        %parallel_loop3A_2256 = arith.constant 64 : index
        %parallel_loop3A_2257 = tpu.vector_load %arg12[%parallel_loop3A_2255, %parallel_loop3A_2256] {strides = array<i32>} : memref<160x128xf32, #tpu.memory_space<vmem>>, vector<1x16xf32>,
        %parallel_loop3A_2258 = vector.shape_cast %parallel_loop3A_2257 : vector<1x16xf32> to vector<16xf32>
        %parallel_loop3A_2259 = arith.mulf %parallel_loop3A_2254, %parallel_loop3A_2258 : vector<16xf32>
        %parallel_loop3A_2260 = vector.broadcast %parallel_loop3A_2181 : f32 to vector<16xf32>
        %parallel_loop3A_2261 = arith.mulf %parallel_loop3A_2259, %parallel_loop3A_2260 : vector<16xf32>
        %parallel_loop3A_2262 = arith.index_cast %parallel_loop3A_2186 : i32 to index
        %parallel_loop3A_2263 = arith.constant 64 : index
        %parallel_loop3A_2264 = tpu.vector_load %arg12[%parallel_loop3A_2262, %parallel_loop3A_2263] {strides = array<i32>} : memref<160x128xf32, #tpu.memory_space<vmem>>, vector<1x16xf32>,
        %parallel_loop3A_2265 = vector.shape_cast %parallel_loop3A_2264 : vector<1x16xf32> to vector<16xf32>
        %parallel_loop3A_2266 = vector.shape_cast %parallel_loop3A_2261 : vector<16xf32> to vector<1x16xf32>
        tpu.vector_store %arg12[%parallel_loop3A_2262, %parallel_loop3A_2263], %parallel_loop3A_2266 {strides = array<i32>} : memref<160x128xf32, #tpu.memory_space<vmem>>, vector<1x16xf32>,
        %parallel_loop3A_2267 = arith.index_cast %parallel_loop3A_2186 : i32 to index
        %parallel_loop3A_2268 = arith.constant 80 : index
        %parallel_loop3A_2269 = tpu.vector_load %arg8[%parallel_loop3A_2267, %parallel_loop3A_2268] {strides = array<i32>} : memref<160x128xf32, #tpu.memory_space<vmem>>, vector<1x16xf32>,
        %parallel_loop3A_2270 = vector.shape_cast %parallel_loop3A_2269 : vector<1x16xf32> to vector<16xf32>
        %parallel_loop3A_2271 = arith.index_cast %parallel_loop3A_2186 : i32 to index
        %parallel_loop3A_2272 = arith.constant 80 : index
        %parallel_loop3A_2273 = tpu.vector_load %arg12[%parallel_loop3A_2271, %parallel_loop3A_2272] {strides = array<i32>} : memref<160x128xf32, #tpu.memory_space<vmem>>, vector<1x16xf32>,
        %parallel_loop3A_2274 = vector.shape_cast %parallel_loop3A_2273 : vector<1x16xf32> to vector<16xf32>
        %parallel_loop3A_2275 = arith.mulf %parallel_loop3A_2270, %parallel_loop3A_2274 : vector<16xf32>
        %parallel_loop3A_2276 = vector.broadcast %parallel_loop3A_2181 : f32 to vector<16xf32>
        %parallel_loop3A_2277 = arith.mulf %parallel_loop3A_2275, %parallel_loop3A_2276 : vector<16xf32>
        %parallel_loop3A_2278 = arith.index_cast %parallel_loop3A_2186 : i32 to index
        %parallel_loop3A_2279 = arith.constant 80 : index
        %parallel_loop3A_2280 = tpu.vector_load %arg12[%parallel_loop3A_2278, %parallel_loop3A_2279] {strides = array<i32>} : memref<160x128xf32, #tpu.memory_space<vmem>>, vector<1x16xf32>,
        %parallel_loop3A_2281 = vector.shape_cast %parallel_loop3A_2280 : vector<1x16xf32> to vector<16xf32>
        %parallel_loop3A_2282 = vector.shape_cast %parallel_loop3A_2277 : vector<16xf32> to vector<1x16xf32>
        tpu.vector_store %arg12[%parallel_loop3A_2278, %parallel_loop3A_2279], %parallel_loop3A_2282 {strides = array<i32>} : memref<160x128xf32, #tpu.memory_space<vmem>>, vector<1x16xf32>,
        %parallel_loop3A_2283 = arith.index_cast %parallel_loop3A_2186 : i32 to index
        %parallel_loop3A_2284 = arith.constant 96 : index
        %parallel_loop3A_2285 = tpu.vector_load %arg8[%parallel_loop3A_2283, %parallel_loop3A_2284] {strides = array<i32>} : memref<160x128xf32, #tpu.memory_space<vmem>>, vector<1x16xf32>,
        %parallel_loop3A_2286 = vector.shape_cast %parallel_loop3A_2285 : vector<1x16xf32> to vector<16xf32>
        %parallel_loop3A_2287 = arith.index_cast %parallel_loop3A_2186 : i32 to index
        %parallel_loop3A_2288 = arith.constant 96 : index
        %parallel_loop3A_2289 = tpu.vector_load %arg12[%parallel_loop3A_2287, %parallel_loop3A_2288] {strides = array<i32>} : memref<160x128xf32, #tpu.memory_space<vmem>>, vector<1x16xf32>,
        %parallel_loop3A_2290 = vector.shape_cast %parallel_loop3A_2289 : vector<1x16xf32> to vector<16xf32>
        %parallel_loop3A_2291 = arith.mulf %parallel_loop3A_2286, %parallel_loop3A_2290 : vector<16xf32>
        %parallel_loop3A_2292 = vector.broadcast %parallel_loop3A_2181 : f32 to vector<16xf32>
        %parallel_loop3A_2293 = arith.mulf %parallel_loop3A_2291, %parallel_loop3A_2292 : vector<16xf32>
        %parallel_loop3A_2294 = arith.index_cast %parallel_loop3A_2186 : i32 to index
        %parallel_loop3A_2295 = arith.constant 96 : index
        %parallel_loop3A_2296 = tpu.vector_load %arg12[%parallel_loop3A_2294, %parallel_loop3A_2295] {strides = array<i32>} : memref<160x128xf32, #tpu.memory_space<vmem>>, vector<1x16xf32>,
        %parallel_loop3A_2297 = vector.shape_cast %parallel_loop3A_2296 : vector<1x16xf32> to vector<16xf32>
        %parallel_loop3A_2298 = vector.shape_cast %parallel_loop3A_2293 : vector<16xf32> to vector<1x16xf32>
        tpu.vector_store %arg12[%parallel_loop3A_2294, %parallel_loop3A_2295], %parallel_loop3A_2298 {strides = array<i32>} : memref<160x128xf32, #tpu.memory_space<vmem>>, vector<1x16xf32>,
        %parallel_loop3A_2299 = arith.index_cast %parallel_loop3A_2186 : i32 to index
        %parallel_loop3A_2300 = arith.constant 112 : index
        %parallel_loop3A_2301 = tpu.vector_load %arg8[%parallel_loop3A_2299, %parallel_loop3A_2300] {strides = array<i32>} : memref<160x128xf32, #tpu.memory_space<vmem>>, vector<1x16xf32>,
        %parallel_loop3A_2302 = vector.shape_cast %parallel_loop3A_2301 : vector<1x16xf32> to vector<16xf32>
        %parallel_loop3A_2303 = arith.index_cast %parallel_loop3A_2186 : i32 to index
        %parallel_loop3A_2304 = arith.constant 112 : index
        %parallel_loop3A_2305 = tpu.vector_load %arg12[%parallel_loop3A_2303, %parallel_loop3A_2304] {strides = array<i32>} : memref<160x128xf32, #tpu.memory_space<vmem>>, vector<1x16xf32>,
        %parallel_loop3A_2306 = vector.shape_cast %parallel_loop3A_2305 : vector<1x16xf32> to vector<16xf32>
        %parallel_loop3A_2307 = arith.mulf %parallel_loop3A_2302, %parallel_loop3A_2306 : vector<16xf32>
        %parallel_loop3A_2308 = vector.broadcast %parallel_loop3A_2181 : f32 to vector<16xf32>
        %parallel_loop3A_2309 = arith.mulf %parallel_loop3A_2307, %parallel_loop3A_2308 : vector<16xf32>
        %parallel_loop3A_2310 = arith.index_cast %parallel_loop3A_2186 : i32 to index
        %parallel_loop3A_2311 = arith.constant 112 : index
        %parallel_loop3A_2312 = tpu.vector_load %arg12[%parallel_loop3A_2310, %parallel_loop3A_2311] {strides = array<i32>} : memref<160x128xf32, #tpu.memory_space<vmem>>, vector<1x16xf32>,
        %parallel_loop3A_2313 = vector.shape_cast %parallel_loop3A_2312 : vector<1x16xf32> to vector<16xf32>
        %parallel_loop3A_2314 = vector.shape_cast %parallel_loop3A_2309 : vector<16xf32> to vector<1x16xf32>
        tpu.vector_store %arg12[%parallel_loop3A_2310, %parallel_loop3A_2311], %parallel_loop3A_2314 {strides = array<i32>} : memref<160x128xf32, #tpu.memory_space<vmem>>, vector<1x16xf32>,
        %parallel_loop3A_2315 = vector.extract_strided_slice %parallel_loop3A_289 {offsets = [15], sizes = [1], strides = [1]} : vector<16xf32> to vector<1xf32>
        %parallel_loop3A_2316 = vector.extract %parallel_loop3A_2315[0] : f32 from vector<1xf32>
        %parallel_loop3A_2317 = arith.constant 16 : i32
        %parallel_loop3A_2318 = arith.muli %parallel_loop3A_280, %parallel_loop3A_2317 : i32
        %parallel_loop3A_2319 = arith.addi %mul3A_252, %parallel_loop3A_2318 : i32
        %parallel_loop3A_2320 = arith.constant 15 : i32
        %parallel_loop3A_2321 = arith.addi %parallel_loop3A_2319, %parallel_loop3A_2320 : i32
        %parallel_loop3A_2322 = arith.index_cast %parallel_loop3A_2321 : i32 to index
        %parallel_loop3A_2323 = arith.constant 0 : index
        %parallel_loop3A_2324 = tpu.vector_load %arg8[%parallel_loop3A_2322, %parallel_loop3A_2323] {strides = array<i32>} : memref<160x128xf32, #tpu.memory_space<vmem>>, vector<1x16xf32>,
        %parallel_loop3A_2325 = vector.shape_cast %parallel_loop3A_2324 : vector<1x16xf32> to vector<16xf32>
        %parallel_loop3A_2326 = arith.index_cast %parallel_loop3A_2321 : i32 to index
        %parallel_loop3A_2327 = arith.constant 0 : index
        %parallel_loop3A_2328 = tpu.vector_load %arg12[%parallel_loop3A_2326, %parallel_loop3A_2327] {strides = array<i32>} : memref<160x128xf32, #tpu.memory_space<vmem>>, vector<1x16xf32>,
        %parallel_loop3A_2329 = vector.shape_cast %parallel_loop3A_2328 : vector<1x16xf32> to vector<16xf32>
        %parallel_loop3A_2330 = arith.mulf %parallel_loop3A_2325, %parallel_loop3A_2329 : vector<16xf32>
        %parallel_loop3A_2331 = vector.broadcast %parallel_loop3A_2316 : f32 to vector<16xf32>
        %parallel_loop3A_2332 = arith.mulf %parallel_loop3A_2330, %parallel_loop3A_2331 : vector<16xf32>
        %parallel_loop3A_2333 = arith.index_cast %parallel_loop3A_2321 : i32 to index
        %parallel_loop3A_2334 = arith.constant 0 : index
        %parallel_loop3A_2335 = tpu.vector_load %arg12[%parallel_loop3A_2333, %parallel_loop3A_2334] {strides = array<i32>} : memref<160x128xf32, #tpu.memory_space<vmem>>, vector<1x16xf32>,
        %parallel_loop3A_2336 = vector.shape_cast %parallel_loop3A_2335 : vector<1x16xf32> to vector<16xf32>
        %parallel_loop3A_2337 = vector.shape_cast %parallel_loop3A_2332 : vector<16xf32> to vector<1x16xf32>
        tpu.vector_store %arg12[%parallel_loop3A_2333, %parallel_loop3A_2334], %parallel_loop3A_2337 {strides = array<i32>} : memref<160x128xf32, #tpu.memory_space<vmem>>, vector<1x16xf32>,
        %parallel_loop3A_2338 = arith.index_cast %parallel_loop3A_2321 : i32 to index
        %parallel_loop3A_2339 = arith.constant 16 : index
        %parallel_loop3A_2340 = tpu.vector_load %arg8[%parallel_loop3A_2338, %parallel_loop3A_2339] {strides = array<i32>} : memref<160x128xf32, #tpu.memory_space<vmem>>, vector<1x16xf32>,
        %parallel_loop3A_2341 = vector.shape_cast %parallel_loop3A_2340 : vector<1x16xf32> to vector<16xf32>
        %parallel_loop3A_2342 = arith.index_cast %parallel_loop3A_2321 : i32 to index
        %parallel_loop3A_2343 = arith.constant 16 : index
        %parallel_loop3A_2344 = tpu.vector_load %arg12[%parallel_loop3A_2342, %parallel_loop3A_2343] {strides = array<i32>} : memref<160x128xf32, #tpu.memory_space<vmem>>, vector<1x16xf32>,
        %parallel_loop3A_2345 = vector.shape_cast %parallel_loop3A_2344 : vector<1x16xf32> to vector<16xf32>
        %parallel_loop3A_2346 = arith.mulf %parallel_loop3A_2341, %parallel_loop3A_2345 : vector<16xf32>
        %parallel_loop3A_2347 = vector.broadcast %parallel_loop3A_2316 : f32 to vector<16xf32>
        %parallel_loop3A_2348 = arith.mulf %parallel_loop3A_2346, %parallel_loop3A_2347 : vector<16xf32>
        %parallel_loop3A_2349 = arith.index_cast %parallel_loop3A_2321 : i32 to index
        %parallel_loop3A_2350 = arith.constant 16 : index
        %parallel_loop3A_2351 = tpu.vector_load %arg12[%parallel_loop3A_2349, %parallel_loop3A_2350] {strides = array<i32>} : memref<160x128xf32, #tpu.memory_space<vmem>>, vector<1x16xf32>,
        %parallel_loop3A_2352 = vector.shape_cast %parallel_loop3A_2351 : vector<1x16xf32> to vector<16xf32>
        %parallel_loop3A_2353 = vector.shape_cast %parallel_loop3A_2348 : vector<16xf32> to vector<1x16xf32>
        tpu.vector_store %arg12[%parallel_loop3A_2349, %parallel_loop3A_2350], %parallel_loop3A_2353 {strides = array<i32>} : memref<160x128xf32, #tpu.memory_space<vmem>>, vector<1x16xf32>,
        %parallel_loop3A_2354 = arith.index_cast %parallel_loop3A_2321 : i32 to index
        %parallel_loop3A_2355 = arith.constant 32 : index
        %parallel_loop3A_2356 = tpu.vector_load %arg8[%parallel_loop3A_2354, %parallel_loop3A_2355] {strides = array<i32>} : memref<160x128xf32, #tpu.memory_space<vmem>>, vector<1x16xf32>,
        %parallel_loop3A_2357 = vector.shape_cast %parallel_loop3A_2356 : vector<1x16xf32> to vector<16xf32>
        %parallel_loop3A_2358 = arith.index_cast %parallel_loop3A_2321 : i32 to index
        %parallel_loop3A_2359 = arith.constant 32 : index
        %parallel_loop3A_2360 = tpu.vector_load %arg12[%parallel_loop3A_2358, %parallel_loop3A_2359] {strides = array<i32>} : memref<160x128xf32, #tpu.memory_space<vmem>>, vector<1x16xf32>,
        %parallel_loop3A_2361 = vector.shape_cast %parallel_loop3A_2360 : vector<1x16xf32> to vector<16xf32>
        %parallel_loop3A_2362 = arith.mulf %parallel_loop3A_2357, %parallel_loop3A_2361 : vector<16xf32>
        %parallel_loop3A_2363 = vector.broadcast %parallel_loop3A_2316 : f32 to vector<16xf32>
        %parallel_loop3A_2364 = arith.mulf %parallel_loop3A_2362, %parallel_loop3A_2363 : vector<16xf32>
        %parallel_loop3A_2365 = arith.index_cast %parallel_loop3A_2321 : i32 to index
        %parallel_loop3A_2366 = arith.constant 32 : index
        %parallel_loop3A_2367 = tpu.vector_load %arg12[%parallel_loop3A_2365, %parallel_loop3A_2366] {strides = array<i32>} : memref<160x128xf32, #tpu.memory_space<vmem>>, vector<1x16xf32>,
        %parallel_loop3A_2368 = vector.shape_cast %parallel_loop3A_2367 : vector<1x16xf32> to vector<16xf32>
        %parallel_loop3A_2369 = vector.shape_cast %parallel_loop3A_2364 : vector<16xf32> to vector<1x16xf32>
        tpu.vector_store %arg12[%parallel_loop3A_2365, %parallel_loop3A_2366], %parallel_loop3A_2369 {strides = array<i32>} : memref<160x128xf32, #tpu.memory_space<vmem>>, vector<1x16xf32>,
        %parallel_loop3A_2370 = arith.index_cast %parallel_loop3A_2321 : i32 to index
        %parallel_loop3A_2371 = arith.constant 48 : index
        %parallel_loop3A_2372 = tpu.vector_load %arg8[%parallel_loop3A_2370, %parallel_loop3A_2371] {strides = array<i32>} : memref<160x128xf32, #tpu.memory_space<vmem>>, vector<1x16xf32>,
        %parallel_loop3A_2373 = vector.shape_cast %parallel_loop3A_2372 : vector<1x16xf32> to vector<16xf32>
        %parallel_loop3A_2374 = arith.index_cast %parallel_loop3A_2321 : i32 to index
        %parallel_loop3A_2375 = arith.constant 48 : index
        %parallel_loop3A_2376 = tpu.vector_load %arg12[%parallel_loop3A_2374, %parallel_loop3A_2375] {strides = array<i32>} : memref<160x128xf32, #tpu.memory_space<vmem>>, vector<1x16xf32>,
        %parallel_loop3A_2377 = vector.shape_cast %parallel_loop3A_2376 : vector<1x16xf32> to vector<16xf32>
        %parallel_loop3A_2378 = arith.mulf %parallel_loop3A_2373, %parallel_loop3A_2377 : vector<16xf32>
        %parallel_loop3A_2379 = vector.broadcast %parallel_loop3A_2316 : f32 to vector<16xf32>
        %parallel_loop3A_2380 = arith.mulf %parallel_loop3A_2378, %parallel_loop3A_2379 : vector<16xf32>
        %parallel_loop3A_2381 = arith.index_cast %parallel_loop3A_2321 : i32 to index
        %parallel_loop3A_2382 = arith.constant 48 : index
        %parallel_loop3A_2383 = tpu.vector_load %arg12[%parallel_loop3A_2381, %parallel_loop3A_2382] {strides = array<i32>} : memref<160x128xf32, #tpu.memory_space<vmem>>, vector<1x16xf32>,
        %parallel_loop3A_2384 = vector.shape_cast %parallel_loop3A_2383 : vector<1x16xf32> to vector<16xf32>
        %parallel_loop3A_2385 = vector.shape_cast %parallel_loop3A_2380 : vector<16xf32> to vector<1x16xf32>
        tpu.vector_store %arg12[%parallel_loop3A_2381, %parallel_loop3A_2382], %parallel_loop3A_2385 {strides = array<i32>} : memref<160x128xf32, #tpu.memory_space<vmem>>, vector<1x16xf32>,
        %parallel_loop3A_2386 = arith.index_cast %parallel_loop3A_2321 : i32 to index
        %parallel_loop3A_2387 = arith.constant 64 : index
        %parallel_loop3A_2388 = tpu.vector_load %arg8[%parallel_loop3A_2386, %parallel_loop3A_2387] {strides = array<i32>} : memref<160x128xf32, #tpu.memory_space<vmem>>, vector<1x16xf32>,
        %parallel_loop3A_2389 = vector.shape_cast %parallel_loop3A_2388 : vector<1x16xf32> to vector<16xf32>
        %parallel_loop3A_2390 = arith.index_cast %parallel_loop3A_2321 : i32 to index
        %parallel_loop3A_2391 = arith.constant 64 : index
        %parallel_loop3A_2392 = tpu.vector_load %arg12[%parallel_loop3A_2390, %parallel_loop3A_2391] {strides = array<i32>} : memref<160x128xf32, #tpu.memory_space<vmem>>, vector<1x16xf32>,
        %parallel_loop3A_2393 = vector.shape_cast %parallel_loop3A_2392 : vector<1x16xf32> to vector<16xf32>
        %parallel_loop3A_2394 = arith.mulf %parallel_loop3A_2389, %parallel_loop3A_2393 : vector<16xf32>
        %parallel_loop3A_2395 = vector.broadcast %parallel_loop3A_2316 : f32 to vector<16xf32>
        %parallel_loop3A_2396 = arith.mulf %parallel_loop3A_2394, %parallel_loop3A_2395 : vector<16xf32>
        %parallel_loop3A_2397 = arith.index_cast %parallel_loop3A_2321 : i32 to index
        %parallel_loop3A_2398 = arith.constant 64 : index
        %parallel_loop3A_2399 = tpu.vector_load %arg12[%parallel_loop3A_2397, %parallel_loop3A_2398] {strides = array<i32>} : memref<160x128xf32, #tpu.memory_space<vmem>>, vector<1x16xf32>,
        %parallel_loop3A_2400 = vector.shape_cast %parallel_loop3A_2399 : vector<1x16xf32> to vector<16xf32>
        %parallel_loop3A_2401 = vector.shape_cast %parallel_loop3A_2396 : vector<16xf32> to vector<1x16xf32>
        tpu.vector_store %arg12[%parallel_loop3A_2397, %parallel_loop3A_2398], %parallel_loop3A_2401 {strides = array<i32>} : memref<160x128xf32, #tpu.memory_space<vmem>>, vector<1x16xf32>,
        %parallel_loop3A_2402 = arith.index_cast %parallel_loop3A_2321 : i32 to index
        %parallel_loop3A_2403 = arith.constant 80 : index
        %parallel_loop3A_2404 = tpu.vector_load %arg8[%parallel_loop3A_2402, %parallel_loop3A_2403] {strides = array<i32>} : memref<160x128xf32, #tpu.memory_space<vmem>>, vector<1x16xf32>,
        %parallel_loop3A_2405 = vector.shape_cast %parallel_loop3A_2404 : vector<1x16xf32> to vector<16xf32>
        %parallel_loop3A_2406 = arith.index_cast %parallel_loop3A_2321 : i32 to index
        %parallel_loop3A_2407 = arith.constant 80 : index
        %parallel_loop3A_2408 = tpu.vector_load %arg12[%parallel_loop3A_2406, %parallel_loop3A_2407] {strides = array<i32>} : memref<160x128xf32, #tpu.memory_space<vmem>>, vector<1x16xf32>,
        %parallel_loop3A_2409 = vector.shape_cast %parallel_loop3A_2408 : vector<1x16xf32> to vector<16xf32>
        %parallel_loop3A_2410 = arith.mulf %parallel_loop3A_2405, %parallel_loop3A_2409 : vector<16xf32>
        %parallel_loop3A_2411 = vector.broadcast %parallel_loop3A_2316 : f32 to vector<16xf32>
        %parallel_loop3A_2412 = arith.mulf %parallel_loop3A_2410, %parallel_loop3A_2411 : vector<16xf32>
        %parallel_loop3A_2413 = arith.index_cast %parallel_loop3A_2321 : i32 to index
        %parallel_loop3A_2414 = arith.constant 80 : index
        %parallel_loop3A_2415 = tpu.vector_load %arg12[%parallel_loop3A_2413, %parallel_loop3A_2414] {strides = array<i32>} : memref<160x128xf32, #tpu.memory_space<vmem>>, vector<1x16xf32>,
        %parallel_loop3A_2416 = vector.shape_cast %parallel_loop3A_2415 : vector<1x16xf32> to vector<16xf32>
        %parallel_loop3A_2417 = vector.shape_cast %parallel_loop3A_2412 : vector<16xf32> to vector<1x16xf32>
        tpu.vector_store %arg12[%parallel_loop3A_2413, %parallel_loop3A_2414], %parallel_loop3A_2417 {strides = array<i32>} : memref<160x128xf32, #tpu.memory_space<vmem>>, vector<1x16xf32>,
        %parallel_loop3A_2418 = arith.index_cast %parallel_loop3A_2321 : i32 to index
        %parallel_loop3A_2419 = arith.constant 96 : index
        %parallel_loop3A_2420 = tpu.vector_load %arg8[%parallel_loop3A_2418, %parallel_loop3A_2419] {strides = array<i32>} : memref<160x128xf32, #tpu.memory_space<vmem>>, vector<1x16xf32>,
        %parallel_loop3A_2421 = vector.shape_cast %parallel_loop3A_2420 : vector<1x16xf32> to vector<16xf32>
        %parallel_loop3A_2422 = arith.index_cast %parallel_loop3A_2321 : i32 to index
        %parallel_loop3A_2423 = arith.constant 96 : index
        %parallel_loop3A_2424 = tpu.vector_load %arg12[%parallel_loop3A_2422, %parallel_loop3A_2423] {strides = array<i32>} : memref<160x128xf32, #tpu.memory_space<vmem>>, vector<1x16xf32>,
        %parallel_loop3A_2425 = vector.shape_cast %parallel_loop3A_2424 : vector<1x16xf32> to vector<16xf32>
        %parallel_loop3A_2426 = arith.mulf %parallel_loop3A_2421, %parallel_loop3A_2425 : vector<16xf32>
        %parallel_loop3A_2427 = vector.broadcast %parallel_loop3A_2316 : f32 to vector<16xf32>
        %parallel_loop3A_2428 = arith.mulf %parallel_loop3A_2426, %parallel_loop3A_2427 : vector<16xf32>
        %parallel_loop3A_2429 = arith.index_cast %parallel_loop3A_2321 : i32 to index
        %parallel_loop3A_2430 = arith.constant 96 : index
        %parallel_loop3A_2431 = tpu.vector_load %arg12[%parallel_loop3A_2429, %parallel_loop3A_2430] {strides = array<i32>} : memref<160x128xf32, #tpu.memory_space<vmem>>, vector<1x16xf32>,
        %parallel_loop3A_2432 = vector.shape_cast %parallel_loop3A_2431 : vector<1x16xf32> to vector<16xf32>
        %parallel_loop3A_2433 = vector.shape_cast %parallel_loop3A_2428 : vector<16xf32> to vector<1x16xf32>
        tpu.vector_store %arg12[%parallel_loop3A_2429, %parallel_loop3A_2430], %parallel_loop3A_2433 {strides = array<i32>} : memref<160x128xf32, #tpu.memory_space<vmem>>, vector<1x16xf32>,
        %parallel_loop3A_2434 = arith.index_cast %parallel_loop3A_2321 : i32 to index
        %parallel_loop3A_2435 = arith.constant 112 : index
        %parallel_loop3A_2436 = tpu.vector_load %arg8[%parallel_loop3A_2434, %parallel_loop3A_2435] {strides = array<i32>} : memref<160x128xf32, #tpu.memory_space<vmem>>, vector<1x16xf32>,
        %parallel_loop3A_2437 = vector.shape_cast %parallel_loop3A_2436 : vector<1x16xf32> to vector<16xf32>
        %parallel_loop3A_2438 = arith.index_cast %parallel_loop3A_2321 : i32 to index
        %parallel_loop3A_2439 = arith.constant 112 : index
        %parallel_loop3A_2440 = tpu.vector_load %arg12[%parallel_loop3A_2438, %parallel_loop3A_2439] {strides = array<i32>} : memref<160x128xf32, #tpu.memory_space<vmem>>, vector<1x16xf32>,
        %parallel_loop3A_2441 = vector.shape_cast %parallel_loop3A_2440 : vector<1x16xf32> to vector<16xf32>
        %parallel_loop3A_2442 = arith.mulf %parallel_loop3A_2437, %parallel_loop3A_2441 : vector<16xf32>
        %parallel_loop3A_2443 = vector.broadcast %parallel_loop3A_2316 : f32 to vector<16xf32>
        %parallel_loop3A_2444 = arith.mulf %parallel_loop3A_2442, %parallel_loop3A_2443 : vector<16xf32>
        %parallel_loop3A_2445 = arith.index_cast %parallel_loop3A_2321 : i32 to index
        %parallel_loop3A_2446 = arith.constant 112 : index
        %parallel_loop3A_2447 = tpu.vector_load %arg12[%parallel_loop3A_2445, %parallel_loop3A_2446] {strides = array<i32>} : memref<160x128xf32, #tpu.memory_space<vmem>>, vector<1x16xf32>,
        %parallel_loop3A_2448 = vector.shape_cast %parallel_loop3A_2447 : vector<1x16xf32> to vector<16xf32>
        %parallel_loop3A_2449 = vector.shape_cast %parallel_loop3A_2444 : vector<16xf32> to vector<1x16xf32>
        tpu.vector_store %arg12[%parallel_loop3A_2445, %parallel_loop3A_2446], %parallel_loop3A_2449 {strides = array<i32>} : memref<160x128xf32, #tpu.memory_space<vmem>>, vector<1x16xf32>,
      } {sc.loop_unroll_factor = 1 : i64, sc.parallel_access}
      %and3A_257 = arith.constant 3 : i32
      %and3A_258 = arith.andi %scan3A_229, %and3A_257 : i32
      %mul3A_259 = arith.constant 80 : i32
      %mul3A_260 = arith.muli %rem3A_231, %mul3A_259 : i32
      %dma_start3A_261 = arith.constant 1 : i32
      %dma_start3A_262 = arith.constant 0 : i32
      %dma_start3A_263 = tpu.memref_slice %arg12[%mul3A_260, %dma_start3A_262] : memref<160x128xf32, #tpu.memory_space<vmem>> -> memref<80x128xf32, #tpu.memory_space<vmem>>
      %dma_start3A_264 = arith.constant 0 : i32
      %dma_start3A_265 = tpu.memref_slice %arg7[%and3A_258, %dma_start3A_261, %dma_start3A_264] : memref<4x3x80xi32, #tpu.memory_space<vmem>> -> memref<1x1x80xi32, #tpu.memory_space<vmem>>
      %dma_start3A_266 = tpu.memref_squeeze %dma_start3A_265 : memref<1x1x80xi32, #tpu.memory_space<vmem>> -> memref<80xi32, #tpu.memory_space<vmem>>
      %dma_start3A_267 = arith.constant 0 : i32
      %dma_start3A_268 = arith.constant 0 : i32
      %dma_start3A_269 = tpu.memref_slice %arg6[%dma_start3A_267, %dma_start3A_268] : memref<10240x128xf32, #tpu.memory_space<vmem_shared>> -> memref<10240x128xf32, #tpu.memory_space<vmem_shared>>
      %dma_start3A_270 = tpu.memref_slice %arg11[%rem3A_231] : memref<2x!tpu.dma_semaphore, #tpu.memory_space<semaphore_mem>> -> memref<1x!tpu.dma_semaphore, #tpu.memory_space<semaphore_mem>>
      %dma_start3A_271 = tpu.memref_squeeze %dma_start3A_270 : memref<1x!tpu.dma_semaphore, #tpu.memory_space<semaphore_mem>> -> memref<!tpu.dma_semaphore, #tpu.memory_space<semaphore_mem>>
      tpu.enqueue_indirect_dma source(%dma_start3A_263 : memref<80x128xf32, #tpu.memory_space<vmem>>) target(%dma_start3A_269 : memref<10240x128xf32, #tpu.memory_space<vmem_shared>>) offsets(%dma_start3A_266 : memref<80xi32, #tpu.memory_space<vmem>>) semaphore(%dma_start3A_271 : memref<!tpu.dma_semaphore, #tpu.memory_space<semaphore_mem>>) {add = true}
      %add3A_272 = arith.constant 2 : i32
      %add3A_273 = arith.addi %scan3A_229, %add3A_272 : i32
      %lt3A_274 = arith.constant 125 : i32
      %lt3A_275 = arith.cmpi slt, %add3A_273, %lt3A_274 : i32
      %convert_element_type3A_276 = arith.extui %lt3A_275 : i1 to i32
      %cond3A_277 = arith.constant 0 : i32
      %cond3A_278 = arith.cmpi ne, %convert_element_type3A_276, %cond3A_277 : i32
      scf.if %cond3A_278 {
        %add3A_280 = arith.constant 2 : i32
        %add3A_281 = arith.addi %scan3A_229, %add3A_280 : i32
        %mul3A_282 = arith.constant 10000 : i32
        %mul3A_283 = arith.muli %add3A, %mul3A_282 : i32
        %mul3A_284 = arith.constant 80 : i32
        %mul3A_285 = arith.muli %add3A_281, %mul3A_284 : i32
        %add3A_286 = arith.addi %mul3A_283, %mul3A_285 : i32
        %and3A_287 = arith.constant 3 : i32
        %and3A_288 = arith.andi %add3A_281, %and3A_287 : i32
        %mul3A_289 = arith.constant 125 : i32
        %mul3A_290 = arith.muli %add3A, %mul3A_289 : i32
        %add3A_291 = arith.addi %mul3A_290, %add3A_281 : i32
        %dma_start3A_292 = arith.constant 0 : i32
        %dma_start3A_293 = arith.constant 0 : i32
        %dma_start3A_294 = tpu.memref_slice %arg7[%and3A_288, %dma_start3A_292, %dma_start3A_293] : memref<4x3x80xi32, #tpu.memory_space<vmem>> -> memref<1x3x80xi32, #tpu.memory_space<vmem>>
        %dma_start3A_295 = tpu.memref_squeeze %dma_start3A_294 : memref<1x3x80xi32, #tpu.memory_space<vmem>> -> memref<3x80xi32, #tpu.memory_space<vmem>>
        %dma_start3A_296 = arith.constant 0 : i32
        %dma_start3A_297 = arith.constant 0 : i32
        %dma_start3A_298 = tpu.memref_slice %arg3[%add3A_291, %dma_start3A_296, %dma_start3A_297] : memref<4000x3x80xi32, #tpu.memory_space<hbm>> -> memref<1x3x80xi32, #tpu.memory_space<hbm>>
        %dma_start3A_299 = tpu.memref_squeeze %dma_start3A_298 : memref<1x3x80xi32, #tpu.memory_space<hbm>> -> memref<3x80xi32, #tpu.memory_space<hbm>>
        %dma_start3A_300 = tpu.memref_slice %arg10[%rem3A_231] : memref<2x!tpu.dma_semaphore, #tpu.memory_space<semaphore_mem>> -> memref<1x!tpu.dma_semaphore, #tpu.memory_space<semaphore_mem>>
        %dma_start3A_301 = tpu.memref_squeeze %dma_start3A_300 : memref<1x!tpu.dma_semaphore, #tpu.memory_space<semaphore_mem>> -> memref<!tpu.dma_semaphore, #tpu.memory_space<semaphore_mem>>
        %dma_start3A_302 = arith.constant 0 : i32
        %dma_start3A_303 = arith.constant 0 : i32
        %dma_start3A_304 = tpu.memref_slice %arg7[%and3A_288, %dma_start3A_302, %dma_start3A_303] : memref<4x3x80xi32, #tpu.memory_space<vmem>> -> memref<1x3x80xi32, #tpu.memory_space<vmem>>
        %dma_start3A_305 = tpu.memref_squeeze %dma_start3A_304 : memref<1x3x80xi32, #tpu.memory_space<vmem>> -> memref<3x80xi32, #tpu.memory_space<vmem>>
        %dma_start3A_306 = arith.constant 0 : i32
        %dma_start3A_307 = arith.constant 0 : i32
        %dma_start3A_308 = tpu.memref_slice %arg3[%add3A_291, %dma_start3A_306, %dma_start3A_307] : memref<4000x3x80xi32, #tpu.memory_space<hbm>> -> memref<1x3x80xi32, #tpu.memory_space<hbm>>
        %dma_start3A_309 = tpu.memref_squeeze %dma_start3A_308 : memref<1x3x80xi32, #tpu.memory_space<hbm>> -> memref<3x80xi32, #tpu.memory_space<hbm>>
        tpu.enqueue_dma source(%dma_start3A_309 : memref<3x80xi32, #tpu.memory_space<hbm>>) target(%dma_start3A_305 : memref<3x80xi32, #tpu.memory_space<vmem>>) target_semaphore(%dma_start3A_301 : memref<!tpu.dma_semaphore, #tpu.memory_space<semaphore_mem>>)
        %mul3A_310 = arith.constant 80 : i32
        %mul3A_311 = arith.muli %rem3A_231, %mul3A_310 : i32
        %dma_start3A_312 = arith.constant 0 : i32
        %dma_start3A_313 = tpu.memref_slice %arg8[%mul3A_311, %dma_start3A_312] : memref<160x128xf32, #tpu.memory_space<vmem>> -> memref<80x128xf32, #tpu.memory_space<vmem>>
        %dma_start3A_314 = arith.constant 0 : i32
        %dma_start3A_315 = tpu.memref_slice %arg4[%add3A_286, %dma_start3A_314] : memref<320000x128xf32, #tpu.memory_space<hbm>> -> memref<80x128xf32, #tpu.memory_space<hbm>>
        %dma_start3A_316 = tpu.memref_slice %arg10[%rem3A_231] : memref<2x!tpu.dma_semaphore, #tpu.memory_space<semaphore_mem>> -> memref<1x!tpu.dma_semaphore, #tpu.memory_space<semaphore_mem>>
        %dma_start3A_317 = tpu.memref_squeeze %dma_start3A_316 : memref<1x!tpu.dma_semaphore, #tpu.memory_space<semaphore_mem>> -> memref<!tpu.dma_semaphore, #tpu.memory_space<semaphore_mem>>
        %dma_start3A_318 = arith.constant 0 : i32
        %dma_start3A_319 = tpu.memref_slice %arg8[%mul3A_311, %dma_start3A_318] : memref<160x128xf32, #tpu.memory_space<vmem>> -> memref<80x128xf32, #tpu.memory_space<vmem>>
        %dma_start3A_320 = arith.constant 0 : i32
        %dma_start3A_321 = tpu.memref_slice %arg4[%add3A_286, %dma_start3A_320] : memref<320000x128xf32, #tpu.memory_space<hbm>> -> memref<80x128xf32, #tpu.memory_space<hbm>>
        tpu.enqueue_dma source(%dma_start3A_321 : memref<80x128xf32, #tpu.memory_space<hbm>>) target(%dma_start3A_319 : memref<80x128xf32, #tpu.memory_space<vmem>>) target_semaphore(%dma_start3A_317 : memref<!tpu.dma_semaphore, #tpu.memory_space<semaphore_mem>>)
      } else {
      }
      %scan3A_279 = arith.constant 0 : i32
      scf.yield %scan3A_279 : i32
    }
    %scan3A_175 = arith.constant 125 : i32
    %and3A_176 = arith.constant 123 : i32
    %and3A_177 = arith.constant 3 : i32
    %and3A_178 = arith.andi %and3A_176, %and3A_177 : i32
    %dma_wait3A_179 = arith.constant 1 : i32
    %dma_wait3A_180 = arith.constant 1 : i32
    %dma_wait3A_181 = arith.constant 80 : i32
    %dma_wait3A_182 = arith.constant 0 : i32
    %dma_wait3A_183 = tpu.memref_slice %arg12[%dma_wait3A_181, %dma_wait3A_182] : memref<160x128xf32, #tpu.memory_space<vmem>> -> memref<80x128xf32, #tpu.memory_space<vmem>>
    %dma_wait3A_184 = arith.constant 0 : i32
    %dma_wait3A_185 = tpu.memref_slice %arg7[%and3A_178, %dma_wait3A_179, %dma_wait3A_184] : memref<4x3x80xi32, #tpu.memory_space<vmem>> -> memref<1x1x80xi32, #tpu.memory_space<vmem>>
    %dma_wait3A_186 = tpu.memref_squeeze %dma_wait3A_185 : memref<1x1x80xi32, #tpu.memory_space<vmem>> -> memref<80xi32, #tpu.memory_space<vmem>>
    %dma_wait3A_187 = arith.constant 0 : i32
    %dma_wait3A_188 = arith.constant 0 : i32
    %dma_wait3A_189 = tpu.memref_slice %arg6[%dma_wait3A_187, %dma_wait3A_188] : memref<10240x128xf32, #tpu.memory_space<vmem_shared>> -> memref<10240x128xf32, #tpu.memory_space<vmem_shared>>
    %dma_wait3A_190 = tpu.memref_slice %arg11[%dma_wait3A_180] : memref<2x!tpu.dma_semaphore, #tpu.memory_space<semaphore_mem>> -> memref<1x!tpu.dma_semaphore, #tpu.memory_space<semaphore_mem>>
    %dma_wait3A_191 = tpu.memref_squeeze %dma_wait3A_190 : memref<1x!tpu.dma_semaphore, #tpu.memory_space<semaphore_mem>> -> memref<!tpu.dma_semaphore, #tpu.memory_space<semaphore_mem>>
    tpu.wait_indirect_dma semaphore(%dma_wait3A_191 : memref<!tpu.dma_semaphore, #tpu.memory_space<semaphore_mem>>) src(%dma_wait3A_183 : memref<80x128xf32, #tpu.memory_space<vmem>>) dst(%dma_wait3A_189 : memref<10240x128xf32, #tpu.memory_space<vmem_shared>>)
    %and3A_192 = arith.constant 124 : i32
    %and3A_193 = arith.constant 3 : i32
    %and3A_194 = arith.andi %and3A_192, %and3A_193 : i32
    %dma_wait3A_195 = arith.constant 1 : i32
    %dma_wait3A_196 = arith.constant 0 : i32
    %dma_wait3A_197 = arith.constant 0 : i32
    %dma_wait3A_198 = arith.constant 0 : i32
    %dma_wait3A_199 = tpu.memref_slice %arg12[%dma_wait3A_197, %dma_wait3A_198] : memref<160x128xf32, #tpu.memory_space<vmem>> -> memref<80x128xf32, #tpu.memory_space<vmem>>
    %dma_wait3A_200 = arith.constant 0 : i32
    %dma_wait3A_201 = tpu.memref_slice %arg7[%and3A_194, %dma_wait3A_195, %dma_wait3A_200] : memref<4x3x80xi32, #tpu.memory_space<vmem>> -> memref<1x1x80xi32, #tpu.memory_space<vmem>>
    %dma_wait3A_202 = tpu.memref_squeeze %dma_wait3A_201 : memref<1x1x80xi32, #tpu.memory_space<vmem>> -> memref<80xi32, #tpu.memory_space<vmem>>
    %dma_wait3A_203 = arith.constant 0 : i32
    %dma_wait3A_204 = arith.constant 0 : i32
    %dma_wait3A_205 = tpu.memref_slice %arg6[%dma_wait3A_203, %dma_wait3A_204] : memref<10240x128xf32, #tpu.memory_space<vmem_shared>> -> memref<10240x128xf32, #tpu.memory_space<vmem_shared>>
    %dma_wait3A_206 = tpu.memref_slice %arg11[%dma_wait3A_196] : memref<2x!tpu.dma_semaphore, #tpu.memory_space<semaphore_mem>> -> memref<1x!tpu.dma_semaphore, #tpu.memory_space<semaphore_mem>>
    %dma_wait3A_207 = tpu.memref_squeeze %dma_wait3A_206 : memref<1x!tpu.dma_semaphore, #tpu.memory_space<semaphore_mem>> -> memref<!tpu.dma_semaphore, #tpu.memory_space<semaphore_mem>>
    tpu.wait_indirect_dma semaphore(%dma_wait3A_207 : memref<!tpu.dma_semaphore, #tpu.memory_space<semaphore_mem>>) src(%dma_wait3A_199 : memref<80x128xf32, #tpu.memory_space<vmem>>) dst(%dma_wait3A_205 : memref<10240x128xf32, #tpu.memory_space<vmem_shared>>)
    %barrier3A_208 = arith.constant 0 : index
    tpu.barrier barrier_id(%barrier3A_208)
    %mul3A_209 = arith.constant 640 : i32
    %mul3A_210 = arith.muli %arg1, %mul3A_209 : i32
    %add3A_211 = arith.constant 0 : i32
    %add3A_212 = arith.addi %mul3A_210, %add3A_211 : i32
    "tpu.region"() ({
      %run_scoped3A = tpu.sem_alloc : memref<!tpu.dma_semaphore, #tpu.memory_space<semaphore_mem>>
      %dma_start3A_229 = arith.constant 0 : i32
      %dma_start3A_230 = tpu.memref_slice %arg5[%arg0, %add3A_212, %dma_start3A_229] : memref<2x10240x128xf32, #tpu.memory_space<hbm>> -> memref<1x128x128xf32, #tpu.memory_space<hbm>>
      %dma_start3A_231 = tpu.memref_squeeze %dma_start3A_230 : memref<1x128x128xf32, #tpu.memory_space<hbm>> -> memref<128x128xf32, #tpu.memory_space<hbm>>
      %dma_start3A_232 = arith.constant 0 : i32
      %dma_start3A_233 = tpu.memref_slice %arg6[%add3A_212, %dma_start3A_232] : memref<10240x128xf32, #tpu.memory_space<vmem_shared>> -> memref<128x128xf32, #tpu.memory_space<vmem_shared>>
      tpu.enqueue_dma source(%dma_start3A_233 : memref<128x128xf32, #tpu.memory_space<vmem_shared>>) target(%dma_start3A_231 : memref<128x128xf32, #tpu.memory_space<hbm>>) target_semaphore(%run_scoped3A : memref<!tpu.dma_semaphore, #tpu.memory_space<semaphore_mem>>)
      %dma_wait3A_234 = arith.constant 0 : i32
      %dma_wait3A_235 = tpu.memref_slice %arg5[%arg0, %add3A_212, %dma_wait3A_234] : memref<2x10240x128xf32, #tpu.memory_space<hbm>> -> memref<1x128x128xf32, #tpu.memory_space<hbm>>
      %dma_wait3A_236 = tpu.memref_squeeze %dma_wait3A_235 : memref<1x128x128xf32, #tpu.memory_space<hbm>> -> memref<128x128xf32, #tpu.memory_space<hbm>>
      %dma_wait3A_237 = arith.constant 0 : i32
      %dma_wait3A_238 = tpu.memref_slice %arg6[%add3A_212, %dma_wait3A_237] : memref<10240x128xf32, #tpu.memory_space<vmem_shared>> -> memref<128x128xf32, #tpu.memory_space<vmem_shared>>
      tpu.wait_dma2 semaphore(%run_scoped3A : memref<!tpu.dma_semaphore, #tpu.memory_space<semaphore_mem>>) src(%dma_wait3A_238 : memref<128x128xf32, #tpu.memory_space<vmem_shared>>) dst(%dma_wait3A_236 : memref<128x128xf32, #tpu.memory_space<hbm>>)
      tpu.yield
    }) : () -> ()
    %mul3A_213 = arith.constant 640 : i32
    %mul3A_214 = arith.muli %arg1, %mul3A_213 : i32
    %add3A_215 = arith.constant 128 : i32
    %add3A_216 = arith.addi %mul3A_214, %add3A_215 : i32
    "tpu.region"() ({
      %run_scoped3A = tpu.sem_alloc : memref<!tpu.dma_semaphore, #tpu.memory_space<semaphore_mem>>
      %dma_start3A_229 = arith.constant 0 : i32
      %dma_start3A_230 = tpu.memref_slice %arg5[%arg0, %add3A_216, %dma_start3A_229] : memref<2x10240x128xf32, #tpu.memory_space<hbm>> -> memref<1x128x128xf32, #tpu.memory_space<hbm>>
      %dma_start3A_231 = tpu.memref_squeeze %dma_start3A_230 : memref<1x128x128xf32, #tpu.memory_space<hbm>> -> memref<128x128xf32, #tpu.memory_space<hbm>>
      %dma_start3A_232 = arith.constant 0 : i32
      %dma_start3A_233 = tpu.memref_slice %arg6[%add3A_216, %dma_start3A_232] : memref<10240x128xf32, #tpu.memory_space<vmem_shared>> -> memref<128x128xf32, #tpu.memory_space<vmem_shared>>
      tpu.enqueue_dma source(%dma_start3A_233 : memref<128x128xf32, #tpu.memory_space<vmem_shared>>) target(%dma_start3A_231 : memref<128x128xf32, #tpu.memory_space<hbm>>) target_semaphore(%run_scoped3A : memref<!tpu.dma_semaphore, #tpu.memory_space<semaphore_mem>>)
      %dma_wait3A_234 = arith.constant 0 : i32
      %dma_wait3A_235 = tpu.memref_slice %arg5[%arg0, %add3A_216, %dma_wait3A_234] : memref<2x10240x128xf32, #tpu.memory_space<hbm>> -> memref<1x128x128xf32, #tpu.memory_space<hbm>>
      %dma_wait3A_236 = tpu.memref_squeeze %dma_wait3A_235 : memref<1x128x128xf32, #tpu.memory_space<hbm>> -> memref<128x128xf32, #tpu.memory_space<hbm>>
      %dma_wait3A_237 = arith.constant 0 : i32
      %dma_wait3A_238 = tpu.memref_slice %arg6[%add3A_216, %dma_wait3A_237] : memref<10240x128xf32, #tpu.memory_space<vmem_shared>> -> memref<128x128xf32, #tpu.memory_space<vmem_shared>>
      tpu.wait_dma2 semaphore(%run_scoped3A : memref<!tpu.dma_semaphore, #tpu.memory_space<semaphore_mem>>) src(%dma_wait3A_238 : memref<128x128xf32, #tpu.memory_space<vmem_shared>>) dst(%dma_wait3A_236 : memref<128x128xf32, #tpu.memory_space<hbm>>)
      tpu.yield
    }) : () -> ()
    %mul3A_217 = arith.constant 640 : i32
    %mul3A_218 = arith.muli %arg1, %mul3A_217 : i32
    %add3A_219 = arith.constant 256 : i32
    %add3A_220 = arith.addi %mul3A_218, %add3A_219 : i32
    "tpu.region"() ({
      %run_scoped3A = tpu.sem_alloc : memref<!tpu.dma_semaphore, #tpu.memory_space<semaphore_mem>>
      %dma_start3A_229 = arith.constant 0 : i32
      %dma_start3A_230 = tpu.memref_slice %arg5[%arg0, %add3A_220, %dma_start3A_229] : memref<2x10240x128xf32, #tpu.memory_space<hbm>> -> memref<1x128x128xf32, #tpu.memory_space<hbm>>
      %dma_start3A_231 = tpu.memref_squeeze %dma_start3A_230 : memref<1x128x128xf32, #tpu.memory_space<hbm>> -> memref<128x128xf32, #tpu.memory_space<hbm>>
      %dma_start3A_232 = arith.constant 0 : i32
      %dma_start3A_233 = tpu.memref_slice %arg6[%add3A_220, %dma_start3A_232] : memref<10240x128xf32, #tpu.memory_space<vmem_shared>> -> memref<128x128xf32, #tpu.memory_space<vmem_shared>>
      tpu.enqueue_dma source(%dma_start3A_233 : memref<128x128xf32, #tpu.memory_space<vmem_shared>>) target(%dma_start3A_231 : memref<128x128xf32, #tpu.memory_space<hbm>>) target_semaphore(%run_scoped3A : memref<!tpu.dma_semaphore, #tpu.memory_space<semaphore_mem>>)
      %dma_wait3A_234 = arith.constant 0 : i32
      %dma_wait3A_235 = tpu.memref_slice %arg5[%arg0, %add3A_220, %dma_wait3A_234] : memref<2x10240x128xf32, #tpu.memory_space<hbm>> -> memref<1x128x128xf32, #tpu.memory_space<hbm>>
      %dma_wait3A_236 = tpu.memref_squeeze %dma_wait3A_235 : memref<1x128x128xf32, #tpu.memory_space<hbm>> -> memref<128x128xf32, #tpu.memory_space<hbm>>
      %dma_wait3A_237 = arith.constant 0 : i32
      %dma_wait3A_238 = tpu.memref_slice %arg6[%add3A_220, %dma_wait3A_237] : memref<10240x128xf32, #tpu.memory_space<vmem_shared>> -> memref<128x128xf32, #tpu.memory_space<vmem_shared>>
      tpu.wait_dma2 semaphore(%run_scoped3A : memref<!tpu.dma_semaphore, #tpu.memory_space<semaphore_mem>>) src(%dma_wait3A_238 : memref<128x128xf32, #tpu.memory_space<vmem_shared>>) dst(%dma_wait3A_236 : memref<128x128xf32, #tpu.memory_space<hbm>>)
      tpu.yield
    }) : () -> ()
    %mul3A_221 = arith.constant 640 : i32
    %mul3A_222 = arith.muli %arg1, %mul3A_221 : i32
    %add3A_223 = arith.constant 384 : i32
    %add3A_224 = arith.addi %mul3A_222, %add3A_223 : i32
    "tpu.region"() ({
      %run_scoped3A = tpu.sem_alloc : memref<!tpu.dma_semaphore, #tpu.memory_space<semaphore_mem>>
      %dma_start3A_229 = arith.constant 0 : i32
      %dma_start3A_230 = tpu.memref_slice %arg5[%arg0, %add3A_224, %dma_start3A_229] : memref<2x10240x128xf32, #tpu.memory_space<hbm>> -> memref<1x128x128xf32, #tpu.memory_space<hbm>>
      %dma_start3A_231 = tpu.memref_squeeze %dma_start3A_230 : memref<1x128x128xf32, #tpu.memory_space<hbm>> -> memref<128x128xf32, #tpu.memory_space<hbm>>
      %dma_start3A_232 = arith.constant 0 : i32
      %dma_start3A_233 = tpu.memref_slice %arg6[%add3A_224, %dma_start3A_232] : memref<10240x128xf32, #tpu.memory_space<vmem_shared>> -> memref<128x128xf32, #tpu.memory_space<vmem_shared>>
      tpu.enqueue_dma source(%dma_start3A_233 : memref<128x128xf32, #tpu.memory_space<vmem_shared>>) target(%dma_start3A_231 : memref<128x128xf32, #tpu.memory_space<hbm>>) target_semaphore(%run_scoped3A : memref<!tpu.dma_semaphore, #tpu.memory_space<semaphore_mem>>)
      %dma_wait3A_234 = arith.constant 0 : i32
      %dma_wait3A_235 = tpu.memref_slice %arg5[%arg0, %add3A_224, %dma_wait3A_234] : memref<2x10240x128xf32, #tpu.memory_space<hbm>> -> memref<1x128x128xf32, #tpu.memory_space<hbm>>
      %dma_wait3A_236 = tpu.memref_squeeze %dma_wait3A_235 : memref<1x128x128xf32, #tpu.memory_space<hbm>> -> memref<128x128xf32, #tpu.memory_space<hbm>>
      %dma_wait3A_237 = arith.constant 0 : i32
      %dma_wait3A_238 = tpu.memref_slice %arg6[%add3A_224, %dma_wait3A_237] : memref<10240x128xf32, #tpu.memory_space<vmem_shared>> -> memref<128x128xf32, #tpu.memory_space<vmem_shared>>
      tpu.wait_dma2 semaphore(%run_scoped3A : memref<!tpu.dma_semaphore, #tpu.memory_space<semaphore_mem>>) src(%dma_wait3A_238 : memref<128x128xf32, #tpu.memory_space<vmem_shared>>) dst(%dma_wait3A_236 : memref<128x128xf32, #tpu.memory_space<hbm>>)
      tpu.yield
    }) : () -> ()
    %mul3A_225 = arith.constant 640 : i32
    %mul3A_226 = arith.muli %arg1, %mul3A_225 : i32
    %add3A_227 = arith.constant 512 : i32
    %add3A_228 = arith.addi %mul3A_226, %add3A_227 : i32
    "tpu.region"() ({
      %run_scoped3A = tpu.sem_alloc : memref<!tpu.dma_semaphore, #tpu.memory_space<semaphore_mem>>
      %dma_start3A_229 = arith.constant 0 : i32
      %dma_start3A_230 = tpu.memref_slice %arg5[%arg0, %add3A_228, %dma_start3A_229] : memref<2x10240x128xf32, #tpu.memory_space<hbm>> -> memref<1x128x128xf32, #tpu.memory_space<hbm>>
      %dma_start3A_231 = tpu.memref_squeeze %dma_start3A_230 : memref<1x128x128xf32, #tpu.memory_space<hbm>> -> memref<128x128xf32, #tpu.memory_space<hbm>>
      %dma_start3A_232 = arith.constant 0 : i32
      %dma_start3A_233 = tpu.memref_slice %arg6[%add3A_228, %dma_start3A_232] : memref<10240x128xf32, #tpu.memory_space<vmem_shared>> -> memref<128x128xf32, #tpu.memory_space<vmem_shared>>
      tpu.enqueue_dma source(%dma_start3A_233 : memref<128x128xf32, #tpu.memory_space<vmem_shared>>) target(%dma_start3A_231 : memref<128x128xf32, #tpu.memory_space<hbm>>) target_semaphore(%run_scoped3A : memref<!tpu.dma_semaphore, #tpu.memory_space<semaphore_mem>>)
      %dma_wait3A_234 = arith.constant 0 : i32
      %dma_wait3A_235 = tpu.memref_slice %arg5[%arg0, %add3A_228, %dma_wait3A_234] : memref<2x10240x128xf32, #tpu.memory_space<hbm>> -> memref<1x128x128xf32, #tpu.memory_space<hbm>>
      %dma_wait3A_236 = tpu.memref_squeeze %dma_wait3A_235 : memref<1x128x128xf32, #tpu.memory_space<hbm>> -> memref<128x128xf32, #tpu.memory_space<hbm>>
      %dma_wait3A_237 = arith.constant 0 : i32
      %dma_wait3A_238 = tpu.memref_slice %arg6[%add3A_228, %dma_wait3A_237] : memref<10240x128xf32, #tpu.memory_space<vmem_shared>> -> memref<128x128xf32, #tpu.memory_space<vmem_shared>>
      tpu.wait_dma2 semaphore(%run_scoped3A : memref<!tpu.dma_semaphore, #tpu.memory_space<semaphore_mem>>) src(%dma_wait3A_238 : memref<128x128xf32, #tpu.memory_space<vmem_shared>>) dst(%dma_wait3A_236 : memref<128x128xf32, #tpu.memory_space<hbm>>)
      tpu.yield
    }) : () -> ()
    return
  }
}

module attributes {stable_mosaic.version = 14 : i64} {
  func.func @_tc_finish_body(%arg0: i32, %arg1: memref<2x1000x128xf32, #tpu.memory_space<vmem>>, %arg2: memref<1000x128xf32, #tpu.memory_space<vmem>>, %arg3: memref<128x128xf32, #tpu.memory_space<vmem>>, %arg4: memref<1x128xf32, #tpu.memory_space<vmem>>, %arg5: memref<1000x128xf32, #tpu.memory_space<vmem>>) attributes {dimension_semantics = [#tpu.dimension_semantics<arbitrary>], iteration_bounds = array<i64: 10>, scalar_prefetch = 0 : i64, scratch_operands = 0 : i64, tpu.core_type = #tpu.core_type<tc>, window_params = [{transform_indices = @transform_0, window_bounds = array<i64: 2, 1000, 128>}, {transform_indices = @transform_1, window_bounds = array<i64: 1000, 128>}, {pipeline_mode = #tpu.pipeline_mode<synchronous>, transform_indices = @transform_2, window_bounds = array<i64: 128, 128>}, {pipeline_mode = #tpu.pipeline_mode<synchronous>, transform_indices = @transform_3, window_bounds = array<i64: 1, 128>}, {transform_indices = @transform_4, window_bounds = array<i64: 1000, 128>}]} {
    %get3A = arith.constant 0 : index
    %get3A_0 = arith.constant 0 : index
    %get3A_1 = arith.constant 0 : index
    %get3A_2 = vector.load %arg1[%get3A, %get3A_0, %get3A_1] : memref<2x1000x128xf32, #tpu.memory_space<vmem>>, vector<1x1000x128xf32>
    %get3A_3 = vector.shape_cast %get3A_2 : vector<1x1000x128xf32> to vector<1000x128xf32>
    %get3A_4 = arith.constant 1 : index
    %get3A_5 = arith.constant 0 : index
    %get3A_6 = arith.constant 0 : index
    %get3A_7 = vector.load %arg1[%get3A_4, %get3A_5, %get3A_6] : memref<2x1000x128xf32, #tpu.memory_space<vmem>>, vector<1x1000x128xf32>
    %get3A_8 = vector.shape_cast %get3A_7 : vector<1x1000x128xf32> to vector<1000x128xf32>
    %add3A = arith.addf %get3A_3, %get3A_8 : vector<1000x128xf32>
    %get3A_9 = arith.constant 0 : index
    %get3A_10 = arith.constant 0 : index
    %get3A_11 = vector.load %arg2[%get3A_9, %get3A_10] : memref<1000x128xf32, #tpu.memory_space<vmem>>, vector<1000x128xf32>
    %add3A_12 = arith.addf %add3A, %get3A_11 : vector<1000x128xf32>
    %get3A_13 = arith.constant 0 : index
    %get3A_14 = arith.constant 0 : index
    %get3A_15 = vector.load %arg3[%get3A_13, %get3A_14] : memref<128x128xf32, #tpu.memory_space<vmem>>, vector<128x128xf32>
    %dot_general3A = arith.constant dense<0.000000e+00> : vector<1000x128xf32>
    %dot_general3A_16 = tpu.matmul %add3A_12, %get3A_15, %dot_general3A {dimension_numbers = #tpu.dot_dimension_numbers<[1], [1], [0], [0], [0, 0, 1, 0], [], []>, transpose_lhs_hint = false} : vector<1000x128xf32>, vector<128x128xf32>, vector<1000x128xf32> -> vector<1000x128xf32>
    %get3A_17 = arith.constant 0 : index
    %get3A_18 = arith.constant 0 : index
    %get3A_19 = vector.load %arg4[%get3A_17, %get3A_18] : memref<1x128xf32, #tpu.memory_space<vmem>>, vector<1x128xf32>
    %add3A_20 = vector.broadcast %get3A_19 : vector<1x128xf32> to vector<1000x128xf32>
    %add3A_21 = arith.addf %dot_general3A_16, %add3A_20 : vector<1000x128xf32>
    %max3A = arith.constant 0.000000e+00 : f32
    %max3A_22 = vector.broadcast %max3A : f32 to vector<1000x128xf32>
    %max3A_23 = arith.maximumf %add3A_21, %max3A_22 : vector<1000x128xf32>
    %swap3A = arith.constant 0 : index
    %swap3A_24 = arith.constant 0 : index
    %swap3A_25 = vector.load %arg5[%swap3A, %swap3A_24] : memref<1000x128xf32, #tpu.memory_space<vmem>>, vector<1000x128xf32>
    tpu.vector_store %arg5[%swap3A, %swap3A_24], %max3A_23 {strides = array<i32>} : memref<1000x128xf32, #tpu.memory_space<vmem>>, vector<1000x128xf32>,
    return
  }
  func.func @transform_0(%arg0: i32) -> (i32, i32, i32) {
    %c0_i32 = arith.constant 0 : i32
    %c0_i32_0 = arith.constant 0 : i32
    %c0_i32_1 = arith.constant 0 : i32
    return %c0_i32, %arg0, %c0_i32_0 : i32, i32, i32
  }
  func.func @transform_1(%arg0: i32) -> (i32, i32) {
    %c0_i32 = arith.constant 0 : i32
    %c0_i32_0 = arith.constant 0 : i32
    return %arg0, %c0_i32 : i32, i32
  }
  func.func @transform_2(%arg0: i32) -> (i32, i32) {
    %c0_i32 = arith.constant 0 : i32
    %c0_i32_0 = arith.constant 0 : i32
    %c0_i32_1 = arith.constant 0 : i32
    return %c0_i32, %c0_i32_0 : i32, i32
  }
  func.func @transform_3(%arg0: i32) -> (i32, i32) {
    %c0_i32 = arith.constant 0 : i32
    %c0_i32_0 = arith.constant 0 : i32
    %c0_i32_1 = arith.constant 0 : i32
    return %c0_i32, %c0_i32_0 : i32, i32
  }
  func.func @transform_4(%arg0: i32) -> (i32, i32) {
    %c0_i32 = arith.constant 0 : i32
    %c0_i32_0 = arith.constant 0 : i32
    return %arg0, %c0_i32 : i32, i32
  }
}

</mosaic_0001>

<sc_bundles>
// kernel: kernel.4.cloned.1.call-start
scs
__scs_entry_jumppad:
0x0: {  	(pc) =	sbr.rel $0x88, $3  }
0x1: {  	(tag) =	ssettag $0x0;
	lr =	simm.s32 $0x1  }
0x2: {  	[smem:$0x3F9A] =	sst lr;
	_ =	strace $0xD0000000  }
0x3: {  	_ = 	snop  }
0x4: {  	_ = 	snop  }
0x5: {  	_ = 	snop  }
0x6: {  	_ = 	snop  }
0x7: {  	_ = 	snop  }
__scs_overlays_trampoline_lowered:
0x8: {  	[smem:$0x3FA9] =	sst s0  }
0x9: {  	[smem:$0x3FAA] =	sst s1  }
0xa: {  	[smem:$0x3FAB] =	sst s2  }
0xb: {  	[smem:$0x3FAC] =	sst s3  }
0xc: {  	[smem:$0x3FAD] =	sst s4  }
0xd: {  	[smem:$0x3FAE] =	sst s5  }
0xe: {  	[smem:$0x3FAF] =	sst s6  }
0xf: {  	[smem:$0x3FB0] =	sst s7  }
0x10: {  	[smem:$0x3FB1] =	sst s8  }
0x11: {  	[smem:$0x3FB2] =	sst s9;
	s0 =	simm.s32 @!p0 $0x0  }
0x12: {  	s1 =	sld [smem:$0x3F98];
	s0 =	simm.s32 @p0 $0x1  }
0x13: {  	[smem:$0x3FB3] =	sst s0;
	s0 =	simm.s32 @!p1 $0x0  }
0x14: {  	s2 =	sld [smem:$0x3F97];
	s0 =	simm.s32 @p1 $0x1  }
0x15: {  	[smem:$0x3FB4] =	sst s0;
	s0 =	simm.s32 @!p2 $0x0  }
0x16: {  	s3 =	sld [smem:$0x3FDB];
	s0 =	simm.s32 @p2 $0x1  }
0x17: {  	s4 =	simm.s32 $0x1BF5;
	[smem:$0x3FB6] =	sst s0  }
0x18: {  	s0 =	sld [smem:$0x3F99];
	_ =	swait.ge [sflag:s4], $0x0  }
0x19: {  	s7 =	sld [smem:$0x3F9A]  }
0x1a: {  	s8 =	sadd.s32 $0xFFFFE003, lr  }
0x1b: {  	s9 =	sadd.s32 $0xFFFFFEF7, lr;
	s5 =	simm.s32 $0xFFFFFFFF;
	p2 =	slt.u32 s8, $0xFFFFF086  }
0x1c: {  	p1 =	slt.u32 s9, $0xF7A;
	s5 =	simm.s32 @!p2 $0x0  }
0x1d: {  	s5 =	simm.s32 @p1 $0x1;
	p0 =	seq.s32 s7, s2  }
0x1e: {  	s7 =	smul.u32 @!p0 $0xF7A, s2;
	p2 =	seq.s32 @!p0 s5, $0x0  }
0x1f: {  	s9 =	smul.u32 $0xF7A, s1;
	s8 =	simm.s32 @!p0 $0x1BF5;
	p2 =	por !p2, p0  }
0x20: {  	[sflag:s8] =	ssyncset.s32 @!p0 $0xFFFFF086;
	s6 =	sadd.s32 @!p0 s3, s7;
	s7 =	simm.s32 @!p0 $0x108  }
0x21: {  	s3 =	sadd.s32 s3, s9;
	s6 =	sadd.s32 @!p0 $0x88, s6;
	s7 =	simm.s32 @p2 $0x1082  }
0x22: {  	[simem:s7], [sflag:s8] =	dma.local @!p0 [hbm:s6], $0xF7A  }
0x23: {  	s9 =	sor.u32 $0xD0000000, s2;
	s6 =	simm.s32 $0x108;
	_ =	swait.ge @!p0 [sflag:s8], $0x0  }
0x24: {  	s3 =	sadd.s32 $0x88, s3;
	s6 =	simm.s32 @!p1 $0x1082;
	[sflag:s4] =	ssyncset.s32 $0xFFFFF086  }
0x25: {  	[simem:s6], [sflag:s4] =	dma.local [hbm:s3], $0xF7A  }
0x26: {  	[smem:$0x3F9A] =	sst s1;
	(tag) =	ssettag s2;
	_ =	strace s9  }
0x27: {  	s1 =	sld [smem:$0x3FAA]  }
0x28: {  	s2 =	sld [smem:$0x3FAB]  }
0x29: {  	s4 =	sld [smem:$0x3FAD]  }
0x2a: {  	p0 =	seq.s32 s5, $0x0;
	s5 =	sld [smem:$0x3FAE]  }
0x2b: {  	s6 =	sld [smem:$0x3FAF]  }
0x2c: {  	s7 =	sld [smem:$0x3FB0]  }
0x2d: {  	s3 =	simm.s32 $0x108;
	s8 =	sld [smem:$0x3FB1]  }
0x2e: {  	s3 =	simm.s32 @!p0 $0x1082;
	s9 =	sld [smem:$0x3FB2]  }
0x2f: {  	lr =	sadd.s32 s0, s3;
	s0 =	sld [smem:$0x3FA9]  }
0x30: {  	s3 =	sld [smem:$0x3FAC]  }
0x31: {  	[smem:$0x3FB5] =	sst s10  }
0x32: {  	s10 =	sld [smem:$0x3FB3];
	_ =	sdelay $0x3  }
0x33: {  	p0 =	seq.s32 s10, $0x1;
	s10 =	sld [smem:$0x3FB5];
	_ =	sdelay $0x3  }
0x34: {  	[smem:$0x3FB5] =	sst s10  }
0x35: {  	s10 =	sld [smem:$0x3FB4];
	_ =	sdelay $0x3  }
0x36: {  	p1 =	seq.s32 s10, $0x1;
	s10 =	sld [smem:$0x3FB5];
	_ =	sdelay $0x3  }
0x37: {  	[smem:$0x3FB5] =	sst s10  }
0x38: {  	s10 =	sld [smem:$0x3FB6]  }
0x39: {  	_ = 	snop;
	(pc) =	sbr.ind lr, $3  }
0x3a: {  	_ = 	snop  }
0x3b: {  	_ = 	snop  }
0x3c: {  	p2 =	seq.s32 s10, $0x1;
	s10 =	sld [smem:$0x3FB5]  }
0x3d: {  	_ =	shalt  }
0x3e: {  	_ =	shalt  }
0x3f: {  	_ =	shalt  }
0x40: {  	_ =	shalt  }
0x41: {  	_ =	shalt  }
0x42: {  	_ =	shalt  }
0x43: {  	_ =	shalt  }
0x44: {  	_ =	shalt  }
0x45: {  	_ =	shalt  }
0x46: {  	_ =	shalt  }
0x47: {  	_ =	shalt  }
0x48: {  	_ =	shalt  }
0x49: {  	_ =	shalt  }
0x4a: {  	_ =	shalt  }
0x4b: {  	_ =	shalt  }
0x4c: {  	_ =	shalt  }
0x4d: {  	_ =	shalt  }
0x4e: {  	_ =	shalt  }
0x4f: {  	_ =	shalt  }
0x50: {  	_ =	shalt  }
0x51: {  	_ =	shalt  }
0x52: {  	_ =	shalt  }
0x53: {  	_ =	shalt  }
0x54: {  	_ =	shalt  }
0x55: {  	_ =	shalt  }
0x56: {  	_ =	shalt  }
0x57: {  	_ =	shalt  }
0x58: {  	_ =	shalt  }
0x59: {  	_ =	shalt  }
0x5a: {  	_ =	shalt  }
0x5b: {  	_ =	shalt  }
0x5c: {  	_ =	shalt  }
0x5d: {  	_ =	shalt  }
0x5e: {  	_ =	shalt  }
0x5f: {  	_ =	shalt  }
0x60: {  	_ =	shalt  }
0x61: {  	_ =	shalt  }
0x62: {  	_ =	shalt  }
0x63: {  	_ =	shalt  }
0x64: {  	_ =	shalt  }
0x65: {  	_ =	shalt  }
0x66: {  	_ =	shalt  }
0x67: {  	_ =	shalt  }
0x68: {  	_ =	shalt  }
0x69: {  	_ =	shalt  }
0x6a: {  	_ =	shalt  }
0x6b: {  	_ =	shalt  }
0x6c: {  	_ =	shalt  }
0x6d: {  	_ =	shalt  }
0x6e: {  	_ =	shalt  }
0x6f: {  	_ =	shalt  }
0x70: {  	_ =	shalt  }
0x71: {  	_ =	shalt  }
0x72: {  	_ =	shalt  }
0x73: {  	_ =	shalt  }
0x74: {  	_ =	shalt  }
0x75: {  	_ =	shalt  }
0x76: {  	_ =	shalt  }
0x77: {  	_ =	shalt  }
0x78: {  	_ =	shalt  }
0x79: {  	_ =	shalt  }
0x7a: {  	_ =	shalt  }
0x7b: {  	_ =	shalt  }
0x7c: {  	_ =	shalt  }
0x7d: {  	_ =	shalt  }
0x7e: {  	_ =	shalt  }
0x7f: {  	_ =	shalt  }
0x80: {  	_ =	shalt  }
0x81: {  	_ =	shalt  }
0x82: {  	_ =	shalt  }
0x83: {  	_ =	shalt  }
0x84: {  	_ =	shalt  }
0x85: {  	_ =	shalt  }
0x86: {  	_ =	shalt  }
0x87: {  	_ =	shalt  }
.Lfunc_end0:
.L_simem_size_0:
called_computation_lowered:
.L_overlay_start_0:
0x88: {  	s2 =	sld [smem:$0x3FD9]  }
0x89: {  	s3 =	sld [smem:$0x3FFE];
	_ =	sdelay $0x1  }
0x8a: {  	s1 =	srdreg.scid  }
0x8b: {  	s0 =	sand.u32 $0x1, s1  }
0x8c: {  	s17 =	sshll.u32 s0, $0xA;
	s2 =	sadd.s32 s3, s2  }
0x8d: {  	s2 =	sadd.s32 s2, s17  }
0x8e: {  	[smem:$0x3FC1] =	sst s2  }
0x8f: {  	_ = 	snop  }
0x90: {  	s2 =	sld [smem:$0x3FC9]  }
0x91: {  	s18 =	sld [smem:$0x3FC6];
	(tm) =	ssettm $0x1  }
0x92: {  	s4 =	sld [smem:$0x3FFB];
	_ =	sdelay $0x3  }
0x93: {  	_ =	strace s4  }
0x94: {  	s4 =	sld [smem:$0x3FFC];
	_ =	sdelay $0x3  }
0x95: {  	_ =	strace s4  }
0x96: {  	s4 =	sld [smem:$0x3FFD];
	_ =	sdelay $0x3  }
0x97: {  	_ =	strace s4  }
0x98: {  	_ =	strace $0x8FFFFFFF  }
0x99: {  	s19 =	sld [smem:$0x3FDB];
	_ =	sdelay $0x1  }
0x9a: {  	s5 =	simm.s32 $_scs_section_size  }
0x9b: {  	s6 =	simm.s32 $_size__tile_overlayer_lowered;
	s7 =	simm.s32 $_tile_overlayer_lowered  }
0x9c: {  	s22 =	simm.s32 $0x1BFF;
	s21 =	sshll.u32 s7, $0x1;
	s4 =	sadd.s32 s5, s19  }
0x9d: {  	s8 =	simm.s32 $0x0;
	s20 =	sshll.u32 s6, $0x1;
	s6 =	sadd.s32 s21, s4  }
0x9e: {  	[timem:s8], [sflag:s22] =	dma.local [hbm:s6], s20  }
0x9f: {  	_ =	swait.ge [sflag:s22], s20  }
0xa0: {  	s5 =	ssub.s32 $0x0, s20;
	[sflag:s22] =	ssyncset.done $0x0  }
0xa1: {  	[sflag:s22] =	ssyncadd.s32 s5;
	_ =	sdelay $0x1  }
0xa2: {  	s23 =	simm.s32 $0x1B8B  }
0xa3: {  	_ =	swait.ge [sflag:s23], $0x1  }
0xa4: {  	[sflag:s23] =	ssyncset.done $0x0  }
0xa5: {  	s25 =	simm.s32 $0x1B8E;
	s24 =	sld [smem:$0x3FFE];
	[sflag:s23] =	ssyncadd.s32 $0xFFFFFFFF  }
0xa6: {  	s26 =	simm.s32 $execute0_lowered;
	[smem:$0x3FD2] =	sst s25  }
0xa7: {  	s6 =	sshll.u32 s26, $0x1;
	_ =	strace $0x80000046;
	[dreg:$0x1] =	wrdreg $0xFFFFFFFF  }
0xa8: {  	s28 =	simm.s32 $_size_execute0_lowered;
	s4 =	sadd.s32 s4, s6;
	[dreg:$0x0] =	wrdreg $0x0  }
0xa9: {  	s6 =	sshll.u32 s28, $0x1;
	[dreg:$0x2] =	wrdreg s4  }
0xaa: {  	[dreg:$0x3] =	wrdreg s6  }
0xab: {  	[dreg:$0x4] =	wrdreg $0xC0  }
0xac: {  	_ =	task [dreg:s8], $0x5FFFF  }
0xad: {  	[dreg:$0x1] =	wrdreg $0xFFFFFFFF  }
0xae: {  	[dreg:$0x0] =	wrdreg $0x60  }
0xaf: {  	[dreg:$0x2] =	wrdreg s2  }
0xb0: {  	[dreg:$0x3] =	wrdreg s24  }
0xb1: {  	[dreg:$0x4] =	wrdreg s18  }
0xb2: {  	[dreg:$0x5] =	wrdreg $0x0  }
0xb3: {  	[dreg:$0x6] =	wrdreg $0x9  }
0xb4: {  	_ =	task.clear_ibuf [dreg:s8], $0x7FFFF;
	_ =	strace $0x90000046  }
0xb5: {  	s29 =	simm.s32 $0x9;
	_ =	strace $0x80000048  }
0xb6: {  	_ =	swait.ge [sflag:s29], $0x1  }
0xb7: {  	[sflag:s29] =	ssyncadd.s32 $0xFFFFFFFF  }
0xb8: {  	_ =	strace $0x90000048  }
0xb9: {  	_ =	sfence  }
0xba: {  	s30 =	sld [smem:$0x0];
	_ =	sdelay $0x2  }
0xbb: {  	s31 =	sshll.u32 s1, $0xD;
	s1 =	sshrl.u32 s1, $0x2  }
0xbc: {  	s3 =	sand.u32 $0x4000, s31;
	s1 =	sadd.s32 s1, s30  }
0xbd: {  	s0 =	sor.u32 s3, s0;
	s1 =	sshll.u32 s1, $0x11  }
0xbe: {  	s0 =	sor.u32 s1, s0  }
0xbf: {  	s0 =	sadd.s32 $0x8F2B, s0  }
0xc0: {  	[sflag:s0] =	ssyncadd.remote.s32 $0x1  }
0xc1: {  	_ =	sfence.sel $0xFFFF  }
0xc2: {  	[dreg:$0x0] =	wrdreg $0xFFFFFFFF;
	(pc) =	sbr.abs _section_cstart, $3  }
0xc3: {  	[dreg:$0x1] =	wrdreg $0xFFFFFFFF  }
0xc4: {  	_ =	task.clear_ibuf [dreg:s8], $0x2FFFF;
	_ =	strace $0x9FFFFFFF  }
0xc5: {  	(tm) =	ssettm $0x7FFFFFFF  }
tec
execute0_lowered:
.L_overlay_start_1:
0x0: {  	(tag) =	ssettag $0x1  }
0x1: {  	s1 =	rddreg [dreg:$0x0]  }
0x2: {  	s0 =	rddreg [dreg:$0x1]  }
0x3: {  	s2 =	rddreg [dreg:$0x2]  }
0x4: {  	s3 =	rddreg [dreg:$0x3];
	s4 =	simm.s32 $0x0  }
0x5: {  	s5 =	srdreg.scid;
	s10 =	stileid.u32;
	s31 =	simm.s32 $0x3  }
0x6: {  	s28 =	simm.s32 $0x6;
	s29 =	simm.s32 $0x5;
	s8 =	smul.u32 $0x50000, s10  }
0x7: {  	s5 =	sand.u32 $0x1, s5;
	s7 =	sshll.u32 s10, $0x1;
	s14 =	smul.u32 $0x14000, s10  }
0x8: {  	s9 =	ssub.s32 $0x2, s5;
	s13 =	sor.u32 s5, s7;
	s5 =	smul.u32 $0x140000, s5  }
0x9: {  	[smem:$0x7FF] =	sst s4;
	s6 =	sadd.s32 $0xA00, s0;
	s7 =	smul.u32 $0x2710, s13  }
0xa: {  	s0 =	sadd.s32 $0x3F200, s0;
	s18 =	sshrl.u32 s8, $0x2;
	s8 =	smul.u32 $0x7D, s13  }
0xb: {  	_ =	strace $0x80000047;
	s17 =	sshrl.u32 s9, $0x1;
	s19 =	smul.u32 $0x27100, s13  }
0xc: {  	s16 =	sadd.s32 $0x4000, s14;
	s20 =	sadd.s32 $0xC000, s14;
	s21 =	smul.u32 $0xFA00, s13  }
0xd: {  	s22 =	sadd.s32 $0x10000, s14;
	s23 =	smul.u32 $0x138800, s13;
	s15 =	ssub.s32 s9, s17  }
0xe: {  	s9 =	sadd.s32 s18, s3;
	s17 =	smul.u32 $0x1F40, s13;
	s10 =	sadd.s32 s16, s3  }
0xf: {  	s18 =	sadd.s32 $0x8000, s14;
	s12 =	sadd.s32 s20, s3;
	s13 =	sadd.s32 s22, s3  }
0x10: {  	s14 =	sadd.s32 s14, s5;
	s16 =	sadd.s32 s5, s16;
	s26 =	sadd.s32 s5, s20  }
0x11: {  	s11 =	sadd.s32 s18, s3;
	s21 =	sshrl.u32 s21, $0x3;
	s19 =	sadd.s32 s2, s19  }
0x12: {  	s23 =	sshrl.u32 s23, $0x3;
	s14 =	sshrl.u32 s14, $0x3;
	s24 =	sshrl.u32 s16, $0x3  }
0x13: {  	s25 =	sadd.s32 s5, s18;
	s16 =	sshrl.u32 s26, $0x3;
	s5 =	sadd.s32 s5, s22  }
0x14: {  	s17 =	sadd.s32 s6, s17;
	[dreg:$0x6] =	wrdreg s19;
	s21 =	sadd.s32 s6, s21  }
0x15: {  	s14 =	sadd.s32 s0, s14;
	s30 =	sadd.s32 s0, s16;
	[dreg:$0x5] =	wrdreg s17  }
0x16: {  	s5 =	sshrl.u32 s5, $0x3;
	s17 =	sadd.s32 $0x40, s21;
	[dreg:$0x9] =	wrdreg s14  }
0x17: {  	s14 =	sadd.s32 s0, s24;
	[dreg:$0xc] =	wrdreg s30;
	s22 =	sadd.s32 s0, s5  }
0x18: {  	s24 =	simm.s32 $0x19800;
	[dreg:$0x7] =	wrdreg s17;
	s17 =	sadd.s32 s2, s23  }
0x19: {  	[dreg:$0xa] =	wrdreg s14;
	s14 =	sshrl.u32 s25, $0x3;
	s17 =	sadd.s32 $0x500, s17  }
0x1a: {  	s23 =	smax.u32 s15, $0x1;
	s14 =	sadd.s32 s0, s14;
	[dreg:$0x8] =	wrdreg s17  }
0x1b: {  	v61 =	vimm.f32 $0.0e+00;
	s25 =	simm.s32 $0x7;
	s0 =	simm.s32 $0x50;
	[dreg:$0xb] =	wrdreg s14  }
.LBB2_1:
0x1c: {  	s5 =	simm.s32 $0x0;
	s14 =	simm.s32 $0x200  }
.LBB2_2:
0x1d: {  	p0 =	sne.s32 s14, $0xFE00;
	[tilespmem:s5+$0x19870] =	vst v61  }
0x1e: {  	[tilespmem:s5+$0x19800] =	vst v61  }
0x1f: {  	[tilespmem:s5+$0x19810] =	vst v61  }
.Ltmp0:
0x20: {  	[tilespmem:s5+$0x19820] =	vst v61;
	(pc) =	sbr.rel @p0 .LBB2_2-.Ltmp0, $4  }
0x21: {  	[tilespmem:s5+$0x19830] =	vst v61  }
0x22: {  	[tilespmem:s5+$0x19840] =	vst v61  }
0x23: {  	[tilespmem:s5+$0x19850] =	vst v61  }
0x24: {  	[tilespmem:s5+$0x19860] =	vst v61;
	s5 =	sshra.s32 s14, $0x2;
	s14 =	sadd.s32 $0x200, s14  }
0x25: {  	[tilespmem:s5+$0x19870] =	vst v61  }
0x26: {  	[tilespmem:s5+$0x19800] =	vst v61  }
0x27: {  	[tilespmem:s5+$0x19810] =	vst v61  }
0x28: {  	[tilespmem:s5+$0x19820] =	vst v61  }
0x29: {  	[tilespmem:s5+$0x19830] =	vst v61  }
0x2a: {  	[tilespmem:s5+$0x19840] =	vst v61  }
0x2b: {  	[tilespmem:s5+$0x19850] =	vst v61  }
0x2c: {  	[tilespmem:s5+$0x19860] =	vst v61  }
0x2d: {  	[spmem:s9] =	stream.linear.scatter [tilespmem:s24], [sflag:$0x7], $0x4000, $0x38;
	[tilespmem:$0x1E800] =	vst v63  }
0x2e: {  	_ =	swait.ge [sflag:s25], $0x4000  }
0x2f: {  	[sflag:s25] =	ssyncset.done $0x0  }
0x30: {  	[sflag:s25] =	ssyncadd.s32 $0xFFFFC000  }
0x31: {  	[spmem:s10] =	stream.linear.scatter [tilespmem:s24], [sflag:$0x7], $0x4000, $0x38;
	[tilespmem:$0x1E800] =	vst v63  }
0x32: {  	_ =	swait.ge [sflag:s25], $0x4000  }
0x33: {  	[sflag:s25] =	ssyncset.done $0x0  }
0x34: {  	[sflag:s25] =	ssyncadd.s32 $0xFFFFC000  }
0x35: {  	[spmem:s11] =	stream.linear.scatter [tilespmem:s24], [sflag:$0x7], $0x4000, $0x38;
	[tilespmem:$0x1E800] =	vst v63  }
0x36: {  	_ =	swait.ge [sflag:s25], $0x4000  }
0x37: {  	[sflag:s25] =	ssyncset.done $0x0  }
0x38: {  	[sflag:s25] =	ssyncadd.s32 $0xFFFFC000  }
0x39: {  	[spmem:s12] =	stream.linear.scatter [tilespmem:s24], [sflag:$0x7], $0x4000, $0x38;
	[tilespmem:$0x1E800] =	vst v63  }
0x3a: {  	_ =	swait.ge [sflag:s25], $0x4000  }
0x3b: {  	[sflag:s25] =	ssyncset.done $0x0  }
0x3c: {  	[sflag:s25] =	ssyncadd.s32 $0xFFFFC000  }
0x3d: {  	[spmem:s13] =	stream.linear.scatter [tilespmem:s24], [sflag:$0x7], $0x4000, $0x38;
	[tilespmem:$0x1E800] =	vst v63  }
0x3e: {  	_ =	swait.ge [sflag:s25], $0x4000  }
0x3f: {  	[sflag:s25] =	ssyncset.done $0x0  }
0x40: {  	[sflag:s25] =	ssyncadd.s32 $0xFFFFC000  }
0x41: {  	[bflag:$0x0] =	sbarrier.arrive $0xFFFF  }
0x42: {  	s30 =	simm.s32 $0x0;
	s14 =	simm.s32 $0x14000;
	s17 =	rddreg [dreg:$0x5]  }
0x43: {  	[tilespmem:s14], [sflag:$0x3] =	stream.linear.gather [hbm4b:s17+s30], $0x180, $0x38;
	[tilespmem:$0x1E800] =	vst v63  }
0x44: {  	s15 =	simm.s32 $0x14800;
	s18 =	rddreg [dreg:$0x6]  }
0x45: {  	[tilespmem:s15], [sflag:$0x3] =	stream.linear.gather [hbm4b:s18+s30], $0x2800, $0x38;
	[tilespmem:$0x1E800] =	vst v63  }
0x46: {  	s20 =	simm.s32 $0x14200;
	s19 =	rddreg [dreg:$0x7]  }
0x47: {  	[tilespmem:s20], [sflag:$0x4] =	stream.linear.gather [hbm4b:s19+s30], $0x180, $0x38;
	[tilespmem:$0x1E800] =	vst v63  }
0x48: {  	s26 =	simm.s32 $0x17000;
	s21 =	rddreg [dreg:$0x8]  }
0x49: {  	[tilespmem:s26], [sflag:$0x4] =	stream.linear.gather [hbm4b:s21+s30], $0x2800, $0x38;
	[tilespmem:$0x1E800] =	vst v63  }
0x4a: {  	_ =	swait.ge [sflag:s31], $0x180  }
0x4b: {  	[sflag:s31] =	ssyncset.done $0x0  }
0x4c: {  	[sflag:s31] =	ssyncadd.s32 $0xFFFFFE80  }
0x4d: {  	_ =	swait.ge [sflag:s31], $0x2800  }
0x4e: {  	[sflag:s31] =	ssyncset.done $0x0  }
0x4f: {  	[sflag:s31] =	ssyncadd.s32 $0xFFFFD800  }
0x50: {  	[tilespmem:s24], [sflag:$0x1] =	stream.indirect.gather [hbm4b:s1+s0], $0x80, s14, s0, $0xb8;
	[tilespmem:$0x1E800] =	vst v63  }
.LBB2_4:
0x51: {  	s26 =	sand.u32 $0x1, s30  }
0x52: {  	s14 =	sadd.s32 $0x1, s26  }
0x53: {  	s5 =	sadd.s32 $0x1, s30;
	p0 =	seq.s32 s30, $0x7C;
	_ =	swait.ge [sflag:s14], $0x2800  }
0x54: {  	s15 =	sand.u32 @!p0 $0x1, s5;
	[sflag:s14] =	ssyncset.done $0x0  }
0x55: {  	[sflag:s14] =	ssyncadd.s32 $0xFFFFD800;
	s14 =	sadd.s32 @!p0 $0x3, s15  }
0x56: {  	_ =	swait.ge @!p0 [sflag:s14], $0x180  }
0x57: {  	[sflag:s14] =	ssyncset.done @!p0 $0x0  }
0x58: {  	s19 =	sshll.u32 s30, $0x9;
	[sflag:s14] =	ssyncadd.s32 @!p0 $0xFFFFFE80  }
0x59: {  	p1 =	seq.s32 @!p0 s30, $0x0;
	s18 =	smul.u32 $0x50, s26;
	_ =	swait.ge @!p0 [sflag:s14], $0x2800  }
0x5a: {  	s20 =	sshll.u32 @!p0 s5, $0x9;
	p1 =	por p1, p0;
	[sflag:s14] =	ssyncset.done @!p0 $0x0  }
0x5b: {  	s17 =	smul.u32 @!p0 $0xA000, s15;
	s16 =	sadd.s32 @!p1 $0x5, s15;
	[sflag:s14] =	ssyncadd.s32 @!p0 $0xFFFFD800  }
0x5c: {  	s21 =	sadd.s32 $0x0, s18;
	s14 =	sand.u32 $0x600, s19;
	_ =	swait.ge @!p1 [sflag:s16], $0x2800  }
0x5d: {  	s17 =	sshrl.u32 @!p0 s17, $0x2;
	s19 =	sor.u32 $0x14100, s14;
	[sflag:s16] =	ssyncset.done @!p1 $0x0  }
0x5e: {  	[sflag:s16] =	ssyncadd.s32 @!p1 $0xFFFFD800;
	s16 =	sadd.s32 @!p0 $0x19800, s17;
	s17 =	sand.u32 @!p0 $0x600, s20  }
0x5f: {  	s15 =	sadd.s32 @!p0 $0x1, s15;
	v2 =	vmov s19;
	s19 =	simm.s32 @!p0 $0x50;
	s17 =	sor.u32 @!p0 $0x14000, s17  }
0x60: {  	[tilespmem:s16], [sflag:s15] =	stream.indirect.gather @!p0 [hbm4b:s1+s19], $0x80, s17, s19, $0xb8;
	[tilespmem:$0x1E800] =	vst v63  }
0x61: {  	s15 =	sshll.u32 s21, $0x7  }
0x62: {  	v4 =	vld [tilespmem:s15+$0x14FF0]  }
0x63: {  	v5 =	vld [tilespmem:s15+$0x19FF0]  }
0x64: {  	v6 =	vld [tilespmem:s15+$0x14800]  }
0x65: {  	v7 =	vld [tilespmem:s15+$0x19800]  }
0x66: {  	v8 =	vld [tilespmem:s15+$0x14810]  }
0x67: {  	v9 =	vld [tilespmem:s15+$0x19810]  }
0x68: {  	v10 =	vld [tilespmem:s15+$0x14820]  }
0x69: {  	v46 =	vld [tilespmem:s15+$0x19820]  }
0x6a: {  	v11 =	vld [tilespmem:s15+$0x14830]  }
0x6b: {  	v12 =	vld [tilespmem:s15+$0x19830]  }
0x6c: {  	v13 =	vld [tilespmem:s15+$0x14840]  }
0x6d: {  	v47 =	vld [tilespmem:s15+$0x19840]  }
0x6e: {  	v14 =	vld [tilespmem:s15+$0x14850]  }
0x6f: {  	v15 =	vld [tilespmem:s15+$0x19850]  }
0x70: {  	v48 =	vld [tilespmem:s15+$0x14860]  }
0x71: {  	v17 =	vld [tilespmem:s15+$0x19860]  }
0x72: {  	v49 =	vld [tilespmem:s15+$0x14870]  }
0x73: {  	v18 =	vld [tilespmem:s15+$0x19870]  }
0x74: {  	v50 =	vld [tilespmem:s15+$0x14880]  }
0x75: {  	v52 =	vld [tilespmem:s15+$0x19880]  }
0x76: {  	v53 =	vld [tilespmem:s15+$0x14890]  }
0x77: {  	v55 =	vld [tilespmem:s15+$0x19890]  }
0x78: {  	v56 =	vld [tilespmem:s15+$0x148A0]  }
0x79: {  	v57 =	vld [tilespmem:s15+$0x198A0]  }
0x7a: {  	v59 =	vld [tilespmem:s15+$0x148B0]  }
0x7b: {  	v62 =	vld [tilespmem:s15+$0x198B0]  }
0x7c: {  	v63 =	vld [tilespmem:s15+$0x148C0]  }
0x7d: {  	v19 =	vld [tilespmem:s15+$0x148F0]  }
0x7e: {  	v20 =	vld [tilespmem:s15+$0x198F0]  }
0x7f: {  	v22 =	vld [tilespmem:s15+$0x14900]  }
0x80: {  	v23 =	vld [tilespmem:s15+$0x19900]  }
0x81: {  	v25 =	vld [tilespmem:s15+$0x14910]  }
0x82: {  	v26 =	vld [tilespmem:s15+$0x19910]  }
0x83: {  	v28 =	vld [tilespmem:s15+$0x14920]  }
0x84: {  	v29 =	vld [tilespmem:s15+$0x19920]  }
0x85: {  	v31 =	vld [tilespmem:s15+$0x14930]  }
0x86: {  	v33 =	vld [tilespmem:s15+$0x19930]  }
0x87: {  	v35 =	vld [tilespmem:s15+$0x14940]  }
0x88: {  	v36 =	vld [tilespmem:s15+$0x19940]  }
0x89: {  	v38 =	vld [tilespmem:s15+$0x14950]  }
0x8a: {  	v39 =	vld [tilespmem:s15+$0x19950]  }
0x8b: {  	v41 =	vld [tilespmem:s15+$0x14960]  }
0x8c: {  	s20 =	simm.s32 $0x0;
	v42 =	vld [tilespmem:s15+$0x19960]  }
0x8d: {  	v3 =	vld.idx.msk [tilespmem:v2+s20+$0x0 ss:$0x1], $0xffff  }
0x8e: {  	v44 =	vld [tilespmem:s15+$0x14970]  }
0x8f: {  	v45 =	vld [tilespmem:s15+$0x19970];
	v4 =	vmul.f32 v5, v4  }
0x90: {  	v6 =	vmul.f32 v7, v6;
	v54 =	vmul.f32 v15, v14;
	v14 =	vld [tilespmem:s15+$0x148D0]  }
0x91: {  	v51 =	vmul.f32 v12, v11;
	v7 =	vmul.f32 v17, v48;
	v15 =	vld [tilespmem:s15+$0x198D0]  }
0x92: {  	v17 =	vld [tilespmem:s15+$0x198E0];
	v1 =	vbroadcast v3, $0xF;
	v16 =	vbroadcast v3, $0x0  }
0x93: {  	v8 =	vmul.f32 v9, v8;
	v5 =	vmul.f32 v46, v10;
	v48 =	vld [tilespmem:s15+$0x19980]  }
0x94: {  	v4 =	vmul.f32 v4, v1;
	v10 =	vmul.f32 v51, v16;
	v51 =	vld [tilespmem:s15+$0x19990]  }
0x95: {  	v9 =	vmul.f32 v18, v49;
	v11 =	vmul.f32 v54, v16;
	v54 =	vld [tilespmem:s15+$0x199A0]  }
0x96: {  	v6 =	vmul.f32 v6, v16;
	[tilespmem:s15+$0x19FF0] =	vst v4;
	v4 =	vmul.f32 v47, v13;
	v13 =	vld [tilespmem:s15+$0x198C0]  }
0x97: {  	v5 =	vmul.f32 v5, v16;
	v47 =	vld [tilespmem:s15+$0x14980]  }
0x98: {  	v58 =	vmul.f32 v9, v16;
	[tilespmem:s15+$0x19800] =	vst v6;
	v6 =	vmul.f32 v52, v50;
	v50 =	vld [tilespmem:s15+$0x14990]  }
0x99: {  	v8 =	vmul.f32 v8, v16;
	[tilespmem:s15+$0x19820] =	vst v5;
	v5 =	vmul.f32 v55, v53;
	v53 =	vld [tilespmem:s15+$0x149A0]  }
0x9a: {  	[tilespmem:s15+$0x19870] =	vst v58;
	v58 =	vld [tilespmem:s15+$0x199B0]  }
0x9b: {  	v60 =	vbroadcast v3, $0x1;
	[tilespmem:s15+$0x19810] =	vst v8;
	v8 =	vmul.f32 v62, v59;
	v62 =	vld [tilespmem:s15+$0x199C0]  }
0x9c: {  	v7 =	vmul.f32 v7, v16;
	v4 =	vmul.f32 v4, v16;
	v16 =	vld [tilespmem:s15+$0x148E0]  }
0x9d: {  	v18 =	vmul.f32 v8, v60;
	v8 =	vmul.f32 v20, v19;
	v19 =	vld [tilespmem:s15+$0x149F0]  }
0x9e: {  	v6 =	vmul.f32 v6, v60;
	v20 =	vld [tilespmem:s15+$0x199F0]  }
0x9f: {  	[tilespmem:s15+$0x19840] =	vst v4;
	v4 =	vmul.f32 v57, v56;
	v56 =	vld [tilespmem:s15+$0x149B0]  }
0xa0: {  	[tilespmem:s15+$0x19880] =	vst v6;
	v6 =	vmul.f32 v15, v14;
	v14 =	vld [tilespmem:s15+$0x199D0]  }
0xa1: {  	v30 =	vmul.f32 v8, v60;
	v8 =	vmul.f32 v33, v31;
	v31 =	vld [tilespmem:s15+$0x14A30]  }
0xa2: {  	v33 =	vld [tilespmem:s15+$0x19A30]  }
0xa3: {  	v32 =	vbroadcast v3, $0x2;
	[tilespmem:s15+$0x19860] =	vst v7;
	v7 =	vmul.f32 v13, v63;
	v13 =	vld [tilespmem:s15+$0x149D0]  }
0xa4: {  	v24 =	vmul.f32 v6, v60;
	v6 =	vmul.f32 v26, v25;
	v25 =	vld [tilespmem:s15+$0x14A10]  }
0xa5: {  	v5 =	vmul.f32 v5, v60;
	v26 =	vld [tilespmem:s15+$0x19A10]  }
0xa6: {  	v43 =	vmul.f32 v8, v32;
	v8 =	vmul.f32 v45, v44;
	v44 =	vld [tilespmem:s15+$0x14A70]  }
0xa7: {  	v45 =	vld [tilespmem:s15+$0x19A70]  }
0xa8: {  	[tilespmem:s15+$0x19890] =	vst v5;
	v5 =	vmul.f32 v17, v16;
	v16 =	vld [tilespmem:s15+$0x149E0]  }
0xa9: {  	v17 =	vld [tilespmem:s15+$0x199E0]  }
0xaa: {  	v21 =	vmul.f32 v7, v60;
	v7 =	vmul.f32 v23, v22;
	v22 =	vld [tilespmem:s15+$0x14A00]  }
0xab: {  	v23 =	vld [tilespmem:s15+$0x19A00]  }
0xac: {  	v37 =	vmul.f32 v6, v32;
	v6 =	vmul.f32 v39, v38;
	v38 =	vld [tilespmem:s15+$0x14A50]  }
0xad: {  	v39 =	vld [tilespmem:s15+$0x19A50]  }
0xae: {  	v4 =	vmul.f32 v4, v60;
	v27 =	vmul.f32 v5, v60;
	v60 =	vld [tilespmem:s15+$0x149C0]  }
0xaf: {  	v5 =	vmul.f32 v29, v28;
	v28 =	vld [tilespmem:s15+$0x14A20]  }
0xb0: {  	v29 =	vld [tilespmem:s15+$0x19A20]  }
0xb1: {  	v34 =	vmul.f32 v7, v32;
	v7 =	vmul.f32 v36, v35;
	v35 =	vld [tilespmem:s15+$0x14A40]  }
0xb2: {  	v36 =	vld [tilespmem:s15+$0x19A40]  }
0xb3: {  	v55 =	vmul.f32 v8, v32;
	v8 =	vmul.f32 v58, v56;
	v56 =	vld [tilespmem:s15+$0x14AB0]  }
0xb4: {  	v58 =	vld [tilespmem:s15+$0x19AB0]  }
0xb5: {  	v49 =	vmul.f32 v6, v32;
	v6 =	vmul.f32 v51, v50;
	v50 =	vld [tilespmem:s15+$0x14A90]  }
0xb6: {  	v51 =	vld [tilespmem:s15+$0x19A90]  }
0xb7: {  	v40 =	vmul.f32 v5, v32;
	v5 =	vmul.f32 v42, v41;
	v41 =	vld [tilespmem:s15+$0x14A60]  }
0xb8: {  	v57 =	vbroadcast v3, $0x3;
	v42 =	vld [tilespmem:s15+$0x19A60]  }
0xb9: {  	v46 =	vmul.f32 v7, v32;
	v7 =	vmul.f32 v48, v47;
	v47 =	vld [tilespmem:s15+$0x14A80]  }
0xba: {  	v48 =	vld [tilespmem:s15+$0x19A80]  }
0xbb: {  	[tilespmem:s15+$0x198B0] =	vst v18;
	v18 =	vmul.f32 v8, v57;
	v8 =	vmul.f32 v20, v19;
	v19 =	vld [tilespmem:s15+$0x14AF0]  }
0xbc: {  	v20 =	vld [tilespmem:s15+$0x19AF0]  }
0xbd: {  	v63 =	vmul.f32 v6, v57;
	v6 =	vmul.f32 v14, v13;
	v13 =	vld [tilespmem:s15+$0x14AD0]  }
0xbe: {  	v14 =	vld [tilespmem:s15+$0x19AD0]  }
0xbf: {  	v52 =	vmul.f32 v5, v32;
	v5 =	vmul.f32 v54, v53;
	v53 =	vld [tilespmem:s15+$0x14AA0]  }
0xc0: {  	v54 =	vld [tilespmem:s15+$0x19AA0]  }
0xc1: {  	[tilespmem:s15+$0x198F0] =	vst v30;
	v30 =	vmul.f32 v8, v57;
	v8 =	vmul.f32 v33, v31;
	v31 =	vld [tilespmem:s15+$0x14B30]  }
0xc2: {  	v33 =	vld [tilespmem:s15+$0x19B30]  }
0xc3: {  	v59 =	vmul.f32 v7, v57;
	v7 =	vmul.f32 v62, v60;
	v60 =	vld [tilespmem:s15+$0x14AC0]  }
0xc4: {  	v62 =	vld [tilespmem:s15+$0x19AC0]  }
0xc5: {  	[tilespmem:s15+$0x198D0] =	vst v24;
	v24 =	vmul.f32 v6, v57;
	v6 =	vmul.f32 v26, v25;
	v25 =	vld [tilespmem:s15+$0x14B10]  }
0xc6: {  	v32 =	vbroadcast v3, $0x4;
	v26 =	vld [tilespmem:s15+$0x19B10]  }
0xc7: {  	v15 =	vmul.f32 v5, v57;
	v5 =	vmul.f32 v17, v16;
	v16 =	vld [tilespmem:s15+$0x14AE0]  }
0xc8: {  	v17 =	vld [tilespmem:s15+$0x19AE0]  }
0xc9: {  	[tilespmem:s15+$0x19930] =	vst v43;
	v43 =	vmul.f32 v8, v32;
	v8 =	vmul.f32 v45, v44;
	v44 =	vld [tilespmem:s15+$0x14B70]  }
0xca: {  	v45 =	vld [tilespmem:s15+$0x19B70]  }
0xcb: {  	[tilespmem:s15+$0x198C0] =	vst v21;
	v21 =	vmul.f32 v7, v57;
	v7 =	vmul.f32 v23, v22;
	v22 =	vld [tilespmem:s15+$0x14B00]  }
0xcc: {  	v23 =	vld [tilespmem:s15+$0x19B00]  }
0xcd: {  	[tilespmem:s15+$0x19910] =	vst v37;
	v37 =	vmul.f32 v6, v32;
	v6 =	vmul.f32 v39, v38;
	v38 =	vld [tilespmem:s15+$0x14B50]  }
0xce: {  	v39 =	vld [tilespmem:s15+$0x19B50]  }
0xcf: {  	[tilespmem:s15+$0x198E0] =	vst v27;
	v27 =	vmul.f32 v5, v57;
	v5 =	vmul.f32 v29, v28;
	v28 =	vld [tilespmem:s15+$0x14B20]  }
0xd0: {  	[tilespmem:s15+$0x19830] =	vst v10;
	v29 =	vld [tilespmem:s15+$0x19B20]  }
0xd1: {  	[tilespmem:s15+$0x19970] =	vst v55;
	v55 =	vmul.f32 v8, v32;
	v8 =	vmul.f32 v58, v56;
	v56 =	vld [tilespmem:s15+$0x14BB0]  }
0xd2: {  	v58 =	vld [tilespmem:s15+$0x19BB0]  }
0xd3: {  	[tilespmem:s15+$0x19900] =	vst v34;
	v34 =	vmul.f32 v7, v32;
	v7 =	vmul.f32 v36, v35;
	v35 =	vld [tilespmem:s15+$0x14B40]  }
0xd4: {  	v36 =	vld [tilespmem:s15+$0x19B40]  }
0xd5: {  	[tilespmem:s15+$0x19950] =	vst v49;
	v49 =	vmul.f32 v6, v32;
	v6 =	vmul.f32 v51, v50;
	v50 =	vld [tilespmem:s15+$0x14B90]  }
0xd6: {  	v57 =	vbroadcast v3, $0x5;
	v51 =	vld [tilespmem:s15+$0x19B90]  }
0xd7: {  	[tilespmem:s15+$0x19920] =	vst v40;
	v40 =	vmul.f32 v5, v32;
	v5 =	vmul.f32 v42, v41;
	v41 =	vld [tilespmem:s15+$0x14B60]  }
0xd8: {  	[tilespmem:s15+$0x19850] =	vst v11;
	v42 =	vld [tilespmem:s15+$0x19B60]  }
0xd9: {  	[tilespmem:s15+$0x199B0] =	vst v18;
	v18 =	vmul.f32 v8, v57;
	v8 =	vmul.f32 v20, v19;
	v19 =	vld [tilespmem:s15+$0x14BF0]  }
0xda: {  	v20 =	vld [tilespmem:s15+$0x19BF0]  }
0xdb: {  	[tilespmem:s15+$0x19940] =	vst v46;
	v46 =	vmul.f32 v7, v32;
	v7 =	vmul.f32 v48, v47;
	v47 =	vld [tilespmem:s15+$0x14B80]  }
0xdc: {  	v48 =	vld [tilespmem:s15+$0x19B80]  }
0xdd: {  	[tilespmem:s15+$0x19990] =	vst v63;
	v63 =	vmul.f32 v6, v57;
	v6 =	vmul.f32 v14, v13;
	v13 =	vld [tilespmem:s15+$0x14BD0]  }
0xde: {  	v14 =	vld [tilespmem:s15+$0x19BD0]  }
0xdf: {  	[tilespmem:s15+$0x19960] =	vst v52;
	v52 =	vmul.f32 v5, v32;
	v5 =	vmul.f32 v54, v53;
	v53 =	vld [tilespmem:s15+$0x14BA0]  }
0xe0: {  	[tilespmem:s15+$0x198A0] =	vst v4;
	v54 =	vld [tilespmem:s15+$0x19BA0]  }
0xe1: {  	[tilespmem:s15+$0x199F0] =	vst v30;
	v30 =	vmul.f32 v8, v57;
	v8 =	vmul.f32 v33, v31;
	v31 =	vld [tilespmem:s15+$0x14C30]  }
0xe2: {  	v33 =	vld [tilespmem:s15+$0x19C30]  }
0xe3: {  	[tilespmem:s15+$0x19980] =	vst v59;
	v59 =	vmul.f32 v7, v57;
	v7 =	vmul.f32 v62, v60;
	v60 =	vld [tilespmem:s15+$0x14BC0]  }
0xe4: {  	v62 =	vld [tilespmem:s15+$0x19BC0]  }
0xe5: {  	[tilespmem:s15+$0x199D0] =	vst v24;
	v24 =	vmul.f32 v6, v57;
	v6 =	vmul.f32 v26, v25;
	v25 =	vld [tilespmem:s15+$0x14C10]  }
0xe6: {  	v32 =	vbroadcast v3, $0x6;
	v26 =	vld [tilespmem:s15+$0x19C10]  }
0xe7: {  	[tilespmem:s15+$0x199A0] =	vst v15;
	v15 =	vmul.f32 v5, v57;
	v5 =	vmul.f32 v17, v16;
	v16 =	vld [tilespmem:s15+$0x14BE0]  }
0xe8: {  	v17 =	vld [tilespmem:s15+$0x19BE0]  }
0xe9: {  	[tilespmem:s15+$0x19A30] =	vst v43;
	v43 =	vmul.f32 v8, v32;
	v8 =	vmul.f32 v45, v44;
	v44 =	vld [tilespmem:s15+$0x14C70]  }
0xea: {  	v45 =	vld [tilespmem:s15+$0x19C70]  }
0xeb: {  	[tilespmem:s15+$0x199C0] =	vst v21;
	v21 =	vmul.f32 v7, v57;
	v7 =	vmul.f32 v23, v22;
	v22 =	vld [tilespmem:s15+$0x14C00]  }
0xec: {  	v23 =	vld [tilespmem:s15+$0x19C00]  }
0xed: {  	[tilespmem:s15+$0x19A10] =	vst v37;
	v37 =	vmul.f32 v6, v32;
	v6 =	vmul.f32 v39, v38;
	v38 =	vld [tilespmem:s15+$0x14C50]  }
0xee: {  	v39 =	vld [tilespmem:s15+$0x19C50]  }
0xef: {  	[tilespmem:s15+$0x199E0] =	vst v27;
	v27 =	vmul.f32 v5, v57;
	v5 =	vmul.f32 v29, v28;
	v28 =	vld [tilespmem:s15+$0x14C20]  }
0xf0: {  	v29 =	vld [tilespmem:s15+$0x19C20]  }
0xf1: {  	[tilespmem:s15+$0x19A70] =	vst v55;
	v55 =	vmul.f32 v8, v32;
	v8 =	vmul.f32 v58, v56;
	v56 =	vld [tilespmem:s15+$0x14CB0]  }
0xf2: {  	v58 =	vld [tilespmem:s15+$0x19CB0]  }
0xf3: {  	[tilespmem:s15+$0x19A00] =	vst v34;
	v34 =	vmul.f32 v7, v32;
	v7 =	vmul.f32 v36, v35;
	v35 =	vld [tilespmem:s15+$0x14C40]  }
0xf4: {  	v36 =	vld [tilespmem:s15+$0x19C40]  }
0xf5: {  	[tilespmem:s15+$0x19A50] =	vst v49;
	v49 =	vmul.f32 v6, v32;
	v6 =	vmul.f32 v51, v50;
	v50 =	vld [tilespmem:s15+$0x14C90]  }
0xf6: {  	v57 =	vbroadcast v3, $0x7;
	v51 =	vld [tilespmem:s15+$0x19C90]  }
0xf7: {  	[tilespmem:s15+$0x19A20] =	vst v40;
	v40 =	vmul.f32 v5, v32;
	v5 =	vmul.f32 v42, v41;
	v41 =	vld [tilespmem:s15+$0x14C60]  }
0xf8: {  	v42 =	vld [tilespmem:s15+$0x19C60]  }
0xf9: {  	[tilespmem:s15+$0x19AB0] =	vst v18;
	v18 =	vmul.f32 v8, v57;
	v8 =	vmul.f32 v20, v19;
	v19 =	vld [tilespmem:s15+$0x14CF0]  }
0xfa: {  	v20 =	vld [tilespmem:s15+$0x19CF0]  }
0xfb: {  	[tilespmem:s15+$0x19A40] =	vst v46;
	v46 =	vmul.f32 v7, v32;
	v7 =	vmul.f32 v48, v47;
	v47 =	vld [tilespmem:s15+$0x14C80]  }
0xfc: {  	v48 =	vld [tilespmem:s15+$0x19C80]  }
0xfd: {  	[tilespmem:s15+$0x19A90] =	vst v63;
	v63 =	vmul.f32 v6, v57;
	v6 =	vmul.f32 v14, v13;
	v13 =	vld [tilespmem:s15+$0x14CD0]  }
0xfe: {  	v14 =	vld [tilespmem:s15+$0x19CD0]  }
0xff: {  	[tilespmem:s15+$0x19A60] =	vst v52;
	v52 =	vmul.f32 v5, v32;
	v5 =	vmul.f32 v54, v53;
	v53 =	vld [tilespmem:s15+$0x14CA0]  }
0x100: {  	v54 =	vld [tilespmem:s15+$0x19CA0]  }
0x101: {  	[tilespmem:s15+$0x19AF0] =	vst v30;
	v30 =	vmul.f32 v8, v57;
	v8 =	vmul.f32 v33, v31;
	v31 =	vld [tilespmem:s15+$0x14D30]  }
0x102: {  	v33 =	vld [tilespmem:s15+$0x19D30]  }
0x103: {  	[tilespmem:s15+$0x19A80] =	vst v59;
	v59 =	vmul.f32 v7, v57;
	v7 =	vmul.f32 v62, v60;
	v60 =	vld [tilespmem:s15+$0x14CC0]  }
0x104: {  	v62 =	vld [tilespmem:s15+$0x19CC0]  }
0x105: {  	[tilespmem:s15+$0x19AD0] =	vst v24;
	v24 =	vmul.f32 v6, v57;
	v6 =	vmul.f32 v26, v25;
	v25 =	vld [tilespmem:s15+$0x14D10]  }
0x106: {  	v32 =	vbroadcast v3, $0x8;
	v26 =	vld [tilespmem:s15+$0x19D10]  }
0x107: {  	[tilespmem:s15+$0x19AA0] =	vst v15;
	v15 =	vmul.f32 v5, v57;
	v5 =	vmul.f32 v17, v16;
	v16 =	vld [tilespmem:s15+$0x14CE0]  }
0x108: {  	v17 =	vld [tilespmem:s15+$0x19CE0]  }
0x109: {  	[tilespmem:s15+$0x19B30] =	vst v43;
	v43 =	vmul.f32 v8, v32;
	v8 =	vmul.f32 v45, v44;
	v44 =	vld [tilespmem:s15+$0x14D70]  }
0x10a: {  	v45 =	vld [tilespmem:s15+$0x19D70]  }
0x10b: {  	[tilespmem:s15+$0x19AC0] =	vst v21;
	v21 =	vmul.f32 v7, v57;
	v7 =	vmul.f32 v23, v22;
	v22 =	vld [tilespmem:s15+$0x14D00]  }
0x10c: {  	v23 =	vld [tilespmem:s15+$0x19D00]  }
0x10d: {  	[tilespmem:s15+$0x19B10] =	vst v37;
	v37 =	vmul.f32 v6, v32;
	v6 =	vmul.f32 v39, v38;
	v38 =	vld [tilespmem:s15+$0x14D50]  }
0x10e: {  	v39 =	vld [tilespmem:s15+$0x19D50]  }
0x10f: {  	[tilespmem:s15+$0x19AE0] =	vst v27;
	v27 =	vmul.f32 v5, v57;
	v5 =	vmul.f32 v29, v28;
	v28 =	vld [tilespmem:s15+$0x14D20]  }
0x110: {  	v29 =	vld [tilespmem:s15+$0x19D20]  }
0x111: {  	[tilespmem:s15+$0x19B70] =	vst v55;
	v55 =	vmul.f32 v8, v32;
	v8 =	vmul.f32 v58, v56;
	v56 =	vld [tilespmem:s15+$0x14DB0]  }
0x112: {  	v58 =	vld [tilespmem:s15+$0x19DB0]  }
0x113: {  	[tilespmem:s15+$0x19B00] =	vst v34;
	v34 =	vmul.f32 v7, v32;
	v7 =	vmul.f32 v36, v35;
	v35 =	vld [tilespmem:s15+$0x14D40]  }
0x114: {  	v36 =	vld [tilespmem:s15+$0x19D40]  }
0x115: {  	[tilespmem:s15+$0x19B50] =	vst v49;
	v49 =	vmul.f32 v6, v32;
	v6 =	vmul.f32 v51, v50;
	v50 =	vld [tilespmem:s15+$0x14D90]  }
0x116: {  	v57 =	vbroadcast v3, $0x9;
	v51 =	vld [tilespmem:s15+$0x19D90]  }
0x117: {  	[tilespmem:s15+$0x19B20] =	vst v40;
	v40 =	vmul.f32 v5, v32;
	v5 =	vmul.f32 v42, v41;
	v41 =	vld [tilespmem:s15+$0x14D60]  }
0x118: {  	v42 =	vld [tilespmem:s15+$0x19D60]  }
0x119: {  	[tilespmem:s15+$0x19BB0] =	vst v18;
	v18 =	vmul.f32 v8, v57;
	v8 =	vmul.f32 v20, v19;
	v19 =	vld [tilespmem:s15+$0x14DF0]  }
0x11a: {  	v20 =	vld [tilespmem:s15+$0x19DF0]  }
0x11b: {  	[tilespmem:s15+$0x19B40] =	vst v46;
	v46 =	vmul.f32 v7, v32;
	v7 =	vmul.f32 v48, v47;
	v47 =	vld [tilespmem:s15+$0x14D80]  }
0x11c: {  	v48 =	vld [tilespmem:s15+$0x19D80]  }
0x11d: {  	[tilespmem:s15+$0x19B90] =	vst v63;
	v63 =	vmul.f32 v6, v57;
	v6 =	vmul.f32 v14, v13;
	v13 =	vld [tilespmem:s15+$0x14DD0]  }
0x11e: {  	v14 =	vld [tilespmem:s15+$0x19DD0]  }
0x11f: {  	[tilespmem:s15+$0x19B60] =	vst v52;
	v52 =	vmul.f32 v5, v32;
	v5 =	vmul.f32 v54, v53;
	v53 =	vld [tilespmem:s15+$0x14DA0]  }
0x120: {  	v54 =	vld [tilespmem:s15+$0x19DA0]  }
0x121: {  	[tilespmem:s15+$0x19BF0] =	vst v30;
	v30 =	vmul.f32 v8, v57;
	v8 =	vmul.f32 v33, v31;
	v31 =	vld [tilespmem:s15+$0x14E30]  }
0x122: {  	v33 =	vld [tilespmem:s15+$0x19E30]  }
0x123: {  	[tilespmem:s15+$0x19B80] =	vst v59;
	v59 =	vmul.f32 v7, v57;
	v7 =	vmul.f32 v62, v60;
	v60 =	vld [tilespmem:s15+$0x14DC0]  }
0x124: {  	v62 =	vld [tilespmem:s15+$0x19DC0]  }
0x125: {  	[tilespmem:s15+$0x19BD0] =	vst v24;
	v24 =	vmul.f32 v6, v57;
	v6 =	vmul.f32 v26, v25;
	v25 =	vld [tilespmem:s15+$0x14E10]  }
0x126: {  	[tilespmem:s15+$0x19BA0] =	vst v15;
	v32 =	vbroadcast v3, $0xA;
	v26 =	vld [tilespmem:s15+$0x19E10]  }
0x127: {  	[tilespmem:s15+$0x19C30] =	vst v43;
	v15 =	vmul.f32 v5, v57;
	v5 =	vmul.f32 v17, v16;
	v16 =	vld [tilespmem:s15+$0x14DE0]  }
0x128: {  	[tilespmem:s15+$0x19BC0] =	vst v21;
	v17 =	vld [tilespmem:s15+$0x19DE0]  }
0x129: {  	[tilespmem:s15+$0x19C10] =	vst v37;
	v43 =	vmul.f32 v8, v32;
	v8 =	vmul.f32 v45, v44;
	v44 =	vld [tilespmem:s15+$0x14E70]  }
0x12a: {  	[tilespmem:s15+$0x19BE0] =	vst v27;
	v45 =	vld [tilespmem:s15+$0x19E70]  }
0x12b: {  	[tilespmem:s15+$0x19C70] =	vst v55;
	v21 =	vmul.f32 v7, v57;
	v7 =	vmul.f32 v23, v22;
	v22 =	vld [tilespmem:s15+$0x14E00]  }
0x12c: {  	[tilespmem:s15+$0x19C00] =	vst v34;
	v23 =	vld [tilespmem:s15+$0x19E00]  }
0x12d: {  	[tilespmem:s15+$0x19C50] =	vst v49;
	v37 =	vmul.f32 v6, v32;
	v6 =	vmul.f32 v39, v38;
	v38 =	vld [tilespmem:s15+$0x14E50]  }
0x12e: {  	[tilespmem:s15+$0x19C20] =	vst v40;
	v39 =	vld [tilespmem:s15+$0x19E50]  }
0x12f: {  	[tilespmem:s15+$0x19CB0] =	vst v18;
	v27 =	vmul.f32 v5, v57;
	v5 =	vmul.f32 v29, v28;
	v28 =	vld [tilespmem:s15+$0x14E20]  }
0x130: {  	[tilespmem:s15+$0x19C40] =	vst v46;
	v29 =	vld [tilespmem:s15+$0x19E20]  }
0x131: {  	[tilespmem:s15+$0x19C90] =	vst v63;
	v55 =	vmul.f32 v8, v32;
	v8 =	vmul.f32 v58, v56;
	v56 =	vld [tilespmem:s15+$0x14EB0]  }
0x132: {  	[tilespmem:s15+$0x19C60] =	vst v52;
	v58 =	vld [tilespmem:s15+$0x19EB0]  }
0x133: {  	[tilespmem:s15+$0x19CF0] =	vst v30;
	v34 =	vmul.f32 v7, v32;
	v7 =	vmul.f32 v36, v35;
	v35 =	vld [tilespmem:s15+$0x14E40]  }
0x134: {  	[tilespmem:s15+$0x19C80] =	vst v59;
	v36 =	vld [tilespmem:s15+$0x19E40]  }
0x135: {  	[tilespmem:s15+$0x19CD0] =	vst v24;
	v49 =	vmul.f32 v6, v32;
	v6 =	vmul.f32 v51, v50;
	v50 =	vld [tilespmem:s15+$0x14E90]  }
0x136: {  	[tilespmem:s15+$0x19CA0] =	vst v15;
	v57 =	vbroadcast v3, $0xB;
	v51 =	vld [tilespmem:s15+$0x19E90]  }
0x137: {  	[tilespmem:s15+$0x19D30] =	vst v43;
	v40 =	vmul.f32 v5, v32;
	v5 =	vmul.f32 v42, v41;
	v41 =	vld [tilespmem:s15+$0x14E60]  }
0x138: {  	[tilespmem:s15+$0x19CC0] =	vst v21;
	v42 =	vld [tilespmem:s15+$0x19E60]  }
0x139: {  	[tilespmem:s15+$0x19D10] =	vst v37;
	v18 =	vmul.f32 v8, v57;
	v8 =	vmul.f32 v20, v19;
	v19 =	vld [tilespmem:s15+$0x14EF0]  }
0x13a: {  	[tilespmem:s15+$0x19CE0] =	vst v27;
	v20 =	vld [tilespmem:s15+$0x19EF0]  }
0x13b: {  	[tilespmem:s15+$0x19D70] =	vst v55;
	v46 =	vmul.f32 v7, v32;
	v7 =	vmul.f32 v48, v47;
	v47 =	vld [tilespmem:s15+$0x14E80]  }
0x13c: {  	[tilespmem:s15+$0x19D00] =	vst v34;
	v48 =	vld [tilespmem:s15+$0x19E80]  }
0x13d: {  	[tilespmem:s15+$0x19D50] =	vst v49;
	v63 =	vmul.f32 v6, v57;
	v6 =	vmul.f32 v14, v13;
	v13 =	vld [tilespmem:s15+$0x14ED0]  }
0x13e: {  	v14 =	vld [tilespmem:s15+$0x19ED0];
	[tilespmem:s15+$0x19D20] =	vst v40;
	v52 =	vmul.f32 v5, v32;
	v5 =	vmul.f32 v54, v53  }
0x13f: {  	[tilespmem:s15+$0x19DB0] =	vst v18;
	v30 =	vmul.f32 v8, v57;
	v32 =	vbroadcast v3, $0xC;
	v53 =	vld [tilespmem:s15+$0x14EA0]  }
0x140: {  	v8 =	vmul.f32 v33, v31;
	v54 =	vld [tilespmem:s15+$0x19EA0];
	[tilespmem:s15+$0x19D40] =	vst v46;
	v59 =	vmul.f32 v7, v57  }
0x141: {  	v31 =	vld [tilespmem:s15+$0x14F30];
	[tilespmem:s15+$0x19D90] =	vst v63;
	v7 =	vmul.f32 v62, v60;
	v24 =	vmul.f32 v6, v57  }
0x142: {  	v6 =	vmul.f32 v26, v25;
	v60 =	vld [tilespmem:s15+$0x14EC0];
	[tilespmem:s15+$0x19D60] =	vst v52;
	v15 =	vmul.f32 v5, v57  }
0x143: {  	v62 =	vld [tilespmem:s15+$0x19EC0];
	v5 =	vmul.f32 v17, v16;
	[tilespmem:s15+$0x19DF0] =	vst v30;
	v43 =	vmul.f32 v8, v32  }
0x144: {  	v25 =	vld [tilespmem:s15+$0x14F10];
	v8 =	vmul.f32 v45, v44;
	[tilespmem:s15+$0x19D80] =	vst v59;
	v21 =	vmul.f32 v7, v57  }
0x145: {  	v26 =	vld [tilespmem:s15+$0x19F10];
	[tilespmem:s15+$0x19DD0] =	vst v24;
	v7 =	vmul.f32 v23, v22;
	v37 =	vmul.f32 v6, v32  }
0x146: {  	v16 =	vld [tilespmem:s15+$0x14EE0];
	v6 =	vmul.f32 v39, v38;
	[tilespmem:s15+$0x19DA0] =	vst v15;
	v27 =	vmul.f32 v5, v57  }
0x147: {  	v17 =	vld [tilespmem:s15+$0x19EE0];
	v5 =	vmul.f32 v29, v28;
	[tilespmem:s15+$0x19E30] =	vst v43;
	v55 =	vmul.f32 v8, v32  }
0x148: {  	v44 =	vld [tilespmem:s15+$0x19F70];
	v57 =	vbroadcast v3, $0xD;
	v8 =	vmul.f32 v58, v56;
	[tilespmem:s15+$0x19DC0] =	vst v21  }
0x149: {  	v22 =	vld [tilespmem:s15+$0x14F00];
	v3 =	vbroadcast v3, $0xE;
	v34 =	vmul.f32 v7, v32;
	[tilespmem:s15+$0x19E10] =	vst v37  }
0x14a: {  	v23 =	vld [tilespmem:s15+$0x19F00];
	v7 =	vmul.f32 v36, v35;
	v49 =	vmul.f32 v6, v32;
	[tilespmem:s15+$0x19DE0] =	vst v27  }
0x14b: {  	v38 =	vld [tilespmem:s15+$0x19F50];
	v6 =	vmul.f32 v51, v50;
	v40 =	vmul.f32 v5, v32;
	[tilespmem:s15+$0x19E70] =	vst v55  }
0x14c: {  	v28 =	vld [tilespmem:s15+$0x14F20];
	v5 =	vmul.f32 v42, v41;
	v18 =	vmul.f32 v8, v57;
	[tilespmem:s15+$0x19E00] =	vst v34  }
0x14d: {  	v29 =	vld [tilespmem:s15+$0x19F20];
	v8 =	vmul.f32 v20, v19;
	v46 =	vmul.f32 v7, v32;
	[tilespmem:s15+$0x19E50] =	vst v49  }
0x14e: {  	v43 =	vld [tilespmem:s15+$0x14F70];
	v7 =	vmul.f32 v48, v47;
	v63 =	vmul.f32 v6, v57;
	[tilespmem:s15+$0x19E20] =	vst v40  }
0x14f: {  	v35 =	vld [tilespmem:s15+$0x19F40];
	v6 =	vmul.f32 v14, v13;
	v52 =	vmul.f32 v5, v32;
	[tilespmem:s15+$0x19EB0] =	vst v18  }
0x150: {  	v37 =	vld [tilespmem:s15+$0x14F50];
	v5 =	vmul.f32 v54, v53;
	v30 =	vmul.f32 v8, v57;
	[tilespmem:s15+$0x19E40] =	vst v46  }
0x151: {  	v41 =	vld [tilespmem:s15+$0x19F60];
	v59 =	vmul.f32 v7, v57;
	[tilespmem:s15+$0x19E90] =	vst v63;
	v7 =	vmul.f32 v62, v60  }
0x152: {  	v32 =	vld [tilespmem:s15+$0x19F30];
	v24 =	vmul.f32 v6, v57;
	v6 =	vmul.f32 v26, v25;
	[tilespmem:s15+$0x19E60] =	vst v52  }
0x153: {  	v34 =	vld [tilespmem:s15+$0x14F40];
	v15 =	vmul.f32 v5, v57;
	v5 =	vmul.f32 v17, v16;
	[tilespmem:s15+$0x19EF0] =	vst v30  }
0x154: {  	v40 =	vld [tilespmem:s15+$0x14F60];
	[tilespmem:s15+$0x19E80] =	vst v59;
	v21 =	vmul.f32 v7, v57;
	v7 =	vmul.f32 v23, v22  }
0x155: {  	v47 =	vld [tilespmem:s15+$0x19F80];
	[tilespmem:s15+$0x19ED0] =	vst v24;
	v36 =	vmul.f32 v6, v3;
	v6 =	vmul.f32 v38, v37  }
0x156: {  	v46 =	vld [tilespmem:s15+$0x14F80];
	[tilespmem:s15+$0x19EA0] =	vst v15;
	v27 =	vmul.f32 v5, v57;
	v5 =	vmul.f32 v29, v28  }
0x157: {  	v50 =	vld [tilespmem:s15+$0x19F90];
	[tilespmem:s15+$0x19EC0] =	vst v21;
	v33 =	vmul.f32 v7, v3;
	v8 =	vmul.f32 v32, v31  }
0x158: {  	v49 =	vld [tilespmem:s15+$0x14F90];
	[tilespmem:s15+$0x19F10] =	vst v36;
	v7 =	vmul.f32 v35, v34;
	v48 =	vmul.f32 v6, v3  }
0x159: {  	v53 =	vld [tilespmem:s15+$0x19FA0];
	[tilespmem:s15+$0x19EE0] =	vst v27;
	v39 =	vmul.f32 v5, v3;
	v5 =	vmul.f32 v41, v40  }
0x15a: {  	v52 =	vld [tilespmem:s15+$0x14FA0];
	[tilespmem:s15+$0x19F00] =	vst v33;
	v42 =	vmul.f32 v8, v3;
	v8 =	vmul.f32 v44, v43  }
0x15b: {  	v55 =	vld [tilespmem:s15+$0x19FB0];
	v45 =	vmul.f32 v7, v3;
	[tilespmem:s15+$0x19F50] =	vst v48;
	v7 =	vmul.f32 v47, v46  }
0x15c: {  	v54 =	vld [tilespmem:s15+$0x14FB0];
	[tilespmem:s15+$0x19F20] =	vst v39;
	v51 =	vmul.f32 v5, v3;
	v3 =	vmul.f32 v8, v3  }
0x15d: {  	v36 =	vld [tilespmem:s15+$0x14FC0];
	[tilespmem:s15+$0x19F30] =	vst v42  }
0x15e: {  	v6 =	vmul.f32 v50, v49;
	v47 =	vld [tilespmem:s15+$0x19FC0];
	[tilespmem:s15+$0x19F70] =	vst v3;
	v3 =	vmul.f32 v7, v1  }
0x15f: {  	v60 =	vld [tilespmem:s15+$0x19FD0];
	v5 =	vmul.f32 v53, v52;
	[tilespmem:s15+$0x19F40] =	vst v45  }
0x160: {  	s16 =	smul.u32 $0x2800, s26;
	v39 =	vld [tilespmem:s15+$0x14FD0];
	[tilespmem:s15+$0x19F80] =	vst v3;
	v3 =	vmul.f32 v6, v1  }
0x161: {  	s21 =	sadd.s32 $0x10, s18;
	v59 =	vld [tilespmem:s15+$0x14FE0];
	v56 =	vmul.f32 v55, v54;
	[tilespmem:s15+$0x19F60] =	vst v51;
	v35 =	vmul.f32 v5, v1  }
0x162: {  	s19 =	simm.s32 $0x2;
	s17 =	sadd.s32 $0x19800, s16;
	s20 =	simm.s32 $0x10;
	v57 =	vld [tilespmem:s15+$0x19FE0];
	[tilespmem:s15+$0x19F90] =	vst v3  }
.LBB2_5:
0x163: {  	p0 =	sne.s32 s19, $0x4;
	v3 =	vld.idx.msk [tilespmem:v2+s20+$0x0 ss:$0x1], $0xffff;
	s20 =	sshll.u32 s21, $0x7;
	[tilespmem:s15+$0x19FA0] =	vst v35;
	v4 =	vmul.f32 v56, v1;
	v5 =	vmul.f32 v47, v36  }
0x164: {  	v6 =	vld [tilespmem:s20+$0x14FF0]  }
0x165: {  	v7 =	vld [tilespmem:s20+$0x19FF0];
	[tilespmem:s15+$0x19FB0] =	vst v4;
	v4 =	vmul.f32 v5, v1;
	v5 =	vmul.f32 v60, v39  }
0x166: {  	v8 =	vld [tilespmem:s20+$0x14800]  }
0x167: {  	v9 =	vld [tilespmem:s20+$0x19800];
	[tilespmem:s15+$0x19FC0] =	vst v4;
	v4 =	vmul.f32 v5, v1;
	v17 =	vmul.f32 v57, v59  }
0x168: {  	v5 =	vld [tilespmem:s20+$0x14810]  }
0x169: {  	v18 =	vbroadcast v3, $0x0;
	v16 =	vbroadcast v3, $0x1;
	v10 =	vld [tilespmem:s20+$0x19810];
	[tilespmem:s15+$0x19FD0] =	vst v4  }
0x16a: {  	v19 =	vbroadcast v3, $0xF;
	v4 =	vld [tilespmem:s20+$0x14820];
	v6 =	vmul.f32 v7, v6  }
0x16b: {  	v15 =	vbroadcast v3, $0x2;
	v14 =	vbroadcast v3, $0x3;
	v7 =	vld [tilespmem:s20+$0x19820]  }
0x16c: {  	v20 =	vmul.f32 v9, v8;
	v21 =	vld [tilespmem:s20+$0x14830];
	v6 =	vmul.f32 v6, v19  }
0x16d: {  	v13 =	vbroadcast v3, $0x4;
	v12 =	vbroadcast v3, $0x5;
	v22 =	vld [tilespmem:s20+$0x19830]  }
0x16e: {  	v11 =	vbroadcast v3, $0x6;
	v23 =	vmul.f32 v10, v5;
	v24 =	vld [tilespmem:s20+$0x14840];
	[tilespmem:s20+$0x19FF0] =	vst v6  }
0x16f: {  	v9 =	vbroadcast v3, $0x8;
	v10 =	vbroadcast v3, $0x7;
	v25 =	vld [tilespmem:s20+$0x19840]  }
0x170: {  	v8 =	vbroadcast v3, $0x9;
	v26 =	vmul.f32 v7, v4;
	v27 =	vld [tilespmem:s20+$0x14850]  }
0x171: {  	v6 =	vbroadcast v3, $0xB;
	v7 =	vbroadcast v3, $0xA;
	v28 =	vld [tilespmem:s20+$0x19850]  }
0x172: {  	v5 =	vbroadcast v3, $0xC;
	v21 =	vmul.f32 v22, v21;
	v22 =	vld [tilespmem:s20+$0x14860]  }
0x173: {  	v4 =	vbroadcast v3, $0xD;
	v3 =	vbroadcast v3, $0xE;
	v29 =	vld [tilespmem:s20+$0x19860]  }
0x174: {  	v20 =	vmul.f32 v20, v18;
	v24 =	vmul.f32 v25, v24;
	v25 =	vld [tilespmem:s20+$0x14870]  }
0x175: {  	v23 =	vmul.f32 v23, v18;
	v26 =	vmul.f32 v26, v18;
	v30 =	vld [tilespmem:s20+$0x19870]  }
0x176: {  	[tilespmem:s20+$0x19800] =	vst v20;
	v20 =	vmul.f32 v21, v18;
	v21 =	vmul.f32 v28, v27;
	v27 =	vld [tilespmem:s20+$0x14880]  }
0x177: {  	v17 =	vmul.f32 v17, v1;
	v1 =	vmov v19;
	[tilespmem:s20+$0x19810] =	vst v23;
	v23 =	vmul.f32 v24, v18;
	v24 =	vld [tilespmem:s20+$0x19880]  }
0x178: {  	[tilespmem:s20+$0x19820] =	vst v26;
	v19 =	vmul.f32 v21, v18;
	v21 =	vmul.f32 v29, v22;
	v22 =	vld [tilespmem:s20+$0x14890]  }
0x179: {  	[tilespmem:s20+$0x19830] =	vst v20;
	v20 =	vld [tilespmem:s20+$0x19890]  }
0x17a: {  	[tilespmem:s20+$0x19840] =	vst v23;
	v21 =	vmul.f32 v21, v18;
	v23 =	vmul.f32 v30, v25;
	v25 =	vld [tilespmem:s20+$0x148A0]  }
0x17b: {  	[tilespmem:s20+$0x19850] =	vst v19;
	v19 =	vld [tilespmem:s20+$0x198A0]  }
0x17c: {  	[tilespmem:s20+$0x19860] =	vst v21;
	v18 =	vmul.f32 v23, v18;
	v21 =	vmul.f32 v24, v27;
	v23 =	vld [tilespmem:s20+$0x148B0]  }
0x17d: {  	v24 =	vld [tilespmem:s20+$0x198B0];
	[tilespmem:s15+$0x19FE0] =	vst v17;
	s15 =	smov.u32 s20  }
0x17e: {  	[tilespmem:s15+$0x19870] =	vst v18;
	v17 =	vmul.f32 v21, v16;
	v18 =	vmul.f32 v20, v22;
	v20 =	vld [tilespmem:s15+$0x148C0]  }
0x17f: {  	v21 =	vld [tilespmem:s15+$0x198C0]  }
0x180: {  	[tilespmem:s15+$0x19880] =	vst v17;
	v17 =	vmul.f32 v18, v16;
	v18 =	vmul.f32 v19, v25;
	v19 =	vld [tilespmem:s15+$0x148D0]  }
0x181: {  	v22 =	vld [tilespmem:s15+$0x198D0]  }
0x182: {  	[tilespmem:s15+$0x19890] =	vst v17;
	v17 =	vmul.f32 v18, v16;
	v18 =	vmul.f32 v24, v23;
	v23 =	vld [tilespmem:s15+$0x148E0]  }
0x183: {  	v24 =	vld [tilespmem:s15+$0x198E0]  }
0x184: {  	[tilespmem:s15+$0x198A0] =	vst v17;
	v17 =	vmul.f32 v18, v16;
	v18 =	vmul.f32 v21, v20;
	v20 =	vld [tilespmem:s15+$0x148F0]  }
0x185: {  	v21 =	vld [tilespmem:s15+$0x198F0]  }
0x186: {  	[tilespmem:s15+$0x198B0] =	vst v17;
	v17 =	vmul.f32 v18, v16;
	v18 =	vmul.f32 v22, v19;
	v19 =	vld [tilespmem:s15+$0x14900]  }
0x187: {  	v22 =	vld [tilespmem:s15+$0x19900]  }
0x188: {  	[tilespmem:s15+$0x198C0] =	vst v17;
	v17 =	vmul.f32 v18, v16;
	v18 =	vmul.f32 v24, v23;
	v23 =	vld [tilespmem:s15+$0x14910]  }
0x189: {  	v24 =	vld [tilespmem:s15+$0x19910]  }
0x18a: {  	[tilespmem:s15+$0x198D0] =	vst v17;
	v17 =	vmul.f32 v18, v16;
	v18 =	vmul.f32 v21, v20;
	v20 =	vld [tilespmem:s15+$0x14920]  }
0x18b: {  	v21 =	vld [tilespmem:s15+$0x19920]  }
0x18c: {  	[tilespmem:s15+$0x198E0] =	vst v17;
	v16 =	vmul.f32 v18, v16;
	v17 =	vmul.f32 v22, v19;
	v18 =	vld [tilespmem:s15+$0x14930]  }
0x18d: {  	v19 =	vld [tilespmem:s15+$0x19930]  }
0x18e: {  	[tilespmem:s15+$0x198F0] =	vst v16;
	v16 =	vmul.f32 v17, v15;
	v17 =	vmul.f32 v24, v23;
	v22 =	vld [tilespmem:s15+$0x14940]  }
0x18f: {  	v23 =	vld [tilespmem:s15+$0x19940]  }
0x190: {  	[tilespmem:s15+$0x19900] =	vst v16;
	v16 =	vmul.f32 v17, v15;
	v17 =	vmul.f32 v21, v20;
	v20 =	vld [tilespmem:s15+$0x14950]  }
0x191: {  	v21 =	vld [tilespmem:s15+$0x19950]  }
0x192: {  	[tilespmem:s15+$0x19910] =	vst v16;
	v16 =	vmul.f32 v17, v15;
	v17 =	vmul.f32 v19, v18;
	v18 =	vld [tilespmem:s15+$0x14960]  }
0x193: {  	v19 =	vld [tilespmem:s15+$0x19960]  }
0x194: {  	[tilespmem:s15+$0x19920] =	vst v16;
	v16 =	vmul.f32 v17, v15;
	v17 =	vmul.f32 v23, v22;
	v22 =	vld [tilespmem:s15+$0x14970]  }
0x195: {  	v23 =	vld [tilespmem:s15+$0x19970]  }
0x196: {  	[tilespmem:s15+$0x19930] =	vst v16;
	v16 =	vmul.f32 v17, v15;
	v17 =	vmul.f32 v21, v20;
	v20 =	vld [tilespmem:s15+$0x14980]  }
0x197: {  	v21 =	vld [tilespmem:s15+$0x19980]  }
0x198: {  	[tilespmem:s15+$0x19940] =	vst v16;
	v16 =	vmul.f32 v17, v15;
	v17 =	vmul.f32 v19, v18;
	v18 =	vld [tilespmem:s15+$0x14990]  }
0x199: {  	v19 =	vld [tilespmem:s15+$0x19990]  }
0x19a: {  	[tilespmem:s15+$0x19950] =	vst v16;
	v16 =	vmul.f32 v17, v15;
	v17 =	vmul.f32 v23, v22;
	v22 =	vld [tilespmem:s15+$0x149A0]  }
0x19b: {  	v23 =	vld [tilespmem:s15+$0x199A0]  }
0x19c: {  	[tilespmem:s15+$0x19960] =	vst v16;
	v15 =	vmul.f32 v17, v15;
	v16 =	vmul.f32 v21, v20;
	v17 =	vld [tilespmem:s15+$0x149B0]  }
0x19d: {  	v20 =	vld [tilespmem:s15+$0x199B0]  }
0x19e: {  	[tilespmem:s15+$0x19970] =	vst v15;
	v15 =	vmul.f32 v16, v14;
	v16 =	vmul.f32 v19, v18;
	v18 =	vld [tilespmem:s15+$0x149C0]  }
0x19f: {  	v19 =	vld [tilespmem:s15+$0x199C0]  }
0x1a0: {  	[tilespmem:s15+$0x19980] =	vst v15;
	v15 =	vmul.f32 v16, v14;
	v16 =	vmul.f32 v23, v22;
	v21 =	vld [tilespmem:s15+$0x149D0]  }
0x1a1: {  	v22 =	vld [tilespmem:s15+$0x199D0]  }
0x1a2: {  	[tilespmem:s15+$0x19990] =	vst v15;
	v15 =	vmul.f32 v16, v14;
	v16 =	vmul.f32 v20, v17;
	v17 =	vld [tilespmem:s15+$0x149E0]  }
0x1a3: {  	v20 =	vld [tilespmem:s15+$0x199E0]  }
0x1a4: {  	[tilespmem:s15+$0x199A0] =	vst v15;
	v15 =	vmul.f32 v16, v14;
	v16 =	vmul.f32 v19, v18;
	v18 =	vld [tilespmem:s15+$0x149F0]  }
0x1a5: {  	v19 =	vld [tilespmem:s15+$0x199F0]  }
0x1a6: {  	[tilespmem:s15+$0x199B0] =	vst v15;
	v15 =	vmul.f32 v16, v14;
	v16 =	vmul.f32 v22, v21;
	v21 =	vld [tilespmem:s15+$0x14A00]  }
0x1a7: {  	v22 =	vld [tilespmem:s15+$0x19A00]  }
0x1a8: {  	[tilespmem:s15+$0x199C0] =	vst v15;
	v15 =	vmul.f32 v16, v14;
	v16 =	vmul.f32 v20, v17;
	v17 =	vld [tilespmem:s15+$0x14A10]  }
0x1a9: {  	v20 =	vld [tilespmem:s15+$0x19A10]  }
0x1aa: {  	[tilespmem:s15+$0x199D0] =	vst v15;
	v15 =	vmul.f32 v16, v14;
	v16 =	vmul.f32 v19, v18;
	v18 =	vld [tilespmem:s15+$0x14A20]  }
0x1ab: {  	v19 =	vld [tilespmem:s15+$0x19A20]  }
0x1ac: {  	[tilespmem:s15+$0x199E0] =	vst v15;
	v14 =	vmul.f32 v16, v14;
	v15 =	vmul.f32 v22, v21;
	v16 =	vld [tilespmem:s15+$0x14A30]  }
0x1ad: {  	v21 =	vld [tilespmem:s15+$0x19A30]  }
0x1ae: {  	[tilespmem:s15+$0x199F0] =	vst v14;
	v14 =	vmul.f32 v15, v13;
	v15 =	vmul.f32 v20, v17;
	v17 =	vld [tilespmem:s15+$0x14A40]  }
0x1af: {  	v20 =	vld [tilespmem:s15+$0x19A40]  }
0x1b0: {  	[tilespmem:s15+$0x19A00] =	vst v14;
	v14 =	vmul.f32 v15, v13;
	v15 =	vmul.f32 v19, v18;
	v18 =	vld [tilespmem:s15+$0x14A50]  }
0x1b1: {  	v19 =	vld [tilespmem:s15+$0x19A50]  }
0x1b2: {  	[tilespmem:s15+$0x19A10] =	vst v14;
	v14 =	vmul.f32 v15, v13;
	v15 =	vmul.f32 v21, v16;
	v16 =	vld [tilespmem:s15+$0x14A60]  }
0x1b3: {  	v21 =	vld [tilespmem:s15+$0x19A60]  }
0x1b4: {  	[tilespmem:s15+$0x19A20] =	vst v14;
	v14 =	vmul.f32 v15, v13;
	v15 =	vmul.f32 v20, v17;
	v17 =	vld [tilespmem:s15+$0x14A70]  }
0x1b5: {  	v20 =	vld [tilespmem:s15+$0x19A70]  }
0x1b6: {  	[tilespmem:s15+$0x19A30] =	vst v14;
	v14 =	vmul.f32 v15, v13;
	v15 =	vmul.f32 v19, v18;
	v18 =	vld [tilespmem:s15+$0x14A80]  }
0x1b7: {  	v19 =	vld [tilespmem:s15+$0x19A80]  }
0x1b8: {  	[tilespmem:s15+$0x19A40] =	vst v14;
	v14 =	vmul.f32 v15, v13;
	v15 =	vmul.f32 v21, v16;
	v16 =	vld [tilespmem:s15+$0x14A90]  }
0x1b9: {  	v21 =	vld [tilespmem:s15+$0x19A90]  }
0x1ba: {  	[tilespmem:s15+$0x19A50] =	vst v14;
	v14 =	vmul.f32 v15, v13;
	v15 =	vmul.f32 v20, v17;
	v17 =	vld [tilespmem:s15+$0x14AA0]  }
0x1bb: {  	v20 =	vld [tilespmem:s15+$0x19AA0]  }
0x1bc: {  	[tilespmem:s15+$0x19A60] =	vst v14;
	v13 =	vmul.f32 v15, v13;
	v14 =	vmul.f32 v19, v18;
	v15 =	vld [tilespmem:s15+$0x14AB0]  }
0x1bd: {  	v18 =	vld [tilespmem:s15+$0x19AB0]  }
0x1be: {  	[tilespmem:s15+$0x19A70] =	vst v13;
	v13 =	vmul.f32 v14, v12;
	v14 =	vmul.f32 v21, v16;
	v16 =	vld [tilespmem:s15+$0x14AC0]  }
0x1bf: {  	v19 =	vld [tilespmem:s15+$0x19AC0]  }
0x1c0: {  	[tilespmem:s15+$0x19A80] =	vst v13;
	v13 =	vmul.f32 v14, v12;
	v14 =	vmul.f32 v20, v17;
	v17 =	vld [tilespmem:s15+$0x14AD0]  }
0x1c1: {  	v20 =	vld [tilespmem:s15+$0x19AD0]  }
0x1c2: {  	[tilespmem:s15+$0x19A90] =	vst v13;
	v13 =	vmul.f32 v14, v12;
	v14 =	vmul.f32 v18, v15;
	v15 =	vld [tilespmem:s15+$0x14AE0]  }
0x1c3: {  	v18 =	vld [tilespmem:s15+$0x19AE0]  }
0x1c4: {  	[tilespmem:s15+$0x19AA0] =	vst v13;
	v13 =	vmul.f32 v14, v12;
	v14 =	vmul.f32 v19, v16;
	v16 =	vld [tilespmem:s15+$0x14AF0]  }
0x1c5: {  	v19 =	vld [tilespmem:s15+$0x19AF0]  }
0x1c6: {  	[tilespmem:s15+$0x19AB0] =	vst v13;
	v13 =	vmul.f32 v14, v12;
	v14 =	vmul.f32 v20, v17;
	v17 =	vld [tilespmem:s15+$0x14B00]  }
0x1c7: {  	v20 =	vld [tilespmem:s15+$0x19B00]  }
0x1c8: {  	[tilespmem:s15+$0x19AC0] =	vst v13;
	v13 =	vmul.f32 v14, v12;
	v14 =	vmul.f32 v18, v15;
	v15 =	vld [tilespmem:s15+$0x14B10]  }
0x1c9: {  	v18 =	vld [tilespmem:s15+$0x19B10]  }
0x1ca: {  	[tilespmem:s15+$0x19AD0] =	vst v13;
	v13 =	vmul.f32 v14, v12;
	v14 =	vmul.f32 v19, v16;
	v16 =	vld [tilespmem:s15+$0x14B20]  }
0x1cb: {  	v19 =	vld [tilespmem:s15+$0x19B20]  }
0x1cc: {  	[tilespmem:s15+$0x19AE0] =	vst v13;
	v12 =	vmul.f32 v14, v12;
	v13 =	vmul.f32 v20, v17;
	v14 =	vld [tilespmem:s15+$0x14B30]  }
0x1cd: {  	v17 =	vld [tilespmem:s15+$0x19B30]  }
0x1ce: {  	[tilespmem:s15+$0x19AF0] =	vst v12;
	v12 =	vmul.f32 v13, v11;
	v13 =	vmul.f32 v18, v15;
	v15 =	vld [tilespmem:s15+$0x14B40]  }
0x1cf: {  	v18 =	vld [tilespmem:s15+$0x19B40]  }
0x1d0: {  	[tilespmem:s15+$0x19B00] =	vst v12;
	v12 =	vmul.f32 v13, v11;
	v13 =	vmul.f32 v19, v16;
	v16 =	vld [tilespmem:s15+$0x14B50]  }
0x1d1: {  	v19 =	vld [tilespmem:s15+$0x19B50]  }
0x1d2: {  	[tilespmem:s15+$0x19B10] =	vst v12;
	v12 =	vmul.f32 v13, v11;
	v13 =	vmul.f32 v17, v14;
	v14 =	vld [tilespmem:s15+$0x14B60]  }
0x1d3: {  	v17 =	vld [tilespmem:s15+$0x19B60]  }
0x1d4: {  	[tilespmem:s15+$0x19B20] =	vst v12;
	v12 =	vmul.f32 v13, v11;
	v13 =	vmul.f32 v18, v15;
	v15 =	vld [tilespmem:s15+$0x14B70]  }
0x1d5: {  	v18 =	vld [tilespmem:s15+$0x19B70]  }
0x1d6: {  	[tilespmem:s15+$0x19B30] =	vst v12;
	v12 =	vmul.f32 v13, v11;
	v13 =	vmul.f32 v19, v16;
	v16 =	vld [tilespmem:s15+$0x14B80]  }
0x1d7: {  	v19 =	vld [tilespmem:s15+$0x19B80]  }
0x1d8: {  	[tilespmem:s15+$0x19B40] =	vst v12;
	v12 =	vmul.f32 v13, v11;
	v13 =	vmul.f32 v17, v14;
	v14 =	vld [tilespmem:s15+$0x14B90]  }
0x1d9: {  	v17 =	vld [tilespmem:s15+$0x19B90]  }
0x1da: {  	[tilespmem:s15+$0x19B50] =	vst v12;
	v12 =	vmul.f32 v13, v11;
	v13 =	vmul.f32 v18, v15;
	v15 =	vld [tilespmem:s15+$0x14BA0]  }
0x1db: {  	v18 =	vld [tilespmem:s15+$0x19BA0]  }
0x1dc: {  	[tilespmem:s15+$0x19B60] =	vst v12;
	v11 =	vmul.f32 v13, v11;
	v12 =	vmul.f32 v19, v16;
	v13 =	vld [tilespmem:s15+$0x14BB0]  }
0x1dd: {  	v16 =	vld [tilespmem:s15+$0x19BB0]  }
0x1de: {  	[tilespmem:s15+$0x19B70] =	vst v11;
	v11 =	vmul.f32 v12, v10;
	v12 =	vmul.f32 v17, v14;
	v14 =	vld [tilespmem:s15+$0x14BC0]  }
0x1df: {  	v17 =	vld [tilespmem:s15+$0x19BC0]  }
0x1e0: {  	[tilespmem:s15+$0x19B80] =	vst v11;
	v11 =	vmul.f32 v12, v10;
	v12 =	vmul.f32 v18, v15;
	v15 =	vld [tilespmem:s15+$0x14BD0]  }
0x1e1: {  	v18 =	vld [tilespmem:s15+$0x19BD0]  }
0x1e2: {  	[tilespmem:s15+$0x19B90] =	vst v11;
	v11 =	vmul.f32 v12, v10;
	v12 =	vmul.f32 v16, v13;
	v13 =	vld [tilespmem:s15+$0x14BE0]  }
0x1e3: {  	v16 =	vld [tilespmem:s15+$0x19BE0]  }
0x1e4: {  	[tilespmem:s15+$0x19BA0] =	vst v11;
	v11 =	vmul.f32 v12, v10;
	v12 =	vmul.f32 v17, v14;
	v14 =	vld [tilespmem:s15+$0x14BF0]  }
0x1e5: {  	v17 =	vld [tilespmem:s15+$0x19BF0]  }
0x1e6: {  	[tilespmem:s15+$0x19BB0] =	vst v11;
	v11 =	vmul.f32 v12, v10;
	v12 =	vmul.f32 v18, v15;
	v15 =	vld [tilespmem:s15+$0x14C00]  }
0x1e7: {  	v18 =	vld [tilespmem:s15+$0x19C00]  }
0x1e8: {  	[tilespmem:s15+$0x19BC0] =	vst v11;
	v11 =	vmul.f32 v12, v10;
	v12 =	vmul.f32 v16, v13;
	v13 =	vld [tilespmem:s15+$0x14C10]  }
0x1e9: {  	v16 =	vld [tilespmem:s15+$0x19C10]  }
0x1ea: {  	[tilespmem:s15+$0x19BD0] =	vst v11;
	v11 =	vmul.f32 v12, v10;
	v12 =	vmul.f32 v17, v14;
	v14 =	vld [tilespmem:s15+$0x14C20]  }
0x1eb: {  	v17 =	vld [tilespmem:s15+$0x19C20]  }
0x1ec: {  	[tilespmem:s15+$0x19BE0] =	vst v11;
	v10 =	vmul.f32 v12, v10;
	v11 =	vmul.f32 v18, v15;
	v12 =	vld [tilespmem:s15+$0x14C30]  }
0x1ed: {  	v15 =	vld [tilespmem:s15+$0x19C30]  }
0x1ee: {  	[tilespmem:s15+$0x19BF0] =	vst v10;
	v10 =	vmul.f32 v11, v9;
	v11 =	vmul.f32 v16, v13;
	v13 =	vld [tilespmem:s15+$0x14C40]  }
0x1ef: {  	v16 =	vld [tilespmem:s15+$0x19C40]  }
0x1f0: {  	[tilespmem:s15+$0x19C00] =	vst v10;
	v10 =	vmul.f32 v11, v9;
	v11 =	vmul.f32 v17, v14;
	v14 =	vld [tilespmem:s15+$0x14C50]  }
0x1f1: {  	v17 =	vld [tilespmem:s15+$0x19C50]  }
0x1f2: {  	[tilespmem:s15+$0x19C10] =	vst v10;
	v10 =	vmul.f32 v11, v9;
	v11 =	vmul.f32 v15, v12;
	v12 =	vld [tilespmem:s15+$0x14C60]  }
0x1f3: {  	v15 =	vld [tilespmem:s15+$0x19C60]  }
0x1f4: {  	[tilespmem:s15+$0x19C20] =	vst v10;
	v10 =	vmul.f32 v11, v9;
	v11 =	vmul.f32 v16, v13;
	v13 =	vld [tilespmem:s15+$0x14C70]  }
0x1f5: {  	v16 =	vld [tilespmem:s15+$0x19C70]  }
0x1f6: {  	[tilespmem:s15+$0x19C30] =	vst v10;
	v10 =	vmul.f32 v11, v9;
	v11 =	vmul.f32 v17, v14;
	v14 =	vld [tilespmem:s15+$0x14C80]  }
0x1f7: {  	v17 =	vld [tilespmem:s15+$0x19C80]  }
0x1f8: {  	[tilespmem:s15+$0x19C40] =	vst v10;
	v10 =	vmul.f32 v11, v9;
	v11 =	vmul.f32 v15, v12;
	v12 =	vld [tilespmem:s15+$0x14C90]  }
0x1f9: {  	v15 =	vld [tilespmem:s15+$0x19C90]  }
0x1fa: {  	[tilespmem:s15+$0x19C50] =	vst v10;
	v10 =	vmul.f32 v11, v9;
	v11 =	vmul.f32 v16, v13;
	v13 =	vld [tilespmem:s15+$0x14CA0]  }
0x1fb: {  	v16 =	vld [tilespmem:s15+$0x19CA0]  }
0x1fc: {  	[tilespmem:s15+$0x19C60] =	vst v10;
	v9 =	vmul.f32 v11, v9;
	v10 =	vmul.f32 v17, v14;
	v11 =	vld [tilespmem:s15+$0x14CB0]  }
0x1fd: {  	v14 =	vld [tilespmem:s15+$0x19CB0]  }
0x1fe: {  	[tilespmem:s15+$0x19C70] =	vst v9;
	v9 =	vmul.f32 v10, v8;
	v10 =	vmul.f32 v15, v12;
	v12 =	vld [tilespmem:s15+$0x14CC0]  }
0x1ff: {  	v15 =	vld [tilespmem:s15+$0x19CC0]  }
0x200: {  	[tilespmem:s15+$0x19C80] =	vst v9;
	v9 =	vmul.f32 v10, v8;
	v10 =	vmul.f32 v16, v13;
	v13 =	vld [tilespmem:s15+$0x14CD0]  }
0x201: {  	v16 =	vld [tilespmem:s15+$0x19CD0]  }
0x202: {  	[tilespmem:s15+$0x19C90] =	vst v9;
	v9 =	vmul.f32 v10, v8;
	v10 =	vmul.f32 v14, v11;
	v11 =	vld [tilespmem:s15+$0x14CE0]  }
0x203: {  	v14 =	vld [tilespmem:s15+$0x19CE0]  }
0x204: {  	[tilespmem:s15+$0x19CA0] =	vst v9;
	v9 =	vmul.f32 v10, v8;
	v10 =	vmul.f32 v15, v12;
	v12 =	vld [tilespmem:s15+$0x14CF0]  }
0x205: {  	v15 =	vld [tilespmem:s15+$0x19CF0]  }
0x206: {  	[tilespmem:s15+$0x19CB0] =	vst v9;
	v9 =	vmul.f32 v10, v8;
	v10 =	vmul.f32 v16, v13;
	v13 =	vld [tilespmem:s15+$0x14D00]  }
0x207: {  	v16 =	vld [tilespmem:s15+$0x19D00]  }
0x208: {  	[tilespmem:s15+$0x19CC0] =	vst v9;
	v9 =	vmul.f32 v10, v8;
	v10 =	vmul.f32 v14, v11;
	v11 =	vld [tilespmem:s15+$0x14D10]  }
0x209: {  	v14 =	vld [tilespmem:s15+$0x19D10]  }
0x20a: {  	[tilespmem:s15+$0x19CD0] =	vst v9;
	v9 =	vmul.f32 v10, v8;
	v10 =	vmul.f32 v15, v12;
	v12 =	vld [tilespmem:s15+$0x14D20]  }
0x20b: {  	v15 =	vld [tilespmem:s15+$0x19D20]  }
0x20c: {  	[tilespmem:s15+$0x19CE0] =	vst v9;
	v8 =	vmul.f32 v10, v8;
	v9 =	vmul.f32 v16, v13;
	v10 =	vld [tilespmem:s15+$0x14D30]  }
0x20d: {  	v13 =	vld [tilespmem:s15+$0x19D30]  }
0x20e: {  	[tilespmem:s15+$0x19CF0] =	vst v8;
	v8 =	vmul.f32 v9, v7;
	v9 =	vmul.f32 v14, v11;
	v11 =	vld [tilespmem:s15+$0x14D40]  }
0x20f: {  	v14 =	vld [tilespmem:s15+$0x19D40]  }
0x210: {  	[tilespmem:s15+$0x19D00] =	vst v8;
	v8 =	vmul.f32 v9, v7;
	v9 =	vmul.f32 v15, v12;
	v12 =	vld [tilespmem:s15+$0x14D50]  }
0x211: {  	v15 =	vld [tilespmem:s15+$0x19D50]  }
0x212: {  	[tilespmem:s15+$0x19D10] =	vst v8;
	v8 =	vmul.f32 v9, v7;
	v9 =	vmul.f32 v13, v10;
	v10 =	vld [tilespmem:s15+$0x14D60]  }
0x213: {  	v13 =	vld [tilespmem:s15+$0x19D60]  }
0x214: {  	[tilespmem:s15+$0x19D20] =	vst v8;
	v8 =	vmul.f32 v9, v7;
	v9 =	vmul.f32 v14, v11;
	v11 =	vld [tilespmem:s15+$0x14D70]  }
0x215: {  	v14 =	vld [tilespmem:s15+$0x19D70]  }
0x216: {  	[tilespmem:s15+$0x19D30] =	vst v8;
	v8 =	vmul.f32 v9, v7;
	v9 =	vmul.f32 v15, v12;
	v12 =	vld [tilespmem:s15+$0x14D80]  }
0x217: {  	v15 =	vld [tilespmem:s15+$0x19D80]  }
0x218: {  	[tilespmem:s15+$0x19D40] =	vst v8;
	v8 =	vmul.f32 v9, v7;
	v9 =	vmul.f32 v13, v10;
	v10 =	vld [tilespmem:s15+$0x14D90]  }
0x219: {  	v13 =	vld [tilespmem:s15+$0x19D90]  }
0x21a: {  	[tilespmem:s15+$0x19D50] =	vst v8;
	v8 =	vmul.f32 v9, v7;
	v9 =	vmul.f32 v14, v11;
	v11 =	vld [tilespmem:s15+$0x14DA0]  }
0x21b: {  	v14 =	vld [tilespmem:s15+$0x19DA0]  }
0x21c: {  	[tilespmem:s15+$0x19D60] =	vst v8;
	v7 =	vmul.f32 v9, v7;
	v8 =	vmul.f32 v15, v12;
	v9 =	vld [tilespmem:s15+$0x14DB0]  }
0x21d: {  	v12 =	vld [tilespmem:s15+$0x19DB0]  }
0x21e: {  	[tilespmem:s15+$0x19D70] =	vst v7;
	v7 =	vmul.f32 v8, v6;
	v8 =	vmul.f32 v13, v10;
	v10 =	vld [tilespmem:s15+$0x14DC0]  }
0x21f: {  	v13 =	vld [tilespmem:s15+$0x19DC0]  }
0x220: {  	[tilespmem:s15+$0x19D80] =	vst v7;
	v7 =	vmul.f32 v8, v6;
	v8 =	vmul.f32 v14, v11;
	v11 =	vld [tilespmem:s15+$0x14DD0]  }
0x221: {  	v14 =	vld [tilespmem:s15+$0x19DD0]  }
0x222: {  	[tilespmem:s15+$0x19D90] =	vst v7;
	v7 =	vmul.f32 v8, v6;
	v8 =	vmul.f32 v12, v9;
	v9 =	vld [tilespmem:s15+$0x14DE0]  }
0x223: {  	v12 =	vld [tilespmem:s15+$0x19DE0]  }
0x224: {  	[tilespmem:s15+$0x19DA0] =	vst v7;
	v7 =	vmul.f32 v8, v6;
	v8 =	vmul.f32 v13, v10;
	v10 =	vld [tilespmem:s15+$0x14DF0]  }
0x225: {  	v13 =	vld [tilespmem:s15+$0x19DF0]  }
0x226: {  	[tilespmem:s15+$0x19DB0] =	vst v7;
	v7 =	vmul.f32 v8, v6;
	v8 =	vmul.f32 v14, v11;
	v11 =	vld [tilespmem:s15+$0x14E00]  }
0x227: {  	v14 =	vld [tilespmem:s15+$0x19E00]  }
0x228: {  	[tilespmem:s15+$0x19DC0] =	vst v7;
	v7 =	vmul.f32 v8, v6;
	v8 =	vmul.f32 v12, v9;
	v9 =	vld [tilespmem:s15+$0x14E10]  }
0x229: {  	v12 =	vld [tilespmem:s15+$0x19E10]  }
0x22a: {  	[tilespmem:s15+$0x19DD0] =	vst v7;
	v7 =	vmul.f32 v8, v6;
	v8 =	vmul.f32 v13, v10;
	v10 =	vld [tilespmem:s15+$0x14E20]  }
0x22b: {  	v13 =	vld [tilespmem:s15+$0x19E20]  }
0x22c: {  	[tilespmem:s15+$0x19DE0] =	vst v7;
	v6 =	vmul.f32 v8, v6;
	v7 =	vmul.f32 v14, v11;
	v8 =	vld [tilespmem:s15+$0x14E30]  }
0x22d: {  	v11 =	vld [tilespmem:s15+$0x19E30]  }
0x22e: {  	[tilespmem:s15+$0x19DF0] =	vst v6;
	v6 =	vmul.f32 v7, v5;
	v7 =	vmul.f32 v12, v9;
	v9 =	vld [tilespmem:s15+$0x14E40]  }
0x22f: {  	v12 =	vld [tilespmem:s15+$0x19E40]  }
0x230: {  	[tilespmem:s15+$0x19E00] =	vst v6;
	v6 =	vmul.f32 v7, v5;
	v7 =	vmul.f32 v13, v10;
	v10 =	vld [tilespmem:s15+$0x14E50]  }
0x231: {  	v13 =	vld [tilespmem:s15+$0x19E50]  }
0x232: {  	[tilespmem:s15+$0x19E10] =	vst v6;
	v6 =	vmul.f32 v7, v5;
	v7 =	vmul.f32 v11, v8;
	v8 =	vld [tilespmem:s15+$0x14E60]  }
0x233: {  	v11 =	vld [tilespmem:s15+$0x19E60]  }
0x234: {  	[tilespmem:s15+$0x19E20] =	vst v6;
	v6 =	vmul.f32 v7, v5;
	v7 =	vmul.f32 v12, v9;
	v9 =	vld [tilespmem:s15+$0x14E70]  }
0x235: {  	v12 =	vld [tilespmem:s15+$0x19E70]  }
0x236: {  	[tilespmem:s15+$0x19E30] =	vst v6;
	v6 =	vmul.f32 v7, v5;
	v7 =	vmul.f32 v13, v10;
	v10 =	vld [tilespmem:s15+$0x14E80]  }
0x237: {  	v13 =	vld [tilespmem:s15+$0x19E80]  }
0x238: {  	[tilespmem:s15+$0x19E40] =	vst v6;
	v6 =	vmul.f32 v7, v5;
	v7 =	vmul.f32 v11, v8;
	v8 =	vld [tilespmem:s15+$0x14E90]  }
0x239: {  	v11 =	vld [tilespmem:s15+$0x19E90]  }
0x23a: {  	[tilespmem:s15+$0x19E50] =	vst v6;
	v6 =	vmul.f32 v7, v5;
	v7 =	vmul.f32 v12, v9;
	v9 =	vld [tilespmem:s15+$0x14EA0]  }
0x23b: {  	v12 =	vld [tilespmem:s15+$0x19EA0]  }
0x23c: {  	[tilespmem:s15+$0x19E60] =	vst v6;
	v5 =	vmul.f32 v7, v5;
	v6 =	vmul.f32 v13, v10;
	v7 =	vld [tilespmem:s15+$0x14EB0]  }
0x23d: {  	v10 =	vld [tilespmem:s15+$0x19EB0]  }
0x23e: {  	[tilespmem:s15+$0x19E70] =	vst v5;
	v5 =	vmul.f32 v6, v4;
	v6 =	vmul.f32 v11, v8;
	v8 =	vld [tilespmem:s15+$0x14EC0]  }
0x23f: {  	v11 =	vld [tilespmem:s15+$0x19EC0]  }
0x240: {  	[tilespmem:s15+$0x19E80] =	vst v5;
	v5 =	vmul.f32 v6, v4;
	v6 =	vmul.f32 v12, v9;
	v9 =	vld [tilespmem:s15+$0x14ED0]  }
0x241: {  	v12 =	vld [tilespmem:s15+$0x19ED0]  }
0x242: {  	[tilespmem:s15+$0x19E90] =	vst v5;
	v5 =	vmul.f32 v6, v4;
	v6 =	vmul.f32 v10, v7;
	v7 =	vld [tilespmem:s15+$0x14EE0]  }
0x243: {  	v10 =	vld [tilespmem:s15+$0x19EE0]  }
0x244: {  	[tilespmem:s15+$0x19EA0] =	vst v5;
	v5 =	vmul.f32 v6, v4;
	v6 =	vmul.f32 v11, v8;
	v8 =	vld [tilespmem:s15+$0x14EF0]  }
0x245: {  	v11 =	vld [tilespmem:s15+$0x19EF0]  }
0x246: {  	[tilespmem:s15+$0x19EB0] =	vst v5;
	v5 =	vmul.f32 v6, v4;
	v6 =	vmul.f32 v12, v9;
	v9 =	vld [tilespmem:s15+$0x14F00]  }
0x247: {  	v12 =	vld [tilespmem:s15+$0x19F00]  }
0x248: {  	[tilespmem:s15+$0x19EC0] =	vst v5;
	v5 =	vmul.f32 v6, v4;
	v6 =	vmul.f32 v10, v7;
	v7 =	vld [tilespmem:s15+$0x14F10]  }
0x249: {  	v10 =	vld [tilespmem:s15+$0x19F10]  }
0x24a: {  	[tilespmem:s15+$0x19ED0] =	vst v5;
	v5 =	vmul.f32 v6, v4;
	v6 =	vmul.f32 v11, v8;
	v8 =	vld [tilespmem:s15+$0x14F20]  }
0x24b: {  	v11 =	vld [tilespmem:s15+$0x19F20]  }
0x24c: {  	[tilespmem:s15+$0x19EE0] =	vst v5;
	v4 =	vmul.f32 v6, v4;
	v5 =	vmul.f32 v12, v9;
	v6 =	vld [tilespmem:s15+$0x14F30]  }
0x24d: {  	v9 =	vld [tilespmem:s15+$0x19F30]  }
0x24e: {  	[tilespmem:s15+$0x19EF0] =	vst v4;
	v4 =	vmul.f32 v5, v3;
	v5 =	vmul.f32 v10, v7;
	v7 =	vld [tilespmem:s15+$0x14F40]  }
0x24f: {  	v10 =	vld [tilespmem:s15+$0x19F40]  }
0x250: {  	[tilespmem:s15+$0x19F00] =	vst v4;
	v4 =	vmul.f32 v5, v3;
	v5 =	vmul.f32 v11, v8;
	v8 =	vld [tilespmem:s15+$0x14F50]  }
0x251: {  	v11 =	vld [tilespmem:s15+$0x19F50]  }
0x252: {  	[tilespmem:s15+$0x19F10] =	vst v4;
	v4 =	vmul.f32 v5, v3;
	v5 =	vmul.f32 v9, v6;
	v6 =	vld [tilespmem:s15+$0x14F60]  }
0x253: {  	v9 =	vld [tilespmem:s15+$0x19F60]  }
0x254: {  	[tilespmem:s15+$0x19F20] =	vst v4;
	v4 =	vmul.f32 v5, v3;
	v5 =	vmul.f32 v10, v7;
	v7 =	vld [tilespmem:s15+$0x14F70]  }
0x255: {  	v10 =	vld [tilespmem:s15+$0x19F70]  }
0x256: {  	[tilespmem:s15+$0x19F30] =	vst v4;
	v4 =	vmul.f32 v5, v3;
	v5 =	vmul.f32 v11, v8;
	v8 =	vld [tilespmem:s15+$0x14F80]  }
0x257: {  	v11 =	vld [tilespmem:s15+$0x19F80]  }
0x258: {  	[tilespmem:s15+$0x19F40] =	vst v4;
	v4 =	vmul.f32 v5, v3;
	v5 =	vmul.f32 v9, v6;
	v6 =	vld [tilespmem:s15+$0x14F90]  }
0x259: {  	v9 =	vld [tilespmem:s15+$0x19F90]  }
0x25a: {  	[tilespmem:s15+$0x19F50] =	vst v4;
	v4 =	vmul.f32 v5, v3;
	v5 =	vmul.f32 v10, v7;
	v7 =	vld [tilespmem:s15+$0x14FA0]  }
0x25b: {  	v10 =	vld [tilespmem:s15+$0x19FA0]  }
0x25c: {  	[tilespmem:s15+$0x19F60] =	vst v4;
	v3 =	vmul.f32 v5, v3;
	v4 =	vmul.f32 v11, v8;
	v5 =	vld [tilespmem:s15+$0x14FB0]  }
0x25d: {  	v8 =	vld [tilespmem:s15+$0x19FB0]  }
0x25e: {  	[tilespmem:s15+$0x19F70] =	vst v3;
	v3 =	vmul.f32 v4, v1;
	v4 =	vmul.f32 v9, v6;
	v36 =	vld [tilespmem:s15+$0x14FC0]  }
.Ltmp1:
0x25f: {  	v47 =	vld [tilespmem:s15+$0x19FC0];
	(pc) =	sbr.rel @p0 .LBB2_5-.Ltmp1, $4  }
0x260: {  	[tilespmem:s15+$0x19F80] =	vst v3;
	v3 =	vmul.f32 v4, v1;
	v4 =	vmul.f32 v10, v7;
	v39 =	vld [tilespmem:s15+$0x14FD0]  }
0x261: {  	v60 =	vld [tilespmem:s15+$0x19FD0]  }
0x262: {  	s20 =	sshll.u32 s19, $0x4;
	[tilespmem:s15+$0x19F90] =	vst v3;
	v35 =	vmul.f32 v4, v1;
	v56 =	vmul.f32 v8, v5;
	v59 =	vld [tilespmem:s15+$0x14FE0]  }
0x263: {  	s19 =	sadd.s32 $0x1, s19;
	s21 =	sadd.s32 s18, s20;
	v57 =	vld [tilespmem:s15+$0x19FE0]  }
0x264: {  	_ =	sdelay $0x3  }
0x265: {  	v23 =	vld.idx.msk [tilespmem:v2+s20+$0x0 ss:$0x1], $0xffff;
	s18 =	sshll.u32 s21, $0x7  }
0x266: {  	v16 =	vld [tilespmem:s18+$0x14FF0]  }
0x267: {  	v14 =	vld [tilespmem:s18+$0x19FF0]  }
0x268: {  	v13 =	vld [tilespmem:s18+$0x14800]  }
0x269: {  	v10 =	vld [tilespmem:s18+$0x19800]  }
0x26a: {  	v15 =	vld [tilespmem:s18+$0x14810]  }
0x26b: {  	v12 =	vld [tilespmem:s18+$0x19810]  }
0x26c: {  	v9 =	vld [tilespmem:s18+$0x14820]  }
0x26d: {  	v6 =	vld [tilespmem:s18+$0x19820]  }
0x26e: {  	v11 =	vld [tilespmem:s18+$0x14830]  }
0x26f: {  	v8 =	vld [tilespmem:s18+$0x19830]  }
0x270: {  	v5 =	vld [tilespmem:s18+$0x14840]  }
0x271: {  	v3 =	vld [tilespmem:s18+$0x19840]  }
0x272: {  	v7 =	vld [tilespmem:s18+$0x14850]  }
0x273: {  	v4 =	vld [tilespmem:s18+$0x19850]  }
0x274: {  	v19 =	vld [tilespmem:s18+$0x14860]  }
0x275: {  	v17 =	vld [tilespmem:s18+$0x19860]  }
0x276: {  	v20 =	vld [tilespmem:s18+$0x14870]  }
0x277: {  	v18 =	vld [tilespmem:s18+$0x19870]  }
0x278: {  	v31 =	vld [tilespmem:s18+$0x14880]  }
0x279: {  	v28 =	vld [tilespmem:s18+$0x19880]  }
0x27a: {  	v24 =	vld [tilespmem:s18+$0x14890]  }
0x27b: {  	v21 =	vld [tilespmem:s18+$0x19890]  }
0x27c: {  	v32 =	vld [tilespmem:s18+$0x148A0]  }
0x27d: {  	v25 =	vld [tilespmem:s18+$0x198A0]  }
0x27e: {  	v2 =	vld [tilespmem:s18+$0x148B0]  }
0x27f: {  	v22 =	vld [tilespmem:s18+$0x198B0]  }
0x280: {  	v29 =	vld [tilespmem:s18+$0x148C0]  }
0x281: {  	v27 =	vld [tilespmem:s18+$0x198C0]  }
0x282: {  	v40 =	vld [tilespmem:s18+$0x148D0]  }
0x283: {  	v33 =	vld [tilespmem:s18+$0x198D0]  }
0x284: {  	v34 =	vld [tilespmem:s18+$0x148E0]  }
0x285: {  	v30 =	vld [tilespmem:s18+$0x198E0]  }
0x286: {  	v38 =	vld [tilespmem:s18+$0x148F0]  }
0x287: {  	v37 =	vld [tilespmem:s18+$0x198F0]  }
0x288: {  	v49 =	vld [tilespmem:s18+$0x14900]  }
0x289: {  	v42 =	vld [tilespmem:s18+$0x19900]  }
0x28a: {  	v53 =	vld [tilespmem:s18+$0x14910]  }
0x28b: {  	v50 =	vld [tilespmem:s18+$0x19910]  }
0x28c: {  	v44 =	vld [tilespmem:s18+$0x14920]  }
0x28d: {  	v43 =	vld [tilespmem:s18+$0x19920]  }
0x28e: {  	v52 =	vld [tilespmem:s18+$0x14930]  }
0x28f: {  	v45 =	vld [tilespmem:s18+$0x19930]  }
0x290: {  	v46 =	vld [tilespmem:s18+$0x14940]  }
0x291: {  	v41 =	vld [tilespmem:s18+$0x19940]  }
0x292: {  	v0 =	vld [tilespmem:s18+$0x14950]  }
0x293: {  	v26 =	vld [tilespmem:s18+$0x14980]  }
0x294: {  	v48 =	vld [tilespmem:s18+$0x19950]  }
0x295: {  	v58 =	vld [tilespmem:s18+$0x14960]  }
0x296: {  	v55 =	vld [tilespmem:s18+$0x19960]  }
0x297: {  	v54 =	vld [tilespmem:s18+$0x14970]  }
0x298: {  	v51 =	vld [tilespmem:s18+$0x19970];
	[tilespmem:$0x1FA10] =	vst v26  }
0x299: {  	v26 =	vld [tilespmem:s18+$0x19980];
	_ =	sdelay $0x4  }
0x29a: {  	[tilespmem:$0x1FA20] =	vst v26  }
0x29b: {  	v26 =	vld [tilespmem:s18+$0x14990];
	_ =	sdelay $0x4  }
0x29c: {  	[tilespmem:$0x1FA30] =	vst v26  }
0x29d: {  	v26 =	vld [tilespmem:s18+$0x149A0];
	_ =	sdelay $0x4  }
0x29e: {  	v63 =	vld [tilespmem:s18+$0x19990];
	[tilespmem:$0x1FA40] =	vst v26  }
0x29f: {  	v26 =	vld [tilespmem:s18+$0x199A0];
	_ =	sdelay $0x4  }
0x2a0: {  	[tilespmem:$0x1FA50] =	vst v26  }
0x2a1: {  	v26 =	vld [tilespmem:s18+$0x149B0];
	_ =	sdelay $0x4  }
0x2a2: {  	[tilespmem:$0x1FA60] =	vst v26  }
0x2a3: {  	v26 =	vld [tilespmem:s18+$0x149C0];
	_ =	sdelay $0x4  }
0x2a4: {  	v62 =	vld [tilespmem:s18+$0x199B0];
	[tilespmem:$0x1FA70] =	vst v26  }
0x2a5: {  	v26 =	vld [tilespmem:s18+$0x199C0];
	_ =	sdelay $0x4  }
0x2a6: {  	[tilespmem:$0x1FA80] =	vst v26  }
0x2a7: {  	v26 =	vld [tilespmem:s18+$0x149D0];
	_ =	sdelay $0x4  }
0x2a8: {  	[tilespmem:$0x1FA90] =	vst v26  }
0x2a9: {  	v26 =	vld [tilespmem:s18+$0x199D0];
	_ =	sdelay $0x4  }
0x2aa: {  	[tilespmem:$0x1FAA0] =	vst v26  }
0x2ab: {  	v26 =	vld [tilespmem:s18+$0x149E0];
	_ =	sdelay $0x4  }
0x2ac: {  	[tilespmem:$0x1FAB0] =	vst v26  }
0x2ad: {  	v26 =	vld [tilespmem:s18+$0x199E0];
	_ =	sdelay $0x4  }
0x2ae: {  	[tilespmem:$0x1FAC0] =	vst v26  }
0x2af: {  	v26 =	vld [tilespmem:s18+$0x149F0];
	_ =	sdelay $0x4  }
0x2b0: {  	[tilespmem:$0x1FAD0] =	vst v26  }
0x2b1: {  	v26 =	vld [tilespmem:s18+$0x199F0];
	_ =	sdelay $0x4  }
0x2b2: {  	[tilespmem:$0x1FAE0] =	vst v26  }
0x2b3: {  	v26 =	vld [tilespmem:s18+$0x14A00];
	_ =	sdelay $0x4  }
0x2b4: {  	[tilespmem:$0x1FAF0] =	vst v26  }
0x2b5: {  	v26 =	vld [tilespmem:s18+$0x19A00];
	_ =	sdelay $0x4  }
0x2b6: {  	[tilespmem:$0x1FB00] =	vst v26  }
0x2b7: {  	v26 =	vld [tilespmem:s18+$0x14A10];
	_ =	sdelay $0x4  }
0x2b8: {  	[tilespmem:$0x1FB10] =	vst v26  }
0x2b9: {  	v26 =	vld [tilespmem:s18+$0x19A10];
	_ =	sdelay $0x4  }
0x2ba: {  	[tilespmem:$0x1FB20] =	vst v26  }
0x2bb: {  	v26 =	vld [tilespmem:s18+$0x14A20];
	_ =	sdelay $0x4  }
0x2bc: {  	[tilespmem:$0x1FB30] =	vst v26  }
0x2bd: {  	v26 =	vld [tilespmem:s18+$0x19A20];
	_ =	sdelay $0x4  }
0x2be: {  	[tilespmem:$0x1FB40] =	vst v26  }
0x2bf: {  	v26 =	vld [tilespmem:s18+$0x14A30];
	_ =	sdelay $0x4  }
0x2c0: {  	[tilespmem:$0x1FB50] =	vst v26  }
0x2c1: {  	v26 =	vld [tilespmem:s18+$0x19A30];
	_ =	sdelay $0x4  }
0x2c2: {  	[tilespmem:$0x1FB60] =	vst v26  }
0x2c3: {  	v26 =	vld [tilespmem:s18+$0x14A40];
	_ =	sdelay $0x4  }
0x2c4: {  	[tilespmem:$0x1FB70] =	vst v26  }
0x2c5: {  	v26 =	vld [tilespmem:s18+$0x19A40];
	_ =	sdelay $0x4  }
0x2c6: {  	[tilespmem:$0x1FB80] =	vst v26  }
0x2c7: {  	v26 =	vld [tilespmem:s18+$0x14A50];
	_ =	sdelay $0x4  }
0x2c8: {  	[tilespmem:$0x1FB90] =	vst v26  }
0x2c9: {  	v26 =	vld [tilespmem:s18+$0x19A50];
	_ =	sdelay $0x4  }
0x2ca: {  	[tilespmem:$0x1FBA0] =	vst v26  }
0x2cb: {  	v26 =	vld [tilespmem:s18+$0x14A60];
	_ =	sdelay $0x4  }
0x2cc: {  	[tilespmem:$0x1FBB0] =	vst v26  }
0x2cd: {  	v26 =	vld [tilespmem:s18+$0x19A60];
	_ =	sdelay $0x4  }
0x2ce: {  	[tilespmem:$0x1FBC0] =	vst v26  }
0x2cf: {  	v26 =	vld [tilespmem:s18+$0x14A70];
	_ =	sdelay $0x4  }
0x2d0: {  	[tilespmem:$0x1FBD0] =	vst v26  }
0x2d1: {  	v26 =	vld [tilespmem:s18+$0x19A70];
	_ =	sdelay $0x4  }
0x2d2: {  	[tilespmem:$0x1FBE0] =	vst v26  }
0x2d3: {  	v26 =	vld [tilespmem:s18+$0x14A80];
	_ =	sdelay $0x4  }
0x2d4: {  	[tilespmem:$0x1FBF0] =	vst v26  }
0x2d5: {  	v26 =	vld [tilespmem:s18+$0x19A80];
	_ =	sdelay $0x4  }
0x2d6: {  	[tilespmem:$0x1FC00] =	vst v26  }
0x2d7: {  	v26 =	vld [tilespmem:s18+$0x14A90];
	_ =	sdelay $0x4  }
0x2d8: {  	[tilespmem:$0x1FC10] =	vst v26  }
0x2d9: {  	v26 =	vld [tilespmem:s18+$0x19A90];
	_ =	sdelay $0x4  }
0x2da: {  	[tilespmem:$0x1FC20] =	vst v26  }
0x2db: {  	v26 =	vld [tilespmem:s18+$0x14AA0];
	_ =	sdelay $0x4  }
0x2dc: {  	[tilespmem:$0x1FC30] =	vst v26  }
0x2dd: {  	v26 =	vld [tilespmem:s18+$0x19AA0];
	_ =	sdelay $0x4  }
0x2de: {  	[tilespmem:$0x1FC40] =	vst v26  }
0x2df: {  	v26 =	vld [tilespmem:s18+$0x14AB0];
	_ =	sdelay $0x4  }
0x2e0: {  	[tilespmem:$0x1FC50] =	vst v26  }
0x2e1: {  	v26 =	vld [tilespmem:s18+$0x19AB0];
	_ =	sdelay $0x4  }
0x2e2: {  	[tilespmem:$0x1FC60] =	vst v26  }
0x2e3: {  	v26 =	vld [tilespmem:s18+$0x14AC0];
	_ =	sdelay $0x4  }
0x2e4: {  	[tilespmem:$0x1FC70] =	vst v26  }
0x2e5: {  	v26 =	vld [tilespmem:s18+$0x19AC0];
	_ =	sdelay $0x4  }
0x2e6: {  	[tilespmem:$0x1FC80] =	vst v26  }
0x2e7: {  	v26 =	vld [tilespmem:s18+$0x14AD0];
	_ =	sdelay $0x4  }
0x2e8: {  	[tilespmem:$0x1FC90] =	vst v26  }
0x2e9: {  	v26 =	vld [tilespmem:s18+$0x19AD0];
	_ =	sdelay $0x4  }
0x2ea: {  	[tilespmem:$0x1FCA0] =	vst v26  }
0x2eb: {  	v26 =	vld [tilespmem:s18+$0x14AE0];
	_ =	sdelay $0x4  }
0x2ec: {  	[tilespmem:$0x1FCB0] =	vst v26  }
0x2ed: {  	v26 =	vld [tilespmem:s18+$0x19AE0];
	_ =	sdelay $0x4  }
0x2ee: {  	[tilespmem:$0x1FCC0] =	vst v26  }
0x2ef: {  	v26 =	vld [tilespmem:s18+$0x14AF0];
	_ =	sdelay $0x4  }
0x2f0: {  	[tilespmem:$0x1FCD0] =	vst v26  }
0x2f1: {  	v26 =	vld [tilespmem:s18+$0x19AF0];
	_ =	sdelay $0x4  }
0x2f2: {  	[tilespmem:$0x1FCE0] =	vst v26  }
0x2f3: {  	v26 =	vld [tilespmem:s18+$0x14B00];
	_ =	sdelay $0x4  }
0x2f4: {  	[tilespmem:$0x1FCF0] =	vst v26  }
0x2f5: {  	v26 =	vld [tilespmem:s18+$0x19B00];
	_ =	sdelay $0x4  }
0x2f6: {  	[tilespmem:$0x1FD00] =	vst v26  }
0x2f7: {  	v26 =	vld [tilespmem:s18+$0x14B10];
	_ =	sdelay $0x4  }
0x2f8: {  	[tilespmem:$0x1FD10] =	vst v26  }
0x2f9: {  	v26 =	vld [tilespmem:s18+$0x19B10];
	_ =	sdelay $0x4  }
0x2fa: {  	[tilespmem:$0x1FD20] =	vst v26  }
0x2fb: {  	v26 =	vld [tilespmem:s18+$0x14B20];
	_ =	sdelay $0x4  }
0x2fc: {  	[tilespmem:$0x1FD30] =	vst v26  }
0x2fd: {  	v26 =	vld [tilespmem:s18+$0x19B20];
	_ =	sdelay $0x4  }
0x2fe: {  	[tilespmem:$0x1FD40] =	vst v26  }
0x2ff: {  	v26 =	vld [tilespmem:s18+$0x14B30];
	_ =	sdelay $0x4  }
0x300: {  	[tilespmem:$0x1FD50] =	vst v26  }
0x301: {  	v26 =	vld [tilespmem:s18+$0x19B30];
	_ =	sdelay $0x4  }
0x302: {  	[tilespmem:$0x1FD60] =	vst v26  }
0x303: {  	v26 =	vld [tilespmem:s18+$0x14B40];
	_ =	sdelay $0x4  }
0x304: {  	[tilespmem:$0x1FD70] =	vst v26  }
0x305: {  	v26 =	vld [tilespmem:s18+$0x19B40];
	_ =	sdelay $0x4  }
0x306: {  	[tilespmem:$0x1FD80] =	vst v26  }
0x307: {  	v26 =	vld [tilespmem:s18+$0x14B50];
	_ =	sdelay $0x4  }
0x308: {  	[tilespmem:$0x1FD90] =	vst v26  }
0x309: {  	v26 =	vld [tilespmem:s18+$0x19B50];
	_ =	sdelay $0x4  }
0x30a: {  	[tilespmem:$0x1FDA0] =	vst v26  }
0x30b: {  	v26 =	vld [tilespmem:s18+$0x14B60];
	_ =	sdelay $0x4  }
0x30c: {  	[tilespmem:$0x1FDB0] =	vst v26  }
0x30d: {  	v26 =	vld [tilespmem:s18+$0x19B60];
	_ =	sdelay $0x4  }
0x30e: {  	[tilespmem:$0x1FDC0] =	vst v26  }
0x30f: {  	v26 =	vld [tilespmem:s18+$0x14B70];
	_ =	sdelay $0x4  }
0x310: {  	[tilespmem:$0x1FDD0] =	vst v26  }
0x311: {  	v26 =	vld [tilespmem:s18+$0x19B70];
	_ =	sdelay $0x4  }
0x312: {  	[tilespmem:$0x1FDE0] =	vst v26  }
0x313: {  	v26 =	vld [tilespmem:s18+$0x14B80];
	_ =	sdelay $0x4  }
0x314: {  	[tilespmem:$0x1FDF0] =	vst v26  }
0x315: {  	v26 =	vld [tilespmem:s18+$0x19B80];
	_ =	sdelay $0x4  }
0x316: {  	[tilespmem:$0x1FE00] =	vst v26  }
0x317: {  	v26 =	vld [tilespmem:s18+$0x14B90];
	_ =	sdelay $0x4  }
0x318: {  	[tilespmem:$0x1FE10] =	vst v26  }
0x319: {  	v26 =	vld [tilespmem:s18+$0x19B90];
	_ =	sdelay $0x4  }
0x31a: {  	[tilespmem:$0x1FE20] =	vst v26  }
0x31b: {  	v26 =	vld [tilespmem:s18+$0x14BA0];
	_ =	sdelay $0x4  }
0x31c: {  	[tilespmem:$0x1FE30] =	vst v26  }
0x31d: {  	v26 =	vld [tilespmem:s18+$0x19BA0];
	_ =	sdelay $0x4  }
0x31e: {  	[tilespmem:$0x1FE40] =	vst v26  }
0x31f: {  	v26 =	vld [tilespmem:s18+$0x14BB0];
	_ =	sdelay $0x4  }
0x320: {  	[tilespmem:$0x1FE50] =	vst v26  }
0x321: {  	v26 =	vld [tilespmem:s18+$0x19BB0];
	_ =	sdelay $0x4  }
0x322: {  	[tilespmem:$0x1FE60] =	vst v26  }
0x323: {  	v26 =	vld [tilespmem:s18+$0x14BC0];
	_ =	sdelay $0x4  }
0x324: {  	[tilespmem:$0x1FE70] =	vst v26  }
0x325: {  	v26 =	vld [tilespmem:s18+$0x19BC0];
	_ =	sdelay $0x4  }
0x326: {  	[tilespmem:$0x1FE80] =	vst v26  }
0x327: {  	v10 =	vmul.f32 v10, v13;
	v13 =	vld [tilespmem:s18+$0x19BD0];
	_ =	sdelay $0x4  }
0x328: {  	v39 =	vmul.f32 v60, v39;
	v60 =	vmul.f32 v57, v59;
	v59 =	vld [tilespmem:s18+$0x14BD0];
	[tilespmem:$0x1FE90] =	vst v13  }
0x329: {  	v12 =	vmul.f32 v12, v15;
	v15 =	vld [tilespmem:s18+$0x14BE0];
	_ =	sdelay $0x4  }
0x32a: {  	[tilespmem:$0x1FEA0] =	vst v15  }
0x32b: {  	v14 =	vmul.f32 v14, v16;
	v16 =	vld [tilespmem:s18+$0x19BE0];
	_ =	sdelay $0x4  }
0x32c: {  	[tilespmem:$0x1FEB0] =	vst v16  }
0x32d: {  	v26 =	vld [tilespmem:s18+$0x14BF0];
	_ =	sdelay $0x3  }
0x32e: {  	v36 =	vmul.f32 v47, v36  }
0x32f: {  	[tilespmem:$0x1FEC0] =	vst v26  }
0x330: {  	v4 =	vmul.f32 v4, v7;
	v7 =	vmul.f32 v36, v1;
	v36 =	vld [tilespmem:s18+$0x19BF0];
	_ =	sdelay $0x4  }
0x331: {  	[tilespmem:$0x1FED0] =	vst v36  }
0x332: {  	v8 =	vmul.f32 v8, v11;
	v11 =	vmul.f32 v60, v1;
	v60 =	vld [tilespmem:s18+$0x19C00];
	_ =	sdelay $0x3  }
0x333: {  	v6 =	vmul.f32 v6, v9;
	v3 =	vmul.f32 v3, v5  }
0x334: {  	v5 =	vmul.f32 v56, v1;
	v9 =	vmul.f32 v39, v1;
	v1 =	vld [tilespmem:s18+$0x14C00];
	[tilespmem:$0x1FEE0] =	vst v60  }
0x335: {  	v39 =	vmul.f32 v17, v19;
	v17 =	vld [tilespmem:s18+$0x14C10];
	_ =	sdelay $0x3  }
0x336: {  	[tilespmem:s15+$0x19FA0] =	vst v35  }
0x337: {  	[tilespmem:$0x1FEF0] =	vst v17  }
0x338: {  	v57 =	vmul.f32 v18, v20;
	v20 =	vld [tilespmem:s18+$0x19C10];
	_ =	sdelay $0x3  }
0x339: {  	[tilespmem:s15+$0x19FB0] =	vst v5  }
0x33a: {  	[tilespmem:$0x1FF00] =	vst v20  }
0x33b: {  	v35 =	vld [tilespmem:s18+$0x14C20]  }
0x33c: {  	v56 =	vbroadcast v23, $0x0;
	_ =	sdelay $0x1  }
0x33d: {  	v10 =	vmul.f32 v10, v56;
	v12 =	vmul.f32 v12, v56  }
0x33e: {  	v19 =	vmul.f32 v6, v56;
	v47 =	vmul.f32 v8, v56;
	[tilespmem:s15+$0x19FC0] =	vst v7  }
0x33f: {  	v3 =	vmul.f32 v3, v56;
	v4 =	vmul.f32 v4, v56;
	[tilespmem:$0x1FF10] =	vst v35  }
0x340: {  	v36 =	vmul.f32 v39, v56;
	v39 =	vmul.f32 v57, v56;
	v56 =	vld [tilespmem:s18+$0x19C20];
	_ =	sdelay $0x3  }
0x341: {  	[tilespmem:s15+$0x19FD0] =	vst v9  }
0x342: {  	[tilespmem:$0x1FF20] =	vst v56  }
0x343: {  	v26 =	vbroadcast v23, $0xF;
	v20 =	vld [tilespmem:s18+$0x14C30];
	_ =	sdelay $0x1  }
0x344: {  	v14 =	vmul.f32 v14, v26;
	_ =	sdelay $0x1  }
0x345: {  	[tilespmem:s18+$0x19FF0] =	vst v14  }
0x346: {  	[tilespmem:$0x1FF30] =	vst v20  }
0x347: {  	v60 =	vmul.f32 v21, v24;
	v21 =	vmul.f32 v25, v32;
	v25 =	vld [tilespmem:s18+$0x19C30];
	_ =	sdelay $0x3  }
0x348: {  	[tilespmem:s18+$0x19800] =	vst v10  }
0x349: {  	[tilespmem:$0x1FF40] =	vst v25  }
0x34a: {  	v24 =	vmul.f32 v22, v2;
	v2 =	vld [tilespmem:s18+$0x14C40];
	_ =	sdelay $0x3  }
0x34b: {  	[tilespmem:s18+$0x19810] =	vst v12  }
0x34c: {  	[tilespmem:$0x1FF50] =	vst v2  }
0x34d: {  	v2 =	vld [tilespmem:s18+$0x19C40];
	_ =	sdelay $0x3  }
0x34e: {  	[tilespmem:s18+$0x19820] =	vst v19  }
0x34f: {  	[tilespmem:$0x1FF60] =	vst v2  }
0x350: {  	v2 =	vld [tilespmem:s18+$0x14C50];
	_ =	sdelay $0x3  }
0x351: {  	[tilespmem:s18+$0x19830] =	vst v47  }
0x352: {  	[tilespmem:$0x1FF70] =	vst v2  }
0x353: {  	v2 =	vld [tilespmem:s18+$0x14C60];
	_ =	sdelay $0x2  }
0x354: {  	[tilespmem:s18+$0x19840] =	vst v3  }
0x355: {  	[tilespmem:s18+$0x19850] =	vst v4  }
0x356: {  	v47 =	vld [tilespmem:s18+$0x19C50];
	[tilespmem:$0x1FF80] =	vst v2  }
0x357: {  	v2 =	vld [tilespmem:s18+$0x19C60];
	_ =	sdelay $0x3  }
0x358: {  	[tilespmem:s18+$0x19860] =	vst v36  }
0x359: {  	v57 =	vmul.f32 v28, v31;
	[tilespmem:$0x1FF90] =	vst v2  }
0x35a: {  	v28 =	vmul.f32 v27, v29;
	v29 =	vbroadcast v23, $0x1;
	v2 =	vld [tilespmem:s18+$0x14C80];
	_ =	sdelay $0x1  }
0x35b: {  	v9 =	vmul.f32 v57, v29;
	[tilespmem:s15+$0x19FE0] =	vst v11  }
0x35c: {  	[tilespmem:s18+$0x19870] =	vst v39  }
0x35d: {  	v32 =	vmul.f32 v30, v34;
	v34 =	vmul.f32 v60, v29;
	v60 =	vld [tilespmem:s18+$0x14C70];
	[tilespmem:s18+$0x19880] =	vst v9  }
0x35e: {  	v39 =	vld [tilespmem:s18+$0x19C70];
	[tilespmem:$0x1FFA0] =	vst v2  }
0x35f: {  	v12 =	vmul.f32 v28, v29;
	v28 =	vld [tilespmem:s18+$0x19C80];
	_ =	sdelay $0x3  }
0x360: {  	[tilespmem:s18+$0x19890] =	vst v34  }
0x361: {  	[tilespmem:$0x1FFB0] =	vst v28  }
0x362: {  	v25 =	vmul.f32 v48, v0;
	v0 =	vld [tilespmem:s18+$0x14C90];
	_ =	sdelay $0x1  }
0x363: {  	v10 =	vmul.f32 v21, v29;
	_ =	sdelay $0x1  }
0x364: {  	[tilespmem:s18+$0x198A0] =	vst v10  }
0x365: {  	[tilespmem:$0x1FFC0] =	vst v0  }
0x366: {  	v0 =	vld [tilespmem:s18+$0x19C90];
	_ =	sdelay $0x1  }
0x367: {  	v35 =	vmul.f32 v24, v29;
	_ =	sdelay $0x1  }
0x368: {  	[tilespmem:s18+$0x198B0] =	vst v35  }
0x369: {  	[tilespmem:$0x1FFD0] =	vst v0  }
0x36a: {  	v0 =	vld [tilespmem:s18+$0x14CA0];
	_ =	sdelay $0x3  }
0x36b: {  	[tilespmem:s18+$0x198C0] =	vst v12  }
0x36c: {  	v31 =	vmul.f32 v33, v40;
	[tilespmem:$0x1FFE0] =	vst v0  }
0x36d: {  	v0 =	vld [tilespmem:s18+$0x14CB0]  }
0x36e: {  	v5 =	vmul.f32 v31, v29  }
0x36f: {  	v56 =	vmul.f32 v32, v29  }
0x370: {  	[tilespmem:s18+$0x198D0] =	vst v5  }
0x371: {  	[tilespmem:s18+$0x198E0] =	vst v56  }
0x372: {  	v20 =	vmul.f32 v50, v53;
	v50 =	vld [tilespmem:s18+$0x19CA0];
	[tilespmem:$0x1FFF0] =	vst v0  }
0x373: {  	v56 =	vld [tilespmem:s18+$0x19CB0]  }
0x374: {  	v57 =	vmul.f32 v42, v49;
	v49 =	vld [tilespmem:s18+$0x14CC0]  }
0x375: {  	v24 =	vmul.f32 v41, v46;
	v46 =	vld [tilespmem:s18+$0x19CC0]  }
0x376: {  	v33 =	vmul.f32 v37, v38;
	v37 =	vld [tilespmem:s18+$0x19CD0]  }
0x377: {  	v36 =	vld [tilespmem:s18+$0x14CE0]  }
0x378: {  	v10 =	vld [tilespmem:s18+$0x14CF0]  }
0x379: {  	v11 =	vld [tilespmem:s18+$0x19CF0]  }
0x37a: {  	v6 =	vmul.f32 v33, v29;
	v7 =	vld [tilespmem:s18+$0x14D10]  }
0x37b: {  	v27 =	vbroadcast v23, $0x2;
	v14 =	vld [tilespmem:s18+$0x14D30]  }
0x37c: {  	[tilespmem:s18+$0x198F0] =	vst v6;
	v17 =	vld [tilespmem:s18+$0x19D40]  }
0x37d: {  	v31 =	vmul.f32 v57, v27;
	v38 =	vld [tilespmem:$0x1FA10]  }
0x37e: {  	v40 =	vld [tilespmem:$0x1FA20]  }
0x37f: {  	v42 =	vld [tilespmem:$0x1FA30];
	[tilespmem:s18+$0x19900] =	vst v31  }
0x380: {  	v22 =	vmul.f32 v45, v52;
	v30 =	vmul.f32 v51, v54;
	v51 =	vld [tilespmem:$0x1FA40]  }
0x381: {  	v21 =	vmul.f32 v43, v44;
	v8 =	vmul.f32 v20, v27;
	v52 =	vld [tilespmem:$0x1FA50]  }
0x382: {  	v54 =	vld [tilespmem:$0x1FA60]  }
0x383: {  	v32 =	vmul.f32 v21, v27;
	[tilespmem:s18+$0x19910] =	vst v8;
	v8 =	vld [tilespmem:s18+$0x19D10]  }
0x384: {  	v57 =	vld [tilespmem:$0x1FA70]  }
0x385: {  	v29 =	vmul.f32 v55, v58;
	v58 =	vld [tilespmem:$0x1FA80];
	[tilespmem:s18+$0x19920] =	vst v32  }
0x386: {  	v19 =	vld [tilespmem:$0x1FA90]  }
0x387: {  	v9 =	vmul.f32 v22, v27;
	v20 =	vld [tilespmem:$0x1FAA0]  }
0x388: {  	v22 =	vld [tilespmem:$0x1FAB0]  }
0x389: {  	v33 =	vmul.f32 v24, v27;
	v3 =	vmul.f32 v25, v27;
	v24 =	vld [tilespmem:$0x1FAC0];
	[tilespmem:s18+$0x19930] =	vst v9  }
0x38a: {  	v34 =	vmul.f32 v29, v27;
	v35 =	vmul.f32 v30, v27;
	v27 =	vld [tilespmem:$0x1FAD0]  }
0x38b: {  	v28 =	vld [tilespmem:$0x1FAE0];
	[tilespmem:s18+$0x19940] =	vst v33  }
0x38c: {  	v39 =	vmul.f32 v39, v60;
	v60 =	vld [tilespmem:s18+$0x19E20];
	[tilespmem:s18+$0x19950] =	vst v3  }
0x38d: {  	v9 =	vld [tilespmem:s18+$0x19CE0];
	[tilespmem:s18+$0x19960] =	vst v34;
	v41 =	vmul.f32 v40, v38  }
0x38e: {  	[tilespmem:s18+$0x19970] =	vst v35;
	v43 =	vmul.f32 v63, v42;
	v63 =	vbroadcast v23, $0x3;
	v38 =	vld [tilespmem:s18+$0x14CD0]  }
0x38f: {  	v34 =	vld [tilespmem:$0x1FAF0]  }
0x390: {  	v35 =	vld [tilespmem:$0x1FB00];
	v6 =	vmul.f32 v41, v63  }
0x391: {  	v21 =	vmul.f32 v20, v19;
	v20 =	vld [tilespmem:s18+$0x14D60]  }
0x392: {  	[tilespmem:s18+$0x19980] =	vst v6;
	v6 =	vld [tilespmem:s18+$0x19D00]  }
0x393: {  	v40 =	vld [tilespmem:$0x1FB10]  }
0x394: {  	v41 =	vld [tilespmem:$0x1FB20]  }
0x395: {  	v30 =	vmul.f32 v43, v63;
	v43 =	vld [tilespmem:$0x1FB30]  }
0x396: {  	v44 =	vld [tilespmem:$0x1FB40]  }
0x397: {  	v12 =	vmul.f32 v35, v34;
	v35 =	vld [tilespmem:s18+$0x14D00]  }
0x398: {  	v53 =	vmul.f32 v52, v51;
	v19 =	vmul.f32 v21, v63;
	[tilespmem:s18+$0x19990] =	vst v30;
	v21 =	vld [tilespmem:s18+$0x14D80]  }
0x399: {  	v48 =	vld [tilespmem:$0x1FB50]  }
0x39a: {  	v55 =	vmul.f32 v62, v54;
	v31 =	vmul.f32 v53, v63;
	v51 =	vld [tilespmem:$0x1FB60]  }
0x39b: {  	v53 =	vld [tilespmem:$0x1FB70]  }
0x39c: {  	v13 =	vmul.f32 v55, v63;
	v54 =	vld [tilespmem:$0x1FB80];
	[tilespmem:s18+$0x199A0] =	vst v31  }
0x39d: {  	v62 =	vmul.f32 v58, v57;
	v57 =	vld [tilespmem:$0x1FB90]  }
0x39e: {  	v58 =	vld [tilespmem:$0x1FBA0];
	[tilespmem:s18+$0x199B0] =	vst v13  }
0x39f: {  	v25 =	vmul.f32 v24, v22;
	v30 =	vld [tilespmem:$0x1FBB0]  }
0x3a0: {  	v29 =	vmul.f32 v28, v27;
	v18 =	vmul.f32 v62, v63;
	v31 =	vld [tilespmem:$0x1FBC0]  }
0x3a1: {  	v15 =	vmul.f32 v25, v63;
	v33 =	vld [tilespmem:$0x1FBD0]  }
0x3a2: {  	v16 =	vmul.f32 v29, v63;
	v63 =	vbroadcast v23, $0x4;
	v34 =	vld [tilespmem:$0x1FBE0];
	[tilespmem:s18+$0x199C0] =	vst v18  }
0x3a3: {  	v46 =	vmul.f32 v46, v49;
	v49 =	vld [tilespmem:s18+$0x19E60];
	[tilespmem:s18+$0x199D0] =	vst v19  }
0x3a4: {  	v29 =	vld [tilespmem:s18+$0x19D70];
	[tilespmem:s18+$0x199E0] =	vst v15;
	v42 =	vmul.f32 v41, v40;
	v41 =	vmul.f32 v12, v63  }
0x3a5: {  	v37 =	vmul.f32 v37, v38;
	v38 =	vld [tilespmem:s18+$0x14E70];
	[tilespmem:s18+$0x199F0] =	vst v16  }
0x3a6: {  	v36 =	vmul.f32 v9, v36;
	v9 =	vld [tilespmem:s18+$0x19E70];
	[tilespmem:s18+$0x19A00] =	vst v41  }
0x3a7: {  	v32 =	vmul.f32 v31, v30;
	v40 =	vmul.f32 v34, v33;
	v33 =	vld [tilespmem:$0x1FC00]  }
0x3a8: {  	v42 =	vmul.f32 v42, v63;
	v34 =	vld [tilespmem:$0x1FC10]  }
0x3a9: {  	v25 =	vmul.f32 v32, v63;
	v32 =	vld [tilespmem:$0x1FBF0]  }
0x3aa: {  	v45 =	vmul.f32 v44, v43;
	v24 =	vmul.f32 v40, v63;
	v40 =	vld [tilespmem:$0x1FC20];
	[tilespmem:s18+$0x19A10] =	vst v42  }
0x3ab: {  	v52 =	vmul.f32 v51, v48;
	v48 =	vld [tilespmem:$0x1FC30]  }
0x3ac: {  	v43 =	vmul.f32 v45, v63;
	v51 =	vld [tilespmem:$0x1FC40]  }
0x3ad: {  	v55 =	vmul.f32 v54, v53;
	v44 =	vmul.f32 v52, v63;
	v52 =	vld [tilespmem:$0x1FC50]  }
0x3ae: {  	v53 =	vld [tilespmem:$0x1FC60];
	[tilespmem:s18+$0x19A20] =	vst v43  }
0x3af: {  	v62 =	vmul.f32 v58, v57;
	v45 =	vmul.f32 v55, v63;
	v55 =	vld [tilespmem:$0x1FC70]  }
0x3b0: {  	v57 =	vld [tilespmem:$0x1FC80];
	[tilespmem:s18+$0x19A30] =	vst v44  }
0x3b1: {  	v22 =	vmul.f32 v62, v63;
	v63 =	vld [tilespmem:$0x1FC90]  }
0x3b2: {  	v4 =	vld [tilespmem:$0x1FCA0]  }
0x3b3: {  	v42 =	vld [tilespmem:$0x1FCB0]  }
0x3b4: {  	v43 =	vld [tilespmem:$0x1FCC0];
	[tilespmem:s18+$0x19A40] =	vst v45  }
0x3b5: {  	v62 =	vbroadcast v23, $0x5;
	v45 =	vld [tilespmem:$0x1FCD0];
	v27 =	vmul.f32 v33, v32  }
0x3b6: {  	v28 =	vmul.f32 v51, v48;
	v48 =	vld [tilespmem:$0x1FCE0];
	[tilespmem:s18+$0x19A50] =	vst v22  }
0x3b7: {  	v13 =	vld [tilespmem:s18+$0x19D20];
	v41 =	vmul.f32 v40, v34;
	[tilespmem:s18+$0x19A60] =	vst v25;
	v27 =	vmul.f32 v27, v62  }
0x3b8: {  	v10 =	vmul.f32 v11, v10;
	v11 =	vld [tilespmem:s18+$0x14E80];
	[tilespmem:s18+$0x19A70] =	vst v24  }
0x3b9: {  	v15 =	vld [tilespmem:s18+$0x19D30];
	v54 =	vmul.f32 v53, v52;
	v52 =	vmul.f32 v41, v62;
	[tilespmem:s18+$0x19A80] =	vst v27  }
0x3ba: {  	v53 =	vld [tilespmem:$0x1FCF0]  }
0x3bb: {  	v58 =	vmul.f32 v57, v55;
	v30 =	vmul.f32 v54, v62;
	v54 =	vld [tilespmem:$0x1FD00];
	[tilespmem:s18+$0x19A90] =	vst v52  }
0x3bc: {  	v5 =	vmul.f32 v4, v63;
	v44 =	vmul.f32 v43, v42;
	v55 =	vld [tilespmem:$0x1FD10]  }
0x3bd: {  	v28 =	vmul.f32 v28, v62;
	v51 =	vmul.f32 v48, v45;
	v57 =	vld [tilespmem:$0x1FD20]  }
0x3be: {  	v31 =	vmul.f32 v58, v62;
	v33 =	vmul.f32 v5, v62;
	v58 =	vld [tilespmem:$0x1FD30]  }
0x3bf: {  	v34 =	vmul.f32 v44, v62;
	v41 =	vmul.f32 v51, v62;
	v62 =	vld [tilespmem:$0x1FD40];
	[tilespmem:s18+$0x19AA0] =	vst v28  }
0x3c0: {  	v63 =	vld [tilespmem:$0x1FD50]  }
0x3c1: {  	v4 =	vld [tilespmem:$0x1FD60]  }
0x3c2: {  	v51 =	vld [tilespmem:$0x1FD70]  }
0x3c3: {  	v52 =	vld [tilespmem:$0x1FD80];
	[tilespmem:s18+$0x19AB0] =	vst v30  }
0x3c4: {  	v32 =	vmul.f32 v54, v53;
	v53 =	vld [tilespmem:$0x1FD90]  }
0x3c5: {  	v54 =	vld [tilespmem:$0x1FDA0];
	[tilespmem:s18+$0x19AC0] =	vst v31  }
0x3c6: {  	v40 =	vmul.f32 v57, v55;
	v55 =	vld [tilespmem:$0x1FDB0]  }
0x3c7: {  	v57 =	vld [tilespmem:$0x1FDC0]  }
0x3c8: {  	v45 =	vbroadcast v23, $0x6;
	v42 =	vmul.f32 v62, v58;
	v62 =	vld [tilespmem:$0x1FDD0]  }
0x3c9: {  	v5 =	vmul.f32 v4, v63;
	v63 =	vld [tilespmem:$0x1FDE0];
	[tilespmem:s18+$0x19AD0] =	vst v33  }
0x3ca: {  	v16 =	vld [tilespmem:s18+$0x14D40];
	v3 =	vmul.f32 v32, v45;
	[tilespmem:s18+$0x19AE0] =	vst v34  }
0x3cb: {  	v18 =	vld [tilespmem:s18+$0x14D50];
	v4 =	vmul.f32 v40, v45;
	[tilespmem:s18+$0x19AF0] =	vst v41  }
0x3cc: {  	v19 =	vld [tilespmem:s18+$0x19D50];
	[tilespmem:s18+$0x19B00] =	vst v3;
	v44 =	vmul.f32 v54, v53  }
0x3cd: {  	v7 =	vmul.f32 v8, v7;
	v8 =	vld [tilespmem:s18+$0x19E90];
	v43 =	vmul.f32 v52, v51;
	[tilespmem:s18+$0x19B10] =	vst v4  }
0x3ce: {  	v58 =	vmul.f32 v57, v55;
	v55 =	vmul.f32 v44, v45;
	v44 =	vld [tilespmem:$0x1FDF0]  }
0x3cf: {  	v42 =	vmul.f32 v42, v45;
	v52 =	vld [tilespmem:$0x1FE10];
	v2 =	vmul.f32 v63, v62  }
0x3d0: {  	v5 =	vmul.f32 v5, v45;
	v41 =	vmul.f32 v43, v45;
	v53 =	vld [tilespmem:$0x1FE20]  }
0x3d1: {  	v48 =	vmul.f32 v58, v45;
	v51 =	vmul.f32 v2, v45;
	v45 =	vld [tilespmem:$0x1FE00];
	[tilespmem:s18+$0x19B20] =	vst v42  }
0x3d2: {  	v57 =	vld [tilespmem:$0x1FE30]  }
0x3d3: {  	v58 =	vld [tilespmem:$0x1FE40]  }
0x3d4: {  	v62 =	vld [tilespmem:$0x1FE50]  }
0x3d5: {  	v63 =	vld [tilespmem:$0x1FE60];
	[tilespmem:s18+$0x19B30] =	vst v5  }
0x3d6: {  	v4 =	vld [tilespmem:$0x1FE70]  }
0x3d7: {  	v5 =	vld [tilespmem:$0x1FE80];
	[tilespmem:s18+$0x19B40] =	vst v41  }
0x3d8: {  	v41 =	vld [tilespmem:$0x1FE90]  }
0x3d9: {  	v12 =	vld [tilespmem:s18+$0x14D20]  }
0x3da: {  	v6 =	vmul.f32 v6, v35;
	v35 =	vld [tilespmem:s18+$0x14E90]  }
0x3db: {  	v22 =	vld [tilespmem:s18+$0x19D60]  }
0x3dc: {  	v52 =	vmul.f32 v53, v52;
	v45 =	vmul.f32 v45, v44;
	v44 =	vld [tilespmem:$0x1FEA0]  }
0x3dd: {  	v53 =	vmul.f32 v58, v57;
	v41 =	vmul.f32 v41, v59;
	v59 =	vld [tilespmem:$0x1FEB0];
	[tilespmem:s18+$0x19B50] =	vst v55  }
0x3de: {  	v57 =	vmul.f32 v63, v62;
	v58 =	vbroadcast v23, $0x7;
	v62 =	vld [tilespmem:$0x1FEC0]  }
0x3df: {  	v63 =	vld [tilespmem:$0x1FED0]  }
0x3e0: {  	v25 =	vld [tilespmem:s18+$0x14D70];
	v3 =	vmul.f32 v45, v58;
	[tilespmem:s18+$0x19B60] =	vst v48  }
0x3e1: {  	v24 =	vld [tilespmem:s18+$0x14D90];
	v54 =	vmul.f32 v5, v4;
	v4 =	vmul.f32 v52, v58;
	[tilespmem:s18+$0x19B70] =	vst v51  }
0x3e2: {  	v27 =	vld [tilespmem:s18+$0x19D80];
	v5 =	vmul.f32 v53, v58;
	[tilespmem:s18+$0x19B80] =	vst v3  }
0x3e3: {  	v22 =	vmul.f32 v22, v20;
	v20 =	vld [tilespmem:s18+$0x14EE0];
	[tilespmem:s18+$0x19B90] =	vst v4  }
0x3e4: {  	v2 =	vmul.f32 v63, v62;
	v62 =	vmul.f32 v41, v58;
	v41 =	vld [tilespmem:$0x1FEE0];
	[tilespmem:s18+$0x19BA0] =	vst v5  }
0x3e5: {  	v52 =	vld [tilespmem:$0x1FEF0]  }
0x3e6: {  	v4 =	vld [tilespmem:$0x1FF00]  }
0x3e7: {  	v28 =	vld [tilespmem:s18+$0x19DC0]  }
0x3e8: {  	v30 =	vld [tilespmem:s18+$0x19D90]  }
0x3e9: {  	v31 =	vld [tilespmem:s18+$0x14DA0]  }
0x3ea: {  	v5 =	vld [tilespmem:$0x1FF10]  }
0x3eb: {  	v63 =	vmul.f32 v41, v1;
	v41 =	vmul.f32 v4, v52;
	v52 =	vld [tilespmem:$0x1FF20]  }
0x3ec: {  	v32 =	vld [tilespmem:s18+$0x19DA0];
	v51 =	vmul.f32 v57, v58  }
0x3ed: {  	v33 =	vld [tilespmem:s18+$0x14DB0];
	v59 =	vmul.f32 v59, v44  }
0x3ee: {  	v40 =	vld [tilespmem:s18+$0x14DC0];
	[tilespmem:s18+$0x19BB0] =	vst v51  }
0x3ef: {  	v53 =	vmul.f32 v54, v58;
	v54 =	vmul.f32 v59, v58;
	v4 =	vld [tilespmem:$0x1FF30]  }
0x3f0: {  	v58 =	vmul.f32 v2, v58;
	v2 =	vmul.f32 v52, v5;
	v5 =	vld [tilespmem:$0x1FF40]  }
0x3f1: {  	v51 =	vld [tilespmem:$0x1FF50]  }
0x3f2: {  	v3 =	vld [tilespmem:$0x1FF60];
	[tilespmem:s18+$0x19BC0] =	vst v53  }
0x3f3: {  	v53 =	vld [tilespmem:$0x1FF70];
	[tilespmem:s18+$0x19BD0] =	vst v62  }
0x3f4: {  	v62 =	vld [tilespmem:$0x1FF80]  }
0x3f5: {  	v1 =	vmul.f32 v5, v4;
	v5 =	vld [tilespmem:$0x1FF90]  }
0x3f6: {  	v0 =	vbroadcast v23, $0x8;
	v34 =	vld [tilespmem:s18+$0x19DB0]  }
0x3f7: {  	v30 =	vmul.f32 v30, v24;
	v24 =	vld [tilespmem:s18+$0x19EF0]  }
0x3f8: {  	v43 =	vld [tilespmem:s18+$0x19DD0];
	v41 =	vmul.f32 v41, v0;
	[tilespmem:s18+$0x19BE0] =	vst v54  }
0x3f9: {  	v40 =	vmul.f32 v28, v40;
	v28 =	vld [tilespmem:s18+$0x14F40];
	v2 =	vmul.f32 v2, v0;
	[tilespmem:s18+$0x19BF0] =	vst v58  }
0x3fa: {  	v42 =	vld [tilespmem:s18+$0x14DD0];
	[tilespmem:s18+$0x19C10] =	vst v41;
	v62 =	vmul.f32 v5, v62;
	v5 =	vmul.f32 v63, v0  }
0x3fb: {  	v45 =	vld [tilespmem:s18+$0x19DE0];
	[tilespmem:s18+$0x19C20] =	vst v2  }
0x3fc: {  	v55 =	vld [tilespmem:s18+$0x19E00];
	v1 =	vmul.f32 v1, v0;
	[tilespmem:s18+$0x19C00] =	vst v5  }
0x3fd: {  	v2 =	vld [tilespmem:$0x1FFA0]  }
0x3fe: {  	v41 =	vmul.f32 v62, v0;
	v62 =	vld [tilespmem:$0x1FFB0];
	[tilespmem:s18+$0x19C30] =	vst v1  }
0x3ff: {  	v1 =	vld [tilespmem:$0x1FFC0]  }
0x400: {  	v4 =	vld [tilespmem:$0x1FFD0]  }
0x401: {  	v48 =	vld [tilespmem:s18+$0x14DF0];
	v3 =	vmul.f32 v3, v51  }
0x402: {  	v57 =	vld [tilespmem:s18+$0x19DF0]  }
0x403: {  	v44 =	vld [tilespmem:s18+$0x14DE0];
	v3 =	vmul.f32 v3, v0  }
0x404: {  	v59 =	vld [tilespmem:s18+$0x14E00];
	v53 =	vmul.f32 v47, v53  }
0x405: {  	v1 =	vmul.f32 v4, v1;
	v4 =	vld [tilespmem:$0x1FFE0];
	[tilespmem:s18+$0x19C40] =	vst v3  }
0x406: {  	v53 =	vmul.f32 v53, v0;
	v3 =	vld [tilespmem:$0x1FFF0]  }
0x407: {  	v52 =	vld [tilespmem:s18+$0x14E10];
	v2 =	vmul.f32 v62, v2;
	v62 =	vbroadcast v23, $0x9  }
0x408: {  	v51 =	vld [tilespmem:s18+$0x19E10];
	v0 =	vmul.f32 v39, v0;
	[tilespmem:s18+$0x19C50] =	vst v53  }
0x409: {  	v45 =	vmul.f32 v45, v44;
	v44 =	vld [tilespmem:s18+$0x19F60];
	v2 =	vmul.f32 v2, v62;
	[tilespmem:s18+$0x19C60] =	vst v41  }
0x40a: {  	v48 =	vmul.f32 v57, v48;
	v58 =	vld [tilespmem:s18+$0x19E30];
	[tilespmem:s18+$0x19C70] =	vst v0;
	v53 =	vmul.f32 v37, v62  }
0x40b: {  	v54 =	vld [tilespmem:s18+$0x14E40];
	v10 =	vmul.f32 v10, v62;
	[tilespmem:s18+$0x19C80] =	vst v2;
	v3 =	vmul.f32 v56, v3  }
0x40c: {  	v47 =	vld [tilespmem:s18+$0x14E20];
	v1 =	vmul.f32 v1, v62;
	[tilespmem:s18+$0x19CD0] =	vst v53;
	v50 =	vmul.f32 v50, v4  }
0x40d: {  	v57 =	vmul.f32 v51, v52;
	v52 =	vld [tilespmem:s18+$0x14F80];
	[tilespmem:s18+$0x19CF0] =	vst v10;
	v0 =	vmul.f32 v3, v62  }
0x40e: {  	v63 =	vld [tilespmem:s18+$0x14E30];
	[tilespmem:s18+$0x19C90] =	vst v1;
	v41 =	vmul.f32 v50, v62  }
0x40f: {  	v39 =	vld [tilespmem:s18+$0x19E40];
	v50 =	vmul.f32 v46, v62;
	[tilespmem:s18+$0x19CB0] =	vst v0;
	v0 =	vbroadcast v23, $0xA  }
0x410: {  	v5 =	vld [tilespmem:s18+$0x14E50];
	v3 =	vmul.f32 v36, v62;
	[tilespmem:s18+$0x19CA0] =	vst v41  }
0x411: {  	v37 =	vmul.f32 v13, v12;
	v13 =	vld [tilespmem:s18+$0x14EA0];
	[tilespmem:s18+$0x19CC0] =	vst v50;
	v46 =	vmul.f32 v6, v0  }
0x412: {  	v10 =	vld [tilespmem:s18+$0x14ED0];
	v41 =	vmul.f32 v15, v14;
	[tilespmem:s18+$0x19CE0] =	vst v3;
	v53 =	vmul.f32 v7, v0  }
0x413: {  	v4 =	vld [tilespmem:s18+$0x19E50];
	v50 =	vmul.f32 v17, v16;
	v2 =	vmul.f32 v37, v0;
	[tilespmem:s18+$0x19D00] =	vst v46  }
0x414: {  	v56 =	vld [tilespmem:s18+$0x14E60];
	v62 =	vmul.f32 v19, v18;
	v37 =	vmul.f32 v41, v0;
	[tilespmem:s18+$0x19D10] =	vst v53  }
0x415: {  	v36 =	vld [tilespmem:s18+$0x19E80];
	v41 =	vmul.f32 v29, v25;
	v46 =	vmul.f32 v50, v0;
	[tilespmem:s18+$0x19D20] =	vst v2  }
0x416: {  	v18 =	vld [tilespmem:s18+$0x19ED0];
	v29 =	vmul.f32 v27, v21;
	v50 =	vmul.f32 v62, v0;
	[tilespmem:s18+$0x19D30] =	vst v37  }
0x417: {  	v19 =	vld [tilespmem:s18+$0x14F10];
	v53 =	vmul.f32 v22, v0;
	v62 =	vbroadcast v23, $0xB;
	[tilespmem:s18+$0x19D40] =	vst v46  }
0x418: {  	v14 =	vld [tilespmem:s18+$0x19EA0];
	v0 =	vmul.f32 v41, v0;
	[tilespmem:s18+$0x19D50] =	vst v50  }
0x419: {  	v31 =	vmul.f32 v32, v31;
	v15 =	vld [tilespmem:s18+$0x14EB0];
	v32 =	vmul.f32 v29, v62;
	[tilespmem:s18+$0x19D60] =	vst v53  }
0x41a: {  	v34 =	vmul.f32 v34, v33;
	v16 =	vld [tilespmem:s18+$0x19EB0];
	v37 =	vmul.f32 v30, v62;
	[tilespmem:s18+$0x19D70] =	vst v0  }
0x41b: {  	v42 =	vmul.f32 v43, v42;
	v17 =	vld [tilespmem:s18+$0x14EC0];
	v41 =	vmul.f32 v31, v62;
	[tilespmem:s18+$0x19D80] =	vst v32  }
0x41c: {  	v4 =	vmul.f32 v4, v5;
	v5 =	vld [tilespmem:s18+$0x19F30];
	v43 =	vmul.f32 v34, v62;
	[tilespmem:s18+$0x19D90] =	vst v37  }
0x41d: {  	v7 =	vld [tilespmem:s18+$0x19EC0];
	v46 =	vmul.f32 v40, v62;
	[tilespmem:s18+$0x19DA0] =	vst v41  }
0x41e: {  	v21 =	vld [tilespmem:s18+$0x19EE0];
	v50 =	vmul.f32 v42, v62;
	v12 =	vmul.f32 v45, v62;
	[tilespmem:s18+$0x19DB0] =	vst v43  }
0x41f: {  	v25 =	vld [tilespmem:s18+$0x14F00];
	v53 =	vmul.f32 v55, v59;
	v55 =	vbroadcast v23, $0xC;
	[tilespmem:s18+$0x19DC0] =	vst v46  }
0x420: {  	v9 =	vmul.f32 v9, v38;
	v27 =	vld [tilespmem:s18+$0x19F00];
	v1 =	vmul.f32 v48, v62;
	[tilespmem:s18+$0x19DD0] =	vst v50  }
0x421: {  	v6 =	vld [tilespmem:s18+$0x19F10];
	v59 =	vmul.f32 v60, v47;
	[tilespmem:s18+$0x19DE0] =	vst v12;
	v3 =	vmul.f32 v53, v55  }
0x422: {  	v22 =	vld [tilespmem:s18+$0x14EF0];
	v60 =	vmul.f32 v58, v63;
	[tilespmem:s18+$0x19DF0] =	vst v1;
	v63 =	vmul.f32 v57, v55  }
0x423: {  	v29 =	vld [tilespmem:s18+$0x14F20];
	v62 =	vmul.f32 v39, v54;
	v0 =	vmul.f32 v59, v55;
	[tilespmem:s18+$0x19E00] =	vst v3  }
0x424: {  	v8 =	vmul.f32 v8, v35;
	v31 =	vld [tilespmem:s18+$0x19F20];
	v34 =	vmul.f32 v60, v55;
	[tilespmem:s18+$0x19E10] =	vst v63  }
0x425: {  	v33 =	vmul.f32 v49, v56;
	v40 =	vld [tilespmem:s18+$0x19F50];
	v38 =	vmul.f32 v62, v55;
	[tilespmem:s18+$0x19E20] =	vst v0  }
0x426: {  	v42 =	vmul.f32 v36, v11;
	v47 =	vld [tilespmem:s18+$0x14F70];
	v4 =	vmul.f32 v4, v55;
	[tilespmem:s18+$0x19E30] =	vst v34  }
0x427: {  	v58 =	vld [tilespmem:s18+$0x14F90];
	v39 =	vmul.f32 v33, v55;
	v41 =	vbroadcast v23, $0xD;
	[tilespmem:s18+$0x19E40] =	vst v38  }
0x428: {  	v49 =	vmul.f32 v16, v15;
	v32 =	vld [tilespmem:s18+$0x14F30];
	v2 =	vmul.f32 v9, v55;
	[tilespmem:s18+$0x19E50] =	vst v4  }
0x429: {  	v37 =	vld [tilespmem:s18+$0x19F40];
	v46 =	vmul.f32 v14, v13;
	[tilespmem:s18+$0x19E60] =	vst v39;
	v45 =	vmul.f32 v42, v41  }
0x42a: {  	v54 =	vmul.f32 v18, v10;
	v12 =	vld [tilespmem:s18+$0x14F50];
	[tilespmem:s18+$0x19E70] =	vst v2;
	v48 =	vmul.f32 v8, v41  }
0x42b: {  	v7 =	vmul.f32 v7, v17;
	v43 =	vld [tilespmem:s18+$0x14F60];
	v51 =	vmul.f32 v46, v41;
	[tilespmem:s18+$0x19E80] =	vst v45  }
0x42c: {  	v50 =	vld [tilespmem:s18+$0x19F70];
	v57 =	vmul.f32 v21, v20;
	v53 =	vmul.f32 v49, v41;
	[tilespmem:s18+$0x19E90] =	vst v48  }
0x42d: {  	v55 =	vld [tilespmem:s18+$0x19F80];
	v20 =	vmul.f32 v27, v25;
	v56 =	vmul.f32 v7, v41;
	[tilespmem:s18+$0x19EA0] =	vst v51  }
0x42e: {  	v62 =	vld [tilespmem:s18+$0x19F90];
	v60 =	vmul.f32 v24, v22;
	v59 =	vmul.f32 v54, v41;
	[tilespmem:s18+$0x19EB0] =	vst v53  }
0x42f: {  	v21 =	vld [tilespmem:s18+$0x14FA0];
	v4 =	vbroadcast v23, $0xE;
	v63 =	vmul.f32 v57, v41;
	[tilespmem:s18+$0x19EC0] =	vst v56  }
0x430: {  	v22 =	vmul.f32 v6, v19;
	v24 =	vld [tilespmem:s18+$0x19FA0];
	v0 =	vmul.f32 v60, v41;
	[tilespmem:s18+$0x19ED0] =	vst v59  }
0x431: {  	v34 =	vld [tilespmem:s18+$0x19FB0];
	v27 =	vmul.f32 v31, v29;
	[tilespmem:s18+$0x19EE0] =	vst v63;
	v25 =	vmul.f32 v20, v4  }
0x432: {  	v46 =	vld [tilespmem:s18+$0x19FD0];
	v31 =	vmul.f32 v22, v4;
	[tilespmem:s18+$0x19EF0] =	vst v0;
	v33 =	vmul.f32 v5, v32  }
0x433: {  	v49 =	vld [tilespmem:s18+$0x14FE0];
	v35 =	vmul.f32 v27, v4;
	v36 =	vmul.f32 v37, v28;
	[tilespmem:s18+$0x19F00] =	vst v25  }
0x434: {  	v29 =	vld [tilespmem:s18+$0x14FB0];
	v39 =	vmul.f32 v40, v12;
	[tilespmem:s18+$0x19F10] =	vst v31;
	v38 =	vmul.f32 v33, v4  }
0x435: {  	v37 =	vld [tilespmem:s18+$0x14FC0];
	v42 =	vmul.f32 v44, v43;
	[tilespmem:s18+$0x19F20] =	vst v35;
	v41 =	vmul.f32 v36, v4  }
0x436: {  	v40 =	vld [tilespmem:s18+$0x19FC0];
	v45 =	vmul.f32 v50, v47;
	v44 =	vmul.f32 v39, v4;
	[tilespmem:s18+$0x19F30] =	vst v38  }
0x437: {  	v43 =	vld [tilespmem:s18+$0x14FD0];
	v48 =	vmul.f32 v55, v52;
	v47 =	vmul.f32 v42, v4;
	[tilespmem:s18+$0x19F40] =	vst v41  }
0x438: {  	v51 =	vmul.f32 v62, v58;
	v52 =	vld [tilespmem:s18+$0x19FE0];
	v50 =	vmul.f32 v45, v4;
	[tilespmem:s18+$0x19F50] =	vst v44  }
0x439: {  	v6 =	vmul.f32 v24, v21;
	v53 =	vmul.f32 v48, v26;
	[tilespmem:s18+$0x19F60] =	vst v47  }
0x43a: {  	v54 =	vmul.f32 v51, v26;
	v55 =	vmul.f32 v34, v29;
	[tilespmem:s18+$0x19F70] =	vst v50  }
0x43b: {  	v56 =	vmul.f32 v6, v26;
	[tilespmem:s18+$0x19F80] =	vst v53;
	v3 =	vmul.f32 v40, v37  }
0x43c: {  	[tilespmem:s18+$0x19F90] =	vst v54;
	v57 =	vmul.f32 v55, v26;
	v58 =	vmul.f32 v46, v43  }
0x43d: {  	[tilespmem:s18+$0x19FA0] =	vst v56;
	v60 =	vmul.f32 v52, v49;
	v59 =	vmul.f32 v3, v26  }
0x43e: {  	[tilespmem:s18+$0x19FB0] =	vst v57;
	v62 =	vmul.f32 v58, v26  }
0x43f: {  	v63 =	vmul.f32 v60, v26;
	[tilespmem:s18+$0x19FC0] =	vst v59  }
0x440: {  	[tilespmem:s18+$0x19FD0] =	vst v62  }
0x441: {  	s14 =	sadd.s32 $0x14080, s14;
	s21 =	sadd.s32 $0x5, s26;
	p0 =	sgt.u32 s30, $0x7A;
	[tilespmem:s18+$0x19FE0] =	vst v63  }
0x442: {  	[spmem:s3] =	stream.indirect.scatter.add.f32 [tilespmem:s17], [sflag:s21], $0x80, s14, s0, $0xb8;
	[tilespmem:$0x1E800] =	vst v63  }
0x443: {  	s14 =	sadd.s32 @!p0 $0x2, s30  }
0x444: {  	s19 =	simm.s32 @!p0 $0x0;
	s17 =	sadd.s32 @!p0 s8, s14  }
0x445: {  	s15 =	smul.u32 @!p0 $0x50, s14;
	s14 =	sshll.u32 @!p0 s14, $0x9;
	s17 =	sshll.u32 @!p0 s17, $0x6  }
0x446: {  	s18 =	sadd.s32 @!p0 $0x3, s26;
	s14 =	sand.u32 @!p0 $0x600, s14;
	s17 =	sand.u32 @!p0 $0x1FFFFFC0, s17  }
0x447: {  	s15 =	sadd.s32 @!p0 s7, s15;
	s14 =	sor.u32 @!p0 $0x14000, s14;
	s17 =	sadd.s32 @!p0 s6, s17  }
0x448: {  	[tilespmem:s14], [sflag:s18] =	stream.linear.gather @!p0 [hbm4b:s17+s19], $0x180, $0x38;
	[tilespmem:$0x1E800] =	vst v63  }
0x449: {  	s14 =	sshll.u32 @!p0 s15, $0x4  }
0x44a: {  	s15 =	sadd.s32 @!p0 $0x14800, s16;
	s14 =	sadd.s32 @!p0 s2, s14  }
0x44b: {  	[tilespmem:s15], [sflag:s18] =	stream.linear.gather @!p0 [hbm4b:s14+s19], $0x2800, $0x38;
	[tilespmem:$0x1E800] =	vst v63  }
0x44c: {  	p0 =	sne.s32 s5, $0x7D  }
.Ltmp2:
0x44d: {  	_ = 	snop;
	(pc) =	sbr.rel @p0 .LBB2_4-.Ltmp2, $2  }
0x44e: {  	_ =	sdelay $0x2  }
0x44f: {  	s30 =	smov.u32 s5  }
0x450: {  	_ =	swait.ge [sflag:s28], $0x2800  }
0x451: {  	[sflag:s28] =	ssyncset.done $0x0  }
0x452: {  	[sflag:s28] =	ssyncadd.s32 $0xFFFFD800  }
0x453: {  	_ =	swait.ge [sflag:s29], $0x2800  }
0x454: {  	[sflag:s29] =	ssyncset.done $0x0  }
0x455: {  	s5 =	stileid.u32;
	[sflag:s29] =	ssyncadd.s32 $0xFFFFD800  }
0x456: {  	s5 =	sshll.u32 s5, $0x6;
	[bflag:$0x0] =	sbarrier.arrive $0xFFFF  }
0x457: {  	s14 =	sshrl.u32 s9, $0x3;
	s5 =	sor.u32 $0x1C07, s5;
	s15 =	rddreg [dreg:$0x9]  }
0x458: {  	[hbm:s15], [sflag:s5] =	dma.local [spmem:s14], $0x800  }
0x459: {  	_ =	swait.ge [sflag:s25], $0x800  }
0x45a: {  	[sflag:s25] =	ssyncset.done $0x0  }
0x45b: {  	s17 =	sshrl.u32 s10, $0x3;
	s18 =	rddreg [dreg:$0xa];
	[sflag:s25] =	ssyncadd.s32 $0xFFFFF800  }
0x45c: {  	[hbm:s18], [sflag:s5] =	dma.local [spmem:s17], $0x800  }
0x45d: {  	_ =	swait.ge [sflag:s25], $0x800  }
0x45e: {  	[sflag:s25] =	ssyncset.done $0x0  }
0x45f: {  	s19 =	sshrl.u32 s11, $0x3;
	s20 =	rddreg [dreg:$0xb];
	[sflag:s25] =	ssyncadd.s32 $0xFFFFF800  }
0x460: {  	[hbm:s20], [sflag:s5] =	dma.local [spmem:s19], $0x800  }
0x461: {  	_ =	swait.ge [sflag:s25], $0x800  }
0x462: {  	[sflag:s25] =	ssyncset.done $0x0  }
0x463: {  	s21 =	sshrl.u32 s12, $0x3;
	s26 =	rddreg [dreg:$0xc];
	[sflag:s25] =	ssyncadd.s32 $0xFFFFF800  }
0x464: {  	[hbm:s26], [sflag:s5] =	dma.local [spmem:s21], $0x800  }
0x465: {  	s4 =	sadd.s32 $0x1, s4;
	_ =	swait.ge [sflag:s25], $0x800  }
0x466: {  	p0 =	sne.s32 s4, s23;
	[sflag:s25] =	ssyncset.done $0x0  }
.Ltmp3:
0x467: {  	s30 =	sshrl.u32 s13, $0x3;
	[sflag:s25] =	ssyncadd.s32 $0xFFFFF800;
	(pc) =	sbr.rel @p0 .LBB2_1-.Ltmp3, $4  }
0x468: {  	[hbm:s22], [sflag:s5] =	dma.local [spmem:s30], $0x800  }
0x469: {  	_ =	swait.ge [sflag:s25], $0x800  }
0x46a: {  	[sflag:s25] =	ssyncset.done $0x0  }
0x46b: {  	[sflag:s25] =	ssyncadd.s32 $0xFFFFF800  }
0x46c: {  	_ =	sfence.sel $0x180000  }
0x46d: {  	[bflag:$0x0] =	sbarrier.arrive $0xFFFF  }
0x46e: {  	_ =	strace $0x90000047  }
0x46f: {  	s0 =	stileid.u32;
	[bflag:$0x2] =	sbarrier.arrive $0xFFFF  }
0x470: {  	p0 =	sne.s32 s0, $0x0;
	s0 =	rddreg [dreg:$0x4]  }
0x471: {  	s0 =	sadd.s32 @!p0 $0x100000, s0  }
0x472: {  	[sflag:s0] =	ssyncadd.tile.s32 @!p0 $0x1;
	_ =	shalt  }
.Lfunc_end2:
_tile_overlayer_lowered:
.L_overlay_start_2:
0x473: {  	(tag) =	ssettag $0x2  }
0x474: {  	s0 =	rddreg [dreg:$0x0];
	s2 =	stileid.u32  }
0x475: {  	s1 =	rddreg [dreg:$0x1];
	p0 =	sne.s32 s2, $0x0  }
0x476: {  	s3 =	rddreg [dreg:$0x2];
	[bflag:$0x3] =	sbarrier.arrive $0xFFFF;
	s2 =	simm.s32 @!p0 $0x1C07  }
0x477: {  	[timem:s3], [sflag:s2] =	dma.local @!p0 [hbm:s0], s1  }
0x478: {  	s0 =	simm.s32 @!p0 $0x7  }
0x479: {  	_ =	swait.ge @!p0 [sflag:s0], s1  }
0x47a: {  	s1 =	ssub.s32 @!p0 $0x0, s1;
	[sflag:s0] =	ssyncset.done @!p0 $0x0  }
0x47b: {  	[sflag:s0] =	ssyncadd.s32 @!p0 s1  }
0x47c: {  	[bflag:$0x3] =	sbarrier.arrive $0xFFFF  }
0x47d: {  	_ =	shalt  }

</sc_bundles>
